<compile_context>
chip_gen: v7x
topology: tpu7x:2x2x1
jax: 0.10.2.dev20260603
libtpu: 0.0.44.dev20260713+nightly
codegen_flags: <defaults>
</compile_context>

<pallas_src>
import jax
import jax.numpy as jnp
from jax import lax
from jax.experimental import pallas as pl
from jax.experimental.pallas import tpu as pltpu
from jax.experimental.pallas import tpu_sc as plsc

B = 16
D = 1024
V = 100000
L = 200
TOP_K = 50
MIN_KEEP = 5

VT = 3584
COL0 = 14 * VT
W1 = V - COL0
CAP = 2048
PHYS = CAP + 16
KEEP = 256
OUT_CAP = 512
HL = 256
NBIS = 20
NEG = -1e30
NEG2 = -3e30


def _matmul_body(h_ref, gamma_ref, beta_ref, w_ref, out_ref):
    x = h_ref[...]
    mu = jnp.mean(x, axis=-1, keepdims=True)
    var = jnp.mean((x - mu) ** 2, axis=-1, keepdims=True)
    hn = (x - mu) * lax.rsqrt(var + 1e-5) * gamma_ref[...] + beta_ref[...]
    out_ref[...] = lax.dot_general(
        hn, w_ref[...], (((1,), (1,)), ((), ())),
        preferred_element_type=jnp.float32,
    )


def _logits_chunk(hidden_states, ln_gamma, ln_beta, lm_w, col0, width):
    blk0 = col0 // VT
    return pl.pallas_call(
        _matmul_body,
        grid=(pl.cdiv(width, VT),),
        in_specs=[
            pl.BlockSpec((B, D), lambda i: (0, 0)),
            pl.BlockSpec((D,), lambda i: (0,)),
            pl.BlockSpec((D,), lambda i: (0,)),
            pl.BlockSpec((VT, D), lambda i: (i + blk0, 0)),
        ],
        out_specs=pl.BlockSpec((B, VT), lambda i: (0, i)),
        out_shape=jax.ShapeDtypeStruct((B, width), jnp.float32),
    )(hidden_states, ln_gamma, ln_beta, lm_w)


def _sortable(s):
    return s ^ (lax.shift_right_arithmetic(s, 31) & jnp.int32(0x7FFFFFFF))


def _make_sc_body(col0, width, part0):
    segc = width // 2
    nv = segc // 16

    def body(logits_ref, ids_ref, ov_ref, oi_ref, oh_ref,
             seg_v, bval_v, bidx_v, sort_v, ids_v, hist_v, dma_sem):
        row = lax.axis_index("s")
        half = lax.axis_index("c")
        gbase = col0 + half * segc
        iota = lax.iota(jnp.int32, 16)

        pltpu.sync_copy(logits_ref.at[pl.ds(row * width + half * segc, segc)],
                        seg_v)

        pltpu.sync_copy(ids_ref.at[pl.ds(row * HL, HL)], ids_v)
        for k in range(HL // 16):
            idv = ids_v[pl.ds(k * 16, 16)]
            safe = jnp.clip(idv - gbase, 0, segc - 1)
            hist_v[pl.ds(k * 16, 16)] = plsc.load_gather(seg_v, [safe])
        pltpu.sync_copy(hist_v, oh_ref.at[pl.ds((row * 2 + half) * HL, HL)])

        def count_gt(thr_s):
            def cbody(k, acc):
                s = sort_v[pl.ds(k * 16, 16)]
                return acc + jnp.where(s > thr_s, jnp.int32(1), jnp.int32(0))
            acc = lax.fori_loop(0, PHYS // 16, cbody,
                                jnp.zeros((16,), jnp.int32))
            return jnp.sum(acc)

        def tighten(cnt, thr):
            def conv(k, _):
                w = bval_v[pl.ds(k * 16, 16)]
                s = _sortable(plsc.bitcast(w, jnp.int32))
                pos = k * 16 + iota
                sort_v[pl.ds(k * 16, 16)] = jnp.where(pos < cnt, s,
                                                      jnp.int32(-2**31))
                return 0
            lax.fori_loop(0, PHYS // 16, conv, 0)

            def bis(_, lohi):
                lo, hi = lohi
                mid = lo + lax.shift_right_logical(hi - lo, 1)
                pred = count_gt(mid) >= KEEP
                return (jnp.where(pred, mid, lo), jnp.where(pred, hi, mid))
            lo, hi = lax.fori_loop(
                0, NBIS, bis,
                (jnp.int32(-2139095041), jnp.int32(2139095040)))

            def comp(k, newcnt):
                s = sort_v[pl.ds(k * 16, 16)]
                m2 = s > lo
                w = bval_v[pl.ds(k * 16, 16)]
                x = bidx_v[pl.ds(k * 16, 16)]
                plsc.store_compressed(bval_v.at[pl.ds(newcnt, 16)], w,
                                      mask=m2)
                plsc.store_compressed(bidx_v.at[pl.ds(newcnt, 16)], x,
                                      mask=m2)
                return newcnt + jnp.max(plsc.all_reduce_population_count(m2))
            newcnt = lax.fori_loop(0, PHYS // 16, comp, jnp.int32(0))
            thr_f = plsc.bitcast(_sortable(jnp.full((16,), lo, jnp.int32)),
                                 jnp.float32)
            return newcnt, thr_f

        def append_one(i, cnt, thr):
            v = seg_v[pl.ds(i * 16, 16)]
            m = v > thr
            n = jnp.max(plsc.all_reduce_population_count(m))
            plsc.store_compressed(bval_v.at[pl.ds(cnt, 16)], v, mask=m)
            plsc.store_compressed(bidx_v.at[pl.ds(cnt, 16)],
                                  gbase + i * 16 + iota, mask=m)
            return cnt + n

        def fillk(k, _):
            bval_v[pl.ds(k * 16, 16)] = seg_v[pl.ds(k * 16, 16)]
            bidx_v[pl.ds(k * 16, 16)] = gbase + k * 16 + iota
            return 0
        lax.fori_loop(0, CAP // 16, fillk, 0)
        thr0 = jnp.full((16,), NEG, jnp.float32)
        cnt, thr = tighten(jnp.int32(CAP), thr0)

        nblk = (nv - CAP // 16) // 4
        tail0 = CAP // 16 + nblk * 4

        def blk(b, carry):
            cnt, thr = carry
            i0 = CAP // 16 + b * 4
            vs, ms = [], []
            anym = None
            for u in range(4):
                v = seg_v[pl.ds((i0 + u) * 16, 16)]
                m = v > thr
                vs.append(v)
                ms.append(m)
                anym = m if anym is None else (anym | m)

            def hit(c):
                for u in range(4):
                    n = jnp.max(plsc.all_reduce_population_count(ms[u]))
                    plsc.store_compressed(bval_v.at[pl.ds(c, 16)], vs[u],
                                          mask=ms[u])
                    plsc.store_compressed(bidx_v.at[pl.ds(c, 16)],
                                          gbase + (i0 + u) * 16 + iota,
                                          mask=ms[u])
                    c = c + n
                return c
            cnt = lax.cond(jnp.any(anym), hit, lambda c: c, cnt)
            return lax.cond(cnt >= CAP - 64, tighten, lambda c, t: (c, t),
                            cnt, thr)
        cnt, thr = lax.fori_loop(0, nblk, blk, (cnt, thr))
        for i in range(tail0, nv):
            cnt = append_one(i, cnt, thr)

        cnt, thr = lax.cond(cnt > OUT_CAP, tighten, lambda c, t: (c, t),
                            cnt, thr)

        def padk(k, _):
            pos = k * 16 + iota
            valid = pos < cnt
            w = bval_v[pl.ds(k * 16, 16)]
            x = bidx_v[pl.ds(k * 16, 16)]
            bval_v[pl.ds(k * 16, 16)] = jnp.where(valid, w, NEG)
            bidx_v[pl.ds(k * 16, 16)] = jnp.where(
                valid, x, V + (part0 + half) * OUT_CAP + pos)
            return 0
        lax.fori_loop(0, OUT_CAP // 16, padk, 0)
        obase = (row * 2 + half) * OUT_CAP
        pltpu.sync_copy(bval_v.at[pl.ds(0, OUT_CAP)],
                        ov_ref.at[pl.ds(obase, OUT_CAP)])
        pltpu.sync_copy(bidx_v.at[pl.ds(0, OUT_CAP)],
                        oi_ref.at[pl.ds(obase, OUT_CAP)])

    return body


def _sc_collect(logits_chunk, ids_pad, col0, width, part0):
    mesh = plsc.VectorSubcoreMesh(
        core_axis_name="c", subcore_axis_name="s",
        num_cores=2, num_subcores=16)
    f = pl.kernel(
        _make_sc_body(col0, width, part0),
        out_type=[
            jax.ShapeDtypeStruct((B * 2 * OUT_CAP,), jnp.float32),
            jax.ShapeDtypeStruct((B * 2 * OUT_CAP,), jnp.int32),
            jax.ShapeDtypeStruct((B * 2 * HL,), jnp.float32),
        ],
        mesh=mesh,
        scratch_types=[
            pltpu.VMEM((width // 2,), jnp.float32),
            pltpu.VMEM((PHYS,), jnp.float32),
            pltpu.VMEM((PHYS,), jnp.int32),
            pltpu.VMEM((PHYS,), jnp.int32),
            pltpu.VMEM((HL,), jnp.int32),
            pltpu.VMEM((HL,), jnp.float32),
            pltpu.SemaphoreType.DMA,
        ],
        compiler_params=pltpu.CompilerParams(
            use_tc_tiling_on_sc=False, needs_layout_passes=False),
    )
    return f(logits_chunk.reshape(B * width), ids_pad.reshape(B * HL))


NCAND = 4 * OUT_CAP + HL
S0 = COL0 // 2
S1 = COL0
S2 = COL0 + W1 // 2


def _merge_body(cv0_ref, ci0_ref, cv1_ref, ci1_ref, oh0_ref, oh1_ref,
                ids_ref, topp_ref, temp_ref, pen_ref,
                probs_ref, token_ref):
    ids = ids_ref[...]
    jj = lax.broadcasted_iota(jnp.int32, (B, HL), 1)
    valid = jj < L

    oh0 = oh0_ref[...]
    oh1 = oh1_ref[...]
    hv = jnp.where(
        ids < S1,
        jnp.where(ids < S0, oh0[:, :HL], oh0[:, HL:]),
        jnp.where(ids < S2, oh1[:, :HL], oh1[:, HL:]))
    pen = pen_ref[0, 0]
    hv = jnp.where(hv < 0, hv * pen, hv / pen)

    dup = ~valid
    for j in range(L):
        pj = ids[:, j:j + 1]
        dup = dup | ((ids == pj) & (jj > j))
    hv = jnp.where(dup, NEG, hv)
    hidx = jnp.where(dup, V + 4 * OUT_CAP + jj, ids)

    cv = jnp.concatenate([cv0_ref[...], cv1_ref[...]], axis=1)
    ci = jnp.concatenate([ci0_ref[...], ci1_ref[...]], axis=1)
    ex = jnp.zeros(cv.shape, jnp.bool_)
    for j in range(L):
        ex = ex | (ci == ids[:, j:j + 1])
    cv = jnp.where(ex, NEG, cv)

    allv = jnp.concatenate([cv, hv], axis=1)
    alli = jnp.concatenate([ci, hidx], axis=1)

    lane = lax.broadcasted_iota(jnp.int32, (B, 64), 1)
    def xbody(t, carry):
        ovals, otok, av = carry
        m = jnp.max(av, axis=1, keepdims=True)
        elig = av == m
        sel = jnp.min(jnp.where(elig, alli, jnp.int32(2**31 - 1)),
                      axis=1, keepdims=True)
        av = jnp.where(elig & (alli == sel), NEG2, av)
        ovals = jnp.where(lane == t, m, ovals)
        otok = jnp.where(lane == t, sel, otok)
        return ovals, otok, av
    ovals0 = jnp.full((B, 64), NEG, jnp.float32)
    otok0 = jnp.zeros((B, 64), jnp.int32)
    ovals, otok, _ = lax.fori_loop(0, TOP_K, xbody, (ovals0, otok0, allv))

    act = lane < TOP_K
    tl = ovals / temp_ref[0, 0]
    m1 = jnp.max(jnp.where(act, tl, NEG), axis=1, keepdims=True)
    e = jnp.where(act, jnp.exp(tl - m1), 0.0)
    p = e / jnp.sum(e, axis=1, keepdims=True)
    r64 = lax.broadcasted_iota(jnp.int32, (64, 64), 0)
    c64 = lax.broadcasted_iota(jnp.int32, (64, 64), 1)
    tri = (r64 <= c64).astype(jnp.float32)
    cum = lax.dot_general(p, tri, (((1,), (0,)), ((), ())),
                          preferred_element_type=jnp.float32,
                          precision=lax.Precision.HIGHEST)
    keep = (cum < topp_ref[0, 0]) | (lane < MIN_KEEP)
    fl = jnp.where(keep, tl, jnp.float32(-1000.0))
    m2 = jnp.max(jnp.where(act, fl, NEG), axis=1, keepdims=True)
    e2 = jnp.where(act, jnp.exp(fl - m2), 0.0)
    pf = e2 / jnp.sum(e2, axis=1, keepdims=True)

    probs_ref[...] = pf[:, :TOP_K]
    token_ref[...] = otok[:, :TOP_K]


def _merge(c0, c1, ids_pad, top_p, temperature, penalty):
    cv0, ci0, oh0 = c0
    cv1, ci1, oh1 = c1
    return pl.pallas_call(
        _merge_body,
        out_shape=(
            jax.ShapeDtypeStruct((B, TOP_K), jnp.float32),
            jax.ShapeDtypeStruct((B, TOP_K), jnp.int32),
        ),
    )(cv0.reshape(B, 2 * OUT_CAP), ci0.reshape(B, 2 * OUT_CAP),
      cv1.reshape(B, 2 * OUT_CAP), ci1.reshape(B, 2 * OUT_CAP),
      oh0.reshape(B, 2 * HL), oh1.reshape(B, 2 * HL),
      ids_pad, top_p.reshape(1, 1), temperature.reshape(1, 1),
      penalty.reshape(1, 1))


def kernel(hidden_states, input_ids, top_p, temperature, penalty,
           ln_gamma, ln_beta, lm_w):
    ids32 = input_ids.astype(jnp.int32)
    ids_pad = jnp.pad(ids32, ((0, 0), (0, HL - L)))
    lg0 = _logits_chunk(hidden_states, ln_gamma, ln_beta, lm_w, 0, COL0)
    c0 = _sc_collect(lg0, ids_pad, 0, COL0, 0)
    lg1 = _logits_chunk(hidden_states, ln_gamma, ln_beta, lm_w, COL0, W1)
    c1 = _sc_collect(lg1, ids_pad, COL0, W1, 2)
    probs, token = _merge(c0, c1, ids_pad, top_p, temperature, penalty)
    return (probs, token)

# --- scband reference (transcript-rebuilt; emitter-appended) ---
"""Pipeline reference for scband-lm-head-with-penalty-sample-head-39333310497460 (READ-ONLY COPY).

The authoritative reference and input builder live on the scoring server;
editing this copy changes nothing except your own understanding.
"""

import jax, jax.numpy as jnp
import numpy as np

B = 16
D = 1024
V = 100000
L = 200
TOP_K = 50
MIN_KEEP = 5


def _layer_norm(x, gamma, beta, eps=1e-5):
    mu = jnp.mean(x, axis=-1, keepdims=True)
    var = jnp.mean((x - mu) ** 2, axis=-1, keepdims=True)
    return (x - mu) / jnp.sqrt(var + eps) * gamma + beta


def setup_inputs(seed: int = 0) -> dict:
    key = jax.random.key(seed)
    k1, k2, k3, k4 = jax.random.split(key, 4)
    hidden_states = jax.random.normal(k1, (B, D), dtype=jnp.float32)
    input_ids = jax.random.randint(k2, (B, L), 0, V, dtype=jnp.int64)
    top_p = jax.random.uniform(k3, (1,), dtype=jnp.float32)
    temperature = jnp.ones((1,), dtype=jnp.float32)
    penalty = jnp.ones((1,), dtype=jnp.float32)
    ln_gamma = jnp.ones((D,), dtype=jnp.float32)
    ln_beta = jnp.zeros((D,), dtype=jnp.float32)
    lm_w = jax.random.normal(k4, (V, D), dtype=jnp.float32) * 0.02
    return {
        "hidden_states": hidden_states,
        "input_ids": input_ids,
        "top_p": top_p,
        "temperature": temperature,
        "penalty": penalty,
        "ln_gamma": ln_gamma,
        "ln_beta": ln_beta,
        "lm_w": lm_w,
    }


def reference(hidden_states, input_ids, top_p, temperature, penalty, ln_gamma, ln_beta, lm_w):
    # ln_f
    h = _layer_norm(hidden_states, ln_gamma, ln_beta)
    # lm_head (no bias)
    m_logits = h @ lm_w.T  # [B, V]
    # repetition penalty: gather logits at history token ids
    logits = jnp.take_along_axis(m_logits, input_ids, axis=1)  # [B, L]
    logits = jnp.where(logits < 0, logits * penalty, logits / penalty)
    # scatter penalized logits back (overwrite)
    row_idx = jnp.arange(B)[:, None]
    m_logits = m_logits.at[row_idx, input_ids].set(logits)
    # top-k
    topk_logits, token = jax.lax.top_k(m_logits.astype(jnp.float32), TOP_K)
    topk_logits = topk_logits / temperature
    cumulative_probs = jnp.cumsum(jax.nn.softmax(topk_logits, axis=1), axis=1)
    mask = cumulative_probs < top_p
    keep_matrix = jnp.zeros((1, TOP_K), dtype=bool).at[0, :MIN_KEEP].set(True)
    mask = mask | keep_matrix
    filtered_logits = jnp.where(mask, topk_logits, jnp.float32(-1000.0))
    probs = jax.nn.softmax(filtered_logits, axis=1)
    return (probs, token)

if __name__ == "__main__":
    import jax
    _d = setup_inputs()
    print(jax.jit(kernel)(*tuple(_d.values())))

</pallas_src>

<mosaic_0001>
#map = affine_map<(d0, d1) -> (0)>
module attributes {stable_mosaic.version = 14 : i64} {
  func.func @body(%arg0: i32, %arg1: i32, %arg2: memref<802816xf32, #tpu.memory_space<hbm>>, %arg3: memref<4096xi32, #tpu.memory_space<hbm>>, %arg4: memref<16384xf32, #tpu.memory_space<hbm>>, %arg5: memref<16384xi32, #tpu.memory_space<hbm>>, %arg6: memref<8192xf32, #tpu.memory_space<hbm>>, %arg7: memref<25088xf32, #tpu.memory_space<vmem>>, %arg8: memref<2064xf32, #tpu.memory_space<vmem>>, %arg9: memref<2064xi32, #tpu.memory_space<vmem>>, %arg10: memref<2064xi32, #tpu.memory_space<vmem>>, %arg11: memref<256xi32, #tpu.memory_space<vmem>>, %arg12: memref<256xf32, #tpu.memory_space<vmem>>, %arg13: memref<!tpu.dma_semaphore, #tpu.memory_space<semaphore_mem>>) attributes {dimension_semantics = [#tpu.dimension_semantics<core_parallel>, #tpu.dimension_semantics<subcore_parallel>], iteration_bounds = array<i64: 2, 16>, scalar_prefetch = 0 : i64, scratch_operands = 7 : i64, tpu.core_type = #tpu.core_type<sc_vector_subcore>, window_params = [{transform_indices = #map}, {transform_indices = #map}, {transform_indices = #map}, {transform_indices = #map}, {transform_indices = #map}]} {
    %mul3A = arith.constant 25088 : i32
    %mul3A_0 = arith.muli %arg0, %mul3A : i32
    %add3A = arith.constant 0 : i32
    %add3A_1 = arith.addi %add3A, %mul3A_0 : i32
    %iota3A = tpu.iota {dimensions = array<i32: 0>} : vector<16xi32>
    %mul3A_2 = arith.constant 50176 : i32
    %mul3A_3 = arith.muli %arg1, %mul3A_2 : i32
    %mul3A_4 = arith.constant 25088 : i32
    %mul3A_5 = arith.muli %arg0, %mul3A_4 : i32
    %add3A_6 = arith.addi %mul3A_3, %mul3A_5 : i32
    "tpu.region"() ({
      %run_scoped3A = tpu.sem_alloc : memref<!tpu.dma_semaphore, #tpu.memory_space<semaphore_mem>>
      %dma_start3A = tpu.memref_slice %arg2[%add3A_6] : memref<802816xf32, #tpu.memory_space<hbm>> -> memref<25088xf32, #tpu.memory_space<hbm>>
      %dma_start3A_271 = tpu.memref_slice %arg2[%add3A_6] : memref<802816xf32, #tpu.memory_space<hbm>> -> memref<25088xf32, #tpu.memory_space<hbm>>
      tpu.enqueue_dma source(%dma_start3A_271 : memref<25088xf32, #tpu.memory_space<hbm>>) target(%arg7 : memref<25088xf32, #tpu.memory_space<vmem>>) target_semaphore(%run_scoped3A : memref<!tpu.dma_semaphore, #tpu.memory_space<semaphore_mem>>)
      %dma_wait3A = tpu.memref_slice %arg2[%add3A_6] : memref<802816xf32, #tpu.memory_space<hbm>> -> memref<25088xf32, #tpu.memory_space<hbm>>
      %dma_wait3A_272 = tpu.memref_slice %arg2[%add3A_6] : memref<802816xf32, #tpu.memory_space<hbm>> -> memref<25088xf32, #tpu.memory_space<hbm>>
      tpu.wait_dma2 semaphore(%run_scoped3A : memref<!tpu.dma_semaphore, #tpu.memory_space<semaphore_mem>>) src(%dma_wait3A_272 : memref<25088xf32, #tpu.memory_space<hbm>>) dst(%arg7 : memref<25088xf32, #tpu.memory_space<vmem>>)
      tpu.yield
    }) : () -> ()
    %mul3A_7 = arith.constant 256 : i32
    %mul3A_8 = arith.muli %arg1, %mul3A_7 : i32
    "tpu.region"() ({
      %run_scoped3A = tpu.sem_alloc : memref<!tpu.dma_semaphore, #tpu.memory_space<semaphore_mem>>
      %dma_start3A = tpu.memref_slice %arg3[%mul3A_8] : memref<4096xi32, #tpu.memory_space<hbm>> -> memref<256xi32, #tpu.memory_space<hbm>>
      %dma_start3A_271 = tpu.memref_slice %arg3[%mul3A_8] : memref<4096xi32, #tpu.memory_space<hbm>> -> memref<256xi32, #tpu.memory_space<hbm>>
      tpu.enqueue_dma source(%dma_start3A_271 : memref<256xi32, #tpu.memory_space<hbm>>) target(%arg11 : memref<256xi32, #tpu.memory_space<vmem>>) target_semaphore(%run_scoped3A : memref<!tpu.dma_semaphore, #tpu.memory_space<semaphore_mem>>)
      %dma_wait3A = tpu.memref_slice %arg3[%mul3A_8] : memref<4096xi32, #tpu.memory_space<hbm>> -> memref<256xi32, #tpu.memory_space<hbm>>
      %dma_wait3A_272 = tpu.memref_slice %arg3[%mul3A_8] : memref<4096xi32, #tpu.memory_space<hbm>> -> memref<256xi32, #tpu.memory_space<hbm>>
      tpu.wait_dma2 semaphore(%run_scoped3A : memref<!tpu.dma_semaphore, #tpu.memory_space<semaphore_mem>>) src(%dma_wait3A_272 : memref<256xi32, #tpu.memory_space<hbm>>) dst(%arg11 : memref<256xi32, #tpu.memory_space<vmem>>)
      tpu.yield
    }) : () -> ()
    %get3A = arith.constant 0 : index
    %get3A_9 = tpu.vector_load %arg11[%get3A] {strides = array<i32>} : memref<256xi32, #tpu.memory_space<vmem>>, vector<16xi32>,
    %sub3A = vector.broadcast %add3A_1 : i32 to vector<16xi32>
    %sub3A_10 = arith.subi %get3A_9, %sub3A : vector<16xi32>
    %jit3A = arith.constant 0 : i32
    %jit3A_11 = arith.constant 25087 : i32
    %max3A = vector.broadcast %jit3A : i32 to vector<16xi32>
    %max3A_12 = arith.maxsi %max3A, %sub3A_10 : vector<16xi32>
    %min3A = vector.broadcast %jit3A_11 : i32 to vector<16xi32>
    %min3A_13 = arith.minsi %min3A, %max3A_12 : vector<16xi32>
    %gather3A = tpu.vector_load_idx %arg7[%min3A_13] : memref<25088xf32, #tpu.memory_space<vmem>>[vector<16xi32>], vector<16xf32>,
    %swap3A = arith.constant 0 : index
    %swap3A_14 = tpu.vector_load %arg12[%swap3A] {strides = array<i32>} : memref<256xf32, #tpu.memory_space<vmem>>, vector<16xf32>,
    tpu.vector_store %arg12[%swap3A], %gather3A {strides = array<i32>} : memref<256xf32, #tpu.memory_space<vmem>>, vector<16xf32>,
    %get3A_15 = arith.constant 16 : index
    %get3A_16 = tpu.vector_load %arg11[%get3A_15] {strides = array<i32>} : memref<256xi32, #tpu.memory_space<vmem>>, vector<16xi32>,
    %sub3A_17 = vector.broadcast %add3A_1 : i32 to vector<16xi32>
    %sub3A_18 = arith.subi %get3A_16, %sub3A_17 : vector<16xi32>
    %jit3A_19 = arith.constant 0 : i32
    %jit3A_20 = arith.constant 25087 : i32
    %max3A_21 = vector.broadcast %jit3A_19 : i32 to vector<16xi32>
    %max3A_22 = arith.maxsi %max3A_21, %sub3A_18 : vector<16xi32>
    %min3A_23 = vector.broadcast %jit3A_20 : i32 to vector<16xi32>
    %min3A_24 = arith.minsi %min3A_23, %max3A_22 : vector<16xi32>
    %gather3A_25 = tpu.vector_load_idx %arg7[%min3A_24] : memref<25088xf32, #tpu.memory_space<vmem>>[vector<16xi32>], vector<16xf32>,
    %swap3A_26 = arith.constant 16 : index
    %swap3A_27 = tpu.vector_load %arg12[%swap3A_26] {strides = array<i32>} : memref<256xf32, #tpu.memory_space<vmem>>, vector<16xf32>,
    tpu.vector_store %arg12[%swap3A_26], %gather3A_25 {strides = array<i32>} : memref<256xf32, #tpu.memory_space<vmem>>, vector<16xf32>,
    %get3A_28 = arith.constant 32 : index
    %get3A_29 = tpu.vector_load %arg11[%get3A_28] {strides = array<i32>} : memref<256xi32, #tpu.memory_space<vmem>>, vector<16xi32>,
    %sub3A_30 = vector.broadcast %add3A_1 : i32 to vector<16xi32>
    %sub3A_31 = arith.subi %get3A_29, %sub3A_30 : vector<16xi32>
    %jit3A_32 = arith.constant 0 : i32
    %jit3A_33 = arith.constant 25087 : i32
    %max3A_34 = vector.broadcast %jit3A_32 : i32 to vector<16xi32>
    %max3A_35 = arith.maxsi %max3A_34, %sub3A_31 : vector<16xi32>
    %min3A_36 = vector.broadcast %jit3A_33 : i32 to vector<16xi32>
    %min3A_37 = arith.minsi %min3A_36, %max3A_35 : vector<16xi32>
    %gather3A_38 = tpu.vector_load_idx %arg7[%min3A_37] : memref<25088xf32, #tpu.memory_space<vmem>>[vector<16xi32>], vector<16xf32>,
    %swap3A_39 = arith.constant 32 : index
    %swap3A_40 = tpu.vector_load %arg12[%swap3A_39] {strides = array<i32>} : memref<256xf32, #tpu.memory_space<vmem>>, vector<16xf32>,
    tpu.vector_store %arg12[%swap3A_39], %gather3A_38 {strides = array<i32>} : memref<256xf32, #tpu.memory_space<vmem>>, vector<16xf32>,
    %get3A_41 = arith.constant 48 : index
    %get3A_42 = tpu.vector_load %arg11[%get3A_41] {strides = array<i32>} : memref<256xi32, #tpu.memory_space<vmem>>, vector<16xi32>,
    %sub3A_43 = vector.broadcast %add3A_1 : i32 to vector<16xi32>
    %sub3A_44 = arith.subi %get3A_42, %sub3A_43 : vector<16xi32>
    %jit3A_45 = arith.constant 0 : i32
    %jit3A_46 = arith.constant 25087 : i32
    %max3A_47 = vector.broadcast %jit3A_45 : i32 to vector<16xi32>
    %max3A_48 = arith.maxsi %max3A_47, %sub3A_44 : vector<16xi32>
    %min3A_49 = vector.broadcast %jit3A_46 : i32 to vector<16xi32>
    %min3A_50 = arith.minsi %min3A_49, %max3A_48 : vector<16xi32>
    %gather3A_51 = tpu.vector_load_idx %arg7[%min3A_50] : memref<25088xf32, #tpu.memory_space<vmem>>[vector<16xi32>], vector<16xf32>,
    %swap3A_52 = arith.constant 48 : index
    %swap3A_53 = tpu.vector_load %arg12[%swap3A_52] {strides = array<i32>} : memref<256xf32, #tpu.memory_space<vmem>>, vector<16xf32>,
    tpu.vector_store %arg12[%swap3A_52], %gather3A_51 {strides = array<i32>} : memref<256xf32, #tpu.memory_space<vmem>>, vector<16xf32>,
    %get3A_54 = arith.constant 64 : index
    %get3A_55 = tpu.vector_load %arg11[%get3A_54] {strides = array<i32>} : memref<256xi32, #tpu.memory_space<vmem>>, vector<16xi32>,
    %sub3A_56 = vector.broadcast %add3A_1 : i32 to vector<16xi32>
    %sub3A_57 = arith.subi %get3A_55, %sub3A_56 : vector<16xi32>
    %jit3A_58 = arith.constant 0 : i32
    %jit3A_59 = arith.constant 25087 : i32
    %max3A_60 = vector.broadcast %jit3A_58 : i32 to vector<16xi32>
    %max3A_61 = arith.maxsi %max3A_60, %sub3A_57 : vector<16xi32>
    %min3A_62 = vector.broadcast %jit3A_59 : i32 to vector<16xi32>
    %min3A_63 = arith.minsi %min3A_62, %max3A_61 : vector<16xi32>
    %gather3A_64 = tpu.vector_load_idx %arg7[%min3A_63] : memref<25088xf32, #tpu.memory_space<vmem>>[vector<16xi32>], vector<16xf32>,
    %swap3A_65 = arith.constant 64 : index
    %swap3A_66 = tpu.vector_load %arg12[%swap3A_65] {strides = array<i32>} : memref<256xf32, #tpu.memory_space<vmem>>, vector<16xf32>,
    tpu.vector_store %arg12[%swap3A_65], %gather3A_64 {strides = array<i32>} : memref<256xf32, #tpu.memory_space<vmem>>, vector<16xf32>,
    %get3A_67 = arith.constant 80 : index
    %get3A_68 = tpu.vector_load %arg11[%get3A_67] {strides = array<i32>} : memref<256xi32, #tpu.memory_space<vmem>>, vector<16xi32>,
    %sub3A_69 = vector.broadcast %add3A_1 : i32 to vector<16xi32>
    %sub3A_70 = arith.subi %get3A_68, %sub3A_69 : vector<16xi32>
    %jit3A_71 = arith.constant 0 : i32
    %jit3A_72 = arith.constant 25087 : i32
    %max3A_73 = vector.broadcast %jit3A_71 : i32 to vector<16xi32>
    %max3A_74 = arith.maxsi %max3A_73, %sub3A_70 : vector<16xi32>
    %min3A_75 = vector.broadcast %jit3A_72 : i32 to vector<16xi32>
    %min3A_76 = arith.minsi %min3A_75, %max3A_74 : vector<16xi32>
    %gather3A_77 = tpu.vector_load_idx %arg7[%min3A_76] : memref<25088xf32, #tpu.memory_space<vmem>>[vector<16xi32>], vector<16xf32>,
    %swap3A_78 = arith.constant 80 : index
    %swap3A_79 = tpu.vector_load %arg12[%swap3A_78] {strides = array<i32>} : memref<256xf32, #tpu.memory_space<vmem>>, vector<16xf32>,
    tpu.vector_store %arg12[%swap3A_78], %gather3A_77 {strides = array<i32>} : memref<256xf32, #tpu.memory_space<vmem>>, vector<16xf32>,
    %get3A_80 = arith.constant 96 : index
    %get3A_81 = tpu.vector_load %arg11[%get3A_80] {strides = array<i32>} : memref<256xi32, #tpu.memory_space<vmem>>, vector<16xi32>,
    %sub3A_82 = vector.broadcast %add3A_1 : i32 to vector<16xi32>
    %sub3A_83 = arith.subi %get3A_81, %sub3A_82 : vector<16xi32>
    %jit3A_84 = arith.constant 0 : i32
    %jit3A_85 = arith.constant 25087 : i32
    %max3A_86 = vector.broadcast %jit3A_84 : i32 to vector<16xi32>
    %max3A_87 = arith.maxsi %max3A_86, %sub3A_83 : vector<16xi32>
    %min3A_88 = vector.broadcast %jit3A_85 : i32 to vector<16xi32>
    %min3A_89 = arith.minsi %min3A_88, %max3A_87 : vector<16xi32>
    %gather3A_90 = tpu.vector_load_idx %arg7[%min3A_89] : memref<25088xf32, #tpu.memory_space<vmem>>[vector<16xi32>], vector<16xf32>,
    %swap3A_91 = arith.constant 96 : index
    %swap3A_92 = tpu.vector_load %arg12[%swap3A_91] {strides = array<i32>} : memref<256xf32, #tpu.memory_space<vmem>>, vector<16xf32>,
    tpu.vector_store %arg12[%swap3A_91], %gather3A_90 {strides = array<i32>} : memref<256xf32, #tpu.memory_space<vmem>>, vector<16xf32>,
    %get3A_93 = arith.constant 112 : index
    %get3A_94 = tpu.vector_load %arg11[%get3A_93] {strides = array<i32>} : memref<256xi32, #tpu.memory_space<vmem>>, vector<16xi32>,
    %sub3A_95 = vector.broadcast %add3A_1 : i32 to vector<16xi32>
    %sub3A_96 = arith.subi %get3A_94, %sub3A_95 : vector<16xi32>
    %jit3A_97 = arith.constant 0 : i32
    %jit3A_98 = arith.constant 25087 : i32
    %max3A_99 = vector.broadcast %jit3A_97 : i32 to vector<16xi32>
    %max3A_100 = arith.maxsi %max3A_99, %sub3A_96 : vector<16xi32>
    %min3A_101 = vector.broadcast %jit3A_98 : i32 to vector<16xi32>
    %min3A_102 = arith.minsi %min3A_101, %max3A_100 : vector<16xi32>
    %gather3A_103 = tpu.vector_load_idx %arg7[%min3A_102] : memref<25088xf32, #tpu.memory_space<vmem>>[vector<16xi32>], vector<16xf32>,
    %swap3A_104 = arith.constant 112 : index
    %swap3A_105 = tpu.vector_load %arg12[%swap3A_104] {strides = array<i32>} : memref<256xf32, #tpu.memory_space<vmem>>, vector<16xf32>,
    tpu.vector_store %arg12[%swap3A_104], %gather3A_103 {strides = array<i32>} : memref<256xf32, #tpu.memory_space<vmem>>, vector<16xf32>,
    %get3A_106 = arith.constant 128 : index
    %get3A_107 = tpu.vector_load %arg11[%get3A_106] {strides = array<i32>} : memref<256xi32, #tpu.memory_space<vmem>>, vector<16xi32>,
    %sub3A_108 = vector.broadcast %add3A_1 : i32 to vector<16xi32>
    %sub3A_109 = arith.subi %get3A_107, %sub3A_108 : vector<16xi32>
    %jit3A_110 = arith.constant 0 : i32
    %jit3A_111 = arith.constant 25087 : i32
    %max3A_112 = vector.broadcast %jit3A_110 : i32 to vector<16xi32>
    %max3A_113 = arith.maxsi %max3A_112, %sub3A_109 : vector<16xi32>
    %min3A_114 = vector.broadcast %jit3A_111 : i32 to vector<16xi32>
    %min3A_115 = arith.minsi %min3A_114, %max3A_113 : vector<16xi32>
    %gather3A_116 = tpu.vector_load_idx %arg7[%min3A_115] : memref<25088xf32, #tpu.memory_space<vmem>>[vector<16xi32>], vector<16xf32>,
    %swap3A_117 = arith.constant 128 : index
    %swap3A_118 = tpu.vector_load %arg12[%swap3A_117] {strides = array<i32>} : memref<256xf32, #tpu.memory_space<vmem>>, vector<16xf32>,
    tpu.vector_store %arg12[%swap3A_117], %gather3A_116 {strides = array<i32>} : memref<256xf32, #tpu.memory_space<vmem>>, vector<16xf32>,
    %get3A_119 = arith.constant 144 : index
    %get3A_120 = tpu.vector_load %arg11[%get3A_119] {strides = array<i32>} : memref<256xi32, #tpu.memory_space<vmem>>, vector<16xi32>,
    %sub3A_121 = vector.broadcast %add3A_1 : i32 to vector<16xi32>
    %sub3A_122 = arith.subi %get3A_120, %sub3A_121 : vector<16xi32>
    %jit3A_123 = arith.constant 0 : i32
    %jit3A_124 = arith.constant 25087 : i32
    %max3A_125 = vector.broadcast %jit3A_123 : i32 to vector<16xi32>
    %max3A_126 = arith.maxsi %max3A_125, %sub3A_122 : vector<16xi32>
    %min3A_127 = vector.broadcast %jit3A_124 : i32 to vector<16xi32>
    %min3A_128 = arith.minsi %min3A_127, %max3A_126 : vector<16xi32>
    %gather3A_129 = tpu.vector_load_idx %arg7[%min3A_128] : memref<25088xf32, #tpu.memory_space<vmem>>[vector<16xi32>], vector<16xf32>,
    %swap3A_130 = arith.constant 144 : index
    %swap3A_131 = tpu.vector_load %arg12[%swap3A_130] {strides = array<i32>} : memref<256xf32, #tpu.memory_space<vmem>>, vector<16xf32>,
    tpu.vector_store %arg12[%swap3A_130], %gather3A_129 {strides = array<i32>} : memref<256xf32, #tpu.memory_space<vmem>>, vector<16xf32>,
    %get3A_132 = arith.constant 160 : index
    %get3A_133 = tpu.vector_load %arg11[%get3A_132] {strides = array<i32>} : memref<256xi32, #tpu.memory_space<vmem>>, vector<16xi32>,
    %sub3A_134 = vector.broadcast %add3A_1 : i32 to vector<16xi32>
    %sub3A_135 = arith.subi %get3A_133, %sub3A_134 : vector<16xi32>
    %jit3A_136 = arith.constant 0 : i32
    %jit3A_137 = arith.constant 25087 : i32
    %max3A_138 = vector.broadcast %jit3A_136 : i32 to vector<16xi32>
    %max3A_139 = arith.maxsi %max3A_138, %sub3A_135 : vector<16xi32>
    %min3A_140 = vector.broadcast %jit3A_137 : i32 to vector<16xi32>
    %min3A_141 = arith.minsi %min3A_140, %max3A_139 : vector<16xi32>
    %gather3A_142 = tpu.vector_load_idx %arg7[%min3A_141] : memref<25088xf32, #tpu.memory_space<vmem>>[vector<16xi32>], vector<16xf32>,
    %swap3A_143 = arith.constant 160 : index
    %swap3A_144 = tpu.vector_load %arg12[%swap3A_143] {strides = array<i32>} : memref<256xf32, #tpu.memory_space<vmem>>, vector<16xf32>,
    tpu.vector_store %arg12[%swap3A_143], %gather3A_142 {strides = array<i32>} : memref<256xf32, #tpu.memory_space<vmem>>, vector<16xf32>,
    %get3A_145 = arith.constant 176 : index
    %get3A_146 = tpu.vector_load %arg11[%get3A_145] {strides = array<i32>} : memref<256xi32, #tpu.memory_space<vmem>>, vector<16xi32>,
    %sub3A_147 = vector.broadcast %add3A_1 : i32 to vector<16xi32>
    %sub3A_148 = arith.subi %get3A_146, %sub3A_147 : vector<16xi32>
    %jit3A_149 = arith.constant 0 : i32
    %jit3A_150 = arith.constant 25087 : i32
    %max3A_151 = vector.broadcast %jit3A_149 : i32 to vector<16xi32>
    %max3A_152 = arith.maxsi %max3A_151, %sub3A_148 : vector<16xi32>
    %min3A_153 = vector.broadcast %jit3A_150 : i32 to vector<16xi32>
    %min3A_154 = arith.minsi %min3A_153, %max3A_152 : vector<16xi32>
    %gather3A_155 = tpu.vector_load_idx %arg7[%min3A_154] : memref<25088xf32, #tpu.memory_space<vmem>>[vector<16xi32>], vector<16xf32>,
    %swap3A_156 = arith.constant 176 : index
    %swap3A_157 = tpu.vector_load %arg12[%swap3A_156] {strides = array<i32>} : memref<256xf32, #tpu.memory_space<vmem>>, vector<16xf32>,
    tpu.vector_store %arg12[%swap3A_156], %gather3A_155 {strides = array<i32>} : memref<256xf32, #tpu.memory_space<vmem>>, vector<16xf32>,
    %get3A_158 = arith.constant 192 : index
    %get3A_159 = tpu.vector_load %arg11[%get3A_158] {strides = array<i32>} : memref<256xi32, #tpu.memory_space<vmem>>, vector<16xi32>,
    %sub3A_160 = vector.broadcast %add3A_1 : i32 to vector<16xi32>
    %sub3A_161 = arith.subi %get3A_159, %sub3A_160 : vector<16xi32>
    %jit3A_162 = arith.constant 0 : i32
    %jit3A_163 = arith.constant 25087 : i32
    %max3A_164 = vector.broadcast %jit3A_162 : i32 to vector<16xi32>
    %max3A_165 = arith.maxsi %max3A_164, %sub3A_161 : vector<16xi32>
    %min3A_166 = vector.broadcast %jit3A_163 : i32 to vector<16xi32>
    %min3A_167 = arith.minsi %min3A_166, %max3A_165 : vector<16xi32>
    %gather3A_168 = tpu.vector_load_idx %arg7[%min3A_167] : memref<25088xf32, #tpu.memory_space<vmem>>[vector<16xi32>], vector<16xf32>,
    %swap3A_169 = arith.constant 192 : index
    %swap3A_170 = tpu.vector_load %arg12[%swap3A_169] {strides = array<i32>} : memref<256xf32, #tpu.memory_space<vmem>>, vector<16xf32>,
    tpu.vector_store %arg12[%swap3A_169], %gather3A_168 {strides = array<i32>} : memref<256xf32, #tpu.memory_space<vmem>>, vector<16xf32>,
    %get3A_171 = arith.constant 208 : index
    %get3A_172 = tpu.vector_load %arg11[%get3A_171] {strides = array<i32>} : memref<256xi32, #tpu.memory_space<vmem>>, vector<16xi32>,
    %sub3A_173 = vector.broadcast %add3A_1 : i32 to vector<16xi32>
    %sub3A_174 = arith.subi %get3A_172, %sub3A_173 : vector<16xi32>
    %jit3A_175 = arith.constant 0 : i32
    %jit3A_176 = arith.constant 25087 : i32
    %max3A_177 = vector.broadcast %jit3A_175 : i32 to vector<16xi32>
    %max3A_178 = arith.maxsi %max3A_177, %sub3A_174 : vector<16xi32>
    %min3A_179 = vector.broadcast %jit3A_176 : i32 to vector<16xi32>
    %min3A_180 = arith.minsi %min3A_179, %max3A_178 : vector<16xi32>
    %gather3A_181 = tpu.vector_load_idx %arg7[%min3A_180] : memref<25088xf32, #tpu.memory_space<vmem>>[vector<16xi32>], vector<16xf32>,
    %swap3A_182 = arith.constant 208 : index
    %swap3A_183 = tpu.vector_load %arg12[%swap3A_182] {strides = array<i32>} : memref<256xf32, #tpu.memory_space<vmem>>, vector<16xf32>,
    tpu.vector_store %arg12[%swap3A_182], %gather3A_181 {strides = array<i32>} : memref<256xf32, #tpu.memory_space<vmem>>, vector<16xf32>,
    %get3A_184 = arith.constant 224 : index
    %get3A_185 = tpu.vector_load %arg11[%get3A_184] {strides = array<i32>} : memref<256xi32, #tpu.memory_space<vmem>>, vector<16xi32>,
    %sub3A_186 = vector.broadcast %add3A_1 : i32 to vector<16xi32>
    %sub3A_187 = arith.subi %get3A_185, %sub3A_186 : vector<16xi32>
    %jit3A_188 = arith.constant 0 : i32
    %jit3A_189 = arith.constant 25087 : i32
    %max3A_190 = vector.broadcast %jit3A_188 : i32 to vector<16xi32>
    %max3A_191 = arith.maxsi %max3A_190, %sub3A_187 : vector<16xi32>
    %min3A_192 = vector.broadcast %jit3A_189 : i32 to vector<16xi32>
    %min3A_193 = arith.minsi %min3A_192, %max3A_191 : vector<16xi32>
    %gather3A_194 = tpu.vector_load_idx %arg7[%min3A_193] : memref<25088xf32, #tpu.memory_space<vmem>>[vector<16xi32>], vector<16xf32>,
    %swap3A_195 = arith.constant 224 : index
    %swap3A_196 = tpu.vector_load %arg12[%swap3A_195] {strides = array<i32>} : memref<256xf32, #tpu.memory_space<vmem>>, vector<16xf32>,
    tpu.vector_store %arg12[%swap3A_195], %gather3A_194 {strides = array<i32>} : memref<256xf32, #tpu.memory_space<vmem>>, vector<16xf32>,
    %get3A_197 = arith.constant 240 : index
    %get3A_198 = tpu.vector_load %arg11[%get3A_197] {strides = array<i32>} : memref<256xi32, #tpu.memory_space<vmem>>, vector<16xi32>,
    %sub3A_199 = vector.broadcast %add3A_1 : i32 to vector<16xi32>
    %sub3A_200 = arith.subi %get3A_198, %sub3A_199 : vector<16xi32>
    %jit3A_201 = arith.constant 0 : i32
    %jit3A_202 = arith.constant 25087 : i32
    %max3A_203 = vector.broadcast %jit3A_201 : i32 to vector<16xi32>
    %max3A_204 = arith.maxsi %max3A_203, %sub3A_200 : vector<16xi32>
    %min3A_205 = vector.broadcast %jit3A_202 : i32 to vector<16xi32>
    %min3A_206 = arith.minsi %min3A_205, %max3A_204 : vector<16xi32>
    %gather3A_207 = tpu.vector_load_idx %arg7[%min3A_206] : memref<25088xf32, #tpu.memory_space<vmem>>[vector<16xi32>], vector<16xf32>,
    %swap3A_208 = arith.constant 240 : index
    %swap3A_209 = tpu.vector_load %arg12[%swap3A_208] {strides = array<i32>} : memref<256xf32, #tpu.memory_space<vmem>>, vector<16xf32>,
    tpu.vector_store %arg12[%swap3A_208], %gather3A_207 {strides = array<i32>} : memref<256xf32, #tpu.memory_space<vmem>>, vector<16xf32>,
    %mul3A_210 = arith.constant 2 : i32
    %mul3A_211 = arith.muli %arg1, %mul3A_210 : i32
    %add3A_212 = arith.addi %mul3A_211, %arg0 : i32
    %mul3A_213 = arith.constant 256 : i32
    %mul3A_214 = arith.muli %add3A_212, %mul3A_213 : i32
    "tpu.region"() ({
      %run_scoped3A = tpu.sem_alloc : memref<!tpu.dma_semaphore, #tpu.memory_space<semaphore_mem>>
      %dma_start3A = tpu.memref_slice %arg6[%mul3A_214] : memref<8192xf32, #tpu.memory_space<hbm>> -> memref<256xf32, #tpu.memory_space<hbm>>
      %dma_start3A_271 = tpu.memref_slice %arg6[%mul3A_214] : memref<8192xf32, #tpu.memory_space<hbm>> -> memref<256xf32, #tpu.memory_space<hbm>>
      tpu.enqueue_dma source(%arg12 : memref<256xf32, #tpu.memory_space<vmem>>) target(%dma_start3A_271 : memref<256xf32, #tpu.memory_space<hbm>>) target_semaphore(%run_scoped3A : memref<!tpu.dma_semaphore, #tpu.memory_space<semaphore_mem>>)
      %dma_wait3A = tpu.memref_slice %arg6[%mul3A_214] : memref<8192xf32, #tpu.memory_space<hbm>> -> memref<256xf32, #tpu.memory_space<hbm>>
      %dma_wait3A_272 = tpu.memref_slice %arg6[%mul3A_214] : memref<8192xf32, #tpu.memory_space<hbm>> -> memref<256xf32, #tpu.memory_space<hbm>>
      tpu.wait_dma2 semaphore(%run_scoped3A : memref<!tpu.dma_semaphore, #tpu.memory_space<semaphore_mem>>) src(%arg12 : memref<256xf32, #tpu.memory_space<vmem>>) dst(%dma_wait3A_272 : memref<256xf32, #tpu.memory_space<hbm>>)
      tpu.yield
    }) : () -> ()
    %scan3A = arith.constant 0 : i32
    %scan3A_215 = arith.constant 0 : i32
    %scan3A_216 = arith.constant 128 : i32
    %scan3A_217 = arith.addi %scan3A_215, %scan3A_216 : i32
    %scan3A_218 = arith.constant 1 : i32
    %scan3A_219 = scf.for %scan3A_271 = %scan3A_215 to %scan3A_217 step %scan3A_218 iter_args(%scan3A_272 = %scan3A) -> (i32)  : i32 {
      %mul3A_273 = arith.constant 16 : i32
      %mul3A_274 = arith.muli %scan3A_271, %mul3A_273 : i32
      %get3A_275 = arith.index_cast %mul3A_274 : i32 to index
      %get3A_276 = tpu.vector_load %arg7[%get3A_275] {strides = array<i32>} : memref<25088xf32, #tpu.memory_space<vmem>>, vector<16xf32>,
      %mul3A_277 = arith.constant 16 : i32
      %mul3A_278 = arith.muli %scan3A_271, %mul3A_277 : i32
      %swap3A_279 = arith.index_cast %mul3A_278 : i32 to index
      %swap3A_280 = tpu.vector_load %arg8[%swap3A_279] {strides = array<i32>} : memref<2064xf32, #tpu.memory_space<vmem>>, vector<16xf32>,
      tpu.vector_store %arg8[%swap3A_279], %get3A_276 {strides = array<i32>} : memref<2064xf32, #tpu.memory_space<vmem>>, vector<16xf32>,
      %mul3A_281 = arith.constant 16 : i32
      %mul3A_282 = arith.muli %scan3A_271, %mul3A_281 : i32
      %add3A_283 = arith.addi %add3A_1, %mul3A_282 : i32
      %add3A_284 = vector.broadcast %add3A_283 : i32 to vector<16xi32>
      %add3A_285 = arith.addi %add3A_284, %iota3A : vector<16xi32>
      %mul3A_286 = arith.constant 16 : i32
      %mul3A_287 = arith.muli %scan3A_271, %mul3A_286 : i32
      %swap3A_288 = arith.index_cast %mul3A_287 : i32 to index
      %swap3A_289 = tpu.vector_load %arg9[%swap3A_288] {strides = array<i32>} : memref<2064xi32, #tpu.memory_space<vmem>>, vector<16xi32>,
      tpu.vector_store %arg9[%swap3A_288], %add3A_285 {strides = array<i32>} : memref<2064xi32, #tpu.memory_space<vmem>>, vector<16xi32>,
      %scan3A_290 = arith.constant 0 : i32
      scf.yield %scan3A_290 : i32
    }
    %scan3A_220 = arith.constant 128 : i32
    %broadcast_in_dim3A = arith.constant -1.000000e+30 : f32
    %broadcast_in_dim3A_221 = vector.broadcast %broadcast_in_dim3A : f32 to vector<16xf32>
    %scan3A_222 = arith.constant 2048 : i32
    %scan3A_223 = arith.constant 0 : i32
    %scan3A_224 = arith.constant 0 : i32
    %scan3A_225 = arith.constant 129 : i32
    %scan3A_226 = arith.addi %scan3A_224, %scan3A_225 : i32
    %scan3A_227 = arith.constant 1 : i32
    %scan3A_228 = scf.for %scan3A_271 = %scan3A_224 to %scan3A_226 step %scan3A_227 iter_args(%scan3A_272 = %scan3A_223) -> (i32)  : i32 {
      %mul3A_273 = arith.constant 16 : i32
      %mul3A_274 = arith.muli %scan3A_271, %mul3A_273 : i32
      %get3A_275 = arith.index_cast %mul3A_274 : i32 to index
      %get3A_276 = tpu.vector_load %arg8[%get3A_275] {strides = array<i32>} : memref<2064xf32, #tpu.memory_space<vmem>>, vector<16xf32>,
      %bitcast3A_277 = vector.bitcast %get3A_276 : vector<16xf32> to vector<16xi32>
      %shift_right_arithmetic3A_278 = arith.constant 31 : i32
      %shift_right_arithmetic3A_279 = vector.broadcast %shift_right_arithmetic3A_278 : i32 to vector<16xi32>
      %shift_right_arithmetic3A_280 = arith.shrsi %bitcast3A_277, %shift_right_arithmetic3A_279 : vector<16xi32>
      %and3A_281 = arith.constant 2147483647 : i32
      %and3A_282 = vector.broadcast %and3A_281 : i32 to vector<16xi32>
      %and3A_283 = arith.andi %shift_right_arithmetic3A_280, %and3A_282 : vector<16xi32>
      %xor3A_284 = arith.xori %bitcast3A_277, %and3A_283 : vector<16xi32>
      %mul3A_285 = arith.constant 16 : i32
      %mul3A_286 = arith.muli %scan3A_271, %mul3A_285 : i32
      %add3A_287 = vector.broadcast %mul3A_286 : i32 to vector<16xi32>
      %add3A_288 = arith.addi %add3A_287, %iota3A : vector<16xi32>
      %lt3A = vector.broadcast %scan3A_222 : i32 to vector<16xi32>
      %lt3A_289 = arith.cmpi slt, %add3A_288, %lt3A : vector<16xi32>
      %jit3A_290 = arith.constant -2147483648 : i32
      %broadcast_in_dim3A_291 = vector.broadcast %jit3A_290 : i32 to vector<16xi32>
      %select_n3A = arith.select %lt3A_289, %xor3A_284, %broadcast_in_dim3A_291 : vector<16xi1>, vector<16xi32>
      %mul3A_292 = arith.constant 16 : i32
      %mul3A_293 = arith.muli %scan3A_271, %mul3A_292 : i32
      %swap3A_294 = arith.index_cast %mul3A_293 : i32 to index
      %swap3A_295 = tpu.vector_load %arg10[%swap3A_294] {strides = array<i32>} : memref<2064xi32, #tpu.memory_space<vmem>>, vector<16xi32>,
      tpu.vector_store %arg10[%swap3A_294], %select_n3A {strides = array<i32>} : memref<2064xi32, #tpu.memory_space<vmem>>, vector<16xi32>,
      %scan3A_296 = arith.constant 0 : i32
      scf.yield %scan3A_296 : i32
    }
    %scan3A_229 = arith.constant 129 : i32
    %scan3A_230 = arith.constant -2139095041 : i32
    %scan3A_231 = arith.constant 2139095040 : i32
    %scan3A_232 = arith.constant 0 : i32
    %scan3A_233 = arith.constant 20 : i32
    %scan3A_234 = arith.addi %scan3A_232, %scan3A_233 : i32
    %scan3A_235 = arith.constant 1 : i32
    %scan3A_236:2 = scf.for %scan3A_271 = %scan3A_232 to %scan3A_234 step %scan3A_235 iter_args(%scan3A_272 = %scan3A_230, %scan3A_273 = %scan3A_231) -> (i32, i32)  : i32 {
      %sub3A_274 = arith.subi %scan3A_273, %scan3A_272 : i32
      %shift_right_logical3A = arith.constant 1 : i32
      %shift_right_logical3A_275 = arith.shrui %sub3A_274, %shift_right_logical3A : i32
      %add3A_276 = arith.addi %scan3A_272, %shift_right_logical3A_275 : i32
      %broadcast_in_dim3A_277 = arith.constant 0 : i32
      %broadcast_in_dim3A_278 = vector.broadcast %broadcast_in_dim3A_277 : i32 to vector<16xi32>
      %scan3A_279 = arith.constant 0 : i32
      %scan3A_280 = arith.constant 129 : i32
      %scan3A_281 = arith.addi %scan3A_279, %scan3A_280 : i32
      %scan3A_282 = arith.constant 1 : i32
      %scan3A_283 = scf.for %scan3A_290 = %scan3A_279 to %scan3A_281 step %scan3A_282 iter_args(%scan3A_291 = %broadcast_in_dim3A_278) -> (vector<16xi32>)  : i32 {
        %mul3A_292 = arith.constant 16 : i32
        %mul3A_293 = arith.muli %scan3A_290, %mul3A_292 : i32
        %get3A_294 = arith.index_cast %mul3A_293 : i32 to index
        %get3A_295 = tpu.vector_load %arg10[%get3A_294] {strides = array<i32>} : memref<2064xi32, #tpu.memory_space<vmem>>, vector<16xi32>,
        %gt3A_296 = vector.broadcast %add3A_276 : i32 to vector<16xi32>
        %gt3A_297 = arith.cmpi sgt, %get3A_295, %gt3A_296 : vector<16xi32>
        %jit3A_298 = arith.constant 1 : i32
        %jit3A_299 = arith.constant 0 : i32
        %broadcast_in_dim3A_300 = vector.broadcast %jit3A_298 : i32 to vector<16xi32>
        %broadcast_in_dim3A_301 = vector.broadcast %jit3A_299 : i32 to vector<16xi32>
        %select_n3A_302 = arith.select %gt3A_297, %broadcast_in_dim3A_300, %broadcast_in_dim3A_301 : vector<16xi1>, vector<16xi32>
        %add3A_303 = arith.addi %scan3A_291, %select_n3A_302 : vector<16xi32>
        scf.yield %add3A_303 : vector<16xi32>
      }
      %scan3A_284 = arith.constant 129 : i32
      %reduce_sum3A = arith.constant true
      %reduce_sum3A_285 = vector.broadcast %reduce_sum3A : i1 to vector<16xi1>
      %reduce_sum3A_286 = tpu.scan <sum>, %scan3A_283 masked %reduce_sum3A_285 : vector<16xi32>, vector<16xi1> -> vector<16xi32>
      %reduce_sum3A_287 = vector.extract %reduce_sum3A_286[15] : i32 from vector<16xi32>
      %ge3A = arith.constant 256 : i32
      %ge3A_288 = arith.cmpi sge, %reduce_sum3A_287, %ge3A : i32
      %select_n3A = arith.select %ge3A_288, %add3A_276, %scan3A_272 : i32
      %select_n3A_289 = arith.select %ge3A_288, %scan3A_273, %add3A_276 : i32
      scf.yield %select_n3A, %select_n3A_289 : i32, i32
    }
    %scan3A_237 = arith.constant 20 : i32
    %scan3A_238 = arith.constant 0 : i32
    %scan3A_239 = arith.constant 0 : i32
    %scan3A_240 = arith.constant 129 : i32
    %scan3A_241 = arith.addi %scan3A_239, %scan3A_240 : i32
    %scan3A_242 = arith.constant 1 : i32
    %scan3A_243 = scf.for %scan3A_271 = %scan3A_239 to %scan3A_241 step %scan3A_242 iter_args(%scan3A_272 = %scan3A_238) -> (i32)  : i32 {
      %mul3A_273 = arith.constant 16 : i32
      %mul3A_274 = arith.muli %scan3A_271, %mul3A_273 : i32
      %get3A_275 = arith.index_cast %mul3A_274 : i32 to index
      %get3A_276 = tpu.vector_load %arg10[%get3A_275] {strides = array<i32>} : memref<2064xi32, #tpu.memory_space<vmem>>, vector<16xi32>,
      %gt3A_277 = vector.broadcast %scan3A_236#0 : i32 to vector<16xi32>
      %gt3A_278 = arith.cmpi sgt, %get3A_276, %gt3A_277 : vector<16xi32>
      %mul3A_279 = arith.constant 16 : i32
      %mul3A_280 = arith.muli %scan3A_271, %mul3A_279 : i32
      %get3A_281 = arith.index_cast %mul3A_280 : i32 to index
      %get3A_282 = tpu.vector_load %arg8[%get3A_281] {strides = array<i32>} : memref<2064xf32, #tpu.memory_space<vmem>>, vector<16xf32>,
      %mul3A_283 = arith.constant 16 : i32
      %mul3A_284 = arith.muli %scan3A_271, %mul3A_283 : i32
      %get3A_285 = arith.index_cast %mul3A_284 : i32 to index
      %get3A_286 = tpu.vector_load %arg9[%get3A_285] {strides = array<i32>} : memref<2064xi32, #tpu.memory_space<vmem>>, vector<16xi32>,
      %swap3A_287 = arith.index_cast %scan3A_272 : i32 to index
      %swap3A_288 = tpu.vector_load %arg8[%swap3A_287] masked %gt3A_278 {strides = array<i32>} : memref<2064xf32, #tpu.memory_space<vmem>>, vector<16xf32>, vector<16xi1>
      tpu.vector_store %arg8[%swap3A_287], %get3A_282 masked %gt3A_278 {strides = array<i32>} : memref<2064xf32, #tpu.memory_space<vmem>>, vector<16xf32>, vector<16xi1>
      %swap3A_289 = arith.index_cast %scan3A_272 : i32 to index
      %swap3A_290 = tpu.vector_load %arg9[%swap3A_289] masked %gt3A_278 {strides = array<i32>} : memref<2064xi32, #tpu.memory_space<vmem>>, vector<16xi32>, vector<16xi1>
      tpu.vector_store %arg9[%swap3A_289], %get3A_286 masked %gt3A_278 {strides = array<i32>} : memref<2064xi32, #tpu.memory_space<vmem>>, vector<16xi32>, vector<16xi1>
      %all_reduce_population_count3A = tpu.all_reduce %gt3A_278 {dim = 0 : i64, kind = #tpu.reduction_kind<sum>} : vector<16xi1> -> vector<16xi32>
      %reduce_max3A = arith.constant true
      %reduce_max3A_291 = vector.broadcast %reduce_max3A : i1 to vector<16xi1>
      %reduce_max3A_292 = arith.constant -2147483648 : i32
      %reduce_max3A_293 = vector.broadcast %reduce_max3A_292 : i32 to vector<16xi32>
      %reduce_max3A_294 = arith.xori %all_reduce_population_count3A, %reduce_max3A_293 : vector<16xi32>
      %reduce_max3A_295 = tpu.scan <max>, %reduce_max3A_294 masked %reduce_max3A_291 : vector<16xi32>, vector<16xi1> -> vector<16xi32>
      %reduce_max3A_296 = arith.xori %reduce_max3A_295, %reduce_max3A_293 : vector<16xi32>
      %reduce_max3A_297 = vector.extract %reduce_max3A_296[15] : i32 from vector<16xi32>
      %add3A_298 = arith.addi %scan3A_272, %reduce_max3A_297 : i32
      scf.yield %add3A_298 : i32
    }
    %scan3A_244 = arith.constant 129 : i32
    %broadcast_in_dim3A_245 = vector.broadcast %scan3A_236#0 : i32 to vector<16xi32>
    %shift_right_arithmetic3A = arith.constant 31 : i32
    %shift_right_arithmetic3A_246 = vector.broadcast %shift_right_arithmetic3A : i32 to vector<16xi32>
    %shift_right_arithmetic3A_247 = arith.shrsi %broadcast_in_dim3A_245, %shift_right_arithmetic3A_246 : vector<16xi32>
    %and3A = arith.constant 2147483647 : i32
    %and3A_248 = vector.broadcast %and3A : i32 to vector<16xi32>
    %and3A_249 = arith.andi %shift_right_arithmetic3A_247, %and3A_248 : vector<16xi32>
    %xor3A = arith.xori %broadcast_in_dim3A_245, %and3A_249 : vector<16xi32>
    %bitcast3A = vector.bitcast %xor3A : vector<16xi32> to vector<16xf32>
    %scan3A_250 = arith.constant 0 : i32
    %scan3A_251 = arith.constant 360 : i32
    %scan3A_252 = arith.addi %scan3A_250, %scan3A_251 : i32
    %scan3A_253 = arith.constant 1 : i32
    %scan3A_254:2 = scf.for %scan3A_271 = %scan3A_250 to %scan3A_252 step %scan3A_253 iter_args(%scan3A_272 = %scan3A_243, %scan3A_273 = %bitcast3A) -> (i32, vector<16xf32>)  : i32 {
      %mul3A_274 = arith.constant 4 : i32
      %mul3A_275 = arith.muli %scan3A_271, %mul3A_274 : i32
      %add3A_276 = arith.constant 128 : i32
      %add3A_277 = arith.addi %add3A_276, %mul3A_275 : i32
      %add3A_278 = arith.constant 0 : i32
      %add3A_279 = arith.addi %add3A_277, %add3A_278 : i32
      %mul3A_280 = arith.constant 16 : i32
      %mul3A_281 = arith.muli %add3A_279, %mul3A_280 : i32
      %get3A_282 = arith.index_cast %mul3A_281 : i32 to index
      %get3A_283 = tpu.vector_load %arg7[%get3A_282] {strides = array<i32>} : memref<25088xf32, #tpu.memory_space<vmem>>, vector<16xf32>,
      %gt3A_284 = arith.cmpf ogt, %get3A_283, %scan3A_273 : vector<16xf32>
      %add3A_285 = arith.constant 1 : i32
      %add3A_286 = arith.addi %add3A_277, %add3A_285 : i32
      %mul3A_287 = arith.constant 16 : i32
      %mul3A_288 = arith.muli %add3A_286, %mul3A_287 : i32
      %get3A_289 = arith.index_cast %mul3A_288 : i32 to index
      %get3A_290 = tpu.vector_load %arg7[%get3A_289] {strides = array<i32>} : memref<25088xf32, #tpu.memory_space<vmem>>, vector<16xf32>,
      %gt3A_291 = arith.cmpf ogt, %get3A_290, %scan3A_273 : vector<16xf32>
      %or3A = arith.ori %gt3A_284, %gt3A_291 : vector<16xi1>
      %add3A_292 = arith.constant 2 : i32
      %add3A_293 = arith.addi %add3A_277, %add3A_292 : i32
      %mul3A_294 = arith.constant 16 : i32
      %mul3A_295 = arith.muli %add3A_293, %mul3A_294 : i32
      %get3A_296 = arith.index_cast %mul3A_295 : i32 to index
      %get3A_297 = tpu.vector_load %arg7[%get3A_296] {strides = array<i32>} : memref<25088xf32, #tpu.memory_space<vmem>>, vector<16xf32>,
      %gt3A_298 = arith.cmpf ogt, %get3A_297, %scan3A_273 : vector<16xf32>
      %or3A_299 = arith.ori %or3A, %gt3A_298 : vector<16xi1>
      %add3A_300 = arith.constant 3 : i32
      %add3A_301 = arith.addi %add3A_277, %add3A_300 : i32
      %mul3A_302 = arith.constant 16 : i32
      %mul3A_303 = arith.muli %add3A_301, %mul3A_302 : i32
      %get3A_304 = arith.index_cast %mul3A_303 : i32 to index
      %get3A_305 = tpu.vector_load %arg7[%get3A_304] {strides = array<i32>} : memref<25088xf32, #tpu.memory_space<vmem>>, vector<16xf32>,
      %gt3A_306 = arith.cmpf ogt, %get3A_305, %scan3A_273 : vector<16xf32>
      %or3A_307 = arith.ori %or3A_299, %gt3A_306 : vector<16xi1>
      %reduce_or3A = arith.constant 1.000000e+00 : f32
      %reduce_or3A_308 = arith.constant 0.000000e+00 : f32
      %reduce_or3A_309 = vector.broadcast %reduce_or3A : f32 to vector<16xf32>
      %reduce_or3A_310 = vector.broadcast %reduce_or3A_308 : f32 to vector<16xf32>
      %reduce_or3A_311 = arith.select %or3A_307, %reduce_or3A_309, %reduce_or3A_310 : vector<16xi1>, vector<16xf32>
      %reduce_or3A_312 = arith.constant true
      %reduce_or3A_313 = vector.broadcast %reduce_or3A_312 : i1 to vector<16xi1>
      %reduce_or3A_314 = tpu.scan <max>, %reduce_or3A_311 masked %reduce_or3A_313 : vector<16xf32>, vector<16xi1> -> vector<16xf32>
      %reduce_or3A_315 = vector.extract %reduce_or3A_314[15] : f32 from vector<16xf32>
      %reduce_or3A_316 = arith.constant 0.000000e+00 : f32
      %reduce_or3A_317 = arith.cmpf ogt, %reduce_or3A_315, %reduce_or3A_316 : f32
      %convert_element_type3A_318 = arith.extui %reduce_or3A_317 : i1 to i32
      %cond3A_319 = arith.constant 0 : i32
      %cond3A_320 = arith.cmpi ne, %convert_element_type3A_318, %cond3A_319 : i32
      %cond3A_321 = scf.if %cond3A_320 -> (i32) {
        %all_reduce_population_count3A = tpu.all_reduce %gt3A_284 {dim = 0 : i64, kind = #tpu.reduction_kind<sum>} : vector<16xi1> -> vector<16xi32>
        %reduce_max3A = arith.constant true
        %reduce_max3A_327 = vector.broadcast %reduce_max3A : i1 to vector<16xi1>
        %reduce_max3A_328 = arith.constant -2147483648 : i32
        %reduce_max3A_329 = vector.broadcast %reduce_max3A_328 : i32 to vector<16xi32>
        %reduce_max3A_330 = arith.xori %all_reduce_population_count3A, %reduce_max3A_329 : vector<16xi32>
        %reduce_max3A_331 = tpu.scan <max>, %reduce_max3A_330 masked %reduce_max3A_327 : vector<16xi32>, vector<16xi1> -> vector<16xi32>
        %reduce_max3A_332 = arith.xori %reduce_max3A_331, %reduce_max3A_329 : vector<16xi32>
        %reduce_max3A_333 = vector.extract %reduce_max3A_332[15] : i32 from vector<16xi32>
        %swap3A_334 = arith.index_cast %scan3A_272 : i32 to index
        %swap3A_335 = tpu.vector_load %arg8[%swap3A_334] masked %gt3A_284 {strides = array<i32>} : memref<2064xf32, #tpu.memory_space<vmem>>, vector<16xf32>, vector<16xi1>
        tpu.vector_store %arg8[%swap3A_334], %get3A_283 masked %gt3A_284 {strides = array<i32>} : memref<2064xf32, #tpu.memory_space<vmem>>, vector<16xf32>, vector<16xi1>
        %add3A_336 = arith.constant 0 : i32
        %add3A_337 = arith.addi %add3A_277, %add3A_336 : i32
        %mul3A_338 = arith.constant 16 : i32
        %mul3A_339 = arith.muli %add3A_337, %mul3A_338 : i32
        %add3A_340 = arith.addi %add3A_1, %mul3A_339 : i32
        %add3A_341 = vector.broadcast %add3A_340 : i32 to vector<16xi32>
        %add3A_342 = arith.addi %add3A_341, %iota3A : vector<16xi32>
        %swap3A_343 = arith.index_cast %scan3A_272 : i32 to index
        %swap3A_344 = tpu.vector_load %arg9[%swap3A_343] masked %gt3A_284 {strides = array<i32>} : memref<2064xi32, #tpu.memory_space<vmem>>, vector<16xi32>, vector<16xi1>
        tpu.vector_store %arg9[%swap3A_343], %add3A_342 masked %gt3A_284 {strides = array<i32>} : memref<2064xi32, #tpu.memory_space<vmem>>, vector<16xi32>, vector<16xi1>
        %add3A_345 = arith.addi %scan3A_272, %reduce_max3A_333 : i32
        %all_reduce_population_count3A_346 = tpu.all_reduce %gt3A_291 {dim = 0 : i64, kind = #tpu.reduction_kind<sum>} : vector<16xi1> -> vector<16xi32>
        %reduce_max3A_347 = arith.constant true
        %reduce_max3A_348 = vector.broadcast %reduce_max3A_347 : i1 to vector<16xi1>
        %reduce_max3A_349 = arith.constant -2147483648 : i32
        %reduce_max3A_350 = vector.broadcast %reduce_max3A_349 : i32 to vector<16xi32>
        %reduce_max3A_351 = arith.xori %all_reduce_population_count3A_346, %reduce_max3A_350 : vector<16xi32>
        %reduce_max3A_352 = tpu.scan <max>, %reduce_max3A_351 masked %reduce_max3A_348 : vector<16xi32>, vector<16xi1> -> vector<16xi32>
        %reduce_max3A_353 = arith.xori %reduce_max3A_352, %reduce_max3A_350 : vector<16xi32>
        %reduce_max3A_354 = vector.extract %reduce_max3A_353[15] : i32 from vector<16xi32>
        %swap3A_355 = arith.index_cast %add3A_345 : i32 to index
        %swap3A_356 = tpu.vector_load %arg8[%swap3A_355] masked %gt3A_291 {strides = array<i32>} : memref<2064xf32, #tpu.memory_space<vmem>>, vector<16xf32>, vector<16xi1>
        tpu.vector_store %arg8[%swap3A_355], %get3A_290 masked %gt3A_291 {strides = array<i32>} : memref<2064xf32, #tpu.memory_space<vmem>>, vector<16xf32>, vector<16xi1>
        %add3A_357 = arith.constant 1 : i32
        %add3A_358 = arith.addi %add3A_277, %add3A_357 : i32
        %mul3A_359 = arith.constant 16 : i32
        %mul3A_360 = arith.muli %add3A_358, %mul3A_359 : i32
        %add3A_361 = arith.addi %add3A_1, %mul3A_360 : i32
        %add3A_362 = vector.broadcast %add3A_361 : i32 to vector<16xi32>
        %add3A_363 = arith.addi %add3A_362, %iota3A : vector<16xi32>
        %swap3A_364 = arith.index_cast %add3A_345 : i32 to index
        %swap3A_365 = tpu.vector_load %arg9[%swap3A_364] masked %gt3A_291 {strides = array<i32>} : memref<2064xi32, #tpu.memory_space<vmem>>, vector<16xi32>, vector<16xi1>
        tpu.vector_store %arg9[%swap3A_364], %add3A_363 masked %gt3A_291 {strides = array<i32>} : memref<2064xi32, #tpu.memory_space<vmem>>, vector<16xi32>, vector<16xi1>
        %add3A_366 = arith.addi %add3A_345, %reduce_max3A_354 : i32
        %all_reduce_population_count3A_367 = tpu.all_reduce %gt3A_298 {dim = 0 : i64, kind = #tpu.reduction_kind<sum>} : vector<16xi1> -> vector<16xi32>
        %reduce_max3A_368 = arith.constant true
        %reduce_max3A_369 = vector.broadcast %reduce_max3A_368 : i1 to vector<16xi1>
        %reduce_max3A_370 = arith.constant -2147483648 : i32
        %reduce_max3A_371 = vector.broadcast %reduce_max3A_370 : i32 to vector<16xi32>
        %reduce_max3A_372 = arith.xori %all_reduce_population_count3A_367, %reduce_max3A_371 : vector<16xi32>
        %reduce_max3A_373 = tpu.scan <max>, %reduce_max3A_372 masked %reduce_max3A_369 : vector<16xi32>, vector<16xi1> -> vector<16xi32>
        %reduce_max3A_374 = arith.xori %reduce_max3A_373, %reduce_max3A_371 : vector<16xi32>
        %reduce_max3A_375 = vector.extract %reduce_max3A_374[15] : i32 from vector<16xi32>
        %swap3A_376 = arith.index_cast %add3A_366 : i32 to index
        %swap3A_377 = tpu.vector_load %arg8[%swap3A_376] masked %gt3A_298 {strides = array<i32>} : memref<2064xf32, #tpu.memory_space<vmem>>, vector<16xf32>, vector<16xi1>
        tpu.vector_store %arg8[%swap3A_376], %get3A_297 masked %gt3A_298 {strides = array<i32>} : memref<2064xf32, #tpu.memory_space<vmem>>, vector<16xf32>, vector<16xi1>
        %add3A_378 = arith.constant 2 : i32
        %add3A_379 = arith.addi %add3A_277, %add3A_378 : i32
        %mul3A_380 = arith.constant 16 : i32
        %mul3A_381 = arith.muli %add3A_379, %mul3A_380 : i32
        %add3A_382 = arith.addi %add3A_1, %mul3A_381 : i32
        %add3A_383 = vector.broadcast %add3A_382 : i32 to vector<16xi32>
        %add3A_384 = arith.addi %add3A_383, %iota3A : vector<16xi32>
        %swap3A_385 = arith.index_cast %add3A_366 : i32 to index
        %swap3A_386 = tpu.vector_load %arg9[%swap3A_385] masked %gt3A_298 {strides = array<i32>} : memref<2064xi32, #tpu.memory_space<vmem>>, vector<16xi32>, vector<16xi1>
        tpu.vector_store %arg9[%swap3A_385], %add3A_384 masked %gt3A_298 {strides = array<i32>} : memref<2064xi32, #tpu.memory_space<vmem>>, vector<16xi32>, vector<16xi1>
        %add3A_387 = arith.addi %add3A_366, %reduce_max3A_375 : i32
        %all_reduce_population_count3A_388 = tpu.all_reduce %gt3A_306 {dim = 0 : i64, kind = #tpu.reduction_kind<sum>} : vector<16xi1> -> vector<16xi32>
        %reduce_max3A_389 = arith.constant true
        %reduce_max3A_390 = vector.broadcast %reduce_max3A_389 : i1 to vector<16xi1>
        %reduce_max3A_391 = arith.constant -2147483648 : i32
        %reduce_max3A_392 = vector.broadcast %reduce_max3A_391 : i32 to vector<16xi32>
        %reduce_max3A_393 = arith.xori %all_reduce_population_count3A_388, %reduce_max3A_392 : vector<16xi32>
        %reduce_max3A_394 = tpu.scan <max>, %reduce_max3A_393 masked %reduce_max3A_390 : vector<16xi32>, vector<16xi1> -> vector<16xi32>
        %reduce_max3A_395 = arith.xori %reduce_max3A_394, %reduce_max3A_392 : vector<16xi32>
        %reduce_max3A_396 = vector.extract %reduce_max3A_395[15] : i32 from vector<16xi32>
        %swap3A_397 = arith.index_cast %add3A_387 : i32 to index
        %swap3A_398 = tpu.vector_load %arg8[%swap3A_397] masked %gt3A_306 {strides = array<i32>} : memref<2064xf32, #tpu.memory_space<vmem>>, vector<16xf32>, vector<16xi1>
        tpu.vector_store %arg8[%swap3A_397], %get3A_305 masked %gt3A_306 {strides = array<i32>} : memref<2064xf32, #tpu.memory_space<vmem>>, vector<16xf32>, vector<16xi1>
        %add3A_399 = arith.constant 3 : i32
        %add3A_400 = arith.addi %add3A_277, %add3A_399 : i32
        %mul3A_401 = arith.constant 16 : i32
        %mul3A_402 = arith.muli %add3A_400, %mul3A_401 : i32
        %add3A_403 = arith.addi %add3A_1, %mul3A_402 : i32
        %add3A_404 = vector.broadcast %add3A_403 : i32 to vector<16xi32>
        %add3A_405 = arith.addi %add3A_404, %iota3A : vector<16xi32>
        %swap3A_406 = arith.index_cast %add3A_387 : i32 to index
        %swap3A_407 = tpu.vector_load %arg9[%swap3A_406] masked %gt3A_306 {strides = array<i32>} : memref<2064xi32, #tpu.memory_space<vmem>>, vector<16xi32>, vector<16xi1>
        tpu.vector_store %arg9[%swap3A_406], %add3A_405 masked %gt3A_306 {strides = array<i32>} : memref<2064xi32, #tpu.memory_space<vmem>>, vector<16xi32>, vector<16xi1>
        %add3A_408 = arith.addi %add3A_387, %reduce_max3A_396 : i32
        scf.yield %add3A_408 : i32
      } else {
        scf.yield %scan3A_272 : i32
      }
      %ge3A = arith.constant 1984 : i32
      %ge3A_322 = arith.cmpi sge, %cond3A_321, %ge3A : i32
      %convert_element_type3A_323 = arith.extui %ge3A_322 : i1 to i32
      %cond3A_324 = arith.constant 0 : i32
      %cond3A_325 = arith.cmpi ne, %convert_element_type3A_323, %cond3A_324 : i32
      %cond3A_326:2 = scf.if %cond3A_325 -> (i32, vector<16xf32>) {
        %scan3A_327 = arith.constant 0 : i32
        %scan3A_328 = arith.constant 0 : i32
        %scan3A_329 = arith.constant 129 : i32
        %scan3A_330 = arith.addi %scan3A_328, %scan3A_329 : i32
        %scan3A_331 = arith.constant 1 : i32
        %scan3A_332 = scf.for %scan3A_358 = %scan3A_328 to %scan3A_330 step %scan3A_331 iter_args(%scan3A_359 = %scan3A_327) -> (i32)  : i32 {
          %mul3A_360 = arith.constant 16 : i32
          %mul3A_361 = arith.muli %scan3A_358, %mul3A_360 : i32
          %get3A_362 = arith.index_cast %mul3A_361 : i32 to index
          %get3A_363 = tpu.vector_load %arg8[%get3A_362] {strides = array<i32>} : memref<2064xf32, #tpu.memory_space<vmem>>, vector<16xf32>,
          %bitcast3A_364 = vector.bitcast %get3A_363 : vector<16xf32> to vector<16xi32>
          %shift_right_arithmetic3A_365 = arith.constant 31 : i32
          %shift_right_arithmetic3A_366 = vector.broadcast %shift_right_arithmetic3A_365 : i32 to vector<16xi32>
          %shift_right_arithmetic3A_367 = arith.shrsi %bitcast3A_364, %shift_right_arithmetic3A_366 : vector<16xi32>
          %and3A_368 = arith.constant 2147483647 : i32
          %and3A_369 = vector.broadcast %and3A_368 : i32 to vector<16xi32>
          %and3A_370 = arith.andi %shift_right_arithmetic3A_367, %and3A_369 : vector<16xi32>
          %xor3A_371 = arith.xori %bitcast3A_364, %and3A_370 : vector<16xi32>
          %mul3A_372 = arith.constant 16 : i32
          %mul3A_373 = arith.muli %scan3A_358, %mul3A_372 : i32
          %add3A_374 = vector.broadcast %mul3A_373 : i32 to vector<16xi32>
          %add3A_375 = arith.addi %add3A_374, %iota3A : vector<16xi32>
          %lt3A = vector.broadcast %cond3A_321 : i32 to vector<16xi32>
          %lt3A_376 = arith.cmpi slt, %add3A_375, %lt3A : vector<16xi32>
          %jit3A_377 = arith.constant -2147483648 : i32
          %broadcast_in_dim3A_378 = vector.broadcast %jit3A_377 : i32 to vector<16xi32>
          %select_n3A = arith.select %lt3A_376, %xor3A_371, %broadcast_in_dim3A_378 : vector<16xi1>, vector<16xi32>
          %mul3A_379 = arith.constant 16 : i32
          %mul3A_380 = arith.muli %scan3A_358, %mul3A_379 : i32
          %swap3A_381 = arith.index_cast %mul3A_380 : i32 to index
          %swap3A_382 = tpu.vector_load %arg10[%swap3A_381] {strides = array<i32>} : memref<2064xi32, #tpu.memory_space<vmem>>, vector<16xi32>,
          tpu.vector_store %arg10[%swap3A_381], %select_n3A {strides = array<i32>} : memref<2064xi32, #tpu.memory_space<vmem>>, vector<16xi32>,
          %scan3A_383 = arith.constant 0 : i32
          scf.yield %scan3A_383 : i32
        }
        %scan3A_333 = arith.constant 129 : i32
        %scan3A_334 = arith.constant -2139095041 : i32
        %scan3A_335 = arith.constant 2139095040 : i32
        %scan3A_336 = arith.constant 0 : i32
        %scan3A_337 = arith.constant 20 : i32
        %scan3A_338 = arith.addi %scan3A_336, %scan3A_337 : i32
        %scan3A_339 = arith.constant 1 : i32
        %scan3A_340:2 = scf.for %scan3A_358 = %scan3A_336 to %scan3A_338 step %scan3A_339 iter_args(%scan3A_359 = %scan3A_334, %scan3A_360 = %scan3A_335) -> (i32, i32)  : i32 {
          %sub3A_361 = arith.subi %scan3A_360, %scan3A_359 : i32
          %shift_right_logical3A = arith.constant 1 : i32
          %shift_right_logical3A_362 = arith.shrui %sub3A_361, %shift_right_logical3A : i32
          %add3A_363 = arith.addi %scan3A_359, %shift_right_logical3A_362 : i32
          %broadcast_in_dim3A_364 = arith.constant 0 : i32
          %broadcast_in_dim3A_365 = vector.broadcast %broadcast_in_dim3A_364 : i32 to vector<16xi32>
          %scan3A_366 = arith.constant 0 : i32
          %scan3A_367 = arith.constant 129 : i32
          %scan3A_368 = arith.addi %scan3A_366, %scan3A_367 : i32
          %scan3A_369 = arith.constant 1 : i32
          %scan3A_370 = scf.for %scan3A_378 = %scan3A_366 to %scan3A_368 step %scan3A_369 iter_args(%scan3A_379 = %broadcast_in_dim3A_365) -> (vector<16xi32>)  : i32 {
            %mul3A_380 = arith.constant 16 : i32
            %mul3A_381 = arith.muli %scan3A_378, %mul3A_380 : i32
            %get3A_382 = arith.index_cast %mul3A_381 : i32 to index
            %get3A_383 = tpu.vector_load %arg10[%get3A_382] {strides = array<i32>} : memref<2064xi32, #tpu.memory_space<vmem>>, vector<16xi32>,
            %gt3A_384 = vector.broadcast %add3A_363 : i32 to vector<16xi32>
            %gt3A_385 = arith.cmpi sgt, %get3A_383, %gt3A_384 : vector<16xi32>
            %jit3A_386 = arith.constant 1 : i32
            %jit3A_387 = arith.constant 0 : i32
            %broadcast_in_dim3A_388 = vector.broadcast %jit3A_386 : i32 to vector<16xi32>
            %broadcast_in_dim3A_389 = vector.broadcast %jit3A_387 : i32 to vector<16xi32>
            %select_n3A_390 = arith.select %gt3A_385, %broadcast_in_dim3A_388, %broadcast_in_dim3A_389 : vector<16xi1>, vector<16xi32>
            %add3A_391 = arith.addi %scan3A_379, %select_n3A_390 : vector<16xi32>
            scf.yield %add3A_391 : vector<16xi32>
          }
          %scan3A_371 = arith.constant 129 : i32
          %reduce_sum3A = arith.constant true
          %reduce_sum3A_372 = vector.broadcast %reduce_sum3A : i1 to vector<16xi1>
          %reduce_sum3A_373 = tpu.scan <sum>, %scan3A_370 masked %reduce_sum3A_372 : vector<16xi32>, vector<16xi1> -> vector<16xi32>
          %reduce_sum3A_374 = vector.extract %reduce_sum3A_373[15] : i32 from vector<16xi32>
          %ge3A_375 = arith.constant 256 : i32
          %ge3A_376 = arith.cmpi sge, %reduce_sum3A_374, %ge3A_375 : i32
          %select_n3A = arith.select %ge3A_376, %add3A_363, %scan3A_359 : i32
          %select_n3A_377 = arith.select %ge3A_376, %scan3A_360, %add3A_363 : i32
          scf.yield %select_n3A, %select_n3A_377 : i32, i32
        }
        %scan3A_341 = arith.constant 20 : i32
        %scan3A_342 = arith.constant 0 : i32
        %scan3A_343 = arith.constant 0 : i32
        %scan3A_344 = arith.constant 129 : i32
        %scan3A_345 = arith.addi %scan3A_343, %scan3A_344 : i32
        %scan3A_346 = arith.constant 1 : i32
        %scan3A_347 = scf.for %scan3A_358 = %scan3A_343 to %scan3A_345 step %scan3A_346 iter_args(%scan3A_359 = %scan3A_342) -> (i32)  : i32 {
          %mul3A_360 = arith.constant 16 : i32
          %mul3A_361 = arith.muli %scan3A_358, %mul3A_360 : i32
          %get3A_362 = arith.index_cast %mul3A_361 : i32 to index
          %get3A_363 = tpu.vector_load %arg10[%get3A_362] {strides = array<i32>} : memref<2064xi32, #tpu.memory_space<vmem>>, vector<16xi32>,
          %gt3A_364 = vector.broadcast %scan3A_340#0 : i32 to vector<16xi32>
          %gt3A_365 = arith.cmpi sgt, %get3A_363, %gt3A_364 : vector<16xi32>
          %mul3A_366 = arith.constant 16 : i32
          %mul3A_367 = arith.muli %scan3A_358, %mul3A_366 : i32
          %get3A_368 = arith.index_cast %mul3A_367 : i32 to index
          %get3A_369 = tpu.vector_load %arg8[%get3A_368] {strides = array<i32>} : memref<2064xf32, #tpu.memory_space<vmem>>, vector<16xf32>,
          %mul3A_370 = arith.constant 16 : i32
          %mul3A_371 = arith.muli %scan3A_358, %mul3A_370 : i32
          %get3A_372 = arith.index_cast %mul3A_371 : i32 to index
          %get3A_373 = tpu.vector_load %arg9[%get3A_372] {strides = array<i32>} : memref<2064xi32, #tpu.memory_space<vmem>>, vector<16xi32>,
          %swap3A_374 = arith.index_cast %scan3A_359 : i32 to index
          %swap3A_375 = tpu.vector_load %arg8[%swap3A_374] masked %gt3A_365 {strides = array<i32>} : memref<2064xf32, #tpu.memory_space<vmem>>, vector<16xf32>, vector<16xi1>
          tpu.vector_store %arg8[%swap3A_374], %get3A_369 masked %gt3A_365 {strides = array<i32>} : memref<2064xf32, #tpu.memory_space<vmem>>, vector<16xf32>, vector<16xi1>
          %swap3A_376 = arith.index_cast %scan3A_359 : i32 to index
          %swap3A_377 = tpu.vector_load %arg9[%swap3A_376] masked %gt3A_365 {strides = array<i32>} : memref<2064xi32, #tpu.memory_space<vmem>>, vector<16xi32>, vector<16xi1>
          tpu.vector_store %arg9[%swap3A_376], %get3A_373 masked %gt3A_365 {strides = array<i32>} : memref<2064xi32, #tpu.memory_space<vmem>>, vector<16xi32>, vector<16xi1>
          %all_reduce_population_count3A = tpu.all_reduce %gt3A_365 {dim = 0 : i64, kind = #tpu.reduction_kind<sum>} : vector<16xi1> -> vector<16xi32>
          %reduce_max3A = arith.constant true
          %reduce_max3A_378 = vector.broadcast %reduce_max3A : i1 to vector<16xi1>
          %reduce_max3A_379 = arith.constant -2147483648 : i32
          %reduce_max3A_380 = vector.broadcast %reduce_max3A_379 : i32 to vector<16xi32>
          %reduce_max3A_381 = arith.xori %all_reduce_population_count3A, %reduce_max3A_380 : vector<16xi32>
          %reduce_max3A_382 = tpu.scan <max>, %reduce_max3A_381 masked %reduce_max3A_378 : vector<16xi32>, vector<16xi1> -> vector<16xi32>
          %reduce_max3A_383 = arith.xori %reduce_max3A_382, %reduce_max3A_380 : vector<16xi32>
          %reduce_max3A_384 = vector.extract %reduce_max3A_383[15] : i32 from vector<16xi32>
          %add3A_385 = arith.addi %scan3A_359, %reduce_max3A_384 : i32
          scf.yield %add3A_385 : i32
        }
        %scan3A_348 = arith.constant 129 : i32
        %broadcast_in_dim3A_349 = vector.broadcast %scan3A_340#0 : i32 to vector<16xi32>
        %shift_right_arithmetic3A_350 = arith.constant 31 : i32
        %shift_right_arithmetic3A_351 = vector.broadcast %shift_right_arithmetic3A_350 : i32 to vector<16xi32>
        %shift_right_arithmetic3A_352 = arith.shrsi %broadcast_in_dim3A_349, %shift_right_arithmetic3A_351 : vector<16xi32>
        %and3A_353 = arith.constant 2147483647 : i32
        %and3A_354 = vector.broadcast %and3A_353 : i32 to vector<16xi32>
        %and3A_355 = arith.andi %shift_right_arithmetic3A_352, %and3A_354 : vector<16xi32>
        %xor3A_356 = arith.xori %broadcast_in_dim3A_349, %and3A_355 : vector<16xi32>
        %bitcast3A_357 = vector.bitcast %xor3A_356 : vector<16xi32> to vector<16xf32>
        scf.yield %scan3A_347, %bitcast3A_357 : i32, vector<16xf32>
      } else {
        scf.yield %cond3A_321, %scan3A_273 : i32, vector<16xf32>
      }
      scf.yield %cond3A_326#0, %cond3A_326#1 : i32, vector<16xf32>
    }
    %scan3A_255 = arith.constant 360 : i32
    %gt3A = arith.constant 512 : i32
    %gt3A_256 = arith.cmpi sgt, %scan3A_254#0, %gt3A : i32
    %convert_element_type3A = arith.extui %gt3A_256 : i1 to i32
    %cond3A = arith.constant 0 : i32
    %cond3A_257 = arith.cmpi ne, %convert_element_type3A, %cond3A : i32
    %cond3A_258:2 = scf.if %cond3A_257 -> (i32, vector<16xf32>) {
      %scan3A_271 = arith.constant 0 : i32
      %scan3A_272 = arith.constant 0 : i32
      %scan3A_273 = arith.constant 129 : i32
      %scan3A_274 = arith.addi %scan3A_272, %scan3A_273 : i32
      %scan3A_275 = arith.constant 1 : i32
      %scan3A_276 = scf.for %scan3A_302 = %scan3A_272 to %scan3A_274 step %scan3A_275 iter_args(%scan3A_303 = %scan3A_271) -> (i32)  : i32 {
        %mul3A_304 = arith.constant 16 : i32
        %mul3A_305 = arith.muli %scan3A_302, %mul3A_304 : i32
        %get3A_306 = arith.index_cast %mul3A_305 : i32 to index
        %get3A_307 = tpu.vector_load %arg8[%get3A_306] {strides = array<i32>} : memref<2064xf32, #tpu.memory_space<vmem>>, vector<16xf32>,
        %bitcast3A_308 = vector.bitcast %get3A_307 : vector<16xf32> to vector<16xi32>
        %shift_right_arithmetic3A_309 = arith.constant 31 : i32
        %shift_right_arithmetic3A_310 = vector.broadcast %shift_right_arithmetic3A_309 : i32 to vector<16xi32>
        %shift_right_arithmetic3A_311 = arith.shrsi %bitcast3A_308, %shift_right_arithmetic3A_310 : vector<16xi32>
        %and3A_312 = arith.constant 2147483647 : i32
        %and3A_313 = vector.broadcast %and3A_312 : i32 to vector<16xi32>
        %and3A_314 = arith.andi %shift_right_arithmetic3A_311, %and3A_313 : vector<16xi32>
        %xor3A_315 = arith.xori %bitcast3A_308, %and3A_314 : vector<16xi32>
        %mul3A_316 = arith.constant 16 : i32
        %mul3A_317 = arith.muli %scan3A_302, %mul3A_316 : i32
        %add3A_318 = vector.broadcast %mul3A_317 : i32 to vector<16xi32>
        %add3A_319 = arith.addi %add3A_318, %iota3A : vector<16xi32>
        %lt3A = vector.broadcast %scan3A_254#0 : i32 to vector<16xi32>
        %lt3A_320 = arith.cmpi slt, %add3A_319, %lt3A : vector<16xi32>
        %jit3A_321 = arith.constant -2147483648 : i32
        %broadcast_in_dim3A_322 = vector.broadcast %jit3A_321 : i32 to vector<16xi32>
        %select_n3A = arith.select %lt3A_320, %xor3A_315, %broadcast_in_dim3A_322 : vector<16xi1>, vector<16xi32>
        %mul3A_323 = arith.constant 16 : i32
        %mul3A_324 = arith.muli %scan3A_302, %mul3A_323 : i32
        %swap3A_325 = arith.index_cast %mul3A_324 : i32 to index
        %swap3A_326 = tpu.vector_load %arg10[%swap3A_325] {strides = array<i32>} : memref<2064xi32, #tpu.memory_space<vmem>>, vector<16xi32>,
        tpu.vector_store %arg10[%swap3A_325], %select_n3A {strides = array<i32>} : memref<2064xi32, #tpu.memory_space<vmem>>, vector<16xi32>,
        %scan3A_327 = arith.constant 0 : i32
        scf.yield %scan3A_327 : i32
      }
      %scan3A_277 = arith.constant 129 : i32
      %scan3A_278 = arith.constant -2139095041 : i32
      %scan3A_279 = arith.constant 2139095040 : i32
      %scan3A_280 = arith.constant 0 : i32
      %scan3A_281 = arith.constant 20 : i32
      %scan3A_282 = arith.addi %scan3A_280, %scan3A_281 : i32
      %scan3A_283 = arith.constant 1 : i32
      %scan3A_284:2 = scf.for %scan3A_302 = %scan3A_280 to %scan3A_282 step %scan3A_283 iter_args(%scan3A_303 = %scan3A_278, %scan3A_304 = %scan3A_279) -> (i32, i32)  : i32 {
        %sub3A_305 = arith.subi %scan3A_304, %scan3A_303 : i32
        %shift_right_logical3A = arith.constant 1 : i32
        %shift_right_logical3A_306 = arith.shrui %sub3A_305, %shift_right_logical3A : i32
        %add3A_307 = arith.addi %scan3A_303, %shift_right_logical3A_306 : i32
        %broadcast_in_dim3A_308 = arith.constant 0 : i32
        %broadcast_in_dim3A_309 = vector.broadcast %broadcast_in_dim3A_308 : i32 to vector<16xi32>
        %scan3A_310 = arith.constant 0 : i32
        %scan3A_311 = arith.constant 129 : i32
        %scan3A_312 = arith.addi %scan3A_310, %scan3A_311 : i32
        %scan3A_313 = arith.constant 1 : i32
        %scan3A_314 = scf.for %scan3A_321 = %scan3A_310 to %scan3A_312 step %scan3A_313 iter_args(%scan3A_322 = %broadcast_in_dim3A_309) -> (vector<16xi32>)  : i32 {
          %mul3A_323 = arith.constant 16 : i32
          %mul3A_324 = arith.muli %scan3A_321, %mul3A_323 : i32
          %get3A_325 = arith.index_cast %mul3A_324 : i32 to index
          %get3A_326 = tpu.vector_load %arg10[%get3A_325] {strides = array<i32>} : memref<2064xi32, #tpu.memory_space<vmem>>, vector<16xi32>,
          %gt3A_327 = vector.broadcast %add3A_307 : i32 to vector<16xi32>
          %gt3A_328 = arith.cmpi sgt, %get3A_326, %gt3A_327 : vector<16xi32>
          %jit3A_329 = arith.constant 1 : i32
          %jit3A_330 = arith.constant 0 : i32
          %broadcast_in_dim3A_331 = vector.broadcast %jit3A_329 : i32 to vector<16xi32>
          %broadcast_in_dim3A_332 = vector.broadcast %jit3A_330 : i32 to vector<16xi32>
          %select_n3A_333 = arith.select %gt3A_328, %broadcast_in_dim3A_331, %broadcast_in_dim3A_332 : vector<16xi1>, vector<16xi32>
          %add3A_334 = arith.addi %scan3A_322, %select_n3A_333 : vector<16xi32>
          scf.yield %add3A_334 : vector<16xi32>
        }
        %scan3A_315 = arith.constant 129 : i32
        %reduce_sum3A = arith.constant true
        %reduce_sum3A_316 = vector.broadcast %reduce_sum3A : i1 to vector<16xi1>
        %reduce_sum3A_317 = tpu.scan <sum>, %scan3A_314 masked %reduce_sum3A_316 : vector<16xi32>, vector<16xi1> -> vector<16xi32>
        %reduce_sum3A_318 = vector.extract %reduce_sum3A_317[15] : i32 from vector<16xi32>
        %ge3A = arith.constant 256 : i32
        %ge3A_319 = arith.cmpi sge, %reduce_sum3A_318, %ge3A : i32
        %select_n3A = arith.select %ge3A_319, %add3A_307, %scan3A_303 : i32
        %select_n3A_320 = arith.select %ge3A_319, %scan3A_304, %add3A_307 : i32
        scf.yield %select_n3A, %select_n3A_320 : i32, i32
      }
      %scan3A_285 = arith.constant 20 : i32
      %scan3A_286 = arith.constant 0 : i32
      %scan3A_287 = arith.constant 0 : i32
      %scan3A_288 = arith.constant 129 : i32
      %scan3A_289 = arith.addi %scan3A_287, %scan3A_288 : i32
      %scan3A_290 = arith.constant 1 : i32
      %scan3A_291 = scf.for %scan3A_302 = %scan3A_287 to %scan3A_289 step %scan3A_290 iter_args(%scan3A_303 = %scan3A_286) -> (i32)  : i32 {
        %mul3A_304 = arith.constant 16 : i32
        %mul3A_305 = arith.muli %scan3A_302, %mul3A_304 : i32
        %get3A_306 = arith.index_cast %mul3A_305 : i32 to index
        %get3A_307 = tpu.vector_load %arg10[%get3A_306] {strides = array<i32>} : memref<2064xi32, #tpu.memory_space<vmem>>, vector<16xi32>,
        %gt3A_308 = vector.broadcast %scan3A_284#0 : i32 to vector<16xi32>
        %gt3A_309 = arith.cmpi sgt, %get3A_307, %gt3A_308 : vector<16xi32>
        %mul3A_310 = arith.constant 16 : i32
        %mul3A_311 = arith.muli %scan3A_302, %mul3A_310 : i32
        %get3A_312 = arith.index_cast %mul3A_311 : i32 to index
        %get3A_313 = tpu.vector_load %arg8[%get3A_312] {strides = array<i32>} : memref<2064xf32, #tpu.memory_space<vmem>>, vector<16xf32>,
        %mul3A_314 = arith.constant 16 : i32
        %mul3A_315 = arith.muli %scan3A_302, %mul3A_314 : i32
        %get3A_316 = arith.index_cast %mul3A_315 : i32 to index
        %get3A_317 = tpu.vector_load %arg9[%get3A_316] {strides = array<i32>} : memref<2064xi32, #tpu.memory_space<vmem>>, vector<16xi32>,
        %swap3A_318 = arith.index_cast %scan3A_303 : i32 to index
        %swap3A_319 = tpu.vector_load %arg8[%swap3A_318] masked %gt3A_309 {strides = array<i32>} : memref<2064xf32, #tpu.memory_space<vmem>>, vector<16xf32>, vector<16xi1>
        tpu.vector_store %arg8[%swap3A_318], %get3A_313 masked %gt3A_309 {strides = array<i32>} : memref<2064xf32, #tpu.memory_space<vmem>>, vector<16xf32>, vector<16xi1>
        %swap3A_320 = arith.index_cast %scan3A_303 : i32 to index
        %swap3A_321 = tpu.vector_load %arg9[%swap3A_320] masked %gt3A_309 {strides = array<i32>} : memref<2064xi32, #tpu.memory_space<vmem>>, vector<16xi32>, vector<16xi1>
        tpu.vector_store %arg9[%swap3A_320], %get3A_317 masked %gt3A_309 {strides = array<i32>} : memref<2064xi32, #tpu.memory_space<vmem>>, vector<16xi32>, vector<16xi1>
        %all_reduce_population_count3A = tpu.all_reduce %gt3A_309 {dim = 0 : i64, kind = #tpu.reduction_kind<sum>} : vector<16xi1> -> vector<16xi32>
        %reduce_max3A = arith.constant true
        %reduce_max3A_322 = vector.broadcast %reduce_max3A : i1 to vector<16xi1>
        %reduce_max3A_323 = arith.constant -2147483648 : i32
        %reduce_max3A_324 = vector.broadcast %reduce_max3A_323 : i32 to vector<16xi32>
        %reduce_max3A_325 = arith.xori %all_reduce_population_count3A, %reduce_max3A_324 : vector<16xi32>
        %reduce_max3A_326 = tpu.scan <max>, %reduce_max3A_325 masked %reduce_max3A_322 : vector<16xi32>, vector<16xi1> -> vector<16xi32>
        %reduce_max3A_327 = arith.xori %reduce_max3A_326, %reduce_max3A_324 : vector<16xi32>
        %reduce_max3A_328 = vector.extract %reduce_max3A_327[15] : i32 from vector<16xi32>
        %add3A_329 = arith.addi %scan3A_303, %reduce_max3A_328 : i32
        scf.yield %add3A_329 : i32
      }
      %scan3A_292 = arith.constant 129 : i32
      %broadcast_in_dim3A_293 = vector.broadcast %scan3A_284#0 : i32 to vector<16xi32>
      %shift_right_arithmetic3A_294 = arith.constant 31 : i32
      %shift_right_arithmetic3A_295 = vector.broadcast %shift_right_arithmetic3A_294 : i32 to vector<16xi32>
      %shift_right_arithmetic3A_296 = arith.shrsi %broadcast_in_dim3A_293, %shift_right_arithmetic3A_295 : vector<16xi32>
      %and3A_297 = arith.constant 2147483647 : i32
      %and3A_298 = vector.broadcast %and3A_297 : i32 to vector<16xi32>
      %and3A_299 = arith.andi %shift_right_arithmetic3A_296, %and3A_298 : vector<16xi32>
      %xor3A_300 = arith.xori %broadcast_in_dim3A_293, %and3A_299 : vector<16xi32>
      %bitcast3A_301 = vector.bitcast %xor3A_300 : vector<16xi32> to vector<16xf32>
      scf.yield %scan3A_291, %bitcast3A_301 : i32, vector<16xf32>
    } else {
      scf.yield %scan3A_254#0, %scan3A_254#1 : i32, vector<16xf32>
    }
    %scan3A_259 = arith.constant 0 : i32
    %scan3A_260 = arith.constant 0 : i32
    %scan3A_261 = arith.constant 32 : i32
    %scan3A_262 = arith.addi %scan3A_260, %scan3A_261 : i32
    %scan3A_263 = arith.constant 1 : i32
    %scan3A_264 = scf.for %scan3A_271 = %scan3A_260 to %scan3A_262 step %scan3A_263 iter_args(%scan3A_272 = %scan3A_259) -> (i32)  : i32 {
      %mul3A_273 = arith.constant 16 : i32
      %mul3A_274 = arith.muli %scan3A_271, %mul3A_273 : i32
      %add3A_275 = vector.broadcast %mul3A_274 : i32 to vector<16xi32>
      %add3A_276 = arith.addi %add3A_275, %iota3A : vector<16xi32>
      %lt3A = vector.broadcast %cond3A_258#0 : i32 to vector<16xi32>
      %lt3A_277 = arith.cmpi slt, %add3A_276, %lt3A : vector<16xi32>
      %mul3A_278 = arith.constant 16 : i32
      %mul3A_279 = arith.muli %scan3A_271, %mul3A_278 : i32
      %get3A_280 = arith.index_cast %mul3A_279 : i32 to index
      %get3A_281 = tpu.vector_load %arg8[%get3A_280] {strides = array<i32>} : memref<2064xf32, #tpu.memory_space<vmem>>, vector<16xf32>,
      %mul3A_282 = arith.constant 16 : i32
      %mul3A_283 = arith.muli %scan3A_271, %mul3A_282 : i32
      %get3A_284 = arith.index_cast %mul3A_283 : i32 to index
      %get3A_285 = tpu.vector_load %arg9[%get3A_284] {strides = array<i32>} : memref<2064xi32, #tpu.memory_space<vmem>>, vector<16xi32>,
      %jit3A_286 = arith.constant -1.000000e+30 : f32
      %broadcast_in_dim3A_287 = vector.broadcast %jit3A_286 : f32 to vector<16xf32>
      %select_n3A = arith.select %lt3A_277, %get3A_281, %broadcast_in_dim3A_287 : vector<16xi1>, vector<16xf32>
      %mul3A_288 = arith.constant 16 : i32
      %mul3A_289 = arith.muli %scan3A_271, %mul3A_288 : i32
      %swap3A_290 = arith.index_cast %mul3A_289 : i32 to index
      %swap3A_291 = tpu.vector_load %arg8[%swap3A_290] {strides = array<i32>} : memref<2064xf32, #tpu.memory_space<vmem>>, vector<16xf32>,
      tpu.vector_store %arg8[%swap3A_290], %select_n3A {strides = array<i32>} : memref<2064xf32, #tpu.memory_space<vmem>>, vector<16xf32>,
      %add3A_292 = arith.constant 0 : i32
      %add3A_293 = arith.addi %add3A_292, %arg0 : i32
      %mul3A_294 = arith.constant 512 : i32
      %mul3A_295 = arith.muli %add3A_293, %mul3A_294 : i32
      %add3A_296 = arith.constant 100000 : i32
      %add3A_297 = arith.addi %add3A_296, %mul3A_295 : i32
      %add3A_298 = vector.broadcast %add3A_297 : i32 to vector<16xi32>
      %add3A_299 = arith.addi %add3A_298, %add3A_276 : vector<16xi32>
      %select_n3A_300 = arith.select %lt3A_277, %get3A_285, %add3A_299 : vector<16xi1>, vector<16xi32>
      %mul3A_301 = arith.constant 16 : i32
      %mul3A_302 = arith.muli %scan3A_271, %mul3A_301 : i32
      %swap3A_303 = arith.index_cast %mul3A_302 : i32 to index
      %swap3A_304 = tpu.vector_load %arg9[%swap3A_303] {strides = array<i32>} : memref<2064xi32, #tpu.memory_space<vmem>>, vector<16xi32>,
      tpu.vector_store %arg9[%swap3A_303], %select_n3A_300 {strides = array<i32>} : memref<2064xi32, #tpu.memory_space<vmem>>, vector<16xi32>,
      %scan3A_305 = arith.constant 0 : i32
      scf.yield %scan3A_305 : i32
    }
    %scan3A_265 = arith.constant 32 : i32
    %mul3A_266 = arith.constant 2 : i32
    %mul3A_267 = arith.muli %arg1, %mul3A_266 : i32
    %add3A_268 = arith.addi %mul3A_267, %arg0 : i32
    %mul3A_269 = arith.constant 512 : i32
    %mul3A_270 = arith.muli %add3A_268, %mul3A_269 : i32
    "tpu.region"() ({
      %run_scoped3A = tpu.sem_alloc : memref<!tpu.dma_semaphore, #tpu.memory_space<semaphore_mem>>
      %dma_start3A = arith.constant 0 : i32
      %dma_start3A_271 = tpu.memref_slice %arg8[%dma_start3A] : memref<2064xf32, #tpu.memory_space<vmem>> -> memref<512xf32, #tpu.memory_space<vmem>>
      %dma_start3A_272 = tpu.memref_slice %arg4[%mul3A_270] : memref<16384xf32, #tpu.memory_space<hbm>> -> memref<512xf32, #tpu.memory_space<hbm>>
      %dma_start3A_273 = tpu.memref_slice %arg4[%mul3A_270] : memref<16384xf32, #tpu.memory_space<hbm>> -> memref<512xf32, #tpu.memory_space<hbm>>
      %dma_start3A_274 = arith.constant 0 : i32
      %dma_start3A_275 = tpu.memref_slice %arg8[%dma_start3A_274] : memref<2064xf32, #tpu.memory_space<vmem>> -> memref<512xf32, #tpu.memory_space<vmem>>
      tpu.enqueue_dma source(%dma_start3A_275 : memref<512xf32, #tpu.memory_space<vmem>>) target(%dma_start3A_273 : memref<512xf32, #tpu.memory_space<hbm>>) target_semaphore(%run_scoped3A : memref<!tpu.dma_semaphore, #tpu.memory_space<semaphore_mem>>)
      %dma_wait3A = arith.constant 0 : i32
      %dma_wait3A_276 = tpu.memref_slice %arg8[%dma_wait3A] : memref<2064xf32, #tpu.memory_space<vmem>> -> memref<512xf32, #tpu.memory_space<vmem>>
      %dma_wait3A_277 = tpu.memref_slice %arg4[%mul3A_270] : memref<16384xf32, #tpu.memory_space<hbm>> -> memref<512xf32, #tpu.memory_space<hbm>>
      %dma_wait3A_278 = tpu.memref_slice %arg4[%mul3A_270] : memref<16384xf32, #tpu.memory_space<hbm>> -> memref<512xf32, #tpu.memory_space<hbm>>
      %dma_wait3A_279 = arith.constant 0 : i32
      %dma_wait3A_280 = tpu.memref_slice %arg8[%dma_wait3A_279] : memref<2064xf32, #tpu.memory_space<vmem>> -> memref<512xf32, #tpu.memory_space<vmem>>
      tpu.wait_dma2 semaphore(%run_scoped3A : memref<!tpu.dma_semaphore, #tpu.memory_space<semaphore_mem>>) src(%dma_wait3A_280 : memref<512xf32, #tpu.memory_space<vmem>>) dst(%dma_wait3A_278 : memref<512xf32, #tpu.memory_space<hbm>>)
      tpu.yield
    }) : () -> ()
    "tpu.region"() ({
      %run_scoped3A = tpu.sem_alloc : memref<!tpu.dma_semaphore, #tpu.memory_space<semaphore_mem>>
      %dma_start3A = arith.constant 0 : i32
      %dma_start3A_271 = tpu.memref_slice %arg9[%dma_start3A] : memref<2064xi32, #tpu.memory_space<vmem>> -> memref<512xi32, #tpu.memory_space<vmem>>
      %dma_start3A_272 = tpu.memref_slice %arg5[%mul3A_270] : memref<16384xi32, #tpu.memory_space<hbm>> -> memref<512xi32, #tpu.memory_space<hbm>>
      %dma_start3A_273 = tpu.memref_slice %arg5[%mul3A_270] : memref<16384xi32, #tpu.memory_space<hbm>> -> memref<512xi32, #tpu.memory_space<hbm>>
      %dma_start3A_274 = arith.constant 0 : i32
      %dma_start3A_275 = tpu.memref_slice %arg9[%dma_start3A_274] : memref<2064xi32, #tpu.memory_space<vmem>> -> memref<512xi32, #tpu.memory_space<vmem>>
      tpu.enqueue_dma source(%dma_start3A_275 : memref<512xi32, #tpu.memory_space<vmem>>) target(%dma_start3A_273 : memref<512xi32, #tpu.memory_space<hbm>>) target_semaphore(%run_scoped3A : memref<!tpu.dma_semaphore, #tpu.memory_space<semaphore_mem>>)
      %dma_wait3A = arith.constant 0 : i32
      %dma_wait3A_276 = tpu.memref_slice %arg9[%dma_wait3A] : memref<2064xi32, #tpu.memory_space<vmem>> -> memref<512xi32, #tpu.memory_space<vmem>>
      %dma_wait3A_277 = tpu.memref_slice %arg5[%mul3A_270] : memref<16384xi32, #tpu.memory_space<hbm>> -> memref<512xi32, #tpu.memory_space<hbm>>
      %dma_wait3A_278 = tpu.memref_slice %arg5[%mul3A_270] : memref<16384xi32, #tpu.memory_space<hbm>> -> memref<512xi32, #tpu.memory_space<hbm>>
      %dma_wait3A_279 = arith.constant 0 : i32
      %dma_wait3A_280 = tpu.memref_slice %arg9[%dma_wait3A_279] : memref<2064xi32, #tpu.memory_space<vmem>> -> memref<512xi32, #tpu.memory_space<vmem>>
      tpu.wait_dma2 semaphore(%run_scoped3A : memref<!tpu.dma_semaphore, #tpu.memory_space<semaphore_mem>>) src(%dma_wait3A_280 : memref<512xi32, #tpu.memory_space<vmem>>) dst(%dma_wait3A_278 : memref<512xi32, #tpu.memory_space<hbm>>)
      tpu.yield
    }) : () -> ()
    return
  }
}

#map = affine_map<(d0, d1) -> (0)>
module attributes {stable_mosaic.version = 14 : i64} {
  func.func @body(%arg0: i32, %arg1: i32, %arg2: memref<797184xf32, #tpu.memory_space<hbm>>, %arg3: memref<4096xi32, #tpu.memory_space<hbm>>, %arg4: memref<16384xf32, #tpu.memory_space<hbm>>, %arg5: memref<16384xi32, #tpu.memory_space<hbm>>, %arg6: memref<8192xf32, #tpu.memory_space<hbm>>, %arg7: memref<24912xf32, #tpu.memory_space<vmem>>, %arg8: memref<2064xf32, #tpu.memory_space<vmem>>, %arg9: memref<2064xi32, #tpu.memory_space<vmem>>, %arg10: memref<2064xi32, #tpu.memory_space<vmem>>, %arg11: memref<256xi32, #tpu.memory_space<vmem>>, %arg12: memref<256xf32, #tpu.memory_space<vmem>>, %arg13: memref<!tpu.dma_semaphore, #tpu.memory_space<semaphore_mem>>) attributes {dimension_semantics = [#tpu.dimension_semantics<core_parallel>, #tpu.dimension_semantics<subcore_parallel>], iteration_bounds = array<i64: 2, 16>, scalar_prefetch = 0 : i64, scratch_operands = 7 : i64, tpu.core_type = #tpu.core_type<sc_vector_subcore>, window_params = [{transform_indices = #map}, {transform_indices = #map}, {transform_indices = #map}, {transform_indices = #map}, {transform_indices = #map}]} {
    %mul3A = arith.constant 24912 : i32
    %mul3A_0 = arith.muli %arg0, %mul3A : i32
    %add3A = arith.constant 50176 : i32
    %add3A_1 = arith.addi %add3A, %mul3A_0 : i32
    %iota3A = tpu.iota {dimensions = array<i32: 0>} : vector<16xi32>
    %mul3A_2 = arith.constant 49824 : i32
    %mul3A_3 = arith.muli %arg1, %mul3A_2 : i32
    %mul3A_4 = arith.constant 24912 : i32
    %mul3A_5 = arith.muli %arg0, %mul3A_4 : i32
    %add3A_6 = arith.addi %mul3A_3, %mul3A_5 : i32
    "tpu.region"() ({
      %run_scoped3A = tpu.sem_alloc : memref<!tpu.dma_semaphore, #tpu.memory_space<semaphore_mem>>
      %dma_start3A = tpu.memref_slice %arg2[%add3A_6] : memref<797184xf32, #tpu.memory_space<hbm>> -> memref<24912xf32, #tpu.memory_space<hbm>>
      %dma_start3A_290 = tpu.memref_slice %arg2[%add3A_6] : memref<797184xf32, #tpu.memory_space<hbm>> -> memref<24912xf32, #tpu.memory_space<hbm>>
      tpu.enqueue_dma source(%dma_start3A_290 : memref<24912xf32, #tpu.memory_space<hbm>>) target(%arg7 : memref<24912xf32, #tpu.memory_space<vmem>>) target_semaphore(%run_scoped3A : memref<!tpu.dma_semaphore, #tpu.memory_space<semaphore_mem>>)
      %dma_wait3A = tpu.memref_slice %arg2[%add3A_6] : memref<797184xf32, #tpu.memory_space<hbm>> -> memref<24912xf32, #tpu.memory_space<hbm>>
      %dma_wait3A_291 = tpu.memref_slice %arg2[%add3A_6] : memref<797184xf32, #tpu.memory_space<hbm>> -> memref<24912xf32, #tpu.memory_space<hbm>>
      tpu.wait_dma2 semaphore(%run_scoped3A : memref<!tpu.dma_semaphore, #tpu.memory_space<semaphore_mem>>) src(%dma_wait3A_291 : memref<24912xf32, #tpu.memory_space<hbm>>) dst(%arg7 : memref<24912xf32, #tpu.memory_space<vmem>>)
      tpu.yield
    }) : () -> ()
    %mul3A_7 = arith.constant 256 : i32
    %mul3A_8 = arith.muli %arg1, %mul3A_7 : i32
    "tpu.region"() ({
      %run_scoped3A = tpu.sem_alloc : memref<!tpu.dma_semaphore, #tpu.memory_space<semaphore_mem>>
      %dma_start3A = tpu.memref_slice %arg3[%mul3A_8] : memref<4096xi32, #tpu.memory_space<hbm>> -> memref<256xi32, #tpu.memory_space<hbm>>
      %dma_start3A_290 = tpu.memref_slice %arg3[%mul3A_8] : memref<4096xi32, #tpu.memory_space<hbm>> -> memref<256xi32, #tpu.memory_space<hbm>>
      tpu.enqueue_dma source(%dma_start3A_290 : memref<256xi32, #tpu.memory_space<hbm>>) target(%arg11 : memref<256xi32, #tpu.memory_space<vmem>>) target_semaphore(%run_scoped3A : memref<!tpu.dma_semaphore, #tpu.memory_space<semaphore_mem>>)
      %dma_wait3A = tpu.memref_slice %arg3[%mul3A_8] : memref<4096xi32, #tpu.memory_space<hbm>> -> memref<256xi32, #tpu.memory_space<hbm>>
      %dma_wait3A_291 = tpu.memref_slice %arg3[%mul3A_8] : memref<4096xi32, #tpu.memory_space<hbm>> -> memref<256xi32, #tpu.memory_space<hbm>>
      tpu.wait_dma2 semaphore(%run_scoped3A : memref<!tpu.dma_semaphore, #tpu.memory_space<semaphore_mem>>) src(%dma_wait3A_291 : memref<256xi32, #tpu.memory_space<hbm>>) dst(%arg11 : memref<256xi32, #tpu.memory_space<vmem>>)
      tpu.yield
    }) : () -> ()
    %get3A = arith.constant 0 : index
    %get3A_9 = tpu.vector_load %arg11[%get3A] {strides = array<i32>} : memref<256xi32, #tpu.memory_space<vmem>>, vector<16xi32>,
    %sub3A = vector.broadcast %add3A_1 : i32 to vector<16xi32>
    %sub3A_10 = arith.subi %get3A_9, %sub3A : vector<16xi32>
    %jit3A = arith.constant 0 : i32
    %jit3A_11 = arith.constant 24911 : i32
    %max3A = vector.broadcast %jit3A : i32 to vector<16xi32>
    %max3A_12 = arith.maxsi %max3A, %sub3A_10 : vector<16xi32>
    %min3A = vector.broadcast %jit3A_11 : i32 to vector<16xi32>
    %min3A_13 = arith.minsi %min3A, %max3A_12 : vector<16xi32>
    %gather3A = tpu.vector_load_idx %arg7[%min3A_13] : memref<24912xf32, #tpu.memory_space<vmem>>[vector<16xi32>], vector<16xf32>,
    %swap3A = arith.constant 0 : index
    %swap3A_14 = tpu.vector_load %arg12[%swap3A] {strides = array<i32>} : memref<256xf32, #tpu.memory_space<vmem>>, vector<16xf32>,
    tpu.vector_store %arg12[%swap3A], %gather3A {strides = array<i32>} : memref<256xf32, #tpu.memory_space<vmem>>, vector<16xf32>,
    %get3A_15 = arith.constant 16 : index
    %get3A_16 = tpu.vector_load %arg11[%get3A_15] {strides = array<i32>} : memref<256xi32, #tpu.memory_space<vmem>>, vector<16xi32>,
    %sub3A_17 = vector.broadcast %add3A_1 : i32 to vector<16xi32>
    %sub3A_18 = arith.subi %get3A_16, %sub3A_17 : vector<16xi32>
    %jit3A_19 = arith.constant 0 : i32
    %jit3A_20 = arith.constant 24911 : i32
    %max3A_21 = vector.broadcast %jit3A_19 : i32 to vector<16xi32>
    %max3A_22 = arith.maxsi %max3A_21, %sub3A_18 : vector<16xi32>
    %min3A_23 = vector.broadcast %jit3A_20 : i32 to vector<16xi32>
    %min3A_24 = arith.minsi %min3A_23, %max3A_22 : vector<16xi32>
    %gather3A_25 = tpu.vector_load_idx %arg7[%min3A_24] : memref<24912xf32, #tpu.memory_space<vmem>>[vector<16xi32>], vector<16xf32>,
    %swap3A_26 = arith.constant 16 : index
    %swap3A_27 = tpu.vector_load %arg12[%swap3A_26] {strides = array<i32>} : memref<256xf32, #tpu.memory_space<vmem>>, vector<16xf32>,
    tpu.vector_store %arg12[%swap3A_26], %gather3A_25 {strides = array<i32>} : memref<256xf32, #tpu.memory_space<vmem>>, vector<16xf32>,
    %get3A_28 = arith.constant 32 : index
    %get3A_29 = tpu.vector_load %arg11[%get3A_28] {strides = array<i32>} : memref<256xi32, #tpu.memory_space<vmem>>, vector<16xi32>,
    %sub3A_30 = vector.broadcast %add3A_1 : i32 to vector<16xi32>
    %sub3A_31 = arith.subi %get3A_29, %sub3A_30 : vector<16xi32>
    %jit3A_32 = arith.constant 0 : i32
    %jit3A_33 = arith.constant 24911 : i32
    %max3A_34 = vector.broadcast %jit3A_32 : i32 to vector<16xi32>
    %max3A_35 = arith.maxsi %max3A_34, %sub3A_31 : vector<16xi32>
    %min3A_36 = vector.broadcast %jit3A_33 : i32 to vector<16xi32>
    %min3A_37 = arith.minsi %min3A_36, %max3A_35 : vector<16xi32>
    %gather3A_38 = tpu.vector_load_idx %arg7[%min3A_37] : memref<24912xf32, #tpu.memory_space<vmem>>[vector<16xi32>], vector<16xf32>,
    %swap3A_39 = arith.constant 32 : index
    %swap3A_40 = tpu.vector_load %arg12[%swap3A_39] {strides = array<i32>} : memref<256xf32, #tpu.memory_space<vmem>>, vector<16xf32>,
    tpu.vector_store %arg12[%swap3A_39], %gather3A_38 {strides = array<i32>} : memref<256xf32, #tpu.memory_space<vmem>>, vector<16xf32>,
    %get3A_41 = arith.constant 48 : index
    %get3A_42 = tpu.vector_load %arg11[%get3A_41] {strides = array<i32>} : memref<256xi32, #tpu.memory_space<vmem>>, vector<16xi32>,
    %sub3A_43 = vector.broadcast %add3A_1 : i32 to vector<16xi32>
    %sub3A_44 = arith.subi %get3A_42, %sub3A_43 : vector<16xi32>
    %jit3A_45 = arith.constant 0 : i32
    %jit3A_46 = arith.constant 24911 : i32
    %max3A_47 = vector.broadcast %jit3A_45 : i32 to vector<16xi32>
    %max3A_48 = arith.maxsi %max3A_47, %sub3A_44 : vector<16xi32>
    %min3A_49 = vector.broadcast %jit3A_46 : i32 to vector<16xi32>
    %min3A_50 = arith.minsi %min3A_49, %max3A_48 : vector<16xi32>
    %gather3A_51 = tpu.vector_load_idx %arg7[%min3A_50] : memref<24912xf32, #tpu.memory_space<vmem>>[vector<16xi32>], vector<16xf32>,
    %swap3A_52 = arith.constant 48 : index
    %swap3A_53 = tpu.vector_load %arg12[%swap3A_52] {strides = array<i32>} : memref<256xf32, #tpu.memory_space<vmem>>, vector<16xf32>,
    tpu.vector_store %arg12[%swap3A_52], %gather3A_51 {strides = array<i32>} : memref<256xf32, #tpu.memory_space<vmem>>, vector<16xf32>,
    %get3A_54 = arith.constant 64 : index
    %get3A_55 = tpu.vector_load %arg11[%get3A_54] {strides = array<i32>} : memref<256xi32, #tpu.memory_space<vmem>>, vector<16xi32>,
    %sub3A_56 = vector.broadcast %add3A_1 : i32 to vector<16xi32>
    %sub3A_57 = arith.subi %get3A_55, %sub3A_56 : vector<16xi32>
    %jit3A_58 = arith.constant 0 : i32
    %jit3A_59 = arith.constant 24911 : i32
    %max3A_60 = vector.broadcast %jit3A_58 : i32 to vector<16xi32>
    %max3A_61 = arith.maxsi %max3A_60, %sub3A_57 : vector<16xi32>
    %min3A_62 = vector.broadcast %jit3A_59 : i32 to vector<16xi32>
    %min3A_63 = arith.minsi %min3A_62, %max3A_61 : vector<16xi32>
    %gather3A_64 = tpu.vector_load_idx %arg7[%min3A_63] : memref<24912xf32, #tpu.memory_space<vmem>>[vector<16xi32>], vector<16xf32>,
    %swap3A_65 = arith.constant 64 : index
    %swap3A_66 = tpu.vector_load %arg12[%swap3A_65] {strides = array<i32>} : memref<256xf32, #tpu.memory_space<vmem>>, vector<16xf32>,
    tpu.vector_store %arg12[%swap3A_65], %gather3A_64 {strides = array<i32>} : memref<256xf32, #tpu.memory_space<vmem>>, vector<16xf32>,
    %get3A_67 = arith.constant 80 : index
    %get3A_68 = tpu.vector_load %arg11[%get3A_67] {strides = array<i32>} : memref<256xi32, #tpu.memory_space<vmem>>, vector<16xi32>,
    %sub3A_69 = vector.broadcast %add3A_1 : i32 to vector<16xi32>
    %sub3A_70 = arith.subi %get3A_68, %sub3A_69 : vector<16xi32>
    %jit3A_71 = arith.constant 0 : i32
    %jit3A_72 = arith.constant 24911 : i32
    %max3A_73 = vector.broadcast %jit3A_71 : i32 to vector<16xi32>
    %max3A_74 = arith.maxsi %max3A_73, %sub3A_70 : vector<16xi32>
    %min3A_75 = vector.broadcast %jit3A_72 : i32 to vector<16xi32>
    %min3A_76 = arith.minsi %min3A_75, %max3A_74 : vector<16xi32>
    %gather3A_77 = tpu.vector_load_idx %arg7[%min3A_76] : memref<24912xf32, #tpu.memory_space<vmem>>[vector<16xi32>], vector<16xf32>,
    %swap3A_78 = arith.constant 80 : index
    %swap3A_79 = tpu.vector_load %arg12[%swap3A_78] {strides = array<i32>} : memref<256xf32, #tpu.memory_space<vmem>>, vector<16xf32>,
    tpu.vector_store %arg12[%swap3A_78], %gather3A_77 {strides = array<i32>} : memref<256xf32, #tpu.memory_space<vmem>>, vector<16xf32>,
    %get3A_80 = arith.constant 96 : index
    %get3A_81 = tpu.vector_load %arg11[%get3A_80] {strides = array<i32>} : memref<256xi32, #tpu.memory_space<vmem>>, vector<16xi32>,
    %sub3A_82 = vector.broadcast %add3A_1 : i32 to vector<16xi32>
    %sub3A_83 = arith.subi %get3A_81, %sub3A_82 : vector<16xi32>
    %jit3A_84 = arith.constant 0 : i32
    %jit3A_85 = arith.constant 24911 : i32
    %max3A_86 = vector.broadcast %jit3A_84 : i32 to vector<16xi32>
    %max3A_87 = arith.maxsi %max3A_86, %sub3A_83 : vector<16xi32>
    %min3A_88 = vector.broadcast %jit3A_85 : i32 to vector<16xi32>
    %min3A_89 = arith.minsi %min3A_88, %max3A_87 : vector<16xi32>
    %gather3A_90 = tpu.vector_load_idx %arg7[%min3A_89] : memref<24912xf32, #tpu.memory_space<vmem>>[vector<16xi32>], vector<16xf32>,
    %swap3A_91 = arith.constant 96 : index
    %swap3A_92 = tpu.vector_load %arg12[%swap3A_91] {strides = array<i32>} : memref<256xf32, #tpu.memory_space<vmem>>, vector<16xf32>,
    tpu.vector_store %arg12[%swap3A_91], %gather3A_90 {strides = array<i32>} : memref<256xf32, #tpu.memory_space<vmem>>, vector<16xf32>,
    %get3A_93 = arith.constant 112 : index
    %get3A_94 = tpu.vector_load %arg11[%get3A_93] {strides = array<i32>} : memref<256xi32, #tpu.memory_space<vmem>>, vector<16xi32>,
    %sub3A_95 = vector.broadcast %add3A_1 : i32 to vector<16xi32>
    %sub3A_96 = arith.subi %get3A_94, %sub3A_95 : vector<16xi32>
    %jit3A_97 = arith.constant 0 : i32
    %jit3A_98 = arith.constant 24911 : i32
    %max3A_99 = vector.broadcast %jit3A_97 : i32 to vector<16xi32>
    %max3A_100 = arith.maxsi %max3A_99, %sub3A_96 : vector<16xi32>
    %min3A_101 = vector.broadcast %jit3A_98 : i32 to vector<16xi32>
    %min3A_102 = arith.minsi %min3A_101, %max3A_100 : vector<16xi32>
    %gather3A_103 = tpu.vector_load_idx %arg7[%min3A_102] : memref<24912xf32, #tpu.memory_space<vmem>>[vector<16xi32>], vector<16xf32>,
    %swap3A_104 = arith.constant 112 : index
    %swap3A_105 = tpu.vector_load %arg12[%swap3A_104] {strides = array<i32>} : memref<256xf32, #tpu.memory_space<vmem>>, vector<16xf32>,
    tpu.vector_store %arg12[%swap3A_104], %gather3A_103 {strides = array<i32>} : memref<256xf32, #tpu.memory_space<vmem>>, vector<16xf32>,
    %get3A_106 = arith.constant 128 : index
    %get3A_107 = tpu.vector_load %arg11[%get3A_106] {strides = array<i32>} : memref<256xi32, #tpu.memory_space<vmem>>, vector<16xi32>,
    %sub3A_108 = vector.broadcast %add3A_1 : i32 to vector<16xi32>
    %sub3A_109 = arith.subi %get3A_107, %sub3A_108 : vector<16xi32>
    %jit3A_110 = arith.constant 0 : i32
    %jit3A_111 = arith.constant 24911 : i32
    %max3A_112 = vector.broadcast %jit3A_110 : i32 to vector<16xi32>
    %max3A_113 = arith.maxsi %max3A_112, %sub3A_109 : vector<16xi32>
    %min3A_114 = vector.broadcast %jit3A_111 : i32 to vector<16xi32>
    %min3A_115 = arith.minsi %min3A_114, %max3A_113 : vector<16xi32>
    %gather3A_116 = tpu.vector_load_idx %arg7[%min3A_115] : memref<24912xf32, #tpu.memory_space<vmem>>[vector<16xi32>], vector<16xf32>,
    %swap3A_117 = arith.constant 128 : index
    %swap3A_118 = tpu.vector_load %arg12[%swap3A_117] {strides = array<i32>} : memref<256xf32, #tpu.memory_space<vmem>>, vector<16xf32>,
    tpu.vector_store %arg12[%swap3A_117], %gather3A_116 {strides = array<i32>} : memref<256xf32, #tpu.memory_space<vmem>>, vector<16xf32>,
    %get3A_119 = arith.constant 144 : index
    %get3A_120 = tpu.vector_load %arg11[%get3A_119] {strides = array<i32>} : memref<256xi32, #tpu.memory_space<vmem>>, vector<16xi32>,
    %sub3A_121 = vector.broadcast %add3A_1 : i32 to vector<16xi32>
    %sub3A_122 = arith.subi %get3A_120, %sub3A_121 : vector<16xi32>
    %jit3A_123 = arith.constant 0 : i32
    %jit3A_124 = arith.constant 24911 : i32
    %max3A_125 = vector.broadcast %jit3A_123 : i32 to vector<16xi32>
    %max3A_126 = arith.maxsi %max3A_125, %sub3A_122 : vector<16xi32>
    %min3A_127 = vector.broadcast %jit3A_124 : i32 to vector<16xi32>
    %min3A_128 = arith.minsi %min3A_127, %max3A_126 : vector<16xi32>
    %gather3A_129 = tpu.vector_load_idx %arg7[%min3A_128] : memref<24912xf32, #tpu.memory_space<vmem>>[vector<16xi32>], vector<16xf32>,
    %swap3A_130 = arith.constant 144 : index
    %swap3A_131 = tpu.vector_load %arg12[%swap3A_130] {strides = array<i32>} : memref<256xf32, #tpu.memory_space<vmem>>, vector<16xf32>,
    tpu.vector_store %arg12[%swap3A_130], %gather3A_129 {strides = array<i32>} : memref<256xf32, #tpu.memory_space<vmem>>, vector<16xf32>,
    %get3A_132 = arith.constant 160 : index
    %get3A_133 = tpu.vector_load %arg11[%get3A_132] {strides = array<i32>} : memref<256xi32, #tpu.memory_space<vmem>>, vector<16xi32>,
    %sub3A_134 = vector.broadcast %add3A_1 : i32 to vector<16xi32>
    %sub3A_135 = arith.subi %get3A_133, %sub3A_134 : vector<16xi32>
    %jit3A_136 = arith.constant 0 : i32
    %jit3A_137 = arith.constant 24911 : i32
    %max3A_138 = vector.broadcast %jit3A_136 : i32 to vector<16xi32>
    %max3A_139 = arith.maxsi %max3A_138, %sub3A_135 : vector<16xi32>
    %min3A_140 = vector.broadcast %jit3A_137 : i32 to vector<16xi32>
    %min3A_141 = arith.minsi %min3A_140, %max3A_139 : vector<16xi32>
    %gather3A_142 = tpu.vector_load_idx %arg7[%min3A_141] : memref<24912xf32, #tpu.memory_space<vmem>>[vector<16xi32>], vector<16xf32>,
    %swap3A_143 = arith.constant 160 : index
    %swap3A_144 = tpu.vector_load %arg12[%swap3A_143] {strides = array<i32>} : memref<256xf32, #tpu.memory_space<vmem>>, vector<16xf32>,
    tpu.vector_store %arg12[%swap3A_143], %gather3A_142 {strides = array<i32>} : memref<256xf32, #tpu.memory_space<vmem>>, vector<16xf32>,
    %get3A_145 = arith.constant 176 : index
    %get3A_146 = tpu.vector_load %arg11[%get3A_145] {strides = array<i32>} : memref<256xi32, #tpu.memory_space<vmem>>, vector<16xi32>,
    %sub3A_147 = vector.broadcast %add3A_1 : i32 to vector<16xi32>
    %sub3A_148 = arith.subi %get3A_146, %sub3A_147 : vector<16xi32>
    %jit3A_149 = arith.constant 0 : i32
    %jit3A_150 = arith.constant 24911 : i32
    %max3A_151 = vector.broadcast %jit3A_149 : i32 to vector<16xi32>
    %max3A_152 = arith.maxsi %max3A_151, %sub3A_148 : vector<16xi32>
    %min3A_153 = vector.broadcast %jit3A_150 : i32 to vector<16xi32>
    %min3A_154 = arith.minsi %min3A_153, %max3A_152 : vector<16xi32>
    %gather3A_155 = tpu.vector_load_idx %arg7[%min3A_154] : memref<24912xf32, #tpu.memory_space<vmem>>[vector<16xi32>], vector<16xf32>,
    %swap3A_156 = arith.constant 176 : index
    %swap3A_157 = tpu.vector_load %arg12[%swap3A_156] {strides = array<i32>} : memref<256xf32, #tpu.memory_space<vmem>>, vector<16xf32>,
    tpu.vector_store %arg12[%swap3A_156], %gather3A_155 {strides = array<i32>} : memref<256xf32, #tpu.memory_space<vmem>>, vector<16xf32>,
    %get3A_158 = arith.constant 192 : index
    %get3A_159 = tpu.vector_load %arg11[%get3A_158] {strides = array<i32>} : memref<256xi32, #tpu.memory_space<vmem>>, vector<16xi32>,
    %sub3A_160 = vector.broadcast %add3A_1 : i32 to vector<16xi32>
    %sub3A_161 = arith.subi %get3A_159, %sub3A_160 : vector<16xi32>
    %jit3A_162 = arith.constant 0 : i32
    %jit3A_163 = arith.constant 24911 : i32
    %max3A_164 = vector.broadcast %jit3A_162 : i32 to vector<16xi32>
    %max3A_165 = arith.maxsi %max3A_164, %sub3A_161 : vector<16xi32>
    %min3A_166 = vector.broadcast %jit3A_163 : i32 to vector<16xi32>
    %min3A_167 = arith.minsi %min3A_166, %max3A_165 : vector<16xi32>
    %gather3A_168 = tpu.vector_load_idx %arg7[%min3A_167] : memref<24912xf32, #tpu.memory_space<vmem>>[vector<16xi32>], vector<16xf32>,
    %swap3A_169 = arith.constant 192 : index
    %swap3A_170 = tpu.vector_load %arg12[%swap3A_169] {strides = array<i32>} : memref<256xf32, #tpu.memory_space<vmem>>, vector<16xf32>,
    tpu.vector_store %arg12[%swap3A_169], %gather3A_168 {strides = array<i32>} : memref<256xf32, #tpu.memory_space<vmem>>, vector<16xf32>,
    %get3A_171 = arith.constant 208 : index
    %get3A_172 = tpu.vector_load %arg11[%get3A_171] {strides = array<i32>} : memref<256xi32, #tpu.memory_space<vmem>>, vector<16xi32>,
    %sub3A_173 = vector.broadcast %add3A_1 : i32 to vector<16xi32>
    %sub3A_174 = arith.subi %get3A_172, %sub3A_173 : vector<16xi32>
    %jit3A_175 = arith.constant 0 : i32
    %jit3A_176 = arith.constant 24911 : i32
    %max3A_177 = vector.broadcast %jit3A_175 : i32 to vector<16xi32>
    %max3A_178 = arith.maxsi %max3A_177, %sub3A_174 : vector<16xi32>
    %min3A_179 = vector.broadcast %jit3A_176 : i32 to vector<16xi32>
    %min3A_180 = arith.minsi %min3A_179, %max3A_178 : vector<16xi32>
    %gather3A_181 = tpu.vector_load_idx %arg7[%min3A_180] : memref<24912xf32, #tpu.memory_space<vmem>>[vector<16xi32>], vector<16xf32>,
    %swap3A_182 = arith.constant 208 : index
    %swap3A_183 = tpu.vector_load %arg12[%swap3A_182] {strides = array<i32>} : memref<256xf32, #tpu.memory_space<vmem>>, vector<16xf32>,
    tpu.vector_store %arg12[%swap3A_182], %gather3A_181 {strides = array<i32>} : memref<256xf32, #tpu.memory_space<vmem>>, vector<16xf32>,
    %get3A_184 = arith.constant 224 : index
    %get3A_185 = tpu.vector_load %arg11[%get3A_184] {strides = array<i32>} : memref<256xi32, #tpu.memory_space<vmem>>, vector<16xi32>,
    %sub3A_186 = vector.broadcast %add3A_1 : i32 to vector<16xi32>
    %sub3A_187 = arith.subi %get3A_185, %sub3A_186 : vector<16xi32>
    %jit3A_188 = arith.constant 0 : i32
    %jit3A_189 = arith.constant 24911 : i32
    %max3A_190 = vector.broadcast %jit3A_188 : i32 to vector<16xi32>
    %max3A_191 = arith.maxsi %max3A_190, %sub3A_187 : vector<16xi32>
    %min3A_192 = vector.broadcast %jit3A_189 : i32 to vector<16xi32>
    %min3A_193 = arith.minsi %min3A_192, %max3A_191 : vector<16xi32>
    %gather3A_194 = tpu.vector_load_idx %arg7[%min3A_193] : memref<24912xf32, #tpu.memory_space<vmem>>[vector<16xi32>], vector<16xf32>,
    %swap3A_195 = arith.constant 224 : index
    %swap3A_196 = tpu.vector_load %arg12[%swap3A_195] {strides = array<i32>} : memref<256xf32, #tpu.memory_space<vmem>>, vector<16xf32>,
    tpu.vector_store %arg12[%swap3A_195], %gather3A_194 {strides = array<i32>} : memref<256xf32, #tpu.memory_space<vmem>>, vector<16xf32>,
    %get3A_197 = arith.constant 240 : index
    %get3A_198 = tpu.vector_load %arg11[%get3A_197] {strides = array<i32>} : memref<256xi32, #tpu.memory_space<vmem>>, vector<16xi32>,
    %sub3A_199 = vector.broadcast %add3A_1 : i32 to vector<16xi32>
    %sub3A_200 = arith.subi %get3A_198, %sub3A_199 : vector<16xi32>
    %jit3A_201 = arith.constant 0 : i32
    %jit3A_202 = arith.constant 24911 : i32
    %max3A_203 = vector.broadcast %jit3A_201 : i32 to vector<16xi32>
    %max3A_204 = arith.maxsi %max3A_203, %sub3A_200 : vector<16xi32>
    %min3A_205 = vector.broadcast %jit3A_202 : i32 to vector<16xi32>
    %min3A_206 = arith.minsi %min3A_205, %max3A_204 : vector<16xi32>
    %gather3A_207 = tpu.vector_load_idx %arg7[%min3A_206] : memref<24912xf32, #tpu.memory_space<vmem>>[vector<16xi32>], vector<16xf32>,
    %swap3A_208 = arith.constant 240 : index
    %swap3A_209 = tpu.vector_load %arg12[%swap3A_208] {strides = array<i32>} : memref<256xf32, #tpu.memory_space<vmem>>, vector<16xf32>,
    tpu.vector_store %arg12[%swap3A_208], %gather3A_207 {strides = array<i32>} : memref<256xf32, #tpu.memory_space<vmem>>, vector<16xf32>,
    %mul3A_210 = arith.constant 2 : i32
    %mul3A_211 = arith.muli %arg1, %mul3A_210 : i32
    %add3A_212 = arith.addi %mul3A_211, %arg0 : i32
    %mul3A_213 = arith.constant 256 : i32
    %mul3A_214 = arith.muli %add3A_212, %mul3A_213 : i32
    "tpu.region"() ({
      %run_scoped3A = tpu.sem_alloc : memref<!tpu.dma_semaphore, #tpu.memory_space<semaphore_mem>>
      %dma_start3A = tpu.memref_slice %arg6[%mul3A_214] : memref<8192xf32, #tpu.memory_space<hbm>> -> memref<256xf32, #tpu.memory_space<hbm>>
      %dma_start3A_290 = tpu.memref_slice %arg6[%mul3A_214] : memref<8192xf32, #tpu.memory_space<hbm>> -> memref<256xf32, #tpu.memory_space<hbm>>
      tpu.enqueue_dma source(%arg12 : memref<256xf32, #tpu.memory_space<vmem>>) target(%dma_start3A_290 : memref<256xf32, #tpu.memory_space<hbm>>) target_semaphore(%run_scoped3A : memref<!tpu.dma_semaphore, #tpu.memory_space<semaphore_mem>>)
      %dma_wait3A = tpu.memref_slice %arg6[%mul3A_214] : memref<8192xf32, #tpu.memory_space<hbm>> -> memref<256xf32, #tpu.memory_space<hbm>>
      %dma_wait3A_291 = tpu.memref_slice %arg6[%mul3A_214] : memref<8192xf32, #tpu.memory_space<hbm>> -> memref<256xf32, #tpu.memory_space<hbm>>
      tpu.wait_dma2 semaphore(%run_scoped3A : memref<!tpu.dma_semaphore, #tpu.memory_space<semaphore_mem>>) src(%arg12 : memref<256xf32, #tpu.memory_space<vmem>>) dst(%dma_wait3A_291 : memref<256xf32, #tpu.memory_space<hbm>>)
      tpu.yield
    }) : () -> ()
    %scan3A = arith.constant 0 : i32
    %scan3A_215 = arith.constant 0 : i32
    %scan3A_216 = arith.constant 128 : i32
    %scan3A_217 = arith.addi %scan3A_215, %scan3A_216 : i32
    %scan3A_218 = arith.constant 1 : i32
    %scan3A_219 = scf.for %scan3A_290 = %scan3A_215 to %scan3A_217 step %scan3A_218 iter_args(%scan3A_291 = %scan3A) -> (i32)  : i32 {
      %mul3A_292 = arith.constant 16 : i32
      %mul3A_293 = arith.muli %scan3A_290, %mul3A_292 : i32
      %get3A_294 = arith.index_cast %mul3A_293 : i32 to index
      %get3A_295 = tpu.vector_load %arg7[%get3A_294] {strides = array<i32>} : memref<24912xf32, #tpu.memory_space<vmem>>, vector<16xf32>,
      %mul3A_296 = arith.constant 16 : i32
      %mul3A_297 = arith.muli %scan3A_290, %mul3A_296 : i32
      %swap3A_298 = arith.index_cast %mul3A_297 : i32 to index
      %swap3A_299 = tpu.vector_load %arg8[%swap3A_298] {strides = array<i32>} : memref<2064xf32, #tpu.memory_space<vmem>>, vector<16xf32>,
      tpu.vector_store %arg8[%swap3A_298], %get3A_295 {strides = array<i32>} : memref<2064xf32, #tpu.memory_space<vmem>>, vector<16xf32>,
      %mul3A_300 = arith.constant 16 : i32
      %mul3A_301 = arith.muli %scan3A_290, %mul3A_300 : i32
      %add3A_302 = arith.addi %add3A_1, %mul3A_301 : i32
      %add3A_303 = vector.broadcast %add3A_302 : i32 to vector<16xi32>
      %add3A_304 = arith.addi %add3A_303, %iota3A : vector<16xi32>
      %mul3A_305 = arith.constant 16 : i32
      %mul3A_306 = arith.muli %scan3A_290, %mul3A_305 : i32
      %swap3A_307 = arith.index_cast %mul3A_306 : i32 to index
      %swap3A_308 = tpu.vector_load %arg9[%swap3A_307] {strides = array<i32>} : memref<2064xi32, #tpu.memory_space<vmem>>, vector<16xi32>,
      tpu.vector_store %arg9[%swap3A_307], %add3A_304 {strides = array<i32>} : memref<2064xi32, #tpu.memory_space<vmem>>, vector<16xi32>,
      %scan3A_309 = arith.constant 0 : i32
      scf.yield %scan3A_309 : i32
    }
    %scan3A_220 = arith.constant 128 : i32
    %broadcast_in_dim3A = arith.constant -1.000000e+30 : f32
    %broadcast_in_dim3A_221 = vector.broadcast %broadcast_in_dim3A : f32 to vector<16xf32>
    %scan3A_222 = arith.constant 2048 : i32
    %scan3A_223 = arith.constant 0 : i32
    %scan3A_224 = arith.constant 0 : i32
    %scan3A_225 = arith.constant 129 : i32
    %scan3A_226 = arith.addi %scan3A_224, %scan3A_225 : i32
    %scan3A_227 = arith.constant 1 : i32
    %scan3A_228 = scf.for %scan3A_290 = %scan3A_224 to %scan3A_226 step %scan3A_227 iter_args(%scan3A_291 = %scan3A_223) -> (i32)  : i32 {
      %mul3A_292 = arith.constant 16 : i32
      %mul3A_293 = arith.muli %scan3A_290, %mul3A_292 : i32
      %get3A_294 = arith.index_cast %mul3A_293 : i32 to index
      %get3A_295 = tpu.vector_load %arg8[%get3A_294] {strides = array<i32>} : memref<2064xf32, #tpu.memory_space<vmem>>, vector<16xf32>,
      %bitcast3A_296 = vector.bitcast %get3A_295 : vector<16xf32> to vector<16xi32>
      %shift_right_arithmetic3A_297 = arith.constant 31 : i32
      %shift_right_arithmetic3A_298 = vector.broadcast %shift_right_arithmetic3A_297 : i32 to vector<16xi32>
      %shift_right_arithmetic3A_299 = arith.shrsi %bitcast3A_296, %shift_right_arithmetic3A_298 : vector<16xi32>
      %and3A_300 = arith.constant 2147483647 : i32
      %and3A_301 = vector.broadcast %and3A_300 : i32 to vector<16xi32>
      %and3A_302 = arith.andi %shift_right_arithmetic3A_299, %and3A_301 : vector<16xi32>
      %xor3A_303 = arith.xori %bitcast3A_296, %and3A_302 : vector<16xi32>
      %mul3A_304 = arith.constant 16 : i32
      %mul3A_305 = arith.muli %scan3A_290, %mul3A_304 : i32
      %add3A_306 = vector.broadcast %mul3A_305 : i32 to vector<16xi32>
      %add3A_307 = arith.addi %add3A_306, %iota3A : vector<16xi32>
      %lt3A = vector.broadcast %scan3A_222 : i32 to vector<16xi32>
      %lt3A_308 = arith.cmpi slt, %add3A_307, %lt3A : vector<16xi32>
      %jit3A_309 = arith.constant -2147483648 : i32
      %broadcast_in_dim3A_310 = vector.broadcast %jit3A_309 : i32 to vector<16xi32>
      %select_n3A = arith.select %lt3A_308, %xor3A_303, %broadcast_in_dim3A_310 : vector<16xi1>, vector<16xi32>
      %mul3A_311 = arith.constant 16 : i32
      %mul3A_312 = arith.muli %scan3A_290, %mul3A_311 : i32
      %swap3A_313 = arith.index_cast %mul3A_312 : i32 to index
      %swap3A_314 = tpu.vector_load %arg10[%swap3A_313] {strides = array<i32>} : memref<2064xi32, #tpu.memory_space<vmem>>, vector<16xi32>,
      tpu.vector_store %arg10[%swap3A_313], %select_n3A {strides = array<i32>} : memref<2064xi32, #tpu.memory_space<vmem>>, vector<16xi32>,
      %scan3A_315 = arith.constant 0 : i32
      scf.yield %scan3A_315 : i32
    }
    %scan3A_229 = arith.constant 129 : i32
    %scan3A_230 = arith.constant -2139095041 : i32
    %scan3A_231 = arith.constant 2139095040 : i32
    %scan3A_232 = arith.constant 0 : i32
    %scan3A_233 = arith.constant 20 : i32
    %scan3A_234 = arith.addi %scan3A_232, %scan3A_233 : i32
    %scan3A_235 = arith.constant 1 : i32
    %scan3A_236:2 = scf.for %scan3A_290 = %scan3A_232 to %scan3A_234 step %scan3A_235 iter_args(%scan3A_291 = %scan3A_230, %scan3A_292 = %scan3A_231) -> (i32, i32)  : i32 {
      %sub3A_293 = arith.subi %scan3A_292, %scan3A_291 : i32
      %shift_right_logical3A = arith.constant 1 : i32
      %shift_right_logical3A_294 = arith.shrui %sub3A_293, %shift_right_logical3A : i32
      %add3A_295 = arith.addi %scan3A_291, %shift_right_logical3A_294 : i32
      %broadcast_in_dim3A_296 = arith.constant 0 : i32
      %broadcast_in_dim3A_297 = vector.broadcast %broadcast_in_dim3A_296 : i32 to vector<16xi32>
      %scan3A_298 = arith.constant 0 : i32
      %scan3A_299 = arith.constant 129 : i32
      %scan3A_300 = arith.addi %scan3A_298, %scan3A_299 : i32
      %scan3A_301 = arith.constant 1 : i32
      %scan3A_302 = scf.for %scan3A_309 = %scan3A_298 to %scan3A_300 step %scan3A_301 iter_args(%scan3A_310 = %broadcast_in_dim3A_297) -> (vector<16xi32>)  : i32 {
        %mul3A_311 = arith.constant 16 : i32
        %mul3A_312 = arith.muli %scan3A_309, %mul3A_311 : i32
        %get3A_313 = arith.index_cast %mul3A_312 : i32 to index
        %get3A_314 = tpu.vector_load %arg10[%get3A_313] {strides = array<i32>} : memref<2064xi32, #tpu.memory_space<vmem>>, vector<16xi32>,
        %gt3A_315 = vector.broadcast %add3A_295 : i32 to vector<16xi32>
        %gt3A_316 = arith.cmpi sgt, %get3A_314, %gt3A_315 : vector<16xi32>
        %jit3A_317 = arith.constant 1 : i32
        %jit3A_318 = arith.constant 0 : i32
        %broadcast_in_dim3A_319 = vector.broadcast %jit3A_317 : i32 to vector<16xi32>
        %broadcast_in_dim3A_320 = vector.broadcast %jit3A_318 : i32 to vector<16xi32>
        %select_n3A_321 = arith.select %gt3A_316, %broadcast_in_dim3A_319, %broadcast_in_dim3A_320 : vector<16xi1>, vector<16xi32>
        %add3A_322 = arith.addi %scan3A_310, %select_n3A_321 : vector<16xi32>
        scf.yield %add3A_322 : vector<16xi32>
      }
      %scan3A_303 = arith.constant 129 : i32
      %reduce_sum3A = arith.constant true
      %reduce_sum3A_304 = vector.broadcast %reduce_sum3A : i1 to vector<16xi1>
      %reduce_sum3A_305 = tpu.scan <sum>, %scan3A_302 masked %reduce_sum3A_304 : vector<16xi32>, vector<16xi1> -> vector<16xi32>
      %reduce_sum3A_306 = vector.extract %reduce_sum3A_305[15] : i32 from vector<16xi32>
      %ge3A = arith.constant 256 : i32
      %ge3A_307 = arith.cmpi sge, %reduce_sum3A_306, %ge3A : i32
      %select_n3A = arith.select %ge3A_307, %add3A_295, %scan3A_291 : i32
      %select_n3A_308 = arith.select %ge3A_307, %scan3A_292, %add3A_295 : i32
      scf.yield %select_n3A, %select_n3A_308 : i32, i32
    }
    %scan3A_237 = arith.constant 20 : i32
    %scan3A_238 = arith.constant 0 : i32
    %scan3A_239 = arith.constant 0 : i32
    %scan3A_240 = arith.constant 129 : i32
    %scan3A_241 = arith.addi %scan3A_239, %scan3A_240 : i32
    %scan3A_242 = arith.constant 1 : i32
    %scan3A_243 = scf.for %scan3A_290 = %scan3A_239 to %scan3A_241 step %scan3A_242 iter_args(%scan3A_291 = %scan3A_238) -> (i32)  : i32 {
      %mul3A_292 = arith.constant 16 : i32
      %mul3A_293 = arith.muli %scan3A_290, %mul3A_292 : i32
      %get3A_294 = arith.index_cast %mul3A_293 : i32 to index
      %get3A_295 = tpu.vector_load %arg10[%get3A_294] {strides = array<i32>} : memref<2064xi32, #tpu.memory_space<vmem>>, vector<16xi32>,
      %gt3A_296 = vector.broadcast %scan3A_236#0 : i32 to vector<16xi32>
      %gt3A_297 = arith.cmpi sgt, %get3A_295, %gt3A_296 : vector<16xi32>
      %mul3A_298 = arith.constant 16 : i32
      %mul3A_299 = arith.muli %scan3A_290, %mul3A_298 : i32
      %get3A_300 = arith.index_cast %mul3A_299 : i32 to index
      %get3A_301 = tpu.vector_load %arg8[%get3A_300] {strides = array<i32>} : memref<2064xf32, #tpu.memory_space<vmem>>, vector<16xf32>,
      %mul3A_302 = arith.constant 16 : i32
      %mul3A_303 = arith.muli %scan3A_290, %mul3A_302 : i32
      %get3A_304 = arith.index_cast %mul3A_303 : i32 to index
      %get3A_305 = tpu.vector_load %arg9[%get3A_304] {strides = array<i32>} : memref<2064xi32, #tpu.memory_space<vmem>>, vector<16xi32>,
      %swap3A_306 = arith.index_cast %scan3A_291 : i32 to index
      %swap3A_307 = tpu.vector_load %arg8[%swap3A_306] masked %gt3A_297 {strides = array<i32>} : memref<2064xf32, #tpu.memory_space<vmem>>, vector<16xf32>, vector<16xi1>
      tpu.vector_store %arg8[%swap3A_306], %get3A_301 masked %gt3A_297 {strides = array<i32>} : memref<2064xf32, #tpu.memory_space<vmem>>, vector<16xf32>, vector<16xi1>
      %swap3A_308 = arith.index_cast %scan3A_291 : i32 to index
      %swap3A_309 = tpu.vector_load %arg9[%swap3A_308] masked %gt3A_297 {strides = array<i32>} : memref<2064xi32, #tpu.memory_space<vmem>>, vector<16xi32>, vector<16xi1>
      tpu.vector_store %arg9[%swap3A_308], %get3A_305 masked %gt3A_297 {strides = array<i32>} : memref<2064xi32, #tpu.memory_space<vmem>>, vector<16xi32>, vector<16xi1>
      %all_reduce_population_count3A_310 = tpu.all_reduce %gt3A_297 {dim = 0 : i64, kind = #tpu.reduction_kind<sum>} : vector<16xi1> -> vector<16xi32>
      %reduce_max3A_311 = arith.constant true
      %reduce_max3A_312 = vector.broadcast %reduce_max3A_311 : i1 to vector<16xi1>
      %reduce_max3A_313 = arith.constant -2147483648 : i32
      %reduce_max3A_314 = vector.broadcast %reduce_max3A_313 : i32 to vector<16xi32>
      %reduce_max3A_315 = arith.xori %all_reduce_population_count3A_310, %reduce_max3A_314 : vector<16xi32>
      %reduce_max3A_316 = tpu.scan <max>, %reduce_max3A_315 masked %reduce_max3A_312 : vector<16xi32>, vector<16xi1> -> vector<16xi32>
      %reduce_max3A_317 = arith.xori %reduce_max3A_316, %reduce_max3A_314 : vector<16xi32>
      %reduce_max3A_318 = vector.extract %reduce_max3A_317[15] : i32 from vector<16xi32>
      %add3A_319 = arith.addi %scan3A_291, %reduce_max3A_318 : i32
      scf.yield %add3A_319 : i32
    }
    %scan3A_244 = arith.constant 129 : i32
    %broadcast_in_dim3A_245 = vector.broadcast %scan3A_236#0 : i32 to vector<16xi32>
    %shift_right_arithmetic3A = arith.constant 31 : i32
    %shift_right_arithmetic3A_246 = vector.broadcast %shift_right_arithmetic3A : i32 to vector<16xi32>
    %shift_right_arithmetic3A_247 = arith.shrsi %broadcast_in_dim3A_245, %shift_right_arithmetic3A_246 : vector<16xi32>
    %and3A = arith.constant 2147483647 : i32
    %and3A_248 = vector.broadcast %and3A : i32 to vector<16xi32>
    %and3A_249 = arith.andi %shift_right_arithmetic3A_247, %and3A_248 : vector<16xi32>
    %xor3A = arith.xori %broadcast_in_dim3A_245, %and3A_249 : vector<16xi32>
    %bitcast3A = vector.bitcast %xor3A : vector<16xi32> to vector<16xf32>
    %scan3A_250 = arith.constant 0 : i32
    %scan3A_251 = arith.constant 357 : i32
    %scan3A_252 = arith.addi %scan3A_250, %scan3A_251 : i32
    %scan3A_253 = arith.constant 1 : i32
    %scan3A_254:2 = scf.for %scan3A_290 = %scan3A_250 to %scan3A_252 step %scan3A_253 iter_args(%scan3A_291 = %scan3A_243, %scan3A_292 = %bitcast3A) -> (i32, vector<16xf32>)  : i32 {
      %mul3A_293 = arith.constant 4 : i32
      %mul3A_294 = arith.muli %scan3A_290, %mul3A_293 : i32
      %add3A_295 = arith.constant 128 : i32
      %add3A_296 = arith.addi %add3A_295, %mul3A_294 : i32
      %add3A_297 = arith.constant 0 : i32
      %add3A_298 = arith.addi %add3A_296, %add3A_297 : i32
      %mul3A_299 = arith.constant 16 : i32
      %mul3A_300 = arith.muli %add3A_298, %mul3A_299 : i32
      %get3A_301 = arith.index_cast %mul3A_300 : i32 to index
      %get3A_302 = tpu.vector_load %arg7[%get3A_301] {strides = array<i32>} : memref<24912xf32, #tpu.memory_space<vmem>>, vector<16xf32>,
      %gt3A_303 = arith.cmpf ogt, %get3A_302, %scan3A_292 : vector<16xf32>
      %add3A_304 = arith.constant 1 : i32
      %add3A_305 = arith.addi %add3A_296, %add3A_304 : i32
      %mul3A_306 = arith.constant 16 : i32
      %mul3A_307 = arith.muli %add3A_305, %mul3A_306 : i32
      %get3A_308 = arith.index_cast %mul3A_307 : i32 to index
      %get3A_309 = tpu.vector_load %arg7[%get3A_308] {strides = array<i32>} : memref<24912xf32, #tpu.memory_space<vmem>>, vector<16xf32>,
      %gt3A_310 = arith.cmpf ogt, %get3A_309, %scan3A_292 : vector<16xf32>
      %or3A = arith.ori %gt3A_303, %gt3A_310 : vector<16xi1>
      %add3A_311 = arith.constant 2 : i32
      %add3A_312 = arith.addi %add3A_296, %add3A_311 : i32
      %mul3A_313 = arith.constant 16 : i32
      %mul3A_314 = arith.muli %add3A_312, %mul3A_313 : i32
      %get3A_315 = arith.index_cast %mul3A_314 : i32 to index
      %get3A_316 = tpu.vector_load %arg7[%get3A_315] {strides = array<i32>} : memref<24912xf32, #tpu.memory_space<vmem>>, vector<16xf32>,
      %gt3A_317 = arith.cmpf ogt, %get3A_316, %scan3A_292 : vector<16xf32>
      %or3A_318 = arith.ori %or3A, %gt3A_317 : vector<16xi1>
      %add3A_319 = arith.constant 3 : i32
      %add3A_320 = arith.addi %add3A_296, %add3A_319 : i32
      %mul3A_321 = arith.constant 16 : i32
      %mul3A_322 = arith.muli %add3A_320, %mul3A_321 : i32
      %get3A_323 = arith.index_cast %mul3A_322 : i32 to index
      %get3A_324 = tpu.vector_load %arg7[%get3A_323] {strides = array<i32>} : memref<24912xf32, #tpu.memory_space<vmem>>, vector<16xf32>,
      %gt3A_325 = arith.cmpf ogt, %get3A_324, %scan3A_292 : vector<16xf32>
      %or3A_326 = arith.ori %or3A_318, %gt3A_325 : vector<16xi1>
      %reduce_or3A = arith.constant 1.000000e+00 : f32
      %reduce_or3A_327 = arith.constant 0.000000e+00 : f32
      %reduce_or3A_328 = vector.broadcast %reduce_or3A : f32 to vector<16xf32>
      %reduce_or3A_329 = vector.broadcast %reduce_or3A_327 : f32 to vector<16xf32>
      %reduce_or3A_330 = arith.select %or3A_326, %reduce_or3A_328, %reduce_or3A_329 : vector<16xi1>, vector<16xf32>
      %reduce_or3A_331 = arith.constant true
      %reduce_or3A_332 = vector.broadcast %reduce_or3A_331 : i1 to vector<16xi1>
      %reduce_or3A_333 = tpu.scan <max>, %reduce_or3A_330 masked %reduce_or3A_332 : vector<16xf32>, vector<16xi1> -> vector<16xf32>
      %reduce_or3A_334 = vector.extract %reduce_or3A_333[15] : f32 from vector<16xf32>
      %reduce_or3A_335 = arith.constant 0.000000e+00 : f32
      %reduce_or3A_336 = arith.cmpf ogt, %reduce_or3A_334, %reduce_or3A_335 : f32
      %convert_element_type3A_337 = arith.extui %reduce_or3A_336 : i1 to i32
      %cond3A_338 = arith.constant 0 : i32
      %cond3A_339 = arith.cmpi ne, %convert_element_type3A_337, %cond3A_338 : i32
      %cond3A_340 = scf.if %cond3A_339 -> (i32) {
        %all_reduce_population_count3A_346 = tpu.all_reduce %gt3A_303 {dim = 0 : i64, kind = #tpu.reduction_kind<sum>} : vector<16xi1> -> vector<16xi32>
        %reduce_max3A_347 = arith.constant true
        %reduce_max3A_348 = vector.broadcast %reduce_max3A_347 : i1 to vector<16xi1>
        %reduce_max3A_349 = arith.constant -2147483648 : i32
        %reduce_max3A_350 = vector.broadcast %reduce_max3A_349 : i32 to vector<16xi32>
        %reduce_max3A_351 = arith.xori %all_reduce_population_count3A_346, %reduce_max3A_350 : vector<16xi32>
        %reduce_max3A_352 = tpu.scan <max>, %reduce_max3A_351 masked %reduce_max3A_348 : vector<16xi32>, vector<16xi1> -> vector<16xi32>
        %reduce_max3A_353 = arith.xori %reduce_max3A_352, %reduce_max3A_350 : vector<16xi32>
        %reduce_max3A_354 = vector.extract %reduce_max3A_353[15] : i32 from vector<16xi32>
        %swap3A_355 = arith.index_cast %scan3A_291 : i32 to index
        %swap3A_356 = tpu.vector_load %arg8[%swap3A_355] masked %gt3A_303 {strides = array<i32>} : memref<2064xf32, #tpu.memory_space<vmem>>, vector<16xf32>, vector<16xi1>
        tpu.vector_store %arg8[%swap3A_355], %get3A_302 masked %gt3A_303 {strides = array<i32>} : memref<2064xf32, #tpu.memory_space<vmem>>, vector<16xf32>, vector<16xi1>
        %add3A_357 = arith.constant 0 : i32
        %add3A_358 = arith.addi %add3A_296, %add3A_357 : i32
        %mul3A_359 = arith.constant 16 : i32
        %mul3A_360 = arith.muli %add3A_358, %mul3A_359 : i32
        %add3A_361 = arith.addi %add3A_1, %mul3A_360 : i32
        %add3A_362 = vector.broadcast %add3A_361 : i32 to vector<16xi32>
        %add3A_363 = arith.addi %add3A_362, %iota3A : vector<16xi32>
        %swap3A_364 = arith.index_cast %scan3A_291 : i32 to index
        %swap3A_365 = tpu.vector_load %arg9[%swap3A_364] masked %gt3A_303 {strides = array<i32>} : memref<2064xi32, #tpu.memory_space<vmem>>, vector<16xi32>, vector<16xi1>
        tpu.vector_store %arg9[%swap3A_364], %add3A_363 masked %gt3A_303 {strides = array<i32>} : memref<2064xi32, #tpu.memory_space<vmem>>, vector<16xi32>, vector<16xi1>
        %add3A_366 = arith.addi %scan3A_291, %reduce_max3A_354 : i32
        %all_reduce_population_count3A_367 = tpu.all_reduce %gt3A_310 {dim = 0 : i64, kind = #tpu.reduction_kind<sum>} : vector<16xi1> -> vector<16xi32>
        %reduce_max3A_368 = arith.constant true
        %reduce_max3A_369 = vector.broadcast %reduce_max3A_368 : i1 to vector<16xi1>
        %reduce_max3A_370 = arith.constant -2147483648 : i32
        %reduce_max3A_371 = vector.broadcast %reduce_max3A_370 : i32 to vector<16xi32>
        %reduce_max3A_372 = arith.xori %all_reduce_population_count3A_367, %reduce_max3A_371 : vector<16xi32>
        %reduce_max3A_373 = tpu.scan <max>, %reduce_max3A_372 masked %reduce_max3A_369 : vector<16xi32>, vector<16xi1> -> vector<16xi32>
        %reduce_max3A_374 = arith.xori %reduce_max3A_373, %reduce_max3A_371 : vector<16xi32>
        %reduce_max3A_375 = vector.extract %reduce_max3A_374[15] : i32 from vector<16xi32>
        %swap3A_376 = arith.index_cast %add3A_366 : i32 to index
        %swap3A_377 = tpu.vector_load %arg8[%swap3A_376] masked %gt3A_310 {strides = array<i32>} : memref<2064xf32, #tpu.memory_space<vmem>>, vector<16xf32>, vector<16xi1>
        tpu.vector_store %arg8[%swap3A_376], %get3A_309 masked %gt3A_310 {strides = array<i32>} : memref<2064xf32, #tpu.memory_space<vmem>>, vector<16xf32>, vector<16xi1>
        %add3A_378 = arith.constant 1 : i32
        %add3A_379 = arith.addi %add3A_296, %add3A_378 : i32
        %mul3A_380 = arith.constant 16 : i32
        %mul3A_381 = arith.muli %add3A_379, %mul3A_380 : i32
        %add3A_382 = arith.addi %add3A_1, %mul3A_381 : i32
        %add3A_383 = vector.broadcast %add3A_382 : i32 to vector<16xi32>
        %add3A_384 = arith.addi %add3A_383, %iota3A : vector<16xi32>
        %swap3A_385 = arith.index_cast %add3A_366 : i32 to index
        %swap3A_386 = tpu.vector_load %arg9[%swap3A_385] masked %gt3A_310 {strides = array<i32>} : memref<2064xi32, #tpu.memory_space<vmem>>, vector<16xi32>, vector<16xi1>
        tpu.vector_store %arg9[%swap3A_385], %add3A_384 masked %gt3A_310 {strides = array<i32>} : memref<2064xi32, #tpu.memory_space<vmem>>, vector<16xi32>, vector<16xi1>
        %add3A_387 = arith.addi %add3A_366, %reduce_max3A_375 : i32
        %all_reduce_population_count3A_388 = tpu.all_reduce %gt3A_317 {dim = 0 : i64, kind = #tpu.reduction_kind<sum>} : vector<16xi1> -> vector<16xi32>
        %reduce_max3A_389 = arith.constant true
        %reduce_max3A_390 = vector.broadcast %reduce_max3A_389 : i1 to vector<16xi1>
        %reduce_max3A_391 = arith.constant -2147483648 : i32
        %reduce_max3A_392 = vector.broadcast %reduce_max3A_391 : i32 to vector<16xi32>
        %reduce_max3A_393 = arith.xori %all_reduce_population_count3A_388, %reduce_max3A_392 : vector<16xi32>
        %reduce_max3A_394 = tpu.scan <max>, %reduce_max3A_393 masked %reduce_max3A_390 : vector<16xi32>, vector<16xi1> -> vector<16xi32>
        %reduce_max3A_395 = arith.xori %reduce_max3A_394, %reduce_max3A_392 : vector<16xi32>
        %reduce_max3A_396 = vector.extract %reduce_max3A_395[15] : i32 from vector<16xi32>
        %swap3A_397 = arith.index_cast %add3A_387 : i32 to index
        %swap3A_398 = tpu.vector_load %arg8[%swap3A_397] masked %gt3A_317 {strides = array<i32>} : memref<2064xf32, #tpu.memory_space<vmem>>, vector<16xf32>, vector<16xi1>
        tpu.vector_store %arg8[%swap3A_397], %get3A_316 masked %gt3A_317 {strides = array<i32>} : memref<2064xf32, #tpu.memory_space<vmem>>, vector<16xf32>, vector<16xi1>
        %add3A_399 = arith.constant 2 : i32
        %add3A_400 = arith.addi %add3A_296, %add3A_399 : i32
        %mul3A_401 = arith.constant 16 : i32
        %mul3A_402 = arith.muli %add3A_400, %mul3A_401 : i32
        %add3A_403 = arith.addi %add3A_1, %mul3A_402 : i32
        %add3A_404 = vector.broadcast %add3A_403 : i32 to vector<16xi32>
        %add3A_405 = arith.addi %add3A_404, %iota3A : vector<16xi32>
        %swap3A_406 = arith.index_cast %add3A_387 : i32 to index
        %swap3A_407 = tpu.vector_load %arg9[%swap3A_406] masked %gt3A_317 {strides = array<i32>} : memref<2064xi32, #tpu.memory_space<vmem>>, vector<16xi32>, vector<16xi1>
        tpu.vector_store %arg9[%swap3A_406], %add3A_405 masked %gt3A_317 {strides = array<i32>} : memref<2064xi32, #tpu.memory_space<vmem>>, vector<16xi32>, vector<16xi1>
        %add3A_408 = arith.addi %add3A_387, %reduce_max3A_396 : i32
        %all_reduce_population_count3A_409 = tpu.all_reduce %gt3A_325 {dim = 0 : i64, kind = #tpu.reduction_kind<sum>} : vector<16xi1> -> vector<16xi32>
        %reduce_max3A_410 = arith.constant true
        %reduce_max3A_411 = vector.broadcast %reduce_max3A_410 : i1 to vector<16xi1>
        %reduce_max3A_412 = arith.constant -2147483648 : i32
        %reduce_max3A_413 = vector.broadcast %reduce_max3A_412 : i32 to vector<16xi32>
        %reduce_max3A_414 = arith.xori %all_reduce_population_count3A_409, %reduce_max3A_413 : vector<16xi32>
        %reduce_max3A_415 = tpu.scan <max>, %reduce_max3A_414 masked %reduce_max3A_411 : vector<16xi32>, vector<16xi1> -> vector<16xi32>
        %reduce_max3A_416 = arith.xori %reduce_max3A_415, %reduce_max3A_413 : vector<16xi32>
        %reduce_max3A_417 = vector.extract %reduce_max3A_416[15] : i32 from vector<16xi32>
        %swap3A_418 = arith.index_cast %add3A_408 : i32 to index
        %swap3A_419 = tpu.vector_load %arg8[%swap3A_418] masked %gt3A_325 {strides = array<i32>} : memref<2064xf32, #tpu.memory_space<vmem>>, vector<16xf32>, vector<16xi1>
        tpu.vector_store %arg8[%swap3A_418], %get3A_324 masked %gt3A_325 {strides = array<i32>} : memref<2064xf32, #tpu.memory_space<vmem>>, vector<16xf32>, vector<16xi1>
        %add3A_420 = arith.constant 3 : i32
        %add3A_421 = arith.addi %add3A_296, %add3A_420 : i32
        %mul3A_422 = arith.constant 16 : i32
        %mul3A_423 = arith.muli %add3A_421, %mul3A_422 : i32
        %add3A_424 = arith.addi %add3A_1, %mul3A_423 : i32
        %add3A_425 = vector.broadcast %add3A_424 : i32 to vector<16xi32>
        %add3A_426 = arith.addi %add3A_425, %iota3A : vector<16xi32>
        %swap3A_427 = arith.index_cast %add3A_408 : i32 to index
        %swap3A_428 = tpu.vector_load %arg9[%swap3A_427] masked %gt3A_325 {strides = array<i32>} : memref<2064xi32, #tpu.memory_space<vmem>>, vector<16xi32>, vector<16xi1>
        tpu.vector_store %arg9[%swap3A_427], %add3A_426 masked %gt3A_325 {strides = array<i32>} : memref<2064xi32, #tpu.memory_space<vmem>>, vector<16xi32>, vector<16xi1>
        %add3A_429 = arith.addi %add3A_408, %reduce_max3A_417 : i32
        scf.yield %add3A_429 : i32
      } else {
        scf.yield %scan3A_291 : i32
      }
      %ge3A = arith.constant 1984 : i32
      %ge3A_341 = arith.cmpi sge, %cond3A_340, %ge3A : i32
      %convert_element_type3A_342 = arith.extui %ge3A_341 : i1 to i32
      %cond3A_343 = arith.constant 0 : i32
      %cond3A_344 = arith.cmpi ne, %convert_element_type3A_342, %cond3A_343 : i32
      %cond3A_345:2 = scf.if %cond3A_344 -> (i32, vector<16xf32>) {
        %scan3A_346 = arith.constant 0 : i32
        %scan3A_347 = arith.constant 0 : i32
        %scan3A_348 = arith.constant 129 : i32
        %scan3A_349 = arith.addi %scan3A_347, %scan3A_348 : i32
        %scan3A_350 = arith.constant 1 : i32
        %scan3A_351 = scf.for %scan3A_377 = %scan3A_347 to %scan3A_349 step %scan3A_350 iter_args(%scan3A_378 = %scan3A_346) -> (i32)  : i32 {
          %mul3A_379 = arith.constant 16 : i32
          %mul3A_380 = arith.muli %scan3A_377, %mul3A_379 : i32
          %get3A_381 = arith.index_cast %mul3A_380 : i32 to index
          %get3A_382 = tpu.vector_load %arg8[%get3A_381] {strides = array<i32>} : memref<2064xf32, #tpu.memory_space<vmem>>, vector<16xf32>,
          %bitcast3A_383 = vector.bitcast %get3A_382 : vector<16xf32> to vector<16xi32>
          %shift_right_arithmetic3A_384 = arith.constant 31 : i32
          %shift_right_arithmetic3A_385 = vector.broadcast %shift_right_arithmetic3A_384 : i32 to vector<16xi32>
          %shift_right_arithmetic3A_386 = arith.shrsi %bitcast3A_383, %shift_right_arithmetic3A_385 : vector<16xi32>
          %and3A_387 = arith.constant 2147483647 : i32
          %and3A_388 = vector.broadcast %and3A_387 : i32 to vector<16xi32>
          %and3A_389 = arith.andi %shift_right_arithmetic3A_386, %and3A_388 : vector<16xi32>
          %xor3A_390 = arith.xori %bitcast3A_383, %and3A_389 : vector<16xi32>
          %mul3A_391 = arith.constant 16 : i32
          %mul3A_392 = arith.muli %scan3A_377, %mul3A_391 : i32
          %add3A_393 = vector.broadcast %mul3A_392 : i32 to vector<16xi32>
          %add3A_394 = arith.addi %add3A_393, %iota3A : vector<16xi32>
          %lt3A = vector.broadcast %cond3A_340 : i32 to vector<16xi32>
          %lt3A_395 = arith.cmpi slt, %add3A_394, %lt3A : vector<16xi32>
          %jit3A_396 = arith.constant -2147483648 : i32
          %broadcast_in_dim3A_397 = vector.broadcast %jit3A_396 : i32 to vector<16xi32>
          %select_n3A = arith.select %lt3A_395, %xor3A_390, %broadcast_in_dim3A_397 : vector<16xi1>, vector<16xi32>
          %mul3A_398 = arith.constant 16 : i32
          %mul3A_399 = arith.muli %scan3A_377, %mul3A_398 : i32
          %swap3A_400 = arith.index_cast %mul3A_399 : i32 to index
          %swap3A_401 = tpu.vector_load %arg10[%swap3A_400] {strides = array<i32>} : memref<2064xi32, #tpu.memory_space<vmem>>, vector<16xi32>,
          tpu.vector_store %arg10[%swap3A_400], %select_n3A {strides = array<i32>} : memref<2064xi32, #tpu.memory_space<vmem>>, vector<16xi32>,
          %scan3A_402 = arith.constant 0 : i32
          scf.yield %scan3A_402 : i32
        }
        %scan3A_352 = arith.constant 129 : i32
        %scan3A_353 = arith.constant -2139095041 : i32
        %scan3A_354 = arith.constant 2139095040 : i32
        %scan3A_355 = arith.constant 0 : i32
        %scan3A_356 = arith.constant 20 : i32
        %scan3A_357 = arith.addi %scan3A_355, %scan3A_356 : i32
        %scan3A_358 = arith.constant 1 : i32
        %scan3A_359:2 = scf.for %scan3A_377 = %scan3A_355 to %scan3A_357 step %scan3A_358 iter_args(%scan3A_378 = %scan3A_353, %scan3A_379 = %scan3A_354) -> (i32, i32)  : i32 {
          %sub3A_380 = arith.subi %scan3A_379, %scan3A_378 : i32
          %shift_right_logical3A = arith.constant 1 : i32
          %shift_right_logical3A_381 = arith.shrui %sub3A_380, %shift_right_logical3A : i32
          %add3A_382 = arith.addi %scan3A_378, %shift_right_logical3A_381 : i32
          %broadcast_in_dim3A_383 = arith.constant 0 : i32
          %broadcast_in_dim3A_384 = vector.broadcast %broadcast_in_dim3A_383 : i32 to vector<16xi32>
          %scan3A_385 = arith.constant 0 : i32
          %scan3A_386 = arith.constant 129 : i32
          %scan3A_387 = arith.addi %scan3A_385, %scan3A_386 : i32
          %scan3A_388 = arith.constant 1 : i32
          %scan3A_389 = scf.for %scan3A_397 = %scan3A_385 to %scan3A_387 step %scan3A_388 iter_args(%scan3A_398 = %broadcast_in_dim3A_384) -> (vector<16xi32>)  : i32 {
            %mul3A_399 = arith.constant 16 : i32
            %mul3A_400 = arith.muli %scan3A_397, %mul3A_399 : i32
            %get3A_401 = arith.index_cast %mul3A_400 : i32 to index
            %get3A_402 = tpu.vector_load %arg10[%get3A_401] {strides = array<i32>} : memref<2064xi32, #tpu.memory_space<vmem>>, vector<16xi32>,
            %gt3A_403 = vector.broadcast %add3A_382 : i32 to vector<16xi32>
            %gt3A_404 = arith.cmpi sgt, %get3A_402, %gt3A_403 : vector<16xi32>
            %jit3A_405 = arith.constant 1 : i32
            %jit3A_406 = arith.constant 0 : i32
            %broadcast_in_dim3A_407 = vector.broadcast %jit3A_405 : i32 to vector<16xi32>
            %broadcast_in_dim3A_408 = vector.broadcast %jit3A_406 : i32 to vector<16xi32>
            %select_n3A_409 = arith.select %gt3A_404, %broadcast_in_dim3A_407, %broadcast_in_dim3A_408 : vector<16xi1>, vector<16xi32>
            %add3A_410 = arith.addi %scan3A_398, %select_n3A_409 : vector<16xi32>
            scf.yield %add3A_410 : vector<16xi32>
          }
          %scan3A_390 = arith.constant 129 : i32
          %reduce_sum3A = arith.constant true
          %reduce_sum3A_391 = vector.broadcast %reduce_sum3A : i1 to vector<16xi1>
          %reduce_sum3A_392 = tpu.scan <sum>, %scan3A_389 masked %reduce_sum3A_391 : vector<16xi32>, vector<16xi1> -> vector<16xi32>
          %reduce_sum3A_393 = vector.extract %reduce_sum3A_392[15] : i32 from vector<16xi32>
          %ge3A_394 = arith.constant 256 : i32
          %ge3A_395 = arith.cmpi sge, %reduce_sum3A_393, %ge3A_394 : i32
          %select_n3A = arith.select %ge3A_395, %add3A_382, %scan3A_378 : i32
          %select_n3A_396 = arith.select %ge3A_395, %scan3A_379, %add3A_382 : i32
          scf.yield %select_n3A, %select_n3A_396 : i32, i32
        }
        %scan3A_360 = arith.constant 20 : i32
        %scan3A_361 = arith.constant 0 : i32
        %scan3A_362 = arith.constant 0 : i32
        %scan3A_363 = arith.constant 129 : i32
        %scan3A_364 = arith.addi %scan3A_362, %scan3A_363 : i32
        %scan3A_365 = arith.constant 1 : i32
        %scan3A_366 = scf.for %scan3A_377 = %scan3A_362 to %scan3A_364 step %scan3A_365 iter_args(%scan3A_378 = %scan3A_361) -> (i32)  : i32 {
          %mul3A_379 = arith.constant 16 : i32
          %mul3A_380 = arith.muli %scan3A_377, %mul3A_379 : i32
          %get3A_381 = arith.index_cast %mul3A_380 : i32 to index
          %get3A_382 = tpu.vector_load %arg10[%get3A_381] {strides = array<i32>} : memref<2064xi32, #tpu.memory_space<vmem>>, vector<16xi32>,
          %gt3A_383 = vector.broadcast %scan3A_359#0 : i32 to vector<16xi32>
          %gt3A_384 = arith.cmpi sgt, %get3A_382, %gt3A_383 : vector<16xi32>
          %mul3A_385 = arith.constant 16 : i32
          %mul3A_386 = arith.muli %scan3A_377, %mul3A_385 : i32
          %get3A_387 = arith.index_cast %mul3A_386 : i32 to index
          %get3A_388 = tpu.vector_load %arg8[%get3A_387] {strides = array<i32>} : memref<2064xf32, #tpu.memory_space<vmem>>, vector<16xf32>,
          %mul3A_389 = arith.constant 16 : i32
          %mul3A_390 = arith.muli %scan3A_377, %mul3A_389 : i32
          %get3A_391 = arith.index_cast %mul3A_390 : i32 to index
          %get3A_392 = tpu.vector_load %arg9[%get3A_391] {strides = array<i32>} : memref<2064xi32, #tpu.memory_space<vmem>>, vector<16xi32>,
          %swap3A_393 = arith.index_cast %scan3A_378 : i32 to index
          %swap3A_394 = tpu.vector_load %arg8[%swap3A_393] masked %gt3A_384 {strides = array<i32>} : memref<2064xf32, #tpu.memory_space<vmem>>, vector<16xf32>, vector<16xi1>
          tpu.vector_store %arg8[%swap3A_393], %get3A_388 masked %gt3A_384 {strides = array<i32>} : memref<2064xf32, #tpu.memory_space<vmem>>, vector<16xf32>, vector<16xi1>
          %swap3A_395 = arith.index_cast %scan3A_378 : i32 to index
          %swap3A_396 = tpu.vector_load %arg9[%swap3A_395] masked %gt3A_384 {strides = array<i32>} : memref<2064xi32, #tpu.memory_space<vmem>>, vector<16xi32>, vector<16xi1>
          tpu.vector_store %arg9[%swap3A_395], %get3A_392 masked %gt3A_384 {strides = array<i32>} : memref<2064xi32, #tpu.memory_space<vmem>>, vector<16xi32>, vector<16xi1>
          %all_reduce_population_count3A_397 = tpu.all_reduce %gt3A_384 {dim = 0 : i64, kind = #tpu.reduction_kind<sum>} : vector<16xi1> -> vector<16xi32>
          %reduce_max3A_398 = arith.constant true
          %reduce_max3A_399 = vector.broadcast %reduce_max3A_398 : i1 to vector<16xi1>
          %reduce_max3A_400 = arith.constant -2147483648 : i32
          %reduce_max3A_401 = vector.broadcast %reduce_max3A_400 : i32 to vector<16xi32>
          %reduce_max3A_402 = arith.xori %all_reduce_population_count3A_397, %reduce_max3A_401 : vector<16xi32>
          %reduce_max3A_403 = tpu.scan <max>, %reduce_max3A_402 masked %reduce_max3A_399 : vector<16xi32>, vector<16xi1> -> vector<16xi32>
          %reduce_max3A_404 = arith.xori %reduce_max3A_403, %reduce_max3A_401 : vector<16xi32>
          %reduce_max3A_405 = vector.extract %reduce_max3A_404[15] : i32 from vector<16xi32>
          %add3A_406 = arith.addi %scan3A_378, %reduce_max3A_405 : i32
          scf.yield %add3A_406 : i32
        }
        %scan3A_367 = arith.constant 129 : i32
        %broadcast_in_dim3A_368 = vector.broadcast %scan3A_359#0 : i32 to vector<16xi32>
        %shift_right_arithmetic3A_369 = arith.constant 31 : i32
        %shift_right_arithmetic3A_370 = vector.broadcast %shift_right_arithmetic3A_369 : i32 to vector<16xi32>
        %shift_right_arithmetic3A_371 = arith.shrsi %broadcast_in_dim3A_368, %shift_right_arithmetic3A_370 : vector<16xi32>
        %and3A_372 = arith.constant 2147483647 : i32
        %and3A_373 = vector.broadcast %and3A_372 : i32 to vector<16xi32>
        %and3A_374 = arith.andi %shift_right_arithmetic3A_371, %and3A_373 : vector<16xi32>
        %xor3A_375 = arith.xori %broadcast_in_dim3A_368, %and3A_374 : vector<16xi32>
        %bitcast3A_376 = vector.bitcast %xor3A_375 : vector<16xi32> to vector<16xf32>
        scf.yield %scan3A_366, %bitcast3A_376 : i32, vector<16xf32>
      } else {
        scf.yield %cond3A_340, %scan3A_292 : i32, vector<16xf32>
      }
      scf.yield %cond3A_345#0, %cond3A_345#1 : i32, vector<16xf32>
    }
    %scan3A_255 = arith.constant 357 : i32
    %get3A_256 = arith.constant 24896 : index
    %get3A_257 = tpu.vector_load %arg7[%get3A_256] {strides = array<i32>} : memref<24912xf32, #tpu.memory_space<vmem>>, vector<16xf32>,
    %gt3A = arith.cmpf ogt, %get3A_257, %scan3A_254#1 : vector<16xf32>
    %all_reduce_population_count3A = tpu.all_reduce %gt3A {dim = 0 : i64, kind = #tpu.reduction_kind<sum>} : vector<16xi1> -> vector<16xi32>
    %reduce_max3A = arith.constant true
    %reduce_max3A_258 = vector.broadcast %reduce_max3A : i1 to vector<16xi1>
    %reduce_max3A_259 = arith.constant -2147483648 : i32
    %reduce_max3A_260 = vector.broadcast %reduce_max3A_259 : i32 to vector<16xi32>
    %reduce_max3A_261 = arith.xori %all_reduce_population_count3A, %reduce_max3A_260 : vector<16xi32>
    %reduce_max3A_262 = tpu.scan <max>, %reduce_max3A_261 masked %reduce_max3A_258 : vector<16xi32>, vector<16xi1> -> vector<16xi32>
    %reduce_max3A_263 = arith.xori %reduce_max3A_262, %reduce_max3A_260 : vector<16xi32>
    %reduce_max3A_264 = vector.extract %reduce_max3A_263[15] : i32 from vector<16xi32>
    %swap3A_265 = arith.index_cast %scan3A_254#0 : i32 to index
    %swap3A_266 = tpu.vector_load %arg8[%swap3A_265] masked %gt3A {strides = array<i32>} : memref<2064xf32, #tpu.memory_space<vmem>>, vector<16xf32>, vector<16xi1>
    tpu.vector_store %arg8[%swap3A_265], %get3A_257 masked %gt3A {strides = array<i32>} : memref<2064xf32, #tpu.memory_space<vmem>>, vector<16xf32>, vector<16xi1>
    %add3A_267 = arith.constant 24896 : i32
    %add3A_268 = arith.addi %add3A_1, %add3A_267 : i32
    %add3A_269 = vector.broadcast %add3A_268 : i32 to vector<16xi32>
    %add3A_270 = arith.addi %add3A_269, %iota3A : vector<16xi32>
    %swap3A_271 = arith.index_cast %scan3A_254#0 : i32 to index
    %swap3A_272 = tpu.vector_load %arg9[%swap3A_271] masked %gt3A {strides = array<i32>} : memref<2064xi32, #tpu.memory_space<vmem>>, vector<16xi32>, vector<16xi1>
    tpu.vector_store %arg9[%swap3A_271], %add3A_270 masked %gt3A {strides = array<i32>} : memref<2064xi32, #tpu.memory_space<vmem>>, vector<16xi32>, vector<16xi1>
    %add3A_273 = arith.addi %scan3A_254#0, %reduce_max3A_264 : i32
    %gt3A_274 = arith.constant 512 : i32
    %gt3A_275 = arith.cmpi sgt, %add3A_273, %gt3A_274 : i32
    %convert_element_type3A = arith.extui %gt3A_275 : i1 to i32
    %cond3A = arith.constant 0 : i32
    %cond3A_276 = arith.cmpi ne, %convert_element_type3A, %cond3A : i32
    %cond3A_277:2 = scf.if %cond3A_276 -> (i32, vector<16xf32>) {
      %scan3A_290 = arith.constant 0 : i32
      %scan3A_291 = arith.constant 0 : i32
      %scan3A_292 = arith.constant 129 : i32
      %scan3A_293 = arith.addi %scan3A_291, %scan3A_292 : i32
      %scan3A_294 = arith.constant 1 : i32
      %scan3A_295 = scf.for %scan3A_321 = %scan3A_291 to %scan3A_293 step %scan3A_294 iter_args(%scan3A_322 = %scan3A_290) -> (i32)  : i32 {
        %mul3A_323 = arith.constant 16 : i32
        %mul3A_324 = arith.muli %scan3A_321, %mul3A_323 : i32
        %get3A_325 = arith.index_cast %mul3A_324 : i32 to index
        %get3A_326 = tpu.vector_load %arg8[%get3A_325] {strides = array<i32>} : memref<2064xf32, #tpu.memory_space<vmem>>, vector<16xf32>,
        %bitcast3A_327 = vector.bitcast %get3A_326 : vector<16xf32> to vector<16xi32>
        %shift_right_arithmetic3A_328 = arith.constant 31 : i32
        %shift_right_arithmetic3A_329 = vector.broadcast %shift_right_arithmetic3A_328 : i32 to vector<16xi32>
        %shift_right_arithmetic3A_330 = arith.shrsi %bitcast3A_327, %shift_right_arithmetic3A_329 : vector<16xi32>
        %and3A_331 = arith.constant 2147483647 : i32
        %and3A_332 = vector.broadcast %and3A_331 : i32 to vector<16xi32>
        %and3A_333 = arith.andi %shift_right_arithmetic3A_330, %and3A_332 : vector<16xi32>
        %xor3A_334 = arith.xori %bitcast3A_327, %and3A_333 : vector<16xi32>
        %mul3A_335 = arith.constant 16 : i32
        %mul3A_336 = arith.muli %scan3A_321, %mul3A_335 : i32
        %add3A_337 = vector.broadcast %mul3A_336 : i32 to vector<16xi32>
        %add3A_338 = arith.addi %add3A_337, %iota3A : vector<16xi32>
        %lt3A = vector.broadcast %add3A_273 : i32 to vector<16xi32>
        %lt3A_339 = arith.cmpi slt, %add3A_338, %lt3A : vector<16xi32>
        %jit3A_340 = arith.constant -2147483648 : i32
        %broadcast_in_dim3A_341 = vector.broadcast %jit3A_340 : i32 to vector<16xi32>
        %select_n3A = arith.select %lt3A_339, %xor3A_334, %broadcast_in_dim3A_341 : vector<16xi1>, vector<16xi32>
        %mul3A_342 = arith.constant 16 : i32
        %mul3A_343 = arith.muli %scan3A_321, %mul3A_342 : i32
        %swap3A_344 = arith.index_cast %mul3A_343 : i32 to index
        %swap3A_345 = tpu.vector_load %arg10[%swap3A_344] {strides = array<i32>} : memref<2064xi32, #tpu.memory_space<vmem>>, vector<16xi32>,
        tpu.vector_store %arg10[%swap3A_344], %select_n3A {strides = array<i32>} : memref<2064xi32, #tpu.memory_space<vmem>>, vector<16xi32>,
        %scan3A_346 = arith.constant 0 : i32
        scf.yield %scan3A_346 : i32
      }
      %scan3A_296 = arith.constant 129 : i32
      %scan3A_297 = arith.constant -2139095041 : i32
      %scan3A_298 = arith.constant 2139095040 : i32
      %scan3A_299 = arith.constant 0 : i32
      %scan3A_300 = arith.constant 20 : i32
      %scan3A_301 = arith.addi %scan3A_299, %scan3A_300 : i32
      %scan3A_302 = arith.constant 1 : i32
      %scan3A_303:2 = scf.for %scan3A_321 = %scan3A_299 to %scan3A_301 step %scan3A_302 iter_args(%scan3A_322 = %scan3A_297, %scan3A_323 = %scan3A_298) -> (i32, i32)  : i32 {
        %sub3A_324 = arith.subi %scan3A_323, %scan3A_322 : i32
        %shift_right_logical3A = arith.constant 1 : i32
        %shift_right_logical3A_325 = arith.shrui %sub3A_324, %shift_right_logical3A : i32
        %add3A_326 = arith.addi %scan3A_322, %shift_right_logical3A_325 : i32
        %broadcast_in_dim3A_327 = arith.constant 0 : i32
        %broadcast_in_dim3A_328 = vector.broadcast %broadcast_in_dim3A_327 : i32 to vector<16xi32>
        %scan3A_329 = arith.constant 0 : i32
        %scan3A_330 = arith.constant 129 : i32
        %scan3A_331 = arith.addi %scan3A_329, %scan3A_330 : i32
        %scan3A_332 = arith.constant 1 : i32
        %scan3A_333 = scf.for %scan3A_340 = %scan3A_329 to %scan3A_331 step %scan3A_332 iter_args(%scan3A_341 = %broadcast_in_dim3A_328) -> (vector<16xi32>)  : i32 {
          %mul3A_342 = arith.constant 16 : i32
          %mul3A_343 = arith.muli %scan3A_340, %mul3A_342 : i32
          %get3A_344 = arith.index_cast %mul3A_343 : i32 to index
          %get3A_345 = tpu.vector_load %arg10[%get3A_344] {strides = array<i32>} : memref<2064xi32, #tpu.memory_space<vmem>>, vector<16xi32>,
          %gt3A_346 = vector.broadcast %add3A_326 : i32 to vector<16xi32>
          %gt3A_347 = arith.cmpi sgt, %get3A_345, %gt3A_346 : vector<16xi32>
          %jit3A_348 = arith.constant 1 : i32
          %jit3A_349 = arith.constant 0 : i32
          %broadcast_in_dim3A_350 = vector.broadcast %jit3A_348 : i32 to vector<16xi32>
          %broadcast_in_dim3A_351 = vector.broadcast %jit3A_349 : i32 to vector<16xi32>
          %select_n3A_352 = arith.select %gt3A_347, %broadcast_in_dim3A_350, %broadcast_in_dim3A_351 : vector<16xi1>, vector<16xi32>
          %add3A_353 = arith.addi %scan3A_341, %select_n3A_352 : vector<16xi32>
          scf.yield %add3A_353 : vector<16xi32>
        }
        %scan3A_334 = arith.constant 129 : i32
        %reduce_sum3A = arith.constant true
        %reduce_sum3A_335 = vector.broadcast %reduce_sum3A : i1 to vector<16xi1>
        %reduce_sum3A_336 = tpu.scan <sum>, %scan3A_333 masked %reduce_sum3A_335 : vector<16xi32>, vector<16xi1> -> vector<16xi32>
        %reduce_sum3A_337 = vector.extract %reduce_sum3A_336[15] : i32 from vector<16xi32>
        %ge3A = arith.constant 256 : i32
        %ge3A_338 = arith.cmpi sge, %reduce_sum3A_337, %ge3A : i32
        %select_n3A = arith.select %ge3A_338, %add3A_326, %scan3A_322 : i32
        %select_n3A_339 = arith.select %ge3A_338, %scan3A_323, %add3A_326 : i32
        scf.yield %select_n3A, %select_n3A_339 : i32, i32
      }
      %scan3A_304 = arith.constant 20 : i32
      %scan3A_305 = arith.constant 0 : i32
      %scan3A_306 = arith.constant 0 : i32
      %scan3A_307 = arith.constant 129 : i32
      %scan3A_308 = arith.addi %scan3A_306, %scan3A_307 : i32
      %scan3A_309 = arith.constant 1 : i32
      %scan3A_310 = scf.for %scan3A_321 = %scan3A_306 to %scan3A_308 step %scan3A_309 iter_args(%scan3A_322 = %scan3A_305) -> (i32)  : i32 {
        %mul3A_323 = arith.constant 16 : i32
        %mul3A_324 = arith.muli %scan3A_321, %mul3A_323 : i32
        %get3A_325 = arith.index_cast %mul3A_324 : i32 to index
        %get3A_326 = tpu.vector_load %arg10[%get3A_325] {strides = array<i32>} : memref<2064xi32, #tpu.memory_space<vmem>>, vector<16xi32>,
        %gt3A_327 = vector.broadcast %scan3A_303#0 : i32 to vector<16xi32>
        %gt3A_328 = arith.cmpi sgt, %get3A_326, %gt3A_327 : vector<16xi32>
        %mul3A_329 = arith.constant 16 : i32
        %mul3A_330 = arith.muli %scan3A_321, %mul3A_329 : i32
        %get3A_331 = arith.index_cast %mul3A_330 : i32 to index
        %get3A_332 = tpu.vector_load %arg8[%get3A_331] {strides = array<i32>} : memref<2064xf32, #tpu.memory_space<vmem>>, vector<16xf32>,
        %mul3A_333 = arith.constant 16 : i32
        %mul3A_334 = arith.muli %scan3A_321, %mul3A_333 : i32
        %get3A_335 = arith.index_cast %mul3A_334 : i32 to index
        %get3A_336 = tpu.vector_load %arg9[%get3A_335] {strides = array<i32>} : memref<2064xi32, #tpu.memory_space<vmem>>, vector<16xi32>,
        %swap3A_337 = arith.index_cast %scan3A_322 : i32 to index
        %swap3A_338 = tpu.vector_load %arg8[%swap3A_337] masked %gt3A_328 {strides = array<i32>} : memref<2064xf32, #tpu.memory_space<vmem>>, vector<16xf32>, vector<16xi1>
        tpu.vector_store %arg8[%swap3A_337], %get3A_332 masked %gt3A_328 {strides = array<i32>} : memref<2064xf32, #tpu.memory_space<vmem>>, vector<16xf32>, vector<16xi1>
        %swap3A_339 = arith.index_cast %scan3A_322 : i32 to index
        %swap3A_340 = tpu.vector_load %arg9[%swap3A_339] masked %gt3A_328 {strides = array<i32>} : memref<2064xi32, #tpu.memory_space<vmem>>, vector<16xi32>, vector<16xi1>
        tpu.vector_store %arg9[%swap3A_339], %get3A_336 masked %gt3A_328 {strides = array<i32>} : memref<2064xi32, #tpu.memory_space<vmem>>, vector<16xi32>, vector<16xi1>
        %all_reduce_population_count3A_341 = tpu.all_reduce %gt3A_328 {dim = 0 : i64, kind = #tpu.reduction_kind<sum>} : vector<16xi1> -> vector<16xi32>
        %reduce_max3A_342 = arith.constant true
        %reduce_max3A_343 = vector.broadcast %reduce_max3A_342 : i1 to vector<16xi1>
        %reduce_max3A_344 = arith.constant -2147483648 : i32
        %reduce_max3A_345 = vector.broadcast %reduce_max3A_344 : i32 to vector<16xi32>
        %reduce_max3A_346 = arith.xori %all_reduce_population_count3A_341, %reduce_max3A_345 : vector<16xi32>
        %reduce_max3A_347 = tpu.scan <max>, %reduce_max3A_346 masked %reduce_max3A_343 : vector<16xi32>, vector<16xi1> -> vector<16xi32>
        %reduce_max3A_348 = arith.xori %reduce_max3A_347, %reduce_max3A_345 : vector<16xi32>
        %reduce_max3A_349 = vector.extract %reduce_max3A_348[15] : i32 from vector<16xi32>
        %add3A_350 = arith.addi %scan3A_322, %reduce_max3A_349 : i32
        scf.yield %add3A_350 : i32
      }
      %scan3A_311 = arith.constant 129 : i32
      %broadcast_in_dim3A_312 = vector.broadcast %scan3A_303#0 : i32 to vector<16xi32>
      %shift_right_arithmetic3A_313 = arith.constant 31 : i32
      %shift_right_arithmetic3A_314 = vector.broadcast %shift_right_arithmetic3A_313 : i32 to vector<16xi32>
      %shift_right_arithmetic3A_315 = arith.shrsi %broadcast_in_dim3A_312, %shift_right_arithmetic3A_314 : vector<16xi32>
      %and3A_316 = arith.constant 2147483647 : i32
      %and3A_317 = vector.broadcast %and3A_316 : i32 to vector<16xi32>
      %and3A_318 = arith.andi %shift_right_arithmetic3A_315, %and3A_317 : vector<16xi32>
      %xor3A_319 = arith.xori %broadcast_in_dim3A_312, %and3A_318 : vector<16xi32>
      %bitcast3A_320 = vector.bitcast %xor3A_319 : vector<16xi32> to vector<16xf32>
      scf.yield %scan3A_310, %bitcast3A_320 : i32, vector<16xf32>
    } else {
      scf.yield %add3A_273, %scan3A_254#1 : i32, vector<16xf32>
    }
    %scan3A_278 = arith.constant 0 : i32
    %scan3A_279 = arith.constant 0 : i32
    %scan3A_280 = arith.constant 32 : i32
    %scan3A_281 = arith.addi %scan3A_279, %scan3A_280 : i32
    %scan3A_282 = arith.constant 1 : i32
    %scan3A_283 = scf.for %scan3A_290 = %scan3A_279 to %scan3A_281 step %scan3A_282 iter_args(%scan3A_291 = %scan3A_278) -> (i32)  : i32 {
      %mul3A_292 = arith.constant 16 : i32
      %mul3A_293 = arith.muli %scan3A_290, %mul3A_292 : i32
      %add3A_294 = vector.broadcast %mul3A_293 : i32 to vector<16xi32>
      %add3A_295 = arith.addi %add3A_294, %iota3A : vector<16xi32>
      %lt3A = vector.broadcast %cond3A_277#0 : i32 to vector<16xi32>
      %lt3A_296 = arith.cmpi slt, %add3A_295, %lt3A : vector<16xi32>
      %mul3A_297 = arith.constant 16 : i32
      %mul3A_298 = arith.muli %scan3A_290, %mul3A_297 : i32
      %get3A_299 = arith.index_cast %mul3A_298 : i32 to index
      %get3A_300 = tpu.vector_load %arg8[%get3A_299] {strides = array<i32>} : memref<2064xf32, #tpu.memory_space<vmem>>, vector<16xf32>,
      %mul3A_301 = arith.constant 16 : i32
      %mul3A_302 = arith.muli %scan3A_290, %mul3A_301 : i32
      %get3A_303 = arith.index_cast %mul3A_302 : i32 to index
      %get3A_304 = tpu.vector_load %arg9[%get3A_303] {strides = array<i32>} : memref<2064xi32, #tpu.memory_space<vmem>>, vector<16xi32>,
      %jit3A_305 = arith.constant -1.000000e+30 : f32
      %broadcast_in_dim3A_306 = vector.broadcast %jit3A_305 : f32 to vector<16xf32>
      %select_n3A = arith.select %lt3A_296, %get3A_300, %broadcast_in_dim3A_306 : vector<16xi1>, vector<16xf32>
      %mul3A_307 = arith.constant 16 : i32
      %mul3A_308 = arith.muli %scan3A_290, %mul3A_307 : i32
      %swap3A_309 = arith.index_cast %mul3A_308 : i32 to index
      %swap3A_310 = tpu.vector_load %arg8[%swap3A_309] {strides = array<i32>} : memref<2064xf32, #tpu.memory_space<vmem>>, vector<16xf32>,
      tpu.vector_store %arg8[%swap3A_309], %select_n3A {strides = array<i32>} : memref<2064xf32, #tpu.memory_space<vmem>>, vector<16xf32>,
      %add3A_311 = arith.constant 2 : i32
      %add3A_312 = arith.addi %add3A_311, %arg0 : i32
      %mul3A_313 = arith.constant 512 : i32
      %mul3A_314 = arith.muli %add3A_312, %mul3A_313 : i32
      %add3A_315 = arith.constant 100000 : i32
      %add3A_316 = arith.addi %add3A_315, %mul3A_314 : i32
      %add3A_317 = vector.broadcast %add3A_316 : i32 to vector<16xi32>
      %add3A_318 = arith.addi %add3A_317, %add3A_295 : vector<16xi32>
      %select_n3A_319 = arith.select %lt3A_296, %get3A_304, %add3A_318 : vector<16xi1>, vector<16xi32>
      %mul3A_320 = arith.constant 16 : i32
      %mul3A_321 = arith.muli %scan3A_290, %mul3A_320 : i32
      %swap3A_322 = arith.index_cast %mul3A_321 : i32 to index
      %swap3A_323 = tpu.vector_load %arg9[%swap3A_322] {strides = array<i32>} : memref<2064xi32, #tpu.memory_space<vmem>>, vector<16xi32>,
      tpu.vector_store %arg9[%swap3A_322], %select_n3A_319 {strides = array<i32>} : memref<2064xi32, #tpu.memory_space<vmem>>, vector<16xi32>,
      %scan3A_324 = arith.constant 0 : i32
      scf.yield %scan3A_324 : i32
    }
    %scan3A_284 = arith.constant 32 : i32
    %mul3A_285 = arith.constant 2 : i32
    %mul3A_286 = arith.muli %arg1, %mul3A_285 : i32
    %add3A_287 = arith.addi %mul3A_286, %arg0 : i32
    %mul3A_288 = arith.constant 512 : i32
    %mul3A_289 = arith.muli %add3A_287, %mul3A_288 : i32
    "tpu.region"() ({
      %run_scoped3A = tpu.sem_alloc : memref<!tpu.dma_semaphore, #tpu.memory_space<semaphore_mem>>
      %dma_start3A = arith.constant 0 : i32
      %dma_start3A_290 = tpu.memref_slice %arg8[%dma_start3A] : memref<2064xf32, #tpu.memory_space<vmem>> -> memref<512xf32, #tpu.memory_space<vmem>>
      %dma_start3A_291 = tpu.memref_slice %arg4[%mul3A_289] : memref<16384xf32, #tpu.memory_space<hbm>> -> memref<512xf32, #tpu.memory_space<hbm>>
      %dma_start3A_292 = tpu.memref_slice %arg4[%mul3A_289] : memref<16384xf32, #tpu.memory_space<hbm>> -> memref<512xf32, #tpu.memory_space<hbm>>
      %dma_start3A_293 = arith.constant 0 : i32
      %dma_start3A_294 = tpu.memref_slice %arg8[%dma_start3A_293] : memref<2064xf32, #tpu.memory_space<vmem>> -> memref<512xf32, #tpu.memory_space<vmem>>
      tpu.enqueue_dma source(%dma_start3A_294 : memref<512xf32, #tpu.memory_space<vmem>>) target(%dma_start3A_292 : memref<512xf32, #tpu.memory_space<hbm>>) target_semaphore(%run_scoped3A : memref<!tpu.dma_semaphore, #tpu.memory_space<semaphore_mem>>)
      %dma_wait3A = arith.constant 0 : i32
      %dma_wait3A_295 = tpu.memref_slice %arg8[%dma_wait3A] : memref<2064xf32, #tpu.memory_space<vmem>> -> memref<512xf32, #tpu.memory_space<vmem>>
      %dma_wait3A_296 = tpu.memref_slice %arg4[%mul3A_289] : memref<16384xf32, #tpu.memory_space<hbm>> -> memref<512xf32, #tpu.memory_space<hbm>>
      %dma_wait3A_297 = tpu.memref_slice %arg4[%mul3A_289] : memref<16384xf32, #tpu.memory_space<hbm>> -> memref<512xf32, #tpu.memory_space<hbm>>
      %dma_wait3A_298 = arith.constant 0 : i32
      %dma_wait3A_299 = tpu.memref_slice %arg8[%dma_wait3A_298] : memref<2064xf32, #tpu.memory_space<vmem>> -> memref<512xf32, #tpu.memory_space<vmem>>
      tpu.wait_dma2 semaphore(%run_scoped3A : memref<!tpu.dma_semaphore, #tpu.memory_space<semaphore_mem>>) src(%dma_wait3A_299 : memref<512xf32, #tpu.memory_space<vmem>>) dst(%dma_wait3A_297 : memref<512xf32, #tpu.memory_space<hbm>>)
      tpu.yield
    }) : () -> ()
    "tpu.region"() ({
      %run_scoped3A = tpu.sem_alloc : memref<!tpu.dma_semaphore, #tpu.memory_space<semaphore_mem>>
      %dma_start3A = arith.constant 0 : i32
      %dma_start3A_290 = tpu.memref_slice %arg9[%dma_start3A] : memref<2064xi32, #tpu.memory_space<vmem>> -> memref<512xi32, #tpu.memory_space<vmem>>
      %dma_start3A_291 = tpu.memref_slice %arg5[%mul3A_289] : memref<16384xi32, #tpu.memory_space<hbm>> -> memref<512xi32, #tpu.memory_space<hbm>>
      %dma_start3A_292 = tpu.memref_slice %arg5[%mul3A_289] : memref<16384xi32, #tpu.memory_space<hbm>> -> memref<512xi32, #tpu.memory_space<hbm>>
      %dma_start3A_293 = arith.constant 0 : i32
      %dma_start3A_294 = tpu.memref_slice %arg9[%dma_start3A_293] : memref<2064xi32, #tpu.memory_space<vmem>> -> memref<512xi32, #tpu.memory_space<vmem>>
      tpu.enqueue_dma source(%dma_start3A_294 : memref<512xi32, #tpu.memory_space<vmem>>) target(%dma_start3A_292 : memref<512xi32, #tpu.memory_space<hbm>>) target_semaphore(%run_scoped3A : memref<!tpu.dma_semaphore, #tpu.memory_space<semaphore_mem>>)
      %dma_wait3A = arith.constant 0 : i32
      %dma_wait3A_295 = tpu.memref_slice %arg9[%dma_wait3A] : memref<2064xi32, #tpu.memory_space<vmem>> -> memref<512xi32, #tpu.memory_space<vmem>>
      %dma_wait3A_296 = tpu.memref_slice %arg5[%mul3A_289] : memref<16384xi32, #tpu.memory_space<hbm>> -> memref<512xi32, #tpu.memory_space<hbm>>
      %dma_wait3A_297 = tpu.memref_slice %arg5[%mul3A_289] : memref<16384xi32, #tpu.memory_space<hbm>> -> memref<512xi32, #tpu.memory_space<hbm>>
      %dma_wait3A_298 = arith.constant 0 : i32
      %dma_wait3A_299 = tpu.memref_slice %arg9[%dma_wait3A_298] : memref<2064xi32, #tpu.memory_space<vmem>> -> memref<512xi32, #tpu.memory_space<vmem>>
      tpu.wait_dma2 semaphore(%run_scoped3A : memref<!tpu.dma_semaphore, #tpu.memory_space<semaphore_mem>>) src(%dma_wait3A_299 : memref<512xi32, #tpu.memory_space<vmem>>) dst(%dma_wait3A_297 : memref<512xi32, #tpu.memory_space<hbm>>)
      tpu.yield
    }) : () -> ()
    return
  }
}

module attributes {stable_mosaic.version = 14 : i64} {
  func.func @_matmul_body(%arg0: i32, %arg1: memref<16x1024xf32, #tpu.memory_space<vmem>>, %arg2: memref<1024xf32, #tpu.memory_space<vmem>>, %arg3: memref<1024xf32, #tpu.memory_space<vmem>>, %arg4: memref<3584x1024xf32, #tpu.memory_space<vmem>>, %arg5: memref<16x3584xf32, #tpu.memory_space<vmem>>) attributes {dimension_semantics = [#tpu.dimension_semantics<arbitrary>], iteration_bounds = array<i64: 14>, scalar_prefetch = 0 : i64, scratch_operands = 0 : i64, tpu.core_type = #tpu.core_type<tc>, window_params = [{pipeline_mode = #tpu.pipeline_mode<synchronous>, transform_indices = @transform_0, window_bounds = array<i64: 16, 1024>}, {pipeline_mode = #tpu.pipeline_mode<synchronous>, transform_indices = @transform_1, window_bounds = array<i64: 1024>}, {pipeline_mode = #tpu.pipeline_mode<synchronous>, transform_indices = @transform_2, window_bounds = array<i64: 1024>}, {transform_indices = @transform_3, window_bounds = array<i64: 3584, 1024>}, {transform_indices = @transform_4, window_bounds = array<i64: 16, 3584>}]} {
    %get3A = arith.constant 0 : index
    %get3A_0 = arith.constant 0 : index
    %get3A_1 = vector.load %arg1[%get3A, %get3A_0] : memref<16x1024xf32, #tpu.memory_space<vmem>>, vector<16x1024xf32>
    %reduce_sum3A = arith.constant dense<0.000000e+00> : vector<16xf32>
    %reduce_sum3A_2 = vector.multi_reduction <add>, %get3A_1, %reduce_sum3A [1] : vector<16x1024xf32> to vector<16xf32>
    %broadcast_in_dim3A = vector.shape_cast %reduce_sum3A_2 : vector<16xf32> to vector<16x1xf32>
    %div3A = arith.constant 1.024000e+03 : f32
    %div3A_3 = vector.broadcast %div3A : f32 to vector<16x1xf32>
    %div3A_4 = arith.divf %broadcast_in_dim3A, %div3A_3 : vector<16x1xf32>
    %sub3A = vector.broadcast %div3A_4 : vector<16x1xf32> to vector<16x1024xf32>
    %sub3A_5 = arith.subf %get3A_1, %sub3A : vector<16x1024xf32>
    %integer_pow3A = arith.mulf %sub3A_5, %sub3A_5 : vector<16x1024xf32>
    %reduce_sum3A_6 = arith.constant dense<0.000000e+00> : vector<16xf32>
    %reduce_sum3A_7 = vector.multi_reduction <add>, %integer_pow3A, %reduce_sum3A_6 [1] : vector<16x1024xf32> to vector<16xf32>
    %broadcast_in_dim3A_8 = vector.shape_cast %reduce_sum3A_7 : vector<16xf32> to vector<16x1xf32>
    %div3A_9 = arith.constant 1.024000e+03 : f32
    %div3A_10 = vector.broadcast %div3A_9 : f32 to vector<16x1xf32>
    %div3A_11 = arith.divf %broadcast_in_dim3A_8, %div3A_10 : vector<16x1xf32>
    %sub3A_12 = vector.broadcast %div3A_4 : vector<16x1xf32> to vector<16x1024xf32>
    %sub3A_13 = arith.subf %get3A_1, %sub3A_12 : vector<16x1024xf32>
    %add3A = arith.constant 9.99999974E-6 : f32
    %add3A_14 = vector.broadcast %add3A : f32 to vector<16x1xf32>
    %add3A_15 = arith.addf %div3A_11, %add3A_14 : vector<16x1xf32>
    %rsqrt3A = math.rsqrt %add3A_15 : vector<16x1xf32>
    %mul3A = vector.broadcast %rsqrt3A : vector<16x1xf32> to vector<16x1024xf32>
    %mul3A_16 = arith.mulf %sub3A_13, %mul3A : vector<16x1024xf32>
    %get3A_17 = arith.constant 0 : index
    %get3A_18 = vector.load %arg2[%get3A_17] : memref<1024xf32, #tpu.memory_space<vmem>>, vector<1024xf32>
    %broadcast_in_dim3A_19 = vector.shape_cast %get3A_18 : vector<1024xf32> to vector<1x1024xf32>
    %mul3A_20 = vector.broadcast %broadcast_in_dim3A_19 : vector<1x1024xf32> to vector<16x1024xf32>
    %mul3A_21 = arith.mulf %mul3A_16, %mul3A_20 : vector<16x1024xf32>
    %get3A_22 = arith.constant 0 : index
    %get3A_23 = vector.load %arg3[%get3A_22] : memref<1024xf32, #tpu.memory_space<vmem>>, vector<1024xf32>
    %broadcast_in_dim3A_24 = vector.shape_cast %get3A_23 : vector<1024xf32> to vector<1x1024xf32>
    %add3A_25 = vector.broadcast %broadcast_in_dim3A_24 : vector<1x1024xf32> to vector<16x1024xf32>
    %add3A_26 = arith.addf %mul3A_21, %add3A_25 : vector<16x1024xf32>
    %get3A_27 = arith.constant 0 : index
    %get3A_28 = arith.constant 0 : index
    %get3A_29 = vector.load %arg4[%get3A_27, %get3A_28] : memref<3584x1024xf32, #tpu.memory_space<vmem>>, vector<3584x1024xf32>
    %dot_general3A = arith.constant dense<0.000000e+00> : vector<16x3584xf32>
    %dot_general3A_30 = tpu.matmul %add3A_26, %get3A_29, %dot_general3A {dimension_numbers = #tpu.dot_dimension_numbers<[1], [1], [0], [0], [0, 0, 1, 0], [], []>, transpose_lhs_hint = false} : vector<16x1024xf32>, vector<3584x1024xf32>, vector<16x3584xf32> -> vector<16x3584xf32>
    %swap3A = arith.constant 0 : index
    %swap3A_31 = arith.constant 0 : index
    %swap3A_32 = vector.load %arg5[%swap3A, %swap3A_31] : memref<16x3584xf32, #tpu.memory_space<vmem>>, vector<16x3584xf32>
    tpu.vector_store %arg5[%swap3A, %swap3A_31], %dot_general3A_30 {strides = array<i32>} : memref<16x3584xf32, #tpu.memory_space<vmem>>, vector<16x3584xf32>,
    return
  }
  func.func @transform_0(%arg0: i32) -> (i32, i32) {
    %c0_i32 = arith.constant 0 : i32
    %c0_i32_0 = arith.constant 0 : i32
    %c0_i32_1 = arith.constant 0 : i32
    return %c0_i32, %c0_i32_0 : i32, i32
  }
  func.func @transform_1(%arg0: i32) -> i32 {
    %c0_i32 = arith.constant 0 : i32
    %c0_i32_0 = arith.constant 0 : i32
    return %c0_i32 : i32
  }
  func.func @transform_2(%arg0: i32) -> i32 {
    %c0_i32 = arith.constant 0 : i32
    %c0_i32_0 = arith.constant 0 : i32
    return %c0_i32 : i32
  }
  func.func @transform_3(%arg0: i32) -> (i32, i32) {
    %add3A = arith.constant 14 : i32
    %add3A_0 = arith.addi %arg0, %add3A : i32
    %c0_i32 = arith.constant 0 : i32
    %c0_i32_1 = arith.constant 0 : i32
    return %add3A_0, %c0_i32 : i32, i32
  }
  func.func @transform_4(%arg0: i32) -> (i32, i32) {
    %c0_i32 = arith.constant 0 : i32
    %c0_i32_0 = arith.constant 0 : i32
    return %c0_i32, %arg0 : i32, i32
  }
}

module attributes {stable_mosaic.version = 14 : i64} {
  func.func @_matmul_body(%arg0: i32, %arg1: memref<16x1024xf32, #tpu.memory_space<vmem>>, %arg2: memref<1024xf32, #tpu.memory_space<vmem>>, %arg3: memref<1024xf32, #tpu.memory_space<vmem>>, %arg4: memref<3584x1024xf32, #tpu.memory_space<vmem>>, %arg5: memref<16x3584xf32, #tpu.memory_space<vmem>>) attributes {dimension_semantics = [#tpu.dimension_semantics<arbitrary>], iteration_bounds = array<i64: 14>, scalar_prefetch = 0 : i64, scratch_operands = 0 : i64, tpu.core_type = #tpu.core_type<tc>, window_params = [{pipeline_mode = #tpu.pipeline_mode<synchronous>, transform_indices = @transform_0, window_bounds = array<i64: 16, 1024>}, {pipeline_mode = #tpu.pipeline_mode<synchronous>, transform_indices = @transform_1, window_bounds = array<i64: 1024>}, {pipeline_mode = #tpu.pipeline_mode<synchronous>, transform_indices = @transform_2, window_bounds = array<i64: 1024>}, {transform_indices = @transform_3, window_bounds = array<i64: 3584, 1024>}, {transform_indices = @transform_4, window_bounds = array<i64: 16, 3584>}]} {
    %get3A = arith.constant 0 : index
    %get3A_0 = arith.constant 0 : index
    %get3A_1 = vector.load %arg1[%get3A, %get3A_0] : memref<16x1024xf32, #tpu.memory_space<vmem>>, vector<16x1024xf32>
    %reduce_sum3A = arith.constant dense<0.000000e+00> : vector<16xf32>
    %reduce_sum3A_2 = vector.multi_reduction <add>, %get3A_1, %reduce_sum3A [1] : vector<16x1024xf32> to vector<16xf32>
    %broadcast_in_dim3A = vector.shape_cast %reduce_sum3A_2 : vector<16xf32> to vector<16x1xf32>
    %div3A = arith.constant 1.024000e+03 : f32
    %div3A_3 = vector.broadcast %div3A : f32 to vector<16x1xf32>
    %div3A_4 = arith.divf %broadcast_in_dim3A, %div3A_3 : vector<16x1xf32>
    %sub3A = vector.broadcast %div3A_4 : vector<16x1xf32> to vector<16x1024xf32>
    %sub3A_5 = arith.subf %get3A_1, %sub3A : vector<16x1024xf32>
    %integer_pow3A = arith.mulf %sub3A_5, %sub3A_5 : vector<16x1024xf32>
    %reduce_sum3A_6 = arith.constant dense<0.000000e+00> : vector<16xf32>
    %reduce_sum3A_7 = vector.multi_reduction <add>, %integer_pow3A, %reduce_sum3A_6 [1] : vector<16x1024xf32> to vector<16xf32>
    %broadcast_in_dim3A_8 = vector.shape_cast %reduce_sum3A_7 : vector<16xf32> to vector<16x1xf32>
    %div3A_9 = arith.constant 1.024000e+03 : f32
    %div3A_10 = vector.broadcast %div3A_9 : f32 to vector<16x1xf32>
    %div3A_11 = arith.divf %broadcast_in_dim3A_8, %div3A_10 : vector<16x1xf32>
    %sub3A_12 = vector.broadcast %div3A_4 : vector<16x1xf32> to vector<16x1024xf32>
    %sub3A_13 = arith.subf %get3A_1, %sub3A_12 : vector<16x1024xf32>
    %add3A = arith.constant 9.99999974E-6 : f32
    %add3A_14 = vector.broadcast %add3A : f32 to vector<16x1xf32>
    %add3A_15 = arith.addf %div3A_11, %add3A_14 : vector<16x1xf32>
    %rsqrt3A = math.rsqrt %add3A_15 : vector<16x1xf32>
    %mul3A = vector.broadcast %rsqrt3A : vector<16x1xf32> to vector<16x1024xf32>
    %mul3A_16 = arith.mulf %sub3A_13, %mul3A : vector<16x1024xf32>
    %get3A_17 = arith.constant 0 : index
    %get3A_18 = vector.load %arg2[%get3A_17] : memref<1024xf32, #tpu.memory_space<vmem>>, vector<1024xf32>
    %broadcast_in_dim3A_19 = vector.shape_cast %get3A_18 : vector<1024xf32> to vector<1x1024xf32>
    %mul3A_20 = vector.broadcast %broadcast_in_dim3A_19 : vector<1x1024xf32> to vector<16x1024xf32>
    %mul3A_21 = arith.mulf %mul3A_16, %mul3A_20 : vector<16x1024xf32>
    %get3A_22 = arith.constant 0 : index
    %get3A_23 = vector.load %arg3[%get3A_22] : memref<1024xf32, #tpu.memory_space<vmem>>, vector<1024xf32>
    %broadcast_in_dim3A_24 = vector.shape_cast %get3A_23 : vector<1024xf32> to vector<1x1024xf32>
    %add3A_25 = vector.broadcast %broadcast_in_dim3A_24 : vector<1x1024xf32> to vector<16x1024xf32>
    %add3A_26 = arith.addf %mul3A_21, %add3A_25 : vector<16x1024xf32>
    %get3A_27 = arith.constant 0 : index
    %get3A_28 = arith.constant 0 : index
    %get3A_29 = vector.load %arg4[%get3A_27, %get3A_28] : memref<3584x1024xf32, #tpu.memory_space<vmem>>, vector<3584x1024xf32>
    %dot_general3A = arith.constant dense<0.000000e+00> : vector<16x3584xf32>
    %dot_general3A_30 = tpu.matmul %add3A_26, %get3A_29, %dot_general3A {dimension_numbers = #tpu.dot_dimension_numbers<[1], [1], [0], [0], [0, 0, 1, 0], [], []>, transpose_lhs_hint = false} : vector<16x1024xf32>, vector<3584x1024xf32>, vector<16x3584xf32> -> vector<16x3584xf32>
    %swap3A = arith.constant 0 : index
    %swap3A_31 = arith.constant 0 : index
    %swap3A_32 = vector.load %arg5[%swap3A, %swap3A_31] : memref<16x3584xf32, #tpu.memory_space<vmem>>, vector<16x3584xf32>
    tpu.vector_store %arg5[%swap3A, %swap3A_31], %dot_general3A_30 {strides = array<i32>} : memref<16x3584xf32, #tpu.memory_space<vmem>>, vector<16x3584xf32>,
    return
  }
  func.func @transform_0(%arg0: i32) -> (i32, i32) {
    %c0_i32 = arith.constant 0 : i32
    %c0_i32_0 = arith.constant 0 : i32
    %c0_i32_1 = arith.constant 0 : i32
    return %c0_i32, %c0_i32_0 : i32, i32
  }
  func.func @transform_1(%arg0: i32) -> i32 {
    %c0_i32 = arith.constant 0 : i32
    %c0_i32_0 = arith.constant 0 : i32
    return %c0_i32 : i32
  }
  func.func @transform_2(%arg0: i32) -> i32 {
    %c0_i32 = arith.constant 0 : i32
    %c0_i32_0 = arith.constant 0 : i32
    return %c0_i32 : i32
  }
  func.func @transform_3(%arg0: i32) -> (i32, i32) {
    %add3A = arith.constant 0 : i32
    %add3A_0 = arith.addi %arg0, %add3A : i32
    %c0_i32 = arith.constant 0 : i32
    %c0_i32_1 = arith.constant 0 : i32
    return %add3A_0, %c0_i32 : i32, i32
  }
  func.func @transform_4(%arg0: i32) -> (i32, i32) {
    %c0_i32 = arith.constant 0 : i32
    %c0_i32_0 = arith.constant 0 : i32
    return %c0_i32, %arg0 : i32, i32
  }
}

module attributes {stable_mosaic.version = 14 : i64} {
  func.func @_merge_body(%arg0: memref<16x1024xf32, #tpu.memory_space<vmem>>, %arg1: memref<16x1024xi32, #tpu.memory_space<vmem>>, %arg2: memref<16x1024xf32, #tpu.memory_space<vmem>>, %arg3: memref<16x1024xi32, #tpu.memory_space<vmem>>, %arg4: memref<16x512xf32, #tpu.memory_space<vmem>>, %arg5: memref<16x512xf32, #tpu.memory_space<vmem>>, %arg6: memref<16x256xi32, #tpu.memory_space<vmem>>, %arg7: memref<1x1xf32, #tpu.memory_space<vmem>>, %arg8: memref<1x1xf32, #tpu.memory_space<vmem>>, %arg9: memref<1x1xf32, #tpu.memory_space<vmem>>, %arg10: memref<16x50xf32, #tpu.memory_space<vmem>>, %arg11: memref<16x50xi32, #tpu.memory_space<vmem>>) attributes {dimension_semantics = [], scalar_prefetch = 0 : i64, scratch_operands = 0 : i64, tpu.core_type = #tpu.core_type<tc>} {
    %get3A = arith.constant 0 : index
    %get3A_0 = arith.constant 0 : index
    %get3A_1 = vector.load %arg6[%get3A, %get3A_0] : memref<16x256xi32, #tpu.memory_space<vmem>>, vector<16x256xi32>
    %iota3A = tpu.iota {dimensions = array<i32: 1>} : vector<16x256xi32>
    %lt3A = arith.constant 200 : i32
    %lt3A_2 = vector.broadcast %lt3A : i32 to vector<16x256xi32>
    %lt3A_3 = arith.cmpi slt, %iota3A, %lt3A_2 : vector<16x256xi32>
    %get3A_4 = arith.constant 0 : index
    %get3A_5 = arith.constant 0 : index
    %get3A_6 = vector.load %arg4[%get3A_4, %get3A_5] : memref<16x512xf32, #tpu.memory_space<vmem>>, vector<16x512xf32>
    %get3A_7 = arith.constant 0 : index
    %get3A_8 = arith.constant 0 : index
    %get3A_9 = vector.load %arg5[%get3A_7, %get3A_8] : memref<16x512xf32, #tpu.memory_space<vmem>>, vector<16x512xf32>
    %lt3A_10 = arith.constant 50176 : i32
    %lt3A_11 = vector.broadcast %lt3A_10 : i32 to vector<16x256xi32>
    %lt3A_12 = arith.cmpi slt, %get3A_1, %lt3A_11 : vector<16x256xi32>
    %lt3A_13 = arith.constant 25088 : i32
    %lt3A_14 = vector.broadcast %lt3A_13 : i32 to vector<16x256xi32>
    %lt3A_15 = arith.cmpi slt, %get3A_1, %lt3A_14 : vector<16x256xi32>
    %slice3A = vector.extract_strided_slice %get3A_6 {offsets = [0, 0], sizes = [16, 256], strides = [1, 1]} : vector<16x512xf32> to vector<16x256xf32>
    %slice3A_16 = vector.extract_strided_slice %get3A_6 {offsets = [0, 256], sizes = [16, 256], strides = [1, 1]} : vector<16x512xf32> to vector<16x256xf32>
    %select_n3A = arith.select %lt3A_15, %slice3A, %slice3A_16 : vector<16x256xi1>, vector<16x256xf32>
    %lt3A_17 = arith.constant 75088 : i32
    %lt3A_18 = vector.broadcast %lt3A_17 : i32 to vector<16x256xi32>
    %lt3A_19 = arith.cmpi slt, %get3A_1, %lt3A_18 : vector<16x256xi32>
    %slice3A_20 = vector.extract_strided_slice %get3A_9 {offsets = [0, 0], sizes = [16, 256], strides = [1, 1]} : vector<16x512xf32> to vector<16x256xf32>
    %slice3A_21 = vector.extract_strided_slice %get3A_9 {offsets = [0, 256], sizes = [16, 256], strides = [1, 1]} : vector<16x512xf32> to vector<16x256xf32>
    %select_n3A_22 = arith.select %lt3A_19, %slice3A_20, %slice3A_21 : vector<16x256xi1>, vector<16x256xf32>
    %select_n3A_23 = arith.select %lt3A_12, %select_n3A, %select_n3A_22 : vector<16x256xi1>, vector<16x256xf32>
    %get3A_24 = arith.constant 0 : index
    %get3A_25 = arith.constant 0 : index
    %get3A_26 = vector.load %arg9[%get3A_24, %get3A_25] : memref<1x1xf32, #tpu.memory_space<vmem>>, vector<1x1xf32>
    %get3A_27 = vector.extract %get3A_26[0, 0] : f32 from vector<1x1xf32>
    %lt3A_28 = arith.constant 0.000000e+00 : f32
    %lt3A_29 = vector.broadcast %lt3A_28 : f32 to vector<16x256xf32>
    %lt3A_30 = arith.cmpf olt, %select_n3A_23, %lt3A_29 : vector<16x256xf32>
    %mul3A = vector.broadcast %get3A_27 : f32 to vector<16x256xf32>
    %mul3A_31 = arith.mulf %select_n3A_23, %mul3A : vector<16x256xf32>
    %div3A = vector.broadcast %get3A_27 : f32 to vector<16x256xf32>
    %div3A_32 = arith.divf %select_n3A_23, %div3A : vector<16x256xf32>
    %select_n3A_33 = arith.select %lt3A_30, %mul3A_31, %div3A_32 : vector<16x256xi1>, vector<16x256xf32>
    %not3A = arith.constant dense<true> : vector<16x256xi1>
    %not3A_34 = arith.xori %lt3A_3, %not3A : vector<16x256xi1>
    %slice3A_35 = vector.extract_strided_slice %get3A_1 {offsets = [0, 0], sizes = [16, 1], strides = [1, 1]} : vector<16x256xi32> to vector<16x1xi32>
    %eq3A = vector.broadcast %slice3A_35 : vector<16x1xi32> to vector<16x256xi32>
    %eq3A_36 = arith.cmpi eq, %get3A_1, %eq3A : vector<16x256xi32>
    %gt3A = arith.constant 0 : i32
    %gt3A_37 = vector.broadcast %gt3A : i32 to vector<16x256xi32>
    %gt3A_38 = arith.cmpi sgt, %iota3A, %gt3A_37 : vector<16x256xi32>
    %and3A = arith.andi %eq3A_36, %gt3A_38 : vector<16x256xi1>
    %or3A = arith.ori %not3A_34, %and3A : vector<16x256xi1>
    %slice3A_39 = vector.extract_strided_slice %get3A_1 {offsets = [0, 1], sizes = [16, 1], strides = [1, 1]} : vector<16x256xi32> to vector<16x1xi32>
    %eq3A_40 = vector.broadcast %slice3A_39 : vector<16x1xi32> to vector<16x256xi32>
    %eq3A_41 = arith.cmpi eq, %get3A_1, %eq3A_40 : vector<16x256xi32>
    %gt3A_42 = arith.constant 1 : i32
    %gt3A_43 = vector.broadcast %gt3A_42 : i32 to vector<16x256xi32>
    %gt3A_44 = arith.cmpi sgt, %iota3A, %gt3A_43 : vector<16x256xi32>
    %and3A_45 = arith.andi %eq3A_41, %gt3A_44 : vector<16x256xi1>
    %or3A_46 = arith.ori %or3A, %and3A_45 : vector<16x256xi1>
    %slice3A_47 = vector.extract_strided_slice %get3A_1 {offsets = [0, 2], sizes = [16, 1], strides = [1, 1]} : vector<16x256xi32> to vector<16x1xi32>
    %eq3A_48 = vector.broadcast %slice3A_47 : vector<16x1xi32> to vector<16x256xi32>
    %eq3A_49 = arith.cmpi eq, %get3A_1, %eq3A_48 : vector<16x256xi32>
    %gt3A_50 = arith.constant 2 : i32
    %gt3A_51 = vector.broadcast %gt3A_50 : i32 to vector<16x256xi32>
    %gt3A_52 = arith.cmpi sgt, %iota3A, %gt3A_51 : vector<16x256xi32>
    %and3A_53 = arith.andi %eq3A_49, %gt3A_52 : vector<16x256xi1>
    %or3A_54 = arith.ori %or3A_46, %and3A_53 : vector<16x256xi1>
    %slice3A_55 = vector.extract_strided_slice %get3A_1 {offsets = [0, 3], sizes = [16, 1], strides = [1, 1]} : vector<16x256xi32> to vector<16x1xi32>
    %eq3A_56 = vector.broadcast %slice3A_55 : vector<16x1xi32> to vector<16x256xi32>
    %eq3A_57 = arith.cmpi eq, %get3A_1, %eq3A_56 : vector<16x256xi32>
    %gt3A_58 = arith.constant 3 : i32
    %gt3A_59 = vector.broadcast %gt3A_58 : i32 to vector<16x256xi32>
    %gt3A_60 = arith.cmpi sgt, %iota3A, %gt3A_59 : vector<16x256xi32>
    %and3A_61 = arith.andi %eq3A_57, %gt3A_60 : vector<16x256xi1>
    %or3A_62 = arith.ori %or3A_54, %and3A_61 : vector<16x256xi1>
    %slice3A_63 = vector.extract_strided_slice %get3A_1 {offsets = [0, 4], sizes = [16, 1], strides = [1, 1]} : vector<16x256xi32> to vector<16x1xi32>
    %eq3A_64 = vector.broadcast %slice3A_63 : vector<16x1xi32> to vector<16x256xi32>
    %eq3A_65 = arith.cmpi eq, %get3A_1, %eq3A_64 : vector<16x256xi32>
    %gt3A_66 = arith.constant 4 : i32
    %gt3A_67 = vector.broadcast %gt3A_66 : i32 to vector<16x256xi32>
    %gt3A_68 = arith.cmpi sgt, %iota3A, %gt3A_67 : vector<16x256xi32>
    %and3A_69 = arith.andi %eq3A_65, %gt3A_68 : vector<16x256xi1>
    %or3A_70 = arith.ori %or3A_62, %and3A_69 : vector<16x256xi1>
    %slice3A_71 = vector.extract_strided_slice %get3A_1 {offsets = [0, 5], sizes = [16, 1], strides = [1, 1]} : vector<16x256xi32> to vector<16x1xi32>
    %eq3A_72 = vector.broadcast %slice3A_71 : vector<16x1xi32> to vector<16x256xi32>
    %eq3A_73 = arith.cmpi eq, %get3A_1, %eq3A_72 : vector<16x256xi32>
    %gt3A_74 = arith.constant 5 : i32
    %gt3A_75 = vector.broadcast %gt3A_74 : i32 to vector<16x256xi32>
    %gt3A_76 = arith.cmpi sgt, %iota3A, %gt3A_75 : vector<16x256xi32>
    %and3A_77 = arith.andi %eq3A_73, %gt3A_76 : vector<16x256xi1>
    %or3A_78 = arith.ori %or3A_70, %and3A_77 : vector<16x256xi1>
    %slice3A_79 = vector.extract_strided_slice %get3A_1 {offsets = [0, 6], sizes = [16, 1], strides = [1, 1]} : vector<16x256xi32> to vector<16x1xi32>
    %eq3A_80 = vector.broadcast %slice3A_79 : vector<16x1xi32> to vector<16x256xi32>
    %eq3A_81 = arith.cmpi eq, %get3A_1, %eq3A_80 : vector<16x256xi32>
    %gt3A_82 = arith.constant 6 : i32
    %gt3A_83 = vector.broadcast %gt3A_82 : i32 to vector<16x256xi32>
    %gt3A_84 = arith.cmpi sgt, %iota3A, %gt3A_83 : vector<16x256xi32>
    %and3A_85 = arith.andi %eq3A_81, %gt3A_84 : vector<16x256xi1>
    %or3A_86 = arith.ori %or3A_78, %and3A_85 : vector<16x256xi1>
    %slice3A_87 = vector.extract_strided_slice %get3A_1 {offsets = [0, 7], sizes = [16, 1], strides = [1, 1]} : vector<16x256xi32> to vector<16x1xi32>
    %eq3A_88 = vector.broadcast %slice3A_87 : vector<16x1xi32> to vector<16x256xi32>
    %eq3A_89 = arith.cmpi eq, %get3A_1, %eq3A_88 : vector<16x256xi32>
    %gt3A_90 = arith.constant 7 : i32
    %gt3A_91 = vector.broadcast %gt3A_90 : i32 to vector<16x256xi32>
    %gt3A_92 = arith.cmpi sgt, %iota3A, %gt3A_91 : vector<16x256xi32>
    %and3A_93 = arith.andi %eq3A_89, %gt3A_92 : vector<16x256xi1>
    %or3A_94 = arith.ori %or3A_86, %and3A_93 : vector<16x256xi1>
    %slice3A_95 = vector.extract_strided_slice %get3A_1 {offsets = [0, 8], sizes = [16, 1], strides = [1, 1]} : vector<16x256xi32> to vector<16x1xi32>
    %eq3A_96 = vector.broadcast %slice3A_95 : vector<16x1xi32> to vector<16x256xi32>
    %eq3A_97 = arith.cmpi eq, %get3A_1, %eq3A_96 : vector<16x256xi32>
    %gt3A_98 = arith.constant 8 : i32
    %gt3A_99 = vector.broadcast %gt3A_98 : i32 to vector<16x256xi32>
    %gt3A_100 = arith.cmpi sgt, %iota3A, %gt3A_99 : vector<16x256xi32>
    %and3A_101 = arith.andi %eq3A_97, %gt3A_100 : vector<16x256xi1>
    %or3A_102 = arith.ori %or3A_94, %and3A_101 : vector<16x256xi1>
    %slice3A_103 = vector.extract_strided_slice %get3A_1 {offsets = [0, 9], sizes = [16, 1], strides = [1, 1]} : vector<16x256xi32> to vector<16x1xi32>
    %eq3A_104 = vector.broadcast %slice3A_103 : vector<16x1xi32> to vector<16x256xi32>
    %eq3A_105 = arith.cmpi eq, %get3A_1, %eq3A_104 : vector<16x256xi32>
    %gt3A_106 = arith.constant 9 : i32
    %gt3A_107 = vector.broadcast %gt3A_106 : i32 to vector<16x256xi32>
    %gt3A_108 = arith.cmpi sgt, %iota3A, %gt3A_107 : vector<16x256xi32>
    %and3A_109 = arith.andi %eq3A_105, %gt3A_108 : vector<16x256xi1>
    %or3A_110 = arith.ori %or3A_102, %and3A_109 : vector<16x256xi1>
    %slice3A_111 = vector.extract_strided_slice %get3A_1 {offsets = [0, 10], sizes = [16, 1], strides = [1, 1]} : vector<16x256xi32> to vector<16x1xi32>
    %eq3A_112 = vector.broadcast %slice3A_111 : vector<16x1xi32> to vector<16x256xi32>
    %eq3A_113 = arith.cmpi eq, %get3A_1, %eq3A_112 : vector<16x256xi32>
    %gt3A_114 = arith.constant 10 : i32
    %gt3A_115 = vector.broadcast %gt3A_114 : i32 to vector<16x256xi32>
    %gt3A_116 = arith.cmpi sgt, %iota3A, %gt3A_115 : vector<16x256xi32>
    %and3A_117 = arith.andi %eq3A_113, %gt3A_116 : vector<16x256xi1>
    %or3A_118 = arith.ori %or3A_110, %and3A_117 : vector<16x256xi1>
    %slice3A_119 = vector.extract_strided_slice %get3A_1 {offsets = [0, 11], sizes = [16, 1], strides = [1, 1]} : vector<16x256xi32> to vector<16x1xi32>
    %eq3A_120 = vector.broadcast %slice3A_119 : vector<16x1xi32> to vector<16x256xi32>
    %eq3A_121 = arith.cmpi eq, %get3A_1, %eq3A_120 : vector<16x256xi32>
    %gt3A_122 = arith.constant 11 : i32
    %gt3A_123 = vector.broadcast %gt3A_122 : i32 to vector<16x256xi32>
    %gt3A_124 = arith.cmpi sgt, %iota3A, %gt3A_123 : vector<16x256xi32>
    %and3A_125 = arith.andi %eq3A_121, %gt3A_124 : vector<16x256xi1>
    %or3A_126 = arith.ori %or3A_118, %and3A_125 : vector<16x256xi1>
    %slice3A_127 = vector.extract_strided_slice %get3A_1 {offsets = [0, 12], sizes = [16, 1], strides = [1, 1]} : vector<16x256xi32> to vector<16x1xi32>
    %eq3A_128 = vector.broadcast %slice3A_127 : vector<16x1xi32> to vector<16x256xi32>
    %eq3A_129 = arith.cmpi eq, %get3A_1, %eq3A_128 : vector<16x256xi32>
    %gt3A_130 = arith.constant 12 : i32
    %gt3A_131 = vector.broadcast %gt3A_130 : i32 to vector<16x256xi32>
    %gt3A_132 = arith.cmpi sgt, %iota3A, %gt3A_131 : vector<16x256xi32>
    %and3A_133 = arith.andi %eq3A_129, %gt3A_132 : vector<16x256xi1>
    %or3A_134 = arith.ori %or3A_126, %and3A_133 : vector<16x256xi1>
    %slice3A_135 = vector.extract_strided_slice %get3A_1 {offsets = [0, 13], sizes = [16, 1], strides = [1, 1]} : vector<16x256xi32> to vector<16x1xi32>
    %eq3A_136 = vector.broadcast %slice3A_135 : vector<16x1xi32> to vector<16x256xi32>
    %eq3A_137 = arith.cmpi eq, %get3A_1, %eq3A_136 : vector<16x256xi32>
    %gt3A_138 = arith.constant 13 : i32
    %gt3A_139 = vector.broadcast %gt3A_138 : i32 to vector<16x256xi32>
    %gt3A_140 = arith.cmpi sgt, %iota3A, %gt3A_139 : vector<16x256xi32>
    %and3A_141 = arith.andi %eq3A_137, %gt3A_140 : vector<16x256xi1>
    %or3A_142 = arith.ori %or3A_134, %and3A_141 : vector<16x256xi1>
    %slice3A_143 = vector.extract_strided_slice %get3A_1 {offsets = [0, 14], sizes = [16, 1], strides = [1, 1]} : vector<16x256xi32> to vector<16x1xi32>
    %eq3A_144 = vector.broadcast %slice3A_143 : vector<16x1xi32> to vector<16x256xi32>
    %eq3A_145 = arith.cmpi eq, %get3A_1, %eq3A_144 : vector<16x256xi32>
    %gt3A_146 = arith.constant 14 : i32
    %gt3A_147 = vector.broadcast %gt3A_146 : i32 to vector<16x256xi32>
    %gt3A_148 = arith.cmpi sgt, %iota3A, %gt3A_147 : vector<16x256xi32>
    %and3A_149 = arith.andi %eq3A_145, %gt3A_148 : vector<16x256xi1>
    %or3A_150 = arith.ori %or3A_142, %and3A_149 : vector<16x256xi1>
    %slice3A_151 = vector.extract_strided_slice %get3A_1 {offsets = [0, 15], sizes = [16, 1], strides = [1, 1]} : vector<16x256xi32> to vector<16x1xi32>
    %eq3A_152 = vector.broadcast %slice3A_151 : vector<16x1xi32> to vector<16x256xi32>
    %eq3A_153 = arith.cmpi eq, %get3A_1, %eq3A_152 : vector<16x256xi32>
    %gt3A_154 = arith.constant 15 : i32
    %gt3A_155 = vector.broadcast %gt3A_154 : i32 to vector<16x256xi32>
    %gt3A_156 = arith.cmpi sgt, %iota3A, %gt3A_155 : vector<16x256xi32>
    %and3A_157 = arith.andi %eq3A_153, %gt3A_156 : vector<16x256xi1>
    %or3A_158 = arith.ori %or3A_150, %and3A_157 : vector<16x256xi1>
    %slice3A_159 = vector.extract_strided_slice %get3A_1 {offsets = [0, 16], sizes = [16, 1], strides = [1, 1]} : vector<16x256xi32> to vector<16x1xi32>
    %eq3A_160 = vector.broadcast %slice3A_159 : vector<16x1xi32> to vector<16x256xi32>
    %eq3A_161 = arith.cmpi eq, %get3A_1, %eq3A_160 : vector<16x256xi32>
    %gt3A_162 = arith.constant 16 : i32
    %gt3A_163 = vector.broadcast %gt3A_162 : i32 to vector<16x256xi32>
    %gt3A_164 = arith.cmpi sgt, %iota3A, %gt3A_163 : vector<16x256xi32>
    %and3A_165 = arith.andi %eq3A_161, %gt3A_164 : vector<16x256xi1>
    %or3A_166 = arith.ori %or3A_158, %and3A_165 : vector<16x256xi1>
    %slice3A_167 = vector.extract_strided_slice %get3A_1 {offsets = [0, 17], sizes = [16, 1], strides = [1, 1]} : vector<16x256xi32> to vector<16x1xi32>
    %eq3A_168 = vector.broadcast %slice3A_167 : vector<16x1xi32> to vector<16x256xi32>
    %eq3A_169 = arith.cmpi eq, %get3A_1, %eq3A_168 : vector<16x256xi32>
    %gt3A_170 = arith.constant 17 : i32
    %gt3A_171 = vector.broadcast %gt3A_170 : i32 to vector<16x256xi32>
    %gt3A_172 = arith.cmpi sgt, %iota3A, %gt3A_171 : vector<16x256xi32>
    %and3A_173 = arith.andi %eq3A_169, %gt3A_172 : vector<16x256xi1>
    %or3A_174 = arith.ori %or3A_166, %and3A_173 : vector<16x256xi1>
    %slice3A_175 = vector.extract_strided_slice %get3A_1 {offsets = [0, 18], sizes = [16, 1], strides = [1, 1]} : vector<16x256xi32> to vector<16x1xi32>
    %eq3A_176 = vector.broadcast %slice3A_175 : vector<16x1xi32> to vector<16x256xi32>
    %eq3A_177 = arith.cmpi eq, %get3A_1, %eq3A_176 : vector<16x256xi32>
    %gt3A_178 = arith.constant 18 : i32
    %gt3A_179 = vector.broadcast %gt3A_178 : i32 to vector<16x256xi32>
    %gt3A_180 = arith.cmpi sgt, %iota3A, %gt3A_179 : vector<16x256xi32>
    %and3A_181 = arith.andi %eq3A_177, %gt3A_180 : vector<16x256xi1>
    %or3A_182 = arith.ori %or3A_174, %and3A_181 : vector<16x256xi1>
    %slice3A_183 = vector.extract_strided_slice %get3A_1 {offsets = [0, 19], sizes = [16, 1], strides = [1, 1]} : vector<16x256xi32> to vector<16x1xi32>
    %eq3A_184 = vector.broadcast %slice3A_183 : vector<16x1xi32> to vector<16x256xi32>
    %eq3A_185 = arith.cmpi eq, %get3A_1, %eq3A_184 : vector<16x256xi32>
    %gt3A_186 = arith.constant 19 : i32
    %gt3A_187 = vector.broadcast %gt3A_186 : i32 to vector<16x256xi32>
    %gt3A_188 = arith.cmpi sgt, %iota3A, %gt3A_187 : vector<16x256xi32>
    %and3A_189 = arith.andi %eq3A_185, %gt3A_188 : vector<16x256xi1>
    %or3A_190 = arith.ori %or3A_182, %and3A_189 : vector<16x256xi1>
    %slice3A_191 = vector.extract_strided_slice %get3A_1 {offsets = [0, 20], sizes = [16, 1], strides = [1, 1]} : vector<16x256xi32> to vector<16x1xi32>
    %eq3A_192 = vector.broadcast %slice3A_191 : vector<16x1xi32> to vector<16x256xi32>
    %eq3A_193 = arith.cmpi eq, %get3A_1, %eq3A_192 : vector<16x256xi32>
    %gt3A_194 = arith.constant 20 : i32
    %gt3A_195 = vector.broadcast %gt3A_194 : i32 to vector<16x256xi32>
    %gt3A_196 = arith.cmpi sgt, %iota3A, %gt3A_195 : vector<16x256xi32>
    %and3A_197 = arith.andi %eq3A_193, %gt3A_196 : vector<16x256xi1>
    %or3A_198 = arith.ori %or3A_190, %and3A_197 : vector<16x256xi1>
    %slice3A_199 = vector.extract_strided_slice %get3A_1 {offsets = [0, 21], sizes = [16, 1], strides = [1, 1]} : vector<16x256xi32> to vector<16x1xi32>
    %eq3A_200 = vector.broadcast %slice3A_199 : vector<16x1xi32> to vector<16x256xi32>
    %eq3A_201 = arith.cmpi eq, %get3A_1, %eq3A_200 : vector<16x256xi32>
    %gt3A_202 = arith.constant 21 : i32
    %gt3A_203 = vector.broadcast %gt3A_202 : i32 to vector<16x256xi32>
    %gt3A_204 = arith.cmpi sgt, %iota3A, %gt3A_203 : vector<16x256xi32>
    %and3A_205 = arith.andi %eq3A_201, %gt3A_204 : vector<16x256xi1>
    %or3A_206 = arith.ori %or3A_198, %and3A_205 : vector<16x256xi1>
    %slice3A_207 = vector.extract_strided_slice %get3A_1 {offsets = [0, 22], sizes = [16, 1], strides = [1, 1]} : vector<16x256xi32> to vector<16x1xi32>
    %eq3A_208 = vector.broadcast %slice3A_207 : vector<16x1xi32> to vector<16x256xi32>
    %eq3A_209 = arith.cmpi eq, %get3A_1, %eq3A_208 : vector<16x256xi32>
    %gt3A_210 = arith.constant 22 : i32
    %gt3A_211 = vector.broadcast %gt3A_210 : i32 to vector<16x256xi32>
    %gt3A_212 = arith.cmpi sgt, %iota3A, %gt3A_211 : vector<16x256xi32>
    %and3A_213 = arith.andi %eq3A_209, %gt3A_212 : vector<16x256xi1>
    %or3A_214 = arith.ori %or3A_206, %and3A_213 : vector<16x256xi1>
    %slice3A_215 = vector.extract_strided_slice %get3A_1 {offsets = [0, 23], sizes = [16, 1], strides = [1, 1]} : vector<16x256xi32> to vector<16x1xi32>
    %eq3A_216 = vector.broadcast %slice3A_215 : vector<16x1xi32> to vector<16x256xi32>
    %eq3A_217 = arith.cmpi eq, %get3A_1, %eq3A_216 : vector<16x256xi32>
    %gt3A_218 = arith.constant 23 : i32
    %gt3A_219 = vector.broadcast %gt3A_218 : i32 to vector<16x256xi32>
    %gt3A_220 = arith.cmpi sgt, %iota3A, %gt3A_219 : vector<16x256xi32>
    %and3A_221 = arith.andi %eq3A_217, %gt3A_220 : vector<16x256xi1>
    %or3A_222 = arith.ori %or3A_214, %and3A_221 : vector<16x256xi1>
    %slice3A_223 = vector.extract_strided_slice %get3A_1 {offsets = [0, 24], sizes = [16, 1], strides = [1, 1]} : vector<16x256xi32> to vector<16x1xi32>
    %eq3A_224 = vector.broadcast %slice3A_223 : vector<16x1xi32> to vector<16x256xi32>
    %eq3A_225 = arith.cmpi eq, %get3A_1, %eq3A_224 : vector<16x256xi32>
    %gt3A_226 = arith.constant 24 : i32
    %gt3A_227 = vector.broadcast %gt3A_226 : i32 to vector<16x256xi32>
    %gt3A_228 = arith.cmpi sgt, %iota3A, %gt3A_227 : vector<16x256xi32>
    %and3A_229 = arith.andi %eq3A_225, %gt3A_228 : vector<16x256xi1>
    %or3A_230 = arith.ori %or3A_222, %and3A_229 : vector<16x256xi1>
    %slice3A_231 = vector.extract_strided_slice %get3A_1 {offsets = [0, 25], sizes = [16, 1], strides = [1, 1]} : vector<16x256xi32> to vector<16x1xi32>
    %eq3A_232 = vector.broadcast %slice3A_231 : vector<16x1xi32> to vector<16x256xi32>
    %eq3A_233 = arith.cmpi eq, %get3A_1, %eq3A_232 : vector<16x256xi32>
    %gt3A_234 = arith.constant 25 : i32
    %gt3A_235 = vector.broadcast %gt3A_234 : i32 to vector<16x256xi32>
    %gt3A_236 = arith.cmpi sgt, %iota3A, %gt3A_235 : vector<16x256xi32>
    %and3A_237 = arith.andi %eq3A_233, %gt3A_236 : vector<16x256xi1>
    %or3A_238 = arith.ori %or3A_230, %and3A_237 : vector<16x256xi1>
    %slice3A_239 = vector.extract_strided_slice %get3A_1 {offsets = [0, 26], sizes = [16, 1], strides = [1, 1]} : vector<16x256xi32> to vector<16x1xi32>
    %eq3A_240 = vector.broadcast %slice3A_239 : vector<16x1xi32> to vector<16x256xi32>
    %eq3A_241 = arith.cmpi eq, %get3A_1, %eq3A_240 : vector<16x256xi32>
    %gt3A_242 = arith.constant 26 : i32
    %gt3A_243 = vector.broadcast %gt3A_242 : i32 to vector<16x256xi32>
    %gt3A_244 = arith.cmpi sgt, %iota3A, %gt3A_243 : vector<16x256xi32>
    %and3A_245 = arith.andi %eq3A_241, %gt3A_244 : vector<16x256xi1>
    %or3A_246 = arith.ori %or3A_238, %and3A_245 : vector<16x256xi1>
    %slice3A_247 = vector.extract_strided_slice %get3A_1 {offsets = [0, 27], sizes = [16, 1], strides = [1, 1]} : vector<16x256xi32> to vector<16x1xi32>
    %eq3A_248 = vector.broadcast %slice3A_247 : vector<16x1xi32> to vector<16x256xi32>
    %eq3A_249 = arith.cmpi eq, %get3A_1, %eq3A_248 : vector<16x256xi32>
    %gt3A_250 = arith.constant 27 : i32
    %gt3A_251 = vector.broadcast %gt3A_250 : i32 to vector<16x256xi32>
    %gt3A_252 = arith.cmpi sgt, %iota3A, %gt3A_251 : vector<16x256xi32>
    %and3A_253 = arith.andi %eq3A_249, %gt3A_252 : vector<16x256xi1>
    %or3A_254 = arith.ori %or3A_246, %and3A_253 : vector<16x256xi1>
    %slice3A_255 = vector.extract_strided_slice %get3A_1 {offsets = [0, 28], sizes = [16, 1], strides = [1, 1]} : vector<16x256xi32> to vector<16x1xi32>
    %eq3A_256 = vector.broadcast %slice3A_255 : vector<16x1xi32> to vector<16x256xi32>
    %eq3A_257 = arith.cmpi eq, %get3A_1, %eq3A_256 : vector<16x256xi32>
    %gt3A_258 = arith.constant 28 : i32
    %gt3A_259 = vector.broadcast %gt3A_258 : i32 to vector<16x256xi32>
    %gt3A_260 = arith.cmpi sgt, %iota3A, %gt3A_259 : vector<16x256xi32>
    %and3A_261 = arith.andi %eq3A_257, %gt3A_260 : vector<16x256xi1>
    %or3A_262 = arith.ori %or3A_254, %and3A_261 : vector<16x256xi1>
    %slice3A_263 = vector.extract_strided_slice %get3A_1 {offsets = [0, 29], sizes = [16, 1], strides = [1, 1]} : vector<16x256xi32> to vector<16x1xi32>
    %eq3A_264 = vector.broadcast %slice3A_263 : vector<16x1xi32> to vector<16x256xi32>
    %eq3A_265 = arith.cmpi eq, %get3A_1, %eq3A_264 : vector<16x256xi32>
    %gt3A_266 = arith.constant 29 : i32
    %gt3A_267 = vector.broadcast %gt3A_266 : i32 to vector<16x256xi32>
    %gt3A_268 = arith.cmpi sgt, %iota3A, %gt3A_267 : vector<16x256xi32>
    %and3A_269 = arith.andi %eq3A_265, %gt3A_268 : vector<16x256xi1>
    %or3A_270 = arith.ori %or3A_262, %and3A_269 : vector<16x256xi1>
    %slice3A_271 = vector.extract_strided_slice %get3A_1 {offsets = [0, 30], sizes = [16, 1], strides = [1, 1]} : vector<16x256xi32> to vector<16x1xi32>
    %eq3A_272 = vector.broadcast %slice3A_271 : vector<16x1xi32> to vector<16x256xi32>
    %eq3A_273 = arith.cmpi eq, %get3A_1, %eq3A_272 : vector<16x256xi32>
    %gt3A_274 = arith.constant 30 : i32
    %gt3A_275 = vector.broadcast %gt3A_274 : i32 to vector<16x256xi32>
    %gt3A_276 = arith.cmpi sgt, %iota3A, %gt3A_275 : vector<16x256xi32>
    %and3A_277 = arith.andi %eq3A_273, %gt3A_276 : vector<16x256xi1>
    %or3A_278 = arith.ori %or3A_270, %and3A_277 : vector<16x256xi1>
    %slice3A_279 = vector.extract_strided_slice %get3A_1 {offsets = [0, 31], sizes = [16, 1], strides = [1, 1]} : vector<16x256xi32> to vector<16x1xi32>
    %eq3A_280 = vector.broadcast %slice3A_279 : vector<16x1xi32> to vector<16x256xi32>
    %eq3A_281 = arith.cmpi eq, %get3A_1, %eq3A_280 : vector<16x256xi32>
    %gt3A_282 = arith.constant 31 : i32
    %gt3A_283 = vector.broadcast %gt3A_282 : i32 to vector<16x256xi32>
    %gt3A_284 = arith.cmpi sgt, %iota3A, %gt3A_283 : vector<16x256xi32>
    %and3A_285 = arith.andi %eq3A_281, %gt3A_284 : vector<16x256xi1>
    %or3A_286 = arith.ori %or3A_278, %and3A_285 : vector<16x256xi1>
    %slice3A_287 = vector.extract_strided_slice %get3A_1 {offsets = [0, 32], sizes = [16, 1], strides = [1, 1]} : vector<16x256xi32> to vector<16x1xi32>
    %eq3A_288 = vector.broadcast %slice3A_287 : vector<16x1xi32> to vector<16x256xi32>
    %eq3A_289 = arith.cmpi eq, %get3A_1, %eq3A_288 : vector<16x256xi32>
    %gt3A_290 = arith.constant 32 : i32
    %gt3A_291 = vector.broadcast %gt3A_290 : i32 to vector<16x256xi32>
    %gt3A_292 = arith.cmpi sgt, %iota3A, %gt3A_291 : vector<16x256xi32>
    %and3A_293 = arith.andi %eq3A_289, %gt3A_292 : vector<16x256xi1>
    %or3A_294 = arith.ori %or3A_286, %and3A_293 : vector<16x256xi1>
    %slice3A_295 = vector.extract_strided_slice %get3A_1 {offsets = [0, 33], sizes = [16, 1], strides = [1, 1]} : vector<16x256xi32> to vector<16x1xi32>
    %eq3A_296 = vector.broadcast %slice3A_295 : vector<16x1xi32> to vector<16x256xi32>
    %eq3A_297 = arith.cmpi eq, %get3A_1, %eq3A_296 : vector<16x256xi32>
    %gt3A_298 = arith.constant 33 : i32
    %gt3A_299 = vector.broadcast %gt3A_298 : i32 to vector<16x256xi32>
    %gt3A_300 = arith.cmpi sgt, %iota3A, %gt3A_299 : vector<16x256xi32>
    %and3A_301 = arith.andi %eq3A_297, %gt3A_300 : vector<16x256xi1>
    %or3A_302 = arith.ori %or3A_294, %and3A_301 : vector<16x256xi1>
    %slice3A_303 = vector.extract_strided_slice %get3A_1 {offsets = [0, 34], sizes = [16, 1], strides = [1, 1]} : vector<16x256xi32> to vector<16x1xi32>
    %eq3A_304 = vector.broadcast %slice3A_303 : vector<16x1xi32> to vector<16x256xi32>
    %eq3A_305 = arith.cmpi eq, %get3A_1, %eq3A_304 : vector<16x256xi32>
    %gt3A_306 = arith.constant 34 : i32
    %gt3A_307 = vector.broadcast %gt3A_306 : i32 to vector<16x256xi32>
    %gt3A_308 = arith.cmpi sgt, %iota3A, %gt3A_307 : vector<16x256xi32>
    %and3A_309 = arith.andi %eq3A_305, %gt3A_308 : vector<16x256xi1>
    %or3A_310 = arith.ori %or3A_302, %and3A_309 : vector<16x256xi1>
    %slice3A_311 = vector.extract_strided_slice %get3A_1 {offsets = [0, 35], sizes = [16, 1], strides = [1, 1]} : vector<16x256xi32> to vector<16x1xi32>
    %eq3A_312 = vector.broadcast %slice3A_311 : vector<16x1xi32> to vector<16x256xi32>
    %eq3A_313 = arith.cmpi eq, %get3A_1, %eq3A_312 : vector<16x256xi32>
    %gt3A_314 = arith.constant 35 : i32
    %gt3A_315 = vector.broadcast %gt3A_314 : i32 to vector<16x256xi32>
    %gt3A_316 = arith.cmpi sgt, %iota3A, %gt3A_315 : vector<16x256xi32>
    %and3A_317 = arith.andi %eq3A_313, %gt3A_316 : vector<16x256xi1>
    %or3A_318 = arith.ori %or3A_310, %and3A_317 : vector<16x256xi1>
    %slice3A_319 = vector.extract_strided_slice %get3A_1 {offsets = [0, 36], sizes = [16, 1], strides = [1, 1]} : vector<16x256xi32> to vector<16x1xi32>
    %eq3A_320 = vector.broadcast %slice3A_319 : vector<16x1xi32> to vector<16x256xi32>
    %eq3A_321 = arith.cmpi eq, %get3A_1, %eq3A_320 : vector<16x256xi32>
    %gt3A_322 = arith.constant 36 : i32
    %gt3A_323 = vector.broadcast %gt3A_322 : i32 to vector<16x256xi32>
    %gt3A_324 = arith.cmpi sgt, %iota3A, %gt3A_323 : vector<16x256xi32>
    %and3A_325 = arith.andi %eq3A_321, %gt3A_324 : vector<16x256xi1>
    %or3A_326 = arith.ori %or3A_318, %and3A_325 : vector<16x256xi1>
    %slice3A_327 = vector.extract_strided_slice %get3A_1 {offsets = [0, 37], sizes = [16, 1], strides = [1, 1]} : vector<16x256xi32> to vector<16x1xi32>
    %eq3A_328 = vector.broadcast %slice3A_327 : vector<16x1xi32> to vector<16x256xi32>
    %eq3A_329 = arith.cmpi eq, %get3A_1, %eq3A_328 : vector<16x256xi32>
    %gt3A_330 = arith.constant 37 : i32
    %gt3A_331 = vector.broadcast %gt3A_330 : i32 to vector<16x256xi32>
    %gt3A_332 = arith.cmpi sgt, %iota3A, %gt3A_331 : vector<16x256xi32>
    %and3A_333 = arith.andi %eq3A_329, %gt3A_332 : vector<16x256xi1>
    %or3A_334 = arith.ori %or3A_326, %and3A_333 : vector<16x256xi1>
    %slice3A_335 = vector.extract_strided_slice %get3A_1 {offsets = [0, 38], sizes = [16, 1], strides = [1, 1]} : vector<16x256xi32> to vector<16x1xi32>
    %eq3A_336 = vector.broadcast %slice3A_335 : vector<16x1xi32> to vector<16x256xi32>
    %eq3A_337 = arith.cmpi eq, %get3A_1, %eq3A_336 : vector<16x256xi32>
    %gt3A_338 = arith.constant 38 : i32
    %gt3A_339 = vector.broadcast %gt3A_338 : i32 to vector<16x256xi32>
    %gt3A_340 = arith.cmpi sgt, %iota3A, %gt3A_339 : vector<16x256xi32>
    %and3A_341 = arith.andi %eq3A_337, %gt3A_340 : vector<16x256xi1>
    %or3A_342 = arith.ori %or3A_334, %and3A_341 : vector<16x256xi1>
    %slice3A_343 = vector.extract_strided_slice %get3A_1 {offsets = [0, 39], sizes = [16, 1], strides = [1, 1]} : vector<16x256xi32> to vector<16x1xi32>
    %eq3A_344 = vector.broadcast %slice3A_343 : vector<16x1xi32> to vector<16x256xi32>
    %eq3A_345 = arith.cmpi eq, %get3A_1, %eq3A_344 : vector<16x256xi32>
    %gt3A_346 = arith.constant 39 : i32
    %gt3A_347 = vector.broadcast %gt3A_346 : i32 to vector<16x256xi32>
    %gt3A_348 = arith.cmpi sgt, %iota3A, %gt3A_347 : vector<16x256xi32>
    %and3A_349 = arith.andi %eq3A_345, %gt3A_348 : vector<16x256xi1>
    %or3A_350 = arith.ori %or3A_342, %and3A_349 : vector<16x256xi1>
    %slice3A_351 = vector.extract_strided_slice %get3A_1 {offsets = [0, 40], sizes = [16, 1], strides = [1, 1]} : vector<16x256xi32> to vector<16x1xi32>
    %eq3A_352 = vector.broadcast %slice3A_351 : vector<16x1xi32> to vector<16x256xi32>
    %eq3A_353 = arith.cmpi eq, %get3A_1, %eq3A_352 : vector<16x256xi32>
    %gt3A_354 = arith.constant 40 : i32
    %gt3A_355 = vector.broadcast %gt3A_354 : i32 to vector<16x256xi32>
    %gt3A_356 = arith.cmpi sgt, %iota3A, %gt3A_355 : vector<16x256xi32>
    %and3A_357 = arith.andi %eq3A_353, %gt3A_356 : vector<16x256xi1>
    %or3A_358 = arith.ori %or3A_350, %and3A_357 : vector<16x256xi1>
    %slice3A_359 = vector.extract_strided_slice %get3A_1 {offsets = [0, 41], sizes = [16, 1], strides = [1, 1]} : vector<16x256xi32> to vector<16x1xi32>
    %eq3A_360 = vector.broadcast %slice3A_359 : vector<16x1xi32> to vector<16x256xi32>
    %eq3A_361 = arith.cmpi eq, %get3A_1, %eq3A_360 : vector<16x256xi32>
    %gt3A_362 = arith.constant 41 : i32
    %gt3A_363 = vector.broadcast %gt3A_362 : i32 to vector<16x256xi32>
    %gt3A_364 = arith.cmpi sgt, %iota3A, %gt3A_363 : vector<16x256xi32>
    %and3A_365 = arith.andi %eq3A_361, %gt3A_364 : vector<16x256xi1>
    %or3A_366 = arith.ori %or3A_358, %and3A_365 : vector<16x256xi1>
    %slice3A_367 = vector.extract_strided_slice %get3A_1 {offsets = [0, 42], sizes = [16, 1], strides = [1, 1]} : vector<16x256xi32> to vector<16x1xi32>
    %eq3A_368 = vector.broadcast %slice3A_367 : vector<16x1xi32> to vector<16x256xi32>
    %eq3A_369 = arith.cmpi eq, %get3A_1, %eq3A_368 : vector<16x256xi32>
    %gt3A_370 = arith.constant 42 : i32
    %gt3A_371 = vector.broadcast %gt3A_370 : i32 to vector<16x256xi32>
    %gt3A_372 = arith.cmpi sgt, %iota3A, %gt3A_371 : vector<16x256xi32>
    %and3A_373 = arith.andi %eq3A_369, %gt3A_372 : vector<16x256xi1>
    %or3A_374 = arith.ori %or3A_366, %and3A_373 : vector<16x256xi1>
    %slice3A_375 = vector.extract_strided_slice %get3A_1 {offsets = [0, 43], sizes = [16, 1], strides = [1, 1]} : vector<16x256xi32> to vector<16x1xi32>
    %eq3A_376 = vector.broadcast %slice3A_375 : vector<16x1xi32> to vector<16x256xi32>
    %eq3A_377 = arith.cmpi eq, %get3A_1, %eq3A_376 : vector<16x256xi32>
    %gt3A_378 = arith.constant 43 : i32
    %gt3A_379 = vector.broadcast %gt3A_378 : i32 to vector<16x256xi32>
    %gt3A_380 = arith.cmpi sgt, %iota3A, %gt3A_379 : vector<16x256xi32>
    %and3A_381 = arith.andi %eq3A_377, %gt3A_380 : vector<16x256xi1>
    %or3A_382 = arith.ori %or3A_374, %and3A_381 : vector<16x256xi1>
    %slice3A_383 = vector.extract_strided_slice %get3A_1 {offsets = [0, 44], sizes = [16, 1], strides = [1, 1]} : vector<16x256xi32> to vector<16x1xi32>
    %eq3A_384 = vector.broadcast %slice3A_383 : vector<16x1xi32> to vector<16x256xi32>
    %eq3A_385 = arith.cmpi eq, %get3A_1, %eq3A_384 : vector<16x256xi32>
    %gt3A_386 = arith.constant 44 : i32
    %gt3A_387 = vector.broadcast %gt3A_386 : i32 to vector<16x256xi32>
    %gt3A_388 = arith.cmpi sgt, %iota3A, %gt3A_387 : vector<16x256xi32>
    %and3A_389 = arith.andi %eq3A_385, %gt3A_388 : vector<16x256xi1>
    %or3A_390 = arith.ori %or3A_382, %and3A_389 : vector<16x256xi1>
    %slice3A_391 = vector.extract_strided_slice %get3A_1 {offsets = [0, 45], sizes = [16, 1], strides = [1, 1]} : vector<16x256xi32> to vector<16x1xi32>
    %eq3A_392 = vector.broadcast %slice3A_391 : vector<16x1xi32> to vector<16x256xi32>
    %eq3A_393 = arith.cmpi eq, %get3A_1, %eq3A_392 : vector<16x256xi32>
    %gt3A_394 = arith.constant 45 : i32
    %gt3A_395 = vector.broadcast %gt3A_394 : i32 to vector<16x256xi32>
    %gt3A_396 = arith.cmpi sgt, %iota3A, %gt3A_395 : vector<16x256xi32>
    %and3A_397 = arith.andi %eq3A_393, %gt3A_396 : vector<16x256xi1>
    %or3A_398 = arith.ori %or3A_390, %and3A_397 : vector<16x256xi1>
    %slice3A_399 = vector.extract_strided_slice %get3A_1 {offsets = [0, 46], sizes = [16, 1], strides = [1, 1]} : vector<16x256xi32> to vector<16x1xi32>
    %eq3A_400 = vector.broadcast %slice3A_399 : vector<16x1xi32> to vector<16x256xi32>
    %eq3A_401 = arith.cmpi eq, %get3A_1, %eq3A_400 : vector<16x256xi32>
    %gt3A_402 = arith.constant 46 : i32
    %gt3A_403 = vector.broadcast %gt3A_402 : i32 to vector<16x256xi32>
    %gt3A_404 = arith.cmpi sgt, %iota3A, %gt3A_403 : vector<16x256xi32>
    %and3A_405 = arith.andi %eq3A_401, %gt3A_404 : vector<16x256xi1>
    %or3A_406 = arith.ori %or3A_398, %and3A_405 : vector<16x256xi1>
    %slice3A_407 = vector.extract_strided_slice %get3A_1 {offsets = [0, 47], sizes = [16, 1], strides = [1, 1]} : vector<16x256xi32> to vector<16x1xi32>
    %eq3A_408 = vector.broadcast %slice3A_407 : vector<16x1xi32> to vector<16x256xi32>
    %eq3A_409 = arith.cmpi eq, %get3A_1, %eq3A_408 : vector<16x256xi32>
    %gt3A_410 = arith.constant 47 : i32
    %gt3A_411 = vector.broadcast %gt3A_410 : i32 to vector<16x256xi32>
    %gt3A_412 = arith.cmpi sgt, %iota3A, %gt3A_411 : vector<16x256xi32>
    %and3A_413 = arith.andi %eq3A_409, %gt3A_412 : vector<16x256xi1>
    %or3A_414 = arith.ori %or3A_406, %and3A_413 : vector<16x256xi1>
    %slice3A_415 = vector.extract_strided_slice %get3A_1 {offsets = [0, 48], sizes = [16, 1], strides = [1, 1]} : vector<16x256xi32> to vector<16x1xi32>
    %eq3A_416 = vector.broadcast %slice3A_415 : vector<16x1xi32> to vector<16x256xi32>
    %eq3A_417 = arith.cmpi eq, %get3A_1, %eq3A_416 : vector<16x256xi32>
    %gt3A_418 = arith.constant 48 : i32
    %gt3A_419 = vector.broadcast %gt3A_418 : i32 to vector<16x256xi32>
    %gt3A_420 = arith.cmpi sgt, %iota3A, %gt3A_419 : vector<16x256xi32>
    %and3A_421 = arith.andi %eq3A_417, %gt3A_420 : vector<16x256xi1>
    %or3A_422 = arith.ori %or3A_414, %and3A_421 : vector<16x256xi1>
    %slice3A_423 = vector.extract_strided_slice %get3A_1 {offsets = [0, 49], sizes = [16, 1], strides = [1, 1]} : vector<16x256xi32> to vector<16x1xi32>
    %eq3A_424 = vector.broadcast %slice3A_423 : vector<16x1xi32> to vector<16x256xi32>
    %eq3A_425 = arith.cmpi eq, %get3A_1, %eq3A_424 : vector<16x256xi32>
    %gt3A_426 = arith.constant 49 : i32
    %gt3A_427 = vector.broadcast %gt3A_426 : i32 to vector<16x256xi32>
    %gt3A_428 = arith.cmpi sgt, %iota3A, %gt3A_427 : vector<16x256xi32>
    %and3A_429 = arith.andi %eq3A_425, %gt3A_428 : vector<16x256xi1>
    %or3A_430 = arith.ori %or3A_422, %and3A_429 : vector<16x256xi1>
    %slice3A_431 = vector.extract_strided_slice %get3A_1 {offsets = [0, 50], sizes = [16, 1], strides = [1, 1]} : vector<16x256xi32> to vector<16x1xi32>
    %eq3A_432 = vector.broadcast %slice3A_431 : vector<16x1xi32> to vector<16x256xi32>
    %eq3A_433 = arith.cmpi eq, %get3A_1, %eq3A_432 : vector<16x256xi32>
    %gt3A_434 = arith.constant 50 : i32
    %gt3A_435 = vector.broadcast %gt3A_434 : i32 to vector<16x256xi32>
    %gt3A_436 = arith.cmpi sgt, %iota3A, %gt3A_435 : vector<16x256xi32>
    %and3A_437 = arith.andi %eq3A_433, %gt3A_436 : vector<16x256xi1>
    %or3A_438 = arith.ori %or3A_430, %and3A_437 : vector<16x256xi1>
    %slice3A_439 = vector.extract_strided_slice %get3A_1 {offsets = [0, 51], sizes = [16, 1], strides = [1, 1]} : vector<16x256xi32> to vector<16x1xi32>
    %eq3A_440 = vector.broadcast %slice3A_439 : vector<16x1xi32> to vector<16x256xi32>
    %eq3A_441 = arith.cmpi eq, %get3A_1, %eq3A_440 : vector<16x256xi32>
    %gt3A_442 = arith.constant 51 : i32
    %gt3A_443 = vector.broadcast %gt3A_442 : i32 to vector<16x256xi32>
    %gt3A_444 = arith.cmpi sgt, %iota3A, %gt3A_443 : vector<16x256xi32>
    %and3A_445 = arith.andi %eq3A_441, %gt3A_444 : vector<16x256xi1>
    %or3A_446 = arith.ori %or3A_438, %and3A_445 : vector<16x256xi1>
    %slice3A_447 = vector.extract_strided_slice %get3A_1 {offsets = [0, 52], sizes = [16, 1], strides = [1, 1]} : vector<16x256xi32> to vector<16x1xi32>
    %eq3A_448 = vector.broadcast %slice3A_447 : vector<16x1xi32> to vector<16x256xi32>
    %eq3A_449 = arith.cmpi eq, %get3A_1, %eq3A_448 : vector<16x256xi32>
    %gt3A_450 = arith.constant 52 : i32
    %gt3A_451 = vector.broadcast %gt3A_450 : i32 to vector<16x256xi32>
    %gt3A_452 = arith.cmpi sgt, %iota3A, %gt3A_451 : vector<16x256xi32>
    %and3A_453 = arith.andi %eq3A_449, %gt3A_452 : vector<16x256xi1>
    %or3A_454 = arith.ori %or3A_446, %and3A_453 : vector<16x256xi1>
    %slice3A_455 = vector.extract_strided_slice %get3A_1 {offsets = [0, 53], sizes = [16, 1], strides = [1, 1]} : vector<16x256xi32> to vector<16x1xi32>
    %eq3A_456 = vector.broadcast %slice3A_455 : vector<16x1xi32> to vector<16x256xi32>
    %eq3A_457 = arith.cmpi eq, %get3A_1, %eq3A_456 : vector<16x256xi32>
    %gt3A_458 = arith.constant 53 : i32
    %gt3A_459 = vector.broadcast %gt3A_458 : i32 to vector<16x256xi32>
    %gt3A_460 = arith.cmpi sgt, %iota3A, %gt3A_459 : vector<16x256xi32>
    %and3A_461 = arith.andi %eq3A_457, %gt3A_460 : vector<16x256xi1>
    %or3A_462 = arith.ori %or3A_454, %and3A_461 : vector<16x256xi1>
    %slice3A_463 = vector.extract_strided_slice %get3A_1 {offsets = [0, 54], sizes = [16, 1], strides = [1, 1]} : vector<16x256xi32> to vector<16x1xi32>
    %eq3A_464 = vector.broadcast %slice3A_463 : vector<16x1xi32> to vector<16x256xi32>
    %eq3A_465 = arith.cmpi eq, %get3A_1, %eq3A_464 : vector<16x256xi32>
    %gt3A_466 = arith.constant 54 : i32
    %gt3A_467 = vector.broadcast %gt3A_466 : i32 to vector<16x256xi32>
    %gt3A_468 = arith.cmpi sgt, %iota3A, %gt3A_467 : vector<16x256xi32>
    %and3A_469 = arith.andi %eq3A_465, %gt3A_468 : vector<16x256xi1>
    %or3A_470 = arith.ori %or3A_462, %and3A_469 : vector<16x256xi1>
    %slice3A_471 = vector.extract_strided_slice %get3A_1 {offsets = [0, 55], sizes = [16, 1], strides = [1, 1]} : vector<16x256xi32> to vector<16x1xi32>
    %eq3A_472 = vector.broadcast %slice3A_471 : vector<16x1xi32> to vector<16x256xi32>
    %eq3A_473 = arith.cmpi eq, %get3A_1, %eq3A_472 : vector<16x256xi32>
    %gt3A_474 = arith.constant 55 : i32
    %gt3A_475 = vector.broadcast %gt3A_474 : i32 to vector<16x256xi32>
    %gt3A_476 = arith.cmpi sgt, %iota3A, %gt3A_475 : vector<16x256xi32>
    %and3A_477 = arith.andi %eq3A_473, %gt3A_476 : vector<16x256xi1>
    %or3A_478 = arith.ori %or3A_470, %and3A_477 : vector<16x256xi1>
    %slice3A_479 = vector.extract_strided_slice %get3A_1 {offsets = [0, 56], sizes = [16, 1], strides = [1, 1]} : vector<16x256xi32> to vector<16x1xi32>
    %eq3A_480 = vector.broadcast %slice3A_479 : vector<16x1xi32> to vector<16x256xi32>
    %eq3A_481 = arith.cmpi eq, %get3A_1, %eq3A_480 : vector<16x256xi32>
    %gt3A_482 = arith.constant 56 : i32
    %gt3A_483 = vector.broadcast %gt3A_482 : i32 to vector<16x256xi32>
    %gt3A_484 = arith.cmpi sgt, %iota3A, %gt3A_483 : vector<16x256xi32>
    %and3A_485 = arith.andi %eq3A_481, %gt3A_484 : vector<16x256xi1>
    %or3A_486 = arith.ori %or3A_478, %and3A_485 : vector<16x256xi1>
    %slice3A_487 = vector.extract_strided_slice %get3A_1 {offsets = [0, 57], sizes = [16, 1], strides = [1, 1]} : vector<16x256xi32> to vector<16x1xi32>
    %eq3A_488 = vector.broadcast %slice3A_487 : vector<16x1xi32> to vector<16x256xi32>
    %eq3A_489 = arith.cmpi eq, %get3A_1, %eq3A_488 : vector<16x256xi32>
    %gt3A_490 = arith.constant 57 : i32
    %gt3A_491 = vector.broadcast %gt3A_490 : i32 to vector<16x256xi32>
    %gt3A_492 = arith.cmpi sgt, %iota3A, %gt3A_491 : vector<16x256xi32>
    %and3A_493 = arith.andi %eq3A_489, %gt3A_492 : vector<16x256xi1>
    %or3A_494 = arith.ori %or3A_486, %and3A_493 : vector<16x256xi1>
    %slice3A_495 = vector.extract_strided_slice %get3A_1 {offsets = [0, 58], sizes = [16, 1], strides = [1, 1]} : vector<16x256xi32> to vector<16x1xi32>
    %eq3A_496 = vector.broadcast %slice3A_495 : vector<16x1xi32> to vector<16x256xi32>
    %eq3A_497 = arith.cmpi eq, %get3A_1, %eq3A_496 : vector<16x256xi32>
    %gt3A_498 = arith.constant 58 : i32
    %gt3A_499 = vector.broadcast %gt3A_498 : i32 to vector<16x256xi32>
    %gt3A_500 = arith.cmpi sgt, %iota3A, %gt3A_499 : vector<16x256xi32>
    %and3A_501 = arith.andi %eq3A_497, %gt3A_500 : vector<16x256xi1>
    %or3A_502 = arith.ori %or3A_494, %and3A_501 : vector<16x256xi1>
    %slice3A_503 = vector.extract_strided_slice %get3A_1 {offsets = [0, 59], sizes = [16, 1], strides = [1, 1]} : vector<16x256xi32> to vector<16x1xi32>
    %eq3A_504 = vector.broadcast %slice3A_503 : vector<16x1xi32> to vector<16x256xi32>
    %eq3A_505 = arith.cmpi eq, %get3A_1, %eq3A_504 : vector<16x256xi32>
    %gt3A_506 = arith.constant 59 : i32
    %gt3A_507 = vector.broadcast %gt3A_506 : i32 to vector<16x256xi32>
    %gt3A_508 = arith.cmpi sgt, %iota3A, %gt3A_507 : vector<16x256xi32>
    %and3A_509 = arith.andi %eq3A_505, %gt3A_508 : vector<16x256xi1>
    %or3A_510 = arith.ori %or3A_502, %and3A_509 : vector<16x256xi1>
    %slice3A_511 = vector.extract_strided_slice %get3A_1 {offsets = [0, 60], sizes = [16, 1], strides = [1, 1]} : vector<16x256xi32> to vector<16x1xi32>
    %eq3A_512 = vector.broadcast %slice3A_511 : vector<16x1xi32> to vector<16x256xi32>
    %eq3A_513 = arith.cmpi eq, %get3A_1, %eq3A_512 : vector<16x256xi32>
    %gt3A_514 = arith.constant 60 : i32
    %gt3A_515 = vector.broadcast %gt3A_514 : i32 to vector<16x256xi32>
    %gt3A_516 = arith.cmpi sgt, %iota3A, %gt3A_515 : vector<16x256xi32>
    %and3A_517 = arith.andi %eq3A_513, %gt3A_516 : vector<16x256xi1>
    %or3A_518 = arith.ori %or3A_510, %and3A_517 : vector<16x256xi1>
    %slice3A_519 = vector.extract_strided_slice %get3A_1 {offsets = [0, 61], sizes = [16, 1], strides = [1, 1]} : vector<16x256xi32> to vector<16x1xi32>
    %eq3A_520 = vector.broadcast %slice3A_519 : vector<16x1xi32> to vector<16x256xi32>
    %eq3A_521 = arith.cmpi eq, %get3A_1, %eq3A_520 : vector<16x256xi32>
    %gt3A_522 = arith.constant 61 : i32
    %gt3A_523 = vector.broadcast %gt3A_522 : i32 to vector<16x256xi32>
    %gt3A_524 = arith.cmpi sgt, %iota3A, %gt3A_523 : vector<16x256xi32>
    %and3A_525 = arith.andi %eq3A_521, %gt3A_524 : vector<16x256xi1>
    %or3A_526 = arith.ori %or3A_518, %and3A_525 : vector<16x256xi1>
    %slice3A_527 = vector.extract_strided_slice %get3A_1 {offsets = [0, 62], sizes = [16, 1], strides = [1, 1]} : vector<16x256xi32> to vector<16x1xi32>
    %eq3A_528 = vector.broadcast %slice3A_527 : vector<16x1xi32> to vector<16x256xi32>
    %eq3A_529 = arith.cmpi eq, %get3A_1, %eq3A_528 : vector<16x256xi32>
    %gt3A_530 = arith.constant 62 : i32
    %gt3A_531 = vector.broadcast %gt3A_530 : i32 to vector<16x256xi32>
    %gt3A_532 = arith.cmpi sgt, %iota3A, %gt3A_531 : vector<16x256xi32>
    %and3A_533 = arith.andi %eq3A_529, %gt3A_532 : vector<16x256xi1>
    %or3A_534 = arith.ori %or3A_526, %and3A_533 : vector<16x256xi1>
    %slice3A_535 = vector.extract_strided_slice %get3A_1 {offsets = [0, 63], sizes = [16, 1], strides = [1, 1]} : vector<16x256xi32> to vector<16x1xi32>
    %eq3A_536 = vector.broadcast %slice3A_535 : vector<16x1xi32> to vector<16x256xi32>
    %eq3A_537 = arith.cmpi eq, %get3A_1, %eq3A_536 : vector<16x256xi32>
    %gt3A_538 = arith.constant 63 : i32
    %gt3A_539 = vector.broadcast %gt3A_538 : i32 to vector<16x256xi32>
    %gt3A_540 = arith.cmpi sgt, %iota3A, %gt3A_539 : vector<16x256xi32>
    %and3A_541 = arith.andi %eq3A_537, %gt3A_540 : vector<16x256xi1>
    %or3A_542 = arith.ori %or3A_534, %and3A_541 : vector<16x256xi1>
    %slice3A_543 = vector.extract_strided_slice %get3A_1 {offsets = [0, 64], sizes = [16, 1], strides = [1, 1]} : vector<16x256xi32> to vector<16x1xi32>
    %eq3A_544 = vector.broadcast %slice3A_543 : vector<16x1xi32> to vector<16x256xi32>
    %eq3A_545 = arith.cmpi eq, %get3A_1, %eq3A_544 : vector<16x256xi32>
    %gt3A_546 = arith.constant 64 : i32
    %gt3A_547 = vector.broadcast %gt3A_546 : i32 to vector<16x256xi32>
    %gt3A_548 = arith.cmpi sgt, %iota3A, %gt3A_547 : vector<16x256xi32>
    %and3A_549 = arith.andi %eq3A_545, %gt3A_548 : vector<16x256xi1>
    %or3A_550 = arith.ori %or3A_542, %and3A_549 : vector<16x256xi1>
    %slice3A_551 = vector.extract_strided_slice %get3A_1 {offsets = [0, 65], sizes = [16, 1], strides = [1, 1]} : vector<16x256xi32> to vector<16x1xi32>
    %eq3A_552 = vector.broadcast %slice3A_551 : vector<16x1xi32> to vector<16x256xi32>
    %eq3A_553 = arith.cmpi eq, %get3A_1, %eq3A_552 : vector<16x256xi32>
    %gt3A_554 = arith.constant 65 : i32
    %gt3A_555 = vector.broadcast %gt3A_554 : i32 to vector<16x256xi32>
    %gt3A_556 = arith.cmpi sgt, %iota3A, %gt3A_555 : vector<16x256xi32>
    %and3A_557 = arith.andi %eq3A_553, %gt3A_556 : vector<16x256xi1>
    %or3A_558 = arith.ori %or3A_550, %and3A_557 : vector<16x256xi1>
    %slice3A_559 = vector.extract_strided_slice %get3A_1 {offsets = [0, 66], sizes = [16, 1], strides = [1, 1]} : vector<16x256xi32> to vector<16x1xi32>
    %eq3A_560 = vector.broadcast %slice3A_559 : vector<16x1xi32> to vector<16x256xi32>
    %eq3A_561 = arith.cmpi eq, %get3A_1, %eq3A_560 : vector<16x256xi32>
    %gt3A_562 = arith.constant 66 : i32
    %gt3A_563 = vector.broadcast %gt3A_562 : i32 to vector<16x256xi32>
    %gt3A_564 = arith.cmpi sgt, %iota3A, %gt3A_563 : vector<16x256xi32>
    %and3A_565 = arith.andi %eq3A_561, %gt3A_564 : vector<16x256xi1>
    %or3A_566 = arith.ori %or3A_558, %and3A_565 : vector<16x256xi1>
    %slice3A_567 = vector.extract_strided_slice %get3A_1 {offsets = [0, 67], sizes = [16, 1], strides = [1, 1]} : vector<16x256xi32> to vector<16x1xi32>
    %eq3A_568 = vector.broadcast %slice3A_567 : vector<16x1xi32> to vector<16x256xi32>
    %eq3A_569 = arith.cmpi eq, %get3A_1, %eq3A_568 : vector<16x256xi32>
    %gt3A_570 = arith.constant 67 : i32
    %gt3A_571 = vector.broadcast %gt3A_570 : i32 to vector<16x256xi32>
    %gt3A_572 = arith.cmpi sgt, %iota3A, %gt3A_571 : vector<16x256xi32>
    %and3A_573 = arith.andi %eq3A_569, %gt3A_572 : vector<16x256xi1>
    %or3A_574 = arith.ori %or3A_566, %and3A_573 : vector<16x256xi1>
    %slice3A_575 = vector.extract_strided_slice %get3A_1 {offsets = [0, 68], sizes = [16, 1], strides = [1, 1]} : vector<16x256xi32> to vector<16x1xi32>
    %eq3A_576 = vector.broadcast %slice3A_575 : vector<16x1xi32> to vector<16x256xi32>
    %eq3A_577 = arith.cmpi eq, %get3A_1, %eq3A_576 : vector<16x256xi32>
    %gt3A_578 = arith.constant 68 : i32
    %gt3A_579 = vector.broadcast %gt3A_578 : i32 to vector<16x256xi32>
    %gt3A_580 = arith.cmpi sgt, %iota3A, %gt3A_579 : vector<16x256xi32>
    %and3A_581 = arith.andi %eq3A_577, %gt3A_580 : vector<16x256xi1>
    %or3A_582 = arith.ori %or3A_574, %and3A_581 : vector<16x256xi1>
    %slice3A_583 = vector.extract_strided_slice %get3A_1 {offsets = [0, 69], sizes = [16, 1], strides = [1, 1]} : vector<16x256xi32> to vector<16x1xi32>
    %eq3A_584 = vector.broadcast %slice3A_583 : vector<16x1xi32> to vector<16x256xi32>
    %eq3A_585 = arith.cmpi eq, %get3A_1, %eq3A_584 : vector<16x256xi32>
    %gt3A_586 = arith.constant 69 : i32
    %gt3A_587 = vector.broadcast %gt3A_586 : i32 to vector<16x256xi32>
    %gt3A_588 = arith.cmpi sgt, %iota3A, %gt3A_587 : vector<16x256xi32>
    %and3A_589 = arith.andi %eq3A_585, %gt3A_588 : vector<16x256xi1>
    %or3A_590 = arith.ori %or3A_582, %and3A_589 : vector<16x256xi1>
    %slice3A_591 = vector.extract_strided_slice %get3A_1 {offsets = [0, 70], sizes = [16, 1], strides = [1, 1]} : vector<16x256xi32> to vector<16x1xi32>
    %eq3A_592 = vector.broadcast %slice3A_591 : vector<16x1xi32> to vector<16x256xi32>
    %eq3A_593 = arith.cmpi eq, %get3A_1, %eq3A_592 : vector<16x256xi32>
    %gt3A_594 = arith.constant 70 : i32
    %gt3A_595 = vector.broadcast %gt3A_594 : i32 to vector<16x256xi32>
    %gt3A_596 = arith.cmpi sgt, %iota3A, %gt3A_595 : vector<16x256xi32>
    %and3A_597 = arith.andi %eq3A_593, %gt3A_596 : vector<16x256xi1>
    %or3A_598 = arith.ori %or3A_590, %and3A_597 : vector<16x256xi1>
    %slice3A_599 = vector.extract_strided_slice %get3A_1 {offsets = [0, 71], sizes = [16, 1], strides = [1, 1]} : vector<16x256xi32> to vector<16x1xi32>
    %eq3A_600 = vector.broadcast %slice3A_599 : vector<16x1xi32> to vector<16x256xi32>
    %eq3A_601 = arith.cmpi eq, %get3A_1, %eq3A_600 : vector<16x256xi32>
    %gt3A_602 = arith.constant 71 : i32
    %gt3A_603 = vector.broadcast %gt3A_602 : i32 to vector<16x256xi32>
    %gt3A_604 = arith.cmpi sgt, %iota3A, %gt3A_603 : vector<16x256xi32>
    %and3A_605 = arith.andi %eq3A_601, %gt3A_604 : vector<16x256xi1>
    %or3A_606 = arith.ori %or3A_598, %and3A_605 : vector<16x256xi1>
    %slice3A_607 = vector.extract_strided_slice %get3A_1 {offsets = [0, 72], sizes = [16, 1], strides = [1, 1]} : vector<16x256xi32> to vector<16x1xi32>
    %eq3A_608 = vector.broadcast %slice3A_607 : vector<16x1xi32> to vector<16x256xi32>
    %eq3A_609 = arith.cmpi eq, %get3A_1, %eq3A_608 : vector<16x256xi32>
    %gt3A_610 = arith.constant 72 : i32
    %gt3A_611 = vector.broadcast %gt3A_610 : i32 to vector<16x256xi32>
    %gt3A_612 = arith.cmpi sgt, %iota3A, %gt3A_611 : vector<16x256xi32>
    %and3A_613 = arith.andi %eq3A_609, %gt3A_612 : vector<16x256xi1>
    %or3A_614 = arith.ori %or3A_606, %and3A_613 : vector<16x256xi1>
    %slice3A_615 = vector.extract_strided_slice %get3A_1 {offsets = [0, 73], sizes = [16, 1], strides = [1, 1]} : vector<16x256xi32> to vector<16x1xi32>
    %eq3A_616 = vector.broadcast %slice3A_615 : vector<16x1xi32> to vector<16x256xi32>
    %eq3A_617 = arith.cmpi eq, %get3A_1, %eq3A_616 : vector<16x256xi32>
    %gt3A_618 = arith.constant 73 : i32
    %gt3A_619 = vector.broadcast %gt3A_618 : i32 to vector<16x256xi32>
    %gt3A_620 = arith.cmpi sgt, %iota3A, %gt3A_619 : vector<16x256xi32>
    %and3A_621 = arith.andi %eq3A_617, %gt3A_620 : vector<16x256xi1>
    %or3A_622 = arith.ori %or3A_614, %and3A_621 : vector<16x256xi1>
    %slice3A_623 = vector.extract_strided_slice %get3A_1 {offsets = [0, 74], sizes = [16, 1], strides = [1, 1]} : vector<16x256xi32> to vector<16x1xi32>
    %eq3A_624 = vector.broadcast %slice3A_623 : vector<16x1xi32> to vector<16x256xi32>
    %eq3A_625 = arith.cmpi eq, %get3A_1, %eq3A_624 : vector<16x256xi32>
    %gt3A_626 = arith.constant 74 : i32
    %gt3A_627 = vector.broadcast %gt3A_626 : i32 to vector<16x256xi32>
    %gt3A_628 = arith.cmpi sgt, %iota3A, %gt3A_627 : vector<16x256xi32>
    %and3A_629 = arith.andi %eq3A_625, %gt3A_628 : vector<16x256xi1>
    %or3A_630 = arith.ori %or3A_622, %and3A_629 : vector<16x256xi1>
    %slice3A_631 = vector.extract_strided_slice %get3A_1 {offsets = [0, 75], sizes = [16, 1], strides = [1, 1]} : vector<16x256xi32> to vector<16x1xi32>
    %eq3A_632 = vector.broadcast %slice3A_631 : vector<16x1xi32> to vector<16x256xi32>
    %eq3A_633 = arith.cmpi eq, %get3A_1, %eq3A_632 : vector<16x256xi32>
    %gt3A_634 = arith.constant 75 : i32
    %gt3A_635 = vector.broadcast %gt3A_634 : i32 to vector<16x256xi32>
    %gt3A_636 = arith.cmpi sgt, %iota3A, %gt3A_635 : vector<16x256xi32>
    %and3A_637 = arith.andi %eq3A_633, %gt3A_636 : vector<16x256xi1>
    %or3A_638 = arith.ori %or3A_630, %and3A_637 : vector<16x256xi1>
    %slice3A_639 = vector.extract_strided_slice %get3A_1 {offsets = [0, 76], sizes = [16, 1], strides = [1, 1]} : vector<16x256xi32> to vector<16x1xi32>
    %eq3A_640 = vector.broadcast %slice3A_639 : vector<16x1xi32> to vector<16x256xi32>
    %eq3A_641 = arith.cmpi eq, %get3A_1, %eq3A_640 : vector<16x256xi32>
    %gt3A_642 = arith.constant 76 : i32
    %gt3A_643 = vector.broadcast %gt3A_642 : i32 to vector<16x256xi32>
    %gt3A_644 = arith.cmpi sgt, %iota3A, %gt3A_643 : vector<16x256xi32>
    %and3A_645 = arith.andi %eq3A_641, %gt3A_644 : vector<16x256xi1>
    %or3A_646 = arith.ori %or3A_638, %and3A_645 : vector<16x256xi1>
    %slice3A_647 = vector.extract_strided_slice %get3A_1 {offsets = [0, 77], sizes = [16, 1], strides = [1, 1]} : vector<16x256xi32> to vector<16x1xi32>
    %eq3A_648 = vector.broadcast %slice3A_647 : vector<16x1xi32> to vector<16x256xi32>
    %eq3A_649 = arith.cmpi eq, %get3A_1, %eq3A_648 : vector<16x256xi32>
    %gt3A_650 = arith.constant 77 : i32
    %gt3A_651 = vector.broadcast %gt3A_650 : i32 to vector<16x256xi32>
    %gt3A_652 = arith.cmpi sgt, %iota3A, %gt3A_651 : vector<16x256xi32>
    %and3A_653 = arith.andi %eq3A_649, %gt3A_652 : vector<16x256xi1>
    %or3A_654 = arith.ori %or3A_646, %and3A_653 : vector<16x256xi1>
    %slice3A_655 = vector.extract_strided_slice %get3A_1 {offsets = [0, 78], sizes = [16, 1], strides = [1, 1]} : vector<16x256xi32> to vector<16x1xi32>
    %eq3A_656 = vector.broadcast %slice3A_655 : vector<16x1xi32> to vector<16x256xi32>
    %eq3A_657 = arith.cmpi eq, %get3A_1, %eq3A_656 : vector<16x256xi32>
    %gt3A_658 = arith.constant 78 : i32
    %gt3A_659 = vector.broadcast %gt3A_658 : i32 to vector<16x256xi32>
    %gt3A_660 = arith.cmpi sgt, %iota3A, %gt3A_659 : vector<16x256xi32>
    %and3A_661 = arith.andi %eq3A_657, %gt3A_660 : vector<16x256xi1>
    %or3A_662 = arith.ori %or3A_654, %and3A_661 : vector<16x256xi1>
    %slice3A_663 = vector.extract_strided_slice %get3A_1 {offsets = [0, 79], sizes = [16, 1], strides = [1, 1]} : vector<16x256xi32> to vector<16x1xi32>
    %eq3A_664 = vector.broadcast %slice3A_663 : vector<16x1xi32> to vector<16x256xi32>
    %eq3A_665 = arith.cmpi eq, %get3A_1, %eq3A_664 : vector<16x256xi32>
    %gt3A_666 = arith.constant 79 : i32
    %gt3A_667 = vector.broadcast %gt3A_666 : i32 to vector<16x256xi32>
    %gt3A_668 = arith.cmpi sgt, %iota3A, %gt3A_667 : vector<16x256xi32>
    %and3A_669 = arith.andi %eq3A_665, %gt3A_668 : vector<16x256xi1>
    %or3A_670 = arith.ori %or3A_662, %and3A_669 : vector<16x256xi1>
    %slice3A_671 = vector.extract_strided_slice %get3A_1 {offsets = [0, 80], sizes = [16, 1], strides = [1, 1]} : vector<16x256xi32> to vector<16x1xi32>
    %eq3A_672 = vector.broadcast %slice3A_671 : vector<16x1xi32> to vector<16x256xi32>
    %eq3A_673 = arith.cmpi eq, %get3A_1, %eq3A_672 : vector<16x256xi32>
    %gt3A_674 = arith.constant 80 : i32
    %gt3A_675 = vector.broadcast %gt3A_674 : i32 to vector<16x256xi32>
    %gt3A_676 = arith.cmpi sgt, %iota3A, %gt3A_675 : vector<16x256xi32>
    %and3A_677 = arith.andi %eq3A_673, %gt3A_676 : vector<16x256xi1>
    %or3A_678 = arith.ori %or3A_670, %and3A_677 : vector<16x256xi1>
    %slice3A_679 = vector.extract_strided_slice %get3A_1 {offsets = [0, 81], sizes = [16, 1], strides = [1, 1]} : vector<16x256xi32> to vector<16x1xi32>
    %eq3A_680 = vector.broadcast %slice3A_679 : vector<16x1xi32> to vector<16x256xi32>
    %eq3A_681 = arith.cmpi eq, %get3A_1, %eq3A_680 : vector<16x256xi32>
    %gt3A_682 = arith.constant 81 : i32
    %gt3A_683 = vector.broadcast %gt3A_682 : i32 to vector<16x256xi32>
    %gt3A_684 = arith.cmpi sgt, %iota3A, %gt3A_683 : vector<16x256xi32>
    %and3A_685 = arith.andi %eq3A_681, %gt3A_684 : vector<16x256xi1>
    %or3A_686 = arith.ori %or3A_678, %and3A_685 : vector<16x256xi1>
    %slice3A_687 = vector.extract_strided_slice %get3A_1 {offsets = [0, 82], sizes = [16, 1], strides = [1, 1]} : vector<16x256xi32> to vector<16x1xi32>
    %eq3A_688 = vector.broadcast %slice3A_687 : vector<16x1xi32> to vector<16x256xi32>
    %eq3A_689 = arith.cmpi eq, %get3A_1, %eq3A_688 : vector<16x256xi32>
    %gt3A_690 = arith.constant 82 : i32
    %gt3A_691 = vector.broadcast %gt3A_690 : i32 to vector<16x256xi32>
    %gt3A_692 = arith.cmpi sgt, %iota3A, %gt3A_691 : vector<16x256xi32>
    %and3A_693 = arith.andi %eq3A_689, %gt3A_692 : vector<16x256xi1>
    %or3A_694 = arith.ori %or3A_686, %and3A_693 : vector<16x256xi1>
    %slice3A_695 = vector.extract_strided_slice %get3A_1 {offsets = [0, 83], sizes = [16, 1], strides = [1, 1]} : vector<16x256xi32> to vector<16x1xi32>
    %eq3A_696 = vector.broadcast %slice3A_695 : vector<16x1xi32> to vector<16x256xi32>
    %eq3A_697 = arith.cmpi eq, %get3A_1, %eq3A_696 : vector<16x256xi32>
    %gt3A_698 = arith.constant 83 : i32
    %gt3A_699 = vector.broadcast %gt3A_698 : i32 to vector<16x256xi32>
    %gt3A_700 = arith.cmpi sgt, %iota3A, %gt3A_699 : vector<16x256xi32>
    %and3A_701 = arith.andi %eq3A_697, %gt3A_700 : vector<16x256xi1>
    %or3A_702 = arith.ori %or3A_694, %and3A_701 : vector<16x256xi1>
    %slice3A_703 = vector.extract_strided_slice %get3A_1 {offsets = [0, 84], sizes = [16, 1], strides = [1, 1]} : vector<16x256xi32> to vector<16x1xi32>
    %eq3A_704 = vector.broadcast %slice3A_703 : vector<16x1xi32> to vector<16x256xi32>
    %eq3A_705 = arith.cmpi eq, %get3A_1, %eq3A_704 : vector<16x256xi32>
    %gt3A_706 = arith.constant 84 : i32
    %gt3A_707 = vector.broadcast %gt3A_706 : i32 to vector<16x256xi32>
    %gt3A_708 = arith.cmpi sgt, %iota3A, %gt3A_707 : vector<16x256xi32>
    %and3A_709 = arith.andi %eq3A_705, %gt3A_708 : vector<16x256xi1>
    %or3A_710 = arith.ori %or3A_702, %and3A_709 : vector<16x256xi1>
    %slice3A_711 = vector.extract_strided_slice %get3A_1 {offsets = [0, 85], sizes = [16, 1], strides = [1, 1]} : vector<16x256xi32> to vector<16x1xi32>
    %eq3A_712 = vector.broadcast %slice3A_711 : vector<16x1xi32> to vector<16x256xi32>
    %eq3A_713 = arith.cmpi eq, %get3A_1, %eq3A_712 : vector<16x256xi32>
    %gt3A_714 = arith.constant 85 : i32
    %gt3A_715 = vector.broadcast %gt3A_714 : i32 to vector<16x256xi32>
    %gt3A_716 = arith.cmpi sgt, %iota3A, %gt3A_715 : vector<16x256xi32>
    %and3A_717 = arith.andi %eq3A_713, %gt3A_716 : vector<16x256xi1>
    %or3A_718 = arith.ori %or3A_710, %and3A_717 : vector<16x256xi1>
    %slice3A_719 = vector.extract_strided_slice %get3A_1 {offsets = [0, 86], sizes = [16, 1], strides = [1, 1]} : vector<16x256xi32> to vector<16x1xi32>
    %eq3A_720 = vector.broadcast %slice3A_719 : vector<16x1xi32> to vector<16x256xi32>
    %eq3A_721 = arith.cmpi eq, %get3A_1, %eq3A_720 : vector<16x256xi32>
    %gt3A_722 = arith.constant 86 : i32
    %gt3A_723 = vector.broadcast %gt3A_722 : i32 to vector<16x256xi32>
    %gt3A_724 = arith.cmpi sgt, %iota3A, %gt3A_723 : vector<16x256xi32>
    %and3A_725 = arith.andi %eq3A_721, %gt3A_724 : vector<16x256xi1>
    %or3A_726 = arith.ori %or3A_718, %and3A_725 : vector<16x256xi1>
    %slice3A_727 = vector.extract_strided_slice %get3A_1 {offsets = [0, 87], sizes = [16, 1], strides = [1, 1]} : vector<16x256xi32> to vector<16x1xi32>
    %eq3A_728 = vector.broadcast %slice3A_727 : vector<16x1xi32> to vector<16x256xi32>
    %eq3A_729 = arith.cmpi eq, %get3A_1, %eq3A_728 : vector<16x256xi32>
    %gt3A_730 = arith.constant 87 : i32
    %gt3A_731 = vector.broadcast %gt3A_730 : i32 to vector<16x256xi32>
    %gt3A_732 = arith.cmpi sgt, %iota3A, %gt3A_731 : vector<16x256xi32>
    %and3A_733 = arith.andi %eq3A_729, %gt3A_732 : vector<16x256xi1>
    %or3A_734 = arith.ori %or3A_726, %and3A_733 : vector<16x256xi1>
    %slice3A_735 = vector.extract_strided_slice %get3A_1 {offsets = [0, 88], sizes = [16, 1], strides = [1, 1]} : vector<16x256xi32> to vector<16x1xi32>
    %eq3A_736 = vector.broadcast %slice3A_735 : vector<16x1xi32> to vector<16x256xi32>
    %eq3A_737 = arith.cmpi eq, %get3A_1, %eq3A_736 : vector<16x256xi32>
    %gt3A_738 = arith.constant 88 : i32
    %gt3A_739 = vector.broadcast %gt3A_738 : i32 to vector<16x256xi32>
    %gt3A_740 = arith.cmpi sgt, %iota3A, %gt3A_739 : vector<16x256xi32>
    %and3A_741 = arith.andi %eq3A_737, %gt3A_740 : vector<16x256xi1>
    %or3A_742 = arith.ori %or3A_734, %and3A_741 : vector<16x256xi1>
    %slice3A_743 = vector.extract_strided_slice %get3A_1 {offsets = [0, 89], sizes = [16, 1], strides = [1, 1]} : vector<16x256xi32> to vector<16x1xi32>
    %eq3A_744 = vector.broadcast %slice3A_743 : vector<16x1xi32> to vector<16x256xi32>
    %eq3A_745 = arith.cmpi eq, %get3A_1, %eq3A_744 : vector<16x256xi32>
    %gt3A_746 = arith.constant 89 : i32
    %gt3A_747 = vector.broadcast %gt3A_746 : i32 to vector<16x256xi32>
    %gt3A_748 = arith.cmpi sgt, %iota3A, %gt3A_747 : vector<16x256xi32>
    %and3A_749 = arith.andi %eq3A_745, %gt3A_748 : vector<16x256xi1>
    %or3A_750 = arith.ori %or3A_742, %and3A_749 : vector<16x256xi1>
    %slice3A_751 = vector.extract_strided_slice %get3A_1 {offsets = [0, 90], sizes = [16, 1], strides = [1, 1]} : vector<16x256xi32> to vector<16x1xi32>
    %eq3A_752 = vector.broadcast %slice3A_751 : vector<16x1xi32> to vector<16x256xi32>
    %eq3A_753 = arith.cmpi eq, %get3A_1, %eq3A_752 : vector<16x256xi32>
    %gt3A_754 = arith.constant 90 : i32
    %gt3A_755 = vector.broadcast %gt3A_754 : i32 to vector<16x256xi32>
    %gt3A_756 = arith.cmpi sgt, %iota3A, %gt3A_755 : vector<16x256xi32>
    %and3A_757 = arith.andi %eq3A_753, %gt3A_756 : vector<16x256xi1>
    %or3A_758 = arith.ori %or3A_750, %and3A_757 : vector<16x256xi1>
    %slice3A_759 = vector.extract_strided_slice %get3A_1 {offsets = [0, 91], sizes = [16, 1], strides = [1, 1]} : vector<16x256xi32> to vector<16x1xi32>
    %eq3A_760 = vector.broadcast %slice3A_759 : vector<16x1xi32> to vector<16x256xi32>
    %eq3A_761 = arith.cmpi eq, %get3A_1, %eq3A_760 : vector<16x256xi32>
    %gt3A_762 = arith.constant 91 : i32
    %gt3A_763 = vector.broadcast %gt3A_762 : i32 to vector<16x256xi32>
    %gt3A_764 = arith.cmpi sgt, %iota3A, %gt3A_763 : vector<16x256xi32>
    %and3A_765 = arith.andi %eq3A_761, %gt3A_764 : vector<16x256xi1>
    %or3A_766 = arith.ori %or3A_758, %and3A_765 : vector<16x256xi1>
    %slice3A_767 = vector.extract_strided_slice %get3A_1 {offsets = [0, 92], sizes = [16, 1], strides = [1, 1]} : vector<16x256xi32> to vector<16x1xi32>
    %eq3A_768 = vector.broadcast %slice3A_767 : vector<16x1xi32> to vector<16x256xi32>
    %eq3A_769 = arith.cmpi eq, %get3A_1, %eq3A_768 : vector<16x256xi32>
    %gt3A_770 = arith.constant 92 : i32
    %gt3A_771 = vector.broadcast %gt3A_770 : i32 to vector<16x256xi32>
    %gt3A_772 = arith.cmpi sgt, %iota3A, %gt3A_771 : vector<16x256xi32>
    %and3A_773 = arith.andi %eq3A_769, %gt3A_772 : vector<16x256xi1>
    %or3A_774 = arith.ori %or3A_766, %and3A_773 : vector<16x256xi1>
    %slice3A_775 = vector.extract_strided_slice %get3A_1 {offsets = [0, 93], sizes = [16, 1], strides = [1, 1]} : vector<16x256xi32> to vector<16x1xi32>
    %eq3A_776 = vector.broadcast %slice3A_775 : vector<16x1xi32> to vector<16x256xi32>
    %eq3A_777 = arith.cmpi eq, %get3A_1, %eq3A_776 : vector<16x256xi32>
    %gt3A_778 = arith.constant 93 : i32
    %gt3A_779 = vector.broadcast %gt3A_778 : i32 to vector<16x256xi32>
    %gt3A_780 = arith.cmpi sgt, %iota3A, %gt3A_779 : vector<16x256xi32>
    %and3A_781 = arith.andi %eq3A_777, %gt3A_780 : vector<16x256xi1>
    %or3A_782 = arith.ori %or3A_774, %and3A_781 : vector<16x256xi1>
    %slice3A_783 = vector.extract_strided_slice %get3A_1 {offsets = [0, 94], sizes = [16, 1], strides = [1, 1]} : vector<16x256xi32> to vector<16x1xi32>
    %eq3A_784 = vector.broadcast %slice3A_783 : vector<16x1xi32> to vector<16x256xi32>
    %eq3A_785 = arith.cmpi eq, %get3A_1, %eq3A_784 : vector<16x256xi32>
    %gt3A_786 = arith.constant 94 : i32
    %gt3A_787 = vector.broadcast %gt3A_786 : i32 to vector<16x256xi32>
    %gt3A_788 = arith.cmpi sgt, %iota3A, %gt3A_787 : vector<16x256xi32>
    %and3A_789 = arith.andi %eq3A_785, %gt3A_788 : vector<16x256xi1>
    %or3A_790 = arith.ori %or3A_782, %and3A_789 : vector<16x256xi1>
    %slice3A_791 = vector.extract_strided_slice %get3A_1 {offsets = [0, 95], sizes = [16, 1], strides = [1, 1]} : vector<16x256xi32> to vector<16x1xi32>
    %eq3A_792 = vector.broadcast %slice3A_791 : vector<16x1xi32> to vector<16x256xi32>
    %eq3A_793 = arith.cmpi eq, %get3A_1, %eq3A_792 : vector<16x256xi32>
    %gt3A_794 = arith.constant 95 : i32
    %gt3A_795 = vector.broadcast %gt3A_794 : i32 to vector<16x256xi32>
    %gt3A_796 = arith.cmpi sgt, %iota3A, %gt3A_795 : vector<16x256xi32>
    %and3A_797 = arith.andi %eq3A_793, %gt3A_796 : vector<16x256xi1>
    %or3A_798 = arith.ori %or3A_790, %and3A_797 : vector<16x256xi1>
    %slice3A_799 = vector.extract_strided_slice %get3A_1 {offsets = [0, 96], sizes = [16, 1], strides = [1, 1]} : vector<16x256xi32> to vector<16x1xi32>
    %eq3A_800 = vector.broadcast %slice3A_799 : vector<16x1xi32> to vector<16x256xi32>
    %eq3A_801 = arith.cmpi eq, %get3A_1, %eq3A_800 : vector<16x256xi32>
    %gt3A_802 = arith.constant 96 : i32
    %gt3A_803 = vector.broadcast %gt3A_802 : i32 to vector<16x256xi32>
    %gt3A_804 = arith.cmpi sgt, %iota3A, %gt3A_803 : vector<16x256xi32>
    %and3A_805 = arith.andi %eq3A_801, %gt3A_804 : vector<16x256xi1>
    %or3A_806 = arith.ori %or3A_798, %and3A_805 : vector<16x256xi1>
    %slice3A_807 = vector.extract_strided_slice %get3A_1 {offsets = [0, 97], sizes = [16, 1], strides = [1, 1]} : vector<16x256xi32> to vector<16x1xi32>
    %eq3A_808 = vector.broadcast %slice3A_807 : vector<16x1xi32> to vector<16x256xi32>
    %eq3A_809 = arith.cmpi eq, %get3A_1, %eq3A_808 : vector<16x256xi32>
    %gt3A_810 = arith.constant 97 : i32
    %gt3A_811 = vector.broadcast %gt3A_810 : i32 to vector<16x256xi32>
    %gt3A_812 = arith.cmpi sgt, %iota3A, %gt3A_811 : vector<16x256xi32>
    %and3A_813 = arith.andi %eq3A_809, %gt3A_812 : vector<16x256xi1>
    %or3A_814 = arith.ori %or3A_806, %and3A_813 : vector<16x256xi1>
    %slice3A_815 = vector.extract_strided_slice %get3A_1 {offsets = [0, 98], sizes = [16, 1], strides = [1, 1]} : vector<16x256xi32> to vector<16x1xi32>
    %eq3A_816 = vector.broadcast %slice3A_815 : vector<16x1xi32> to vector<16x256xi32>
    %eq3A_817 = arith.cmpi eq, %get3A_1, %eq3A_816 : vector<16x256xi32>
    %gt3A_818 = arith.constant 98 : i32
    %gt3A_819 = vector.broadcast %gt3A_818 : i32 to vector<16x256xi32>
    %gt3A_820 = arith.cmpi sgt, %iota3A, %gt3A_819 : vector<16x256xi32>
    %and3A_821 = arith.andi %eq3A_817, %gt3A_820 : vector<16x256xi1>
    %or3A_822 = arith.ori %or3A_814, %and3A_821 : vector<16x256xi1>
    %slice3A_823 = vector.extract_strided_slice %get3A_1 {offsets = [0, 99], sizes = [16, 1], strides = [1, 1]} : vector<16x256xi32> to vector<16x1xi32>
    %eq3A_824 = vector.broadcast %slice3A_823 : vector<16x1xi32> to vector<16x256xi32>
    %eq3A_825 = arith.cmpi eq, %get3A_1, %eq3A_824 : vector<16x256xi32>
    %gt3A_826 = arith.constant 99 : i32
    %gt3A_827 = vector.broadcast %gt3A_826 : i32 to vector<16x256xi32>
    %gt3A_828 = arith.cmpi sgt, %iota3A, %gt3A_827 : vector<16x256xi32>
    %and3A_829 = arith.andi %eq3A_825, %gt3A_828 : vector<16x256xi1>
    %or3A_830 = arith.ori %or3A_822, %and3A_829 : vector<16x256xi1>
    %slice3A_831 = vector.extract_strided_slice %get3A_1 {offsets = [0, 100], sizes = [16, 1], strides = [1, 1]} : vector<16x256xi32> to vector<16x1xi32>
    %eq3A_832 = vector.broadcast %slice3A_831 : vector<16x1xi32> to vector<16x256xi32>
    %eq3A_833 = arith.cmpi eq, %get3A_1, %eq3A_832 : vector<16x256xi32>
    %gt3A_834 = arith.constant 100 : i32
    %gt3A_835 = vector.broadcast %gt3A_834 : i32 to vector<16x256xi32>
    %gt3A_836 = arith.cmpi sgt, %iota3A, %gt3A_835 : vector<16x256xi32>
    %and3A_837 = arith.andi %eq3A_833, %gt3A_836 : vector<16x256xi1>
    %or3A_838 = arith.ori %or3A_830, %and3A_837 : vector<16x256xi1>
    %slice3A_839 = vector.extract_strided_slice %get3A_1 {offsets = [0, 101], sizes = [16, 1], strides = [1, 1]} : vector<16x256xi32> to vector<16x1xi32>
    %eq3A_840 = vector.broadcast %slice3A_839 : vector<16x1xi32> to vector<16x256xi32>
    %eq3A_841 = arith.cmpi eq, %get3A_1, %eq3A_840 : vector<16x256xi32>
    %gt3A_842 = arith.constant 101 : i32
    %gt3A_843 = vector.broadcast %gt3A_842 : i32 to vector<16x256xi32>
    %gt3A_844 = arith.cmpi sgt, %iota3A, %gt3A_843 : vector<16x256xi32>
    %and3A_845 = arith.andi %eq3A_841, %gt3A_844 : vector<16x256xi1>
    %or3A_846 = arith.ori %or3A_838, %and3A_845 : vector<16x256xi1>
    %slice3A_847 = vector.extract_strided_slice %get3A_1 {offsets = [0, 102], sizes = [16, 1], strides = [1, 1]} : vector<16x256xi32> to vector<16x1xi32>
    %eq3A_848 = vector.broadcast %slice3A_847 : vector<16x1xi32> to vector<16x256xi32>
    %eq3A_849 = arith.cmpi eq, %get3A_1, %eq3A_848 : vector<16x256xi32>
    %gt3A_850 = arith.constant 102 : i32
    %gt3A_851 = vector.broadcast %gt3A_850 : i32 to vector<16x256xi32>
    %gt3A_852 = arith.cmpi sgt, %iota3A, %gt3A_851 : vector<16x256xi32>
    %and3A_853 = arith.andi %eq3A_849, %gt3A_852 : vector<16x256xi1>
    %or3A_854 = arith.ori %or3A_846, %and3A_853 : vector<16x256xi1>
    %slice3A_855 = vector.extract_strided_slice %get3A_1 {offsets = [0, 103], sizes = [16, 1], strides = [1, 1]} : vector<16x256xi32> to vector<16x1xi32>
    %eq3A_856 = vector.broadcast %slice3A_855 : vector<16x1xi32> to vector<16x256xi32>
    %eq3A_857 = arith.cmpi eq, %get3A_1, %eq3A_856 : vector<16x256xi32>
    %gt3A_858 = arith.constant 103 : i32
    %gt3A_859 = vector.broadcast %gt3A_858 : i32 to vector<16x256xi32>
    %gt3A_860 = arith.cmpi sgt, %iota3A, %gt3A_859 : vector<16x256xi32>
    %and3A_861 = arith.andi %eq3A_857, %gt3A_860 : vector<16x256xi1>
    %or3A_862 = arith.ori %or3A_854, %and3A_861 : vector<16x256xi1>
    %slice3A_863 = vector.extract_strided_slice %get3A_1 {offsets = [0, 104], sizes = [16, 1], strides = [1, 1]} : vector<16x256xi32> to vector<16x1xi32>
    %eq3A_864 = vector.broadcast %slice3A_863 : vector<16x1xi32> to vector<16x256xi32>
    %eq3A_865 = arith.cmpi eq, %get3A_1, %eq3A_864 : vector<16x256xi32>
    %gt3A_866 = arith.constant 104 : i32
    %gt3A_867 = vector.broadcast %gt3A_866 : i32 to vector<16x256xi32>
    %gt3A_868 = arith.cmpi sgt, %iota3A, %gt3A_867 : vector<16x256xi32>
    %and3A_869 = arith.andi %eq3A_865, %gt3A_868 : vector<16x256xi1>
    %or3A_870 = arith.ori %or3A_862, %and3A_869 : vector<16x256xi1>
    %slice3A_871 = vector.extract_strided_slice %get3A_1 {offsets = [0, 105], sizes = [16, 1], strides = [1, 1]} : vector<16x256xi32> to vector<16x1xi32>
    %eq3A_872 = vector.broadcast %slice3A_871 : vector<16x1xi32> to vector<16x256xi32>
    %eq3A_873 = arith.cmpi eq, %get3A_1, %eq3A_872 : vector<16x256xi32>
    %gt3A_874 = arith.constant 105 : i32
    %gt3A_875 = vector.broadcast %gt3A_874 : i32 to vector<16x256xi32>
    %gt3A_876 = arith.cmpi sgt, %iota3A, %gt3A_875 : vector<16x256xi32>
    %and3A_877 = arith.andi %eq3A_873, %gt3A_876 : vector<16x256xi1>
    %or3A_878 = arith.ori %or3A_870, %and3A_877 : vector<16x256xi1>
    %slice3A_879 = vector.extract_strided_slice %get3A_1 {offsets = [0, 106], sizes = [16, 1], strides = [1, 1]} : vector<16x256xi32> to vector<16x1xi32>
    %eq3A_880 = vector.broadcast %slice3A_879 : vector<16x1xi32> to vector<16x256xi32>
    %eq3A_881 = arith.cmpi eq, %get3A_1, %eq3A_880 : vector<16x256xi32>
    %gt3A_882 = arith.constant 106 : i32
    %gt3A_883 = vector.broadcast %gt3A_882 : i32 to vector<16x256xi32>
    %gt3A_884 = arith.cmpi sgt, %iota3A, %gt3A_883 : vector<16x256xi32>
    %and3A_885 = arith.andi %eq3A_881, %gt3A_884 : vector<16x256xi1>
    %or3A_886 = arith.ori %or3A_878, %and3A_885 : vector<16x256xi1>
    %slice3A_887 = vector.extract_strided_slice %get3A_1 {offsets = [0, 107], sizes = [16, 1], strides = [1, 1]} : vector<16x256xi32> to vector<16x1xi32>
    %eq3A_888 = vector.broadcast %slice3A_887 : vector<16x1xi32> to vector<16x256xi32>
    %eq3A_889 = arith.cmpi eq, %get3A_1, %eq3A_888 : vector<16x256xi32>
    %gt3A_890 = arith.constant 107 : i32
    %gt3A_891 = vector.broadcast %gt3A_890 : i32 to vector<16x256xi32>
    %gt3A_892 = arith.cmpi sgt, %iota3A, %gt3A_891 : vector<16x256xi32>
    %and3A_893 = arith.andi %eq3A_889, %gt3A_892 : vector<16x256xi1>
    %or3A_894 = arith.ori %or3A_886, %and3A_893 : vector<16x256xi1>
    %slice3A_895 = vector.extract_strided_slice %get3A_1 {offsets = [0, 108], sizes = [16, 1], strides = [1, 1]} : vector<16x256xi32> to vector<16x1xi32>
    %eq3A_896 = vector.broadcast %slice3A_895 : vector<16x1xi32> to vector<16x256xi32>
    %eq3A_897 = arith.cmpi eq, %get3A_1, %eq3A_896 : vector<16x256xi32>
    %gt3A_898 = arith.constant 108 : i32
    %gt3A_899 = vector.broadcast %gt3A_898 : i32 to vector<16x256xi32>
    %gt3A_900 = arith.cmpi sgt, %iota3A, %gt3A_899 : vector<16x256xi32>
    %and3A_901 = arith.andi %eq3A_897, %gt3A_900 : vector<16x256xi1>
    %or3A_902 = arith.ori %or3A_894, %and3A_901 : vector<16x256xi1>
    %slice3A_903 = vector.extract_strided_slice %get3A_1 {offsets = [0, 109], sizes = [16, 1], strides = [1, 1]} : vector<16x256xi32> to vector<16x1xi32>
    %eq3A_904 = vector.broadcast %slice3A_903 : vector<16x1xi32> to vector<16x256xi32>
    %eq3A_905 = arith.cmpi eq, %get3A_1, %eq3A_904 : vector<16x256xi32>
    %gt3A_906 = arith.constant 109 : i32
    %gt3A_907 = vector.broadcast %gt3A_906 : i32 to vector<16x256xi32>
    %gt3A_908 = arith.cmpi sgt, %iota3A, %gt3A_907 : vector<16x256xi32>
    %and3A_909 = arith.andi %eq3A_905, %gt3A_908 : vector<16x256xi1>
    %or3A_910 = arith.ori %or3A_902, %and3A_909 : vector<16x256xi1>
    %slice3A_911 = vector.extract_strided_slice %get3A_1 {offsets = [0, 110], sizes = [16, 1], strides = [1, 1]} : vector<16x256xi32> to vector<16x1xi32>
    %eq3A_912 = vector.broadcast %slice3A_911 : vector<16x1xi32> to vector<16x256xi32>
    %eq3A_913 = arith.cmpi eq, %get3A_1, %eq3A_912 : vector<16x256xi32>
    %gt3A_914 = arith.constant 110 : i32
    %gt3A_915 = vector.broadcast %gt3A_914 : i32 to vector<16x256xi32>
    %gt3A_916 = arith.cmpi sgt, %iota3A, %gt3A_915 : vector<16x256xi32>
    %and3A_917 = arith.andi %eq3A_913, %gt3A_916 : vector<16x256xi1>
    %or3A_918 = arith.ori %or3A_910, %and3A_917 : vector<16x256xi1>
    %slice3A_919 = vector.extract_strided_slice %get3A_1 {offsets = [0, 111], sizes = [16, 1], strides = [1, 1]} : vector<16x256xi32> to vector<16x1xi32>
    %eq3A_920 = vector.broadcast %slice3A_919 : vector<16x1xi32> to vector<16x256xi32>
    %eq3A_921 = arith.cmpi eq, %get3A_1, %eq3A_920 : vector<16x256xi32>
    %gt3A_922 = arith.constant 111 : i32
    %gt3A_923 = vector.broadcast %gt3A_922 : i32 to vector<16x256xi32>
    %gt3A_924 = arith.cmpi sgt, %iota3A, %gt3A_923 : vector<16x256xi32>
    %and3A_925 = arith.andi %eq3A_921, %gt3A_924 : vector<16x256xi1>
    %or3A_926 = arith.ori %or3A_918, %and3A_925 : vector<16x256xi1>
    %slice3A_927 = vector.extract_strided_slice %get3A_1 {offsets = [0, 112], sizes = [16, 1], strides = [1, 1]} : vector<16x256xi32> to vector<16x1xi32>
    %eq3A_928 = vector.broadcast %slice3A_927 : vector<16x1xi32> to vector<16x256xi32>
    %eq3A_929 = arith.cmpi eq, %get3A_1, %eq3A_928 : vector<16x256xi32>
    %gt3A_930 = arith.constant 112 : i32
    %gt3A_931 = vector.broadcast %gt3A_930 : i32 to vector<16x256xi32>
    %gt3A_932 = arith.cmpi sgt, %iota3A, %gt3A_931 : vector<16x256xi32>
    %and3A_933 = arith.andi %eq3A_929, %gt3A_932 : vector<16x256xi1>
    %or3A_934 = arith.ori %or3A_926, %and3A_933 : vector<16x256xi1>
    %slice3A_935 = vector.extract_strided_slice %get3A_1 {offsets = [0, 113], sizes = [16, 1], strides = [1, 1]} : vector<16x256xi32> to vector<16x1xi32>
    %eq3A_936 = vector.broadcast %slice3A_935 : vector<16x1xi32> to vector<16x256xi32>
    %eq3A_937 = arith.cmpi eq, %get3A_1, %eq3A_936 : vector<16x256xi32>
    %gt3A_938 = arith.constant 113 : i32
    %gt3A_939 = vector.broadcast %gt3A_938 : i32 to vector<16x256xi32>
    %gt3A_940 = arith.cmpi sgt, %iota3A, %gt3A_939 : vector<16x256xi32>
    %and3A_941 = arith.andi %eq3A_937, %gt3A_940 : vector<16x256xi1>
    %or3A_942 = arith.ori %or3A_934, %and3A_941 : vector<16x256xi1>
    %slice3A_943 = vector.extract_strided_slice %get3A_1 {offsets = [0, 114], sizes = [16, 1], strides = [1, 1]} : vector<16x256xi32> to vector<16x1xi32>
    %eq3A_944 = vector.broadcast %slice3A_943 : vector<16x1xi32> to vector<16x256xi32>
    %eq3A_945 = arith.cmpi eq, %get3A_1, %eq3A_944 : vector<16x256xi32>
    %gt3A_946 = arith.constant 114 : i32
    %gt3A_947 = vector.broadcast %gt3A_946 : i32 to vector<16x256xi32>
    %gt3A_948 = arith.cmpi sgt, %iota3A, %gt3A_947 : vector<16x256xi32>
    %and3A_949 = arith.andi %eq3A_945, %gt3A_948 : vector<16x256xi1>
    %or3A_950 = arith.ori %or3A_942, %and3A_949 : vector<16x256xi1>
    %slice3A_951 = vector.extract_strided_slice %get3A_1 {offsets = [0, 115], sizes = [16, 1], strides = [1, 1]} : vector<16x256xi32> to vector<16x1xi32>
    %eq3A_952 = vector.broadcast %slice3A_951 : vector<16x1xi32> to vector<16x256xi32>
    %eq3A_953 = arith.cmpi eq, %get3A_1, %eq3A_952 : vector<16x256xi32>
    %gt3A_954 = arith.constant 115 : i32
    %gt3A_955 = vector.broadcast %gt3A_954 : i32 to vector<16x256xi32>
    %gt3A_956 = arith.cmpi sgt, %iota3A, %gt3A_955 : vector<16x256xi32>
    %and3A_957 = arith.andi %eq3A_953, %gt3A_956 : vector<16x256xi1>
    %or3A_958 = arith.ori %or3A_950, %and3A_957 : vector<16x256xi1>
    %slice3A_959 = vector.extract_strided_slice %get3A_1 {offsets = [0, 116], sizes = [16, 1], strides = [1, 1]} : vector<16x256xi32> to vector<16x1xi32>
    %eq3A_960 = vector.broadcast %slice3A_959 : vector<16x1xi32> to vector<16x256xi32>
    %eq3A_961 = arith.cmpi eq, %get3A_1, %eq3A_960 : vector<16x256xi32>
    %gt3A_962 = arith.constant 116 : i32
    %gt3A_963 = vector.broadcast %gt3A_962 : i32 to vector<16x256xi32>
    %gt3A_964 = arith.cmpi sgt, %iota3A, %gt3A_963 : vector<16x256xi32>
    %and3A_965 = arith.andi %eq3A_961, %gt3A_964 : vector<16x256xi1>
    %or3A_966 = arith.ori %or3A_958, %and3A_965 : vector<16x256xi1>
    %slice3A_967 = vector.extract_strided_slice %get3A_1 {offsets = [0, 117], sizes = [16, 1], strides = [1, 1]} : vector<16x256xi32> to vector<16x1xi32>
    %eq3A_968 = vector.broadcast %slice3A_967 : vector<16x1xi32> to vector<16x256xi32>
    %eq3A_969 = arith.cmpi eq, %get3A_1, %eq3A_968 : vector<16x256xi32>
    %gt3A_970 = arith.constant 117 : i32
    %gt3A_971 = vector.broadcast %gt3A_970 : i32 to vector<16x256xi32>
    %gt3A_972 = arith.cmpi sgt, %iota3A, %gt3A_971 : vector<16x256xi32>
    %and3A_973 = arith.andi %eq3A_969, %gt3A_972 : vector<16x256xi1>
    %or3A_974 = arith.ori %or3A_966, %and3A_973 : vector<16x256xi1>
    %slice3A_975 = vector.extract_strided_slice %get3A_1 {offsets = [0, 118], sizes = [16, 1], strides = [1, 1]} : vector<16x256xi32> to vector<16x1xi32>
    %eq3A_976 = vector.broadcast %slice3A_975 : vector<16x1xi32> to vector<16x256xi32>
    %eq3A_977 = arith.cmpi eq, %get3A_1, %eq3A_976 : vector<16x256xi32>
    %gt3A_978 = arith.constant 118 : i32
    %gt3A_979 = vector.broadcast %gt3A_978 : i32 to vector<16x256xi32>
    %gt3A_980 = arith.cmpi sgt, %iota3A, %gt3A_979 : vector<16x256xi32>
    %and3A_981 = arith.andi %eq3A_977, %gt3A_980 : vector<16x256xi1>
    %or3A_982 = arith.ori %or3A_974, %and3A_981 : vector<16x256xi1>
    %slice3A_983 = vector.extract_strided_slice %get3A_1 {offsets = [0, 119], sizes = [16, 1], strides = [1, 1]} : vector<16x256xi32> to vector<16x1xi32>
    %eq3A_984 = vector.broadcast %slice3A_983 : vector<16x1xi32> to vector<16x256xi32>
    %eq3A_985 = arith.cmpi eq, %get3A_1, %eq3A_984 : vector<16x256xi32>
    %gt3A_986 = arith.constant 119 : i32
    %gt3A_987 = vector.broadcast %gt3A_986 : i32 to vector<16x256xi32>
    %gt3A_988 = arith.cmpi sgt, %iota3A, %gt3A_987 : vector<16x256xi32>
    %and3A_989 = arith.andi %eq3A_985, %gt3A_988 : vector<16x256xi1>
    %or3A_990 = arith.ori %or3A_982, %and3A_989 : vector<16x256xi1>
    %slice3A_991 = vector.extract_strided_slice %get3A_1 {offsets = [0, 120], sizes = [16, 1], strides = [1, 1]} : vector<16x256xi32> to vector<16x1xi32>
    %eq3A_992 = vector.broadcast %slice3A_991 : vector<16x1xi32> to vector<16x256xi32>
    %eq3A_993 = arith.cmpi eq, %get3A_1, %eq3A_992 : vector<16x256xi32>
    %gt3A_994 = arith.constant 120 : i32
    %gt3A_995 = vector.broadcast %gt3A_994 : i32 to vector<16x256xi32>
    %gt3A_996 = arith.cmpi sgt, %iota3A, %gt3A_995 : vector<16x256xi32>
    %and3A_997 = arith.andi %eq3A_993, %gt3A_996 : vector<16x256xi1>
    %or3A_998 = arith.ori %or3A_990, %and3A_997 : vector<16x256xi1>
    %slice3A_999 = vector.extract_strided_slice %get3A_1 {offsets = [0, 121], sizes = [16, 1], strides = [1, 1]} : vector<16x256xi32> to vector<16x1xi32>
    %eq3A_1000 = vector.broadcast %slice3A_999 : vector<16x1xi32> to vector<16x256xi32>
    %eq3A_1001 = arith.cmpi eq, %get3A_1, %eq3A_1000 : vector<16x256xi32>
    %gt3A_1002 = arith.constant 121 : i32
    %gt3A_1003 = vector.broadcast %gt3A_1002 : i32 to vector<16x256xi32>
    %gt3A_1004 = arith.cmpi sgt, %iota3A, %gt3A_1003 : vector<16x256xi32>
    %and3A_1005 = arith.andi %eq3A_1001, %gt3A_1004 : vector<16x256xi1>
    %or3A_1006 = arith.ori %or3A_998, %and3A_1005 : vector<16x256xi1>
    %slice3A_1007 = vector.extract_strided_slice %get3A_1 {offsets = [0, 122], sizes = [16, 1], strides = [1, 1]} : vector<16x256xi32> to vector<16x1xi32>
    %eq3A_1008 = vector.broadcast %slice3A_1007 : vector<16x1xi32> to vector<16x256xi32>
    %eq3A_1009 = arith.cmpi eq, %get3A_1, %eq3A_1008 : vector<16x256xi32>
    %gt3A_1010 = arith.constant 122 : i32
    %gt3A_1011 = vector.broadcast %gt3A_1010 : i32 to vector<16x256xi32>
    %gt3A_1012 = arith.cmpi sgt, %iota3A, %gt3A_1011 : vector<16x256xi32>
    %and3A_1013 = arith.andi %eq3A_1009, %gt3A_1012 : vector<16x256xi1>
    %or3A_1014 = arith.ori %or3A_1006, %and3A_1013 : vector<16x256xi1>
    %slice3A_1015 = vector.extract_strided_slice %get3A_1 {offsets = [0, 123], sizes = [16, 1], strides = [1, 1]} : vector<16x256xi32> to vector<16x1xi32>
    %eq3A_1016 = vector.broadcast %slice3A_1015 : vector<16x1xi32> to vector<16x256xi32>
    %eq3A_1017 = arith.cmpi eq, %get3A_1, %eq3A_1016 : vector<16x256xi32>
    %gt3A_1018 = arith.constant 123 : i32
    %gt3A_1019 = vector.broadcast %gt3A_1018 : i32 to vector<16x256xi32>
    %gt3A_1020 = arith.cmpi sgt, %iota3A, %gt3A_1019 : vector<16x256xi32>
    %and3A_1021 = arith.andi %eq3A_1017, %gt3A_1020 : vector<16x256xi1>
    %or3A_1022 = arith.ori %or3A_1014, %and3A_1021 : vector<16x256xi1>
    %slice3A_1023 = vector.extract_strided_slice %get3A_1 {offsets = [0, 124], sizes = [16, 1], strides = [1, 1]} : vector<16x256xi32> to vector<16x1xi32>
    %eq3A_1024 = vector.broadcast %slice3A_1023 : vector<16x1xi32> to vector<16x256xi32>
    %eq3A_1025 = arith.cmpi eq, %get3A_1, %eq3A_1024 : vector<16x256xi32>
    %gt3A_1026 = arith.constant 124 : i32
    %gt3A_1027 = vector.broadcast %gt3A_1026 : i32 to vector<16x256xi32>
    %gt3A_1028 = arith.cmpi sgt, %iota3A, %gt3A_1027 : vector<16x256xi32>
    %and3A_1029 = arith.andi %eq3A_1025, %gt3A_1028 : vector<16x256xi1>
    %or3A_1030 = arith.ori %or3A_1022, %and3A_1029 : vector<16x256xi1>
    %slice3A_1031 = vector.extract_strided_slice %get3A_1 {offsets = [0, 125], sizes = [16, 1], strides = [1, 1]} : vector<16x256xi32> to vector<16x1xi32>
    %eq3A_1032 = vector.broadcast %slice3A_1031 : vector<16x1xi32> to vector<16x256xi32>
    %eq3A_1033 = arith.cmpi eq, %get3A_1, %eq3A_1032 : vector<16x256xi32>
    %gt3A_1034 = arith.constant 125 : i32
    %gt3A_1035 = vector.broadcast %gt3A_1034 : i32 to vector<16x256xi32>
    %gt3A_1036 = arith.cmpi sgt, %iota3A, %gt3A_1035 : vector<16x256xi32>
    %and3A_1037 = arith.andi %eq3A_1033, %gt3A_1036 : vector<16x256xi1>
    %or3A_1038 = arith.ori %or3A_1030, %and3A_1037 : vector<16x256xi1>
    %slice3A_1039 = vector.extract_strided_slice %get3A_1 {offsets = [0, 126], sizes = [16, 1], strides = [1, 1]} : vector<16x256xi32> to vector<16x1xi32>
    %eq3A_1040 = vector.broadcast %slice3A_1039 : vector<16x1xi32> to vector<16x256xi32>
    %eq3A_1041 = arith.cmpi eq, %get3A_1, %eq3A_1040 : vector<16x256xi32>
    %gt3A_1042 = arith.constant 126 : i32
    %gt3A_1043 = vector.broadcast %gt3A_1042 : i32 to vector<16x256xi32>
    %gt3A_1044 = arith.cmpi sgt, %iota3A, %gt3A_1043 : vector<16x256xi32>
    %and3A_1045 = arith.andi %eq3A_1041, %gt3A_1044 : vector<16x256xi1>
    %or3A_1046 = arith.ori %or3A_1038, %and3A_1045 : vector<16x256xi1>
    %slice3A_1047 = vector.extract_strided_slice %get3A_1 {offsets = [0, 127], sizes = [16, 1], strides = [1, 1]} : vector<16x256xi32> to vector<16x1xi32>
    %eq3A_1048 = vector.broadcast %slice3A_1047 : vector<16x1xi32> to vector<16x256xi32>
    %eq3A_1049 = arith.cmpi eq, %get3A_1, %eq3A_1048 : vector<16x256xi32>
    %gt3A_1050 = arith.constant 127 : i32
    %gt3A_1051 = vector.broadcast %gt3A_1050 : i32 to vector<16x256xi32>
    %gt3A_1052 = arith.cmpi sgt, %iota3A, %gt3A_1051 : vector<16x256xi32>
    %and3A_1053 = arith.andi %eq3A_1049, %gt3A_1052 : vector<16x256xi1>
    %or3A_1054 = arith.ori %or3A_1046, %and3A_1053 : vector<16x256xi1>
    %slice3A_1055 = vector.extract_strided_slice %get3A_1 {offsets = [0, 128], sizes = [16, 1], strides = [1, 1]} : vector<16x256xi32> to vector<16x1xi32>
    %eq3A_1056 = vector.broadcast %slice3A_1055 : vector<16x1xi32> to vector<16x256xi32>
    %eq3A_1057 = arith.cmpi eq, %get3A_1, %eq3A_1056 : vector<16x256xi32>
    %gt3A_1058 = arith.constant 128 : i32
    %gt3A_1059 = vector.broadcast %gt3A_1058 : i32 to vector<16x256xi32>
    %gt3A_1060 = arith.cmpi sgt, %iota3A, %gt3A_1059 : vector<16x256xi32>
    %and3A_1061 = arith.andi %eq3A_1057, %gt3A_1060 : vector<16x256xi1>
    %or3A_1062 = arith.ori %or3A_1054, %and3A_1061 : vector<16x256xi1>
    %slice3A_1063 = vector.extract_strided_slice %get3A_1 {offsets = [0, 129], sizes = [16, 1], strides = [1, 1]} : vector<16x256xi32> to vector<16x1xi32>
    %eq3A_1064 = vector.broadcast %slice3A_1063 : vector<16x1xi32> to vector<16x256xi32>
    %eq3A_1065 = arith.cmpi eq, %get3A_1, %eq3A_1064 : vector<16x256xi32>
    %gt3A_1066 = arith.constant 129 : i32
    %gt3A_1067 = vector.broadcast %gt3A_1066 : i32 to vector<16x256xi32>
    %gt3A_1068 = arith.cmpi sgt, %iota3A, %gt3A_1067 : vector<16x256xi32>
    %and3A_1069 = arith.andi %eq3A_1065, %gt3A_1068 : vector<16x256xi1>
    %or3A_1070 = arith.ori %or3A_1062, %and3A_1069 : vector<16x256xi1>
    %slice3A_1071 = vector.extract_strided_slice %get3A_1 {offsets = [0, 130], sizes = [16, 1], strides = [1, 1]} : vector<16x256xi32> to vector<16x1xi32>
    %eq3A_1072 = vector.broadcast %slice3A_1071 : vector<16x1xi32> to vector<16x256xi32>
    %eq3A_1073 = arith.cmpi eq, %get3A_1, %eq3A_1072 : vector<16x256xi32>
    %gt3A_1074 = arith.constant 130 : i32
    %gt3A_1075 = vector.broadcast %gt3A_1074 : i32 to vector<16x256xi32>
    %gt3A_1076 = arith.cmpi sgt, %iota3A, %gt3A_1075 : vector<16x256xi32>
    %and3A_1077 = arith.andi %eq3A_1073, %gt3A_1076 : vector<16x256xi1>
    %or3A_1078 = arith.ori %or3A_1070, %and3A_1077 : vector<16x256xi1>
    %slice3A_1079 = vector.extract_strided_slice %get3A_1 {offsets = [0, 131], sizes = [16, 1], strides = [1, 1]} : vector<16x256xi32> to vector<16x1xi32>
    %eq3A_1080 = vector.broadcast %slice3A_1079 : vector<16x1xi32> to vector<16x256xi32>
    %eq3A_1081 = arith.cmpi eq, %get3A_1, %eq3A_1080 : vector<16x256xi32>
    %gt3A_1082 = arith.constant 131 : i32
    %gt3A_1083 = vector.broadcast %gt3A_1082 : i32 to vector<16x256xi32>
    %gt3A_1084 = arith.cmpi sgt, %iota3A, %gt3A_1083 : vector<16x256xi32>
    %and3A_1085 = arith.andi %eq3A_1081, %gt3A_1084 : vector<16x256xi1>
    %or3A_1086 = arith.ori %or3A_1078, %and3A_1085 : vector<16x256xi1>
    %slice3A_1087 = vector.extract_strided_slice %get3A_1 {offsets = [0, 132], sizes = [16, 1], strides = [1, 1]} : vector<16x256xi32> to vector<16x1xi32>
    %eq3A_1088 = vector.broadcast %slice3A_1087 : vector<16x1xi32> to vector<16x256xi32>
    %eq3A_1089 = arith.cmpi eq, %get3A_1, %eq3A_1088 : vector<16x256xi32>
    %gt3A_1090 = arith.constant 132 : i32
    %gt3A_1091 = vector.broadcast %gt3A_1090 : i32 to vector<16x256xi32>
    %gt3A_1092 = arith.cmpi sgt, %iota3A, %gt3A_1091 : vector<16x256xi32>
    %and3A_1093 = arith.andi %eq3A_1089, %gt3A_1092 : vector<16x256xi1>
    %or3A_1094 = arith.ori %or3A_1086, %and3A_1093 : vector<16x256xi1>
    %slice3A_1095 = vector.extract_strided_slice %get3A_1 {offsets = [0, 133], sizes = [16, 1], strides = [1, 1]} : vector<16x256xi32> to vector<16x1xi32>
    %eq3A_1096 = vector.broadcast %slice3A_1095 : vector<16x1xi32> to vector<16x256xi32>
    %eq3A_1097 = arith.cmpi eq, %get3A_1, %eq3A_1096 : vector<16x256xi32>
    %gt3A_1098 = arith.constant 133 : i32
    %gt3A_1099 = vector.broadcast %gt3A_1098 : i32 to vector<16x256xi32>
    %gt3A_1100 = arith.cmpi sgt, %iota3A, %gt3A_1099 : vector<16x256xi32>
    %and3A_1101 = arith.andi %eq3A_1097, %gt3A_1100 : vector<16x256xi1>
    %or3A_1102 = arith.ori %or3A_1094, %and3A_1101 : vector<16x256xi1>
    %slice3A_1103 = vector.extract_strided_slice %get3A_1 {offsets = [0, 134], sizes = [16, 1], strides = [1, 1]} : vector<16x256xi32> to vector<16x1xi32>
    %eq3A_1104 = vector.broadcast %slice3A_1103 : vector<16x1xi32> to vector<16x256xi32>
    %eq3A_1105 = arith.cmpi eq, %get3A_1, %eq3A_1104 : vector<16x256xi32>
    %gt3A_1106 = arith.constant 134 : i32
    %gt3A_1107 = vector.broadcast %gt3A_1106 : i32 to vector<16x256xi32>
    %gt3A_1108 = arith.cmpi sgt, %iota3A, %gt3A_1107 : vector<16x256xi32>
    %and3A_1109 = arith.andi %eq3A_1105, %gt3A_1108 : vector<16x256xi1>
    %or3A_1110 = arith.ori %or3A_1102, %and3A_1109 : vector<16x256xi1>
    %slice3A_1111 = vector.extract_strided_slice %get3A_1 {offsets = [0, 135], sizes = [16, 1], strides = [1, 1]} : vector<16x256xi32> to vector<16x1xi32>
    %eq3A_1112 = vector.broadcast %slice3A_1111 : vector<16x1xi32> to vector<16x256xi32>
    %eq3A_1113 = arith.cmpi eq, %get3A_1, %eq3A_1112 : vector<16x256xi32>
    %gt3A_1114 = arith.constant 135 : i32
    %gt3A_1115 = vector.broadcast %gt3A_1114 : i32 to vector<16x256xi32>
    %gt3A_1116 = arith.cmpi sgt, %iota3A, %gt3A_1115 : vector<16x256xi32>
    %and3A_1117 = arith.andi %eq3A_1113, %gt3A_1116 : vector<16x256xi1>
    %or3A_1118 = arith.ori %or3A_1110, %and3A_1117 : vector<16x256xi1>
    %slice3A_1119 = vector.extract_strided_slice %get3A_1 {offsets = [0, 136], sizes = [16, 1], strides = [1, 1]} : vector<16x256xi32> to vector<16x1xi32>
    %eq3A_1120 = vector.broadcast %slice3A_1119 : vector<16x1xi32> to vector<16x256xi32>
    %eq3A_1121 = arith.cmpi eq, %get3A_1, %eq3A_1120 : vector<16x256xi32>
    %gt3A_1122 = arith.constant 136 : i32
    %gt3A_1123 = vector.broadcast %gt3A_1122 : i32 to vector<16x256xi32>
    %gt3A_1124 = arith.cmpi sgt, %iota3A, %gt3A_1123 : vector<16x256xi32>
    %and3A_1125 = arith.andi %eq3A_1121, %gt3A_1124 : vector<16x256xi1>
    %or3A_1126 = arith.ori %or3A_1118, %and3A_1125 : vector<16x256xi1>
    %slice3A_1127 = vector.extract_strided_slice %get3A_1 {offsets = [0, 137], sizes = [16, 1], strides = [1, 1]} : vector<16x256xi32> to vector<16x1xi32>
    %eq3A_1128 = vector.broadcast %slice3A_1127 : vector<16x1xi32> to vector<16x256xi32>
    %eq3A_1129 = arith.cmpi eq, %get3A_1, %eq3A_1128 : vector<16x256xi32>
    %gt3A_1130 = arith.constant 137 : i32
    %gt3A_1131 = vector.broadcast %gt3A_1130 : i32 to vector<16x256xi32>
    %gt3A_1132 = arith.cmpi sgt, %iota3A, %gt3A_1131 : vector<16x256xi32>
    %and3A_1133 = arith.andi %eq3A_1129, %gt3A_1132 : vector<16x256xi1>
    %or3A_1134 = arith.ori %or3A_1126, %and3A_1133 : vector<16x256xi1>
    %slice3A_1135 = vector.extract_strided_slice %get3A_1 {offsets = [0, 138], sizes = [16, 1], strides = [1, 1]} : vector<16x256xi32> to vector<16x1xi32>
    %eq3A_1136 = vector.broadcast %slice3A_1135 : vector<16x1xi32> to vector<16x256xi32>
    %eq3A_1137 = arith.cmpi eq, %get3A_1, %eq3A_1136 : vector<16x256xi32>
    %gt3A_1138 = arith.constant 138 : i32
    %gt3A_1139 = vector.broadcast %gt3A_1138 : i32 to vector<16x256xi32>
    %gt3A_1140 = arith.cmpi sgt, %iota3A, %gt3A_1139 : vector<16x256xi32>
    %and3A_1141 = arith.andi %eq3A_1137, %gt3A_1140 : vector<16x256xi1>
    %or3A_1142 = arith.ori %or3A_1134, %and3A_1141 : vector<16x256xi1>
    %slice3A_1143 = vector.extract_strided_slice %get3A_1 {offsets = [0, 139], sizes = [16, 1], strides = [1, 1]} : vector<16x256xi32> to vector<16x1xi32>
    %eq3A_1144 = vector.broadcast %slice3A_1143 : vector<16x1xi32> to vector<16x256xi32>
    %eq3A_1145 = arith.cmpi eq, %get3A_1, %eq3A_1144 : vector<16x256xi32>
    %gt3A_1146 = arith.constant 139 : i32
    %gt3A_1147 = vector.broadcast %gt3A_1146 : i32 to vector<16x256xi32>
    %gt3A_1148 = arith.cmpi sgt, %iota3A, %gt3A_1147 : vector<16x256xi32>
    %and3A_1149 = arith.andi %eq3A_1145, %gt3A_1148 : vector<16x256xi1>
    %or3A_1150 = arith.ori %or3A_1142, %and3A_1149 : vector<16x256xi1>
    %slice3A_1151 = vector.extract_strided_slice %get3A_1 {offsets = [0, 140], sizes = [16, 1], strides = [1, 1]} : vector<16x256xi32> to vector<16x1xi32>
    %eq3A_1152 = vector.broadcast %slice3A_1151 : vector<16x1xi32> to vector<16x256xi32>
    %eq3A_1153 = arith.cmpi eq, %get3A_1, %eq3A_1152 : vector<16x256xi32>
    %gt3A_1154 = arith.constant 140 : i32
    %gt3A_1155 = vector.broadcast %gt3A_1154 : i32 to vector<16x256xi32>
    %gt3A_1156 = arith.cmpi sgt, %iota3A, %gt3A_1155 : vector<16x256xi32>
    %and3A_1157 = arith.andi %eq3A_1153, %gt3A_1156 : vector<16x256xi1>
    %or3A_1158 = arith.ori %or3A_1150, %and3A_1157 : vector<16x256xi1>
    %slice3A_1159 = vector.extract_strided_slice %get3A_1 {offsets = [0, 141], sizes = [16, 1], strides = [1, 1]} : vector<16x256xi32> to vector<16x1xi32>
    %eq3A_1160 = vector.broadcast %slice3A_1159 : vector<16x1xi32> to vector<16x256xi32>
    %eq3A_1161 = arith.cmpi eq, %get3A_1, %eq3A_1160 : vector<16x256xi32>
    %gt3A_1162 = arith.constant 141 : i32
    %gt3A_1163 = vector.broadcast %gt3A_1162 : i32 to vector<16x256xi32>
    %gt3A_1164 = arith.cmpi sgt, %iota3A, %gt3A_1163 : vector<16x256xi32>
    %and3A_1165 = arith.andi %eq3A_1161, %gt3A_1164 : vector<16x256xi1>
    %or3A_1166 = arith.ori %or3A_1158, %and3A_1165 : vector<16x256xi1>
    %slice3A_1167 = vector.extract_strided_slice %get3A_1 {offsets = [0, 142], sizes = [16, 1], strides = [1, 1]} : vector<16x256xi32> to vector<16x1xi32>
    %eq3A_1168 = vector.broadcast %slice3A_1167 : vector<16x1xi32> to vector<16x256xi32>
    %eq3A_1169 = arith.cmpi eq, %get3A_1, %eq3A_1168 : vector<16x256xi32>
    %gt3A_1170 = arith.constant 142 : i32
    %gt3A_1171 = vector.broadcast %gt3A_1170 : i32 to vector<16x256xi32>
    %gt3A_1172 = arith.cmpi sgt, %iota3A, %gt3A_1171 : vector<16x256xi32>
    %and3A_1173 = arith.andi %eq3A_1169, %gt3A_1172 : vector<16x256xi1>
    %or3A_1174 = arith.ori %or3A_1166, %and3A_1173 : vector<16x256xi1>
    %slice3A_1175 = vector.extract_strided_slice %get3A_1 {offsets = [0, 143], sizes = [16, 1], strides = [1, 1]} : vector<16x256xi32> to vector<16x1xi32>
    %eq3A_1176 = vector.broadcast %slice3A_1175 : vector<16x1xi32> to vector<16x256xi32>
    %eq3A_1177 = arith.cmpi eq, %get3A_1, %eq3A_1176 : vector<16x256xi32>
    %gt3A_1178 = arith.constant 143 : i32
    %gt3A_1179 = vector.broadcast %gt3A_1178 : i32 to vector<16x256xi32>
    %gt3A_1180 = arith.cmpi sgt, %iota3A, %gt3A_1179 : vector<16x256xi32>
    %and3A_1181 = arith.andi %eq3A_1177, %gt3A_1180 : vector<16x256xi1>
    %or3A_1182 = arith.ori %or3A_1174, %and3A_1181 : vector<16x256xi1>
    %slice3A_1183 = vector.extract_strided_slice %get3A_1 {offsets = [0, 144], sizes = [16, 1], strides = [1, 1]} : vector<16x256xi32> to vector<16x1xi32>
    %eq3A_1184 = vector.broadcast %slice3A_1183 : vector<16x1xi32> to vector<16x256xi32>
    %eq3A_1185 = arith.cmpi eq, %get3A_1, %eq3A_1184 : vector<16x256xi32>
    %gt3A_1186 = arith.constant 144 : i32
    %gt3A_1187 = vector.broadcast %gt3A_1186 : i32 to vector<16x256xi32>
    %gt3A_1188 = arith.cmpi sgt, %iota3A, %gt3A_1187 : vector<16x256xi32>
    %and3A_1189 = arith.andi %eq3A_1185, %gt3A_1188 : vector<16x256xi1>
    %or3A_1190 = arith.ori %or3A_1182, %and3A_1189 : vector<16x256xi1>
    %slice3A_1191 = vector.extract_strided_slice %get3A_1 {offsets = [0, 145], sizes = [16, 1], strides = [1, 1]} : vector<16x256xi32> to vector<16x1xi32>
    %eq3A_1192 = vector.broadcast %slice3A_1191 : vector<16x1xi32> to vector<16x256xi32>
    %eq3A_1193 = arith.cmpi eq, %get3A_1, %eq3A_1192 : vector<16x256xi32>
    %gt3A_1194 = arith.constant 145 : i32
    %gt3A_1195 = vector.broadcast %gt3A_1194 : i32 to vector<16x256xi32>
    %gt3A_1196 = arith.cmpi sgt, %iota3A, %gt3A_1195 : vector<16x256xi32>
    %and3A_1197 = arith.andi %eq3A_1193, %gt3A_1196 : vector<16x256xi1>
    %or3A_1198 = arith.ori %or3A_1190, %and3A_1197 : vector<16x256xi1>
    %slice3A_1199 = vector.extract_strided_slice %get3A_1 {offsets = [0, 146], sizes = [16, 1], strides = [1, 1]} : vector<16x256xi32> to vector<16x1xi32>
    %eq3A_1200 = vector.broadcast %slice3A_1199 : vector<16x1xi32> to vector<16x256xi32>
    %eq3A_1201 = arith.cmpi eq, %get3A_1, %eq3A_1200 : vector<16x256xi32>
    %gt3A_1202 = arith.constant 146 : i32
    %gt3A_1203 = vector.broadcast %gt3A_1202 : i32 to vector<16x256xi32>
    %gt3A_1204 = arith.cmpi sgt, %iota3A, %gt3A_1203 : vector<16x256xi32>
    %and3A_1205 = arith.andi %eq3A_1201, %gt3A_1204 : vector<16x256xi1>
    %or3A_1206 = arith.ori %or3A_1198, %and3A_1205 : vector<16x256xi1>
    %slice3A_1207 = vector.extract_strided_slice %get3A_1 {offsets = [0, 147], sizes = [16, 1], strides = [1, 1]} : vector<16x256xi32> to vector<16x1xi32>
    %eq3A_1208 = vector.broadcast %slice3A_1207 : vector<16x1xi32> to vector<16x256xi32>
    %eq3A_1209 = arith.cmpi eq, %get3A_1, %eq3A_1208 : vector<16x256xi32>
    %gt3A_1210 = arith.constant 147 : i32
    %gt3A_1211 = vector.broadcast %gt3A_1210 : i32 to vector<16x256xi32>
    %gt3A_1212 = arith.cmpi sgt, %iota3A, %gt3A_1211 : vector<16x256xi32>
    %and3A_1213 = arith.andi %eq3A_1209, %gt3A_1212 : vector<16x256xi1>
    %or3A_1214 = arith.ori %or3A_1206, %and3A_1213 : vector<16x256xi1>
    %slice3A_1215 = vector.extract_strided_slice %get3A_1 {offsets = [0, 148], sizes = [16, 1], strides = [1, 1]} : vector<16x256xi32> to vector<16x1xi32>
    %eq3A_1216 = vector.broadcast %slice3A_1215 : vector<16x1xi32> to vector<16x256xi32>
    %eq3A_1217 = arith.cmpi eq, %get3A_1, %eq3A_1216 : vector<16x256xi32>
    %gt3A_1218 = arith.constant 148 : i32
    %gt3A_1219 = vector.broadcast %gt3A_1218 : i32 to vector<16x256xi32>
    %gt3A_1220 = arith.cmpi sgt, %iota3A, %gt3A_1219 : vector<16x256xi32>
    %and3A_1221 = arith.andi %eq3A_1217, %gt3A_1220 : vector<16x256xi1>
    %or3A_1222 = arith.ori %or3A_1214, %and3A_1221 : vector<16x256xi1>
    %slice3A_1223 = vector.extract_strided_slice %get3A_1 {offsets = [0, 149], sizes = [16, 1], strides = [1, 1]} : vector<16x256xi32> to vector<16x1xi32>
    %eq3A_1224 = vector.broadcast %slice3A_1223 : vector<16x1xi32> to vector<16x256xi32>
    %eq3A_1225 = arith.cmpi eq, %get3A_1, %eq3A_1224 : vector<16x256xi32>
    %gt3A_1226 = arith.constant 149 : i32
    %gt3A_1227 = vector.broadcast %gt3A_1226 : i32 to vector<16x256xi32>
    %gt3A_1228 = arith.cmpi sgt, %iota3A, %gt3A_1227 : vector<16x256xi32>
    %and3A_1229 = arith.andi %eq3A_1225, %gt3A_1228 : vector<16x256xi1>
    %or3A_1230 = arith.ori %or3A_1222, %and3A_1229 : vector<16x256xi1>
    %slice3A_1231 = vector.extract_strided_slice %get3A_1 {offsets = [0, 150], sizes = [16, 1], strides = [1, 1]} : vector<16x256xi32> to vector<16x1xi32>
    %eq3A_1232 = vector.broadcast %slice3A_1231 : vector<16x1xi32> to vector<16x256xi32>
    %eq3A_1233 = arith.cmpi eq, %get3A_1, %eq3A_1232 : vector<16x256xi32>
    %gt3A_1234 = arith.constant 150 : i32
    %gt3A_1235 = vector.broadcast %gt3A_1234 : i32 to vector<16x256xi32>
    %gt3A_1236 = arith.cmpi sgt, %iota3A, %gt3A_1235 : vector<16x256xi32>
    %and3A_1237 = arith.andi %eq3A_1233, %gt3A_1236 : vector<16x256xi1>
    %or3A_1238 = arith.ori %or3A_1230, %and3A_1237 : vector<16x256xi1>
    %slice3A_1239 = vector.extract_strided_slice %get3A_1 {offsets = [0, 151], sizes = [16, 1], strides = [1, 1]} : vector<16x256xi32> to vector<16x1xi32>
    %eq3A_1240 = vector.broadcast %slice3A_1239 : vector<16x1xi32> to vector<16x256xi32>
    %eq3A_1241 = arith.cmpi eq, %get3A_1, %eq3A_1240 : vector<16x256xi32>
    %gt3A_1242 = arith.constant 151 : i32
    %gt3A_1243 = vector.broadcast %gt3A_1242 : i32 to vector<16x256xi32>
    %gt3A_1244 = arith.cmpi sgt, %iota3A, %gt3A_1243 : vector<16x256xi32>
    %and3A_1245 = arith.andi %eq3A_1241, %gt3A_1244 : vector<16x256xi1>
    %or3A_1246 = arith.ori %or3A_1238, %and3A_1245 : vector<16x256xi1>
    %slice3A_1247 = vector.extract_strided_slice %get3A_1 {offsets = [0, 152], sizes = [16, 1], strides = [1, 1]} : vector<16x256xi32> to vector<16x1xi32>
    %eq3A_1248 = vector.broadcast %slice3A_1247 : vector<16x1xi32> to vector<16x256xi32>
    %eq3A_1249 = arith.cmpi eq, %get3A_1, %eq3A_1248 : vector<16x256xi32>
    %gt3A_1250 = arith.constant 152 : i32
    %gt3A_1251 = vector.broadcast %gt3A_1250 : i32 to vector<16x256xi32>
    %gt3A_1252 = arith.cmpi sgt, %iota3A, %gt3A_1251 : vector<16x256xi32>
    %and3A_1253 = arith.andi %eq3A_1249, %gt3A_1252 : vector<16x256xi1>
    %or3A_1254 = arith.ori %or3A_1246, %and3A_1253 : vector<16x256xi1>
    %slice3A_1255 = vector.extract_strided_slice %get3A_1 {offsets = [0, 153], sizes = [16, 1], strides = [1, 1]} : vector<16x256xi32> to vector<16x1xi32>
    %eq3A_1256 = vector.broadcast %slice3A_1255 : vector<16x1xi32> to vector<16x256xi32>
    %eq3A_1257 = arith.cmpi eq, %get3A_1, %eq3A_1256 : vector<16x256xi32>
    %gt3A_1258 = arith.constant 153 : i32
    %gt3A_1259 = vector.broadcast %gt3A_1258 : i32 to vector<16x256xi32>
    %gt3A_1260 = arith.cmpi sgt, %iota3A, %gt3A_1259 : vector<16x256xi32>
    %and3A_1261 = arith.andi %eq3A_1257, %gt3A_1260 : vector<16x256xi1>
    %or3A_1262 = arith.ori %or3A_1254, %and3A_1261 : vector<16x256xi1>
    %slice3A_1263 = vector.extract_strided_slice %get3A_1 {offsets = [0, 154], sizes = [16, 1], strides = [1, 1]} : vector<16x256xi32> to vector<16x1xi32>
    %eq3A_1264 = vector.broadcast %slice3A_1263 : vector<16x1xi32> to vector<16x256xi32>
    %eq3A_1265 = arith.cmpi eq, %get3A_1, %eq3A_1264 : vector<16x256xi32>
    %gt3A_1266 = arith.constant 154 : i32
    %gt3A_1267 = vector.broadcast %gt3A_1266 : i32 to vector<16x256xi32>
    %gt3A_1268 = arith.cmpi sgt, %iota3A, %gt3A_1267 : vector<16x256xi32>
    %and3A_1269 = arith.andi %eq3A_1265, %gt3A_1268 : vector<16x256xi1>
    %or3A_1270 = arith.ori %or3A_1262, %and3A_1269 : vector<16x256xi1>
    %slice3A_1271 = vector.extract_strided_slice %get3A_1 {offsets = [0, 155], sizes = [16, 1], strides = [1, 1]} : vector<16x256xi32> to vector<16x1xi32>
    %eq3A_1272 = vector.broadcast %slice3A_1271 : vector<16x1xi32> to vector<16x256xi32>
    %eq3A_1273 = arith.cmpi eq, %get3A_1, %eq3A_1272 : vector<16x256xi32>
    %gt3A_1274 = arith.constant 155 : i32
    %gt3A_1275 = vector.broadcast %gt3A_1274 : i32 to vector<16x256xi32>
    %gt3A_1276 = arith.cmpi sgt, %iota3A, %gt3A_1275 : vector<16x256xi32>
    %and3A_1277 = arith.andi %eq3A_1273, %gt3A_1276 : vector<16x256xi1>
    %or3A_1278 = arith.ori %or3A_1270, %and3A_1277 : vector<16x256xi1>
    %slice3A_1279 = vector.extract_strided_slice %get3A_1 {offsets = [0, 156], sizes = [16, 1], strides = [1, 1]} : vector<16x256xi32> to vector<16x1xi32>
    %eq3A_1280 = vector.broadcast %slice3A_1279 : vector<16x1xi32> to vector<16x256xi32>
    %eq3A_1281 = arith.cmpi eq, %get3A_1, %eq3A_1280 : vector<16x256xi32>
    %gt3A_1282 = arith.constant 156 : i32
    %gt3A_1283 = vector.broadcast %gt3A_1282 : i32 to vector<16x256xi32>
    %gt3A_1284 = arith.cmpi sgt, %iota3A, %gt3A_1283 : vector<16x256xi32>
    %and3A_1285 = arith.andi %eq3A_1281, %gt3A_1284 : vector<16x256xi1>
    %or3A_1286 = arith.ori %or3A_1278, %and3A_1285 : vector<16x256xi1>
    %slice3A_1287 = vector.extract_strided_slice %get3A_1 {offsets = [0, 157], sizes = [16, 1], strides = [1, 1]} : vector<16x256xi32> to vector<16x1xi32>
    %eq3A_1288 = vector.broadcast %slice3A_1287 : vector<16x1xi32> to vector<16x256xi32>
    %eq3A_1289 = arith.cmpi eq, %get3A_1, %eq3A_1288 : vector<16x256xi32>
    %gt3A_1290 = arith.constant 157 : i32
    %gt3A_1291 = vector.broadcast %gt3A_1290 : i32 to vector<16x256xi32>
    %gt3A_1292 = arith.cmpi sgt, %iota3A, %gt3A_1291 : vector<16x256xi32>
    %and3A_1293 = arith.andi %eq3A_1289, %gt3A_1292 : vector<16x256xi1>
    %or3A_1294 = arith.ori %or3A_1286, %and3A_1293 : vector<16x256xi1>
    %slice3A_1295 = vector.extract_strided_slice %get3A_1 {offsets = [0, 158], sizes = [16, 1], strides = [1, 1]} : vector<16x256xi32> to vector<16x1xi32>
    %eq3A_1296 = vector.broadcast %slice3A_1295 : vector<16x1xi32> to vector<16x256xi32>
    %eq3A_1297 = arith.cmpi eq, %get3A_1, %eq3A_1296 : vector<16x256xi32>
    %gt3A_1298 = arith.constant 158 : i32
    %gt3A_1299 = vector.broadcast %gt3A_1298 : i32 to vector<16x256xi32>
    %gt3A_1300 = arith.cmpi sgt, %iota3A, %gt3A_1299 : vector<16x256xi32>
    %and3A_1301 = arith.andi %eq3A_1297, %gt3A_1300 : vector<16x256xi1>
    %or3A_1302 = arith.ori %or3A_1294, %and3A_1301 : vector<16x256xi1>
    %slice3A_1303 = vector.extract_strided_slice %get3A_1 {offsets = [0, 159], sizes = [16, 1], strides = [1, 1]} : vector<16x256xi32> to vector<16x1xi32>
    %eq3A_1304 = vector.broadcast %slice3A_1303 : vector<16x1xi32> to vector<16x256xi32>
    %eq3A_1305 = arith.cmpi eq, %get3A_1, %eq3A_1304 : vector<16x256xi32>
    %gt3A_1306 = arith.constant 159 : i32
    %gt3A_1307 = vector.broadcast %gt3A_1306 : i32 to vector<16x256xi32>
    %gt3A_1308 = arith.cmpi sgt, %iota3A, %gt3A_1307 : vector<16x256xi32>
    %and3A_1309 = arith.andi %eq3A_1305, %gt3A_1308 : vector<16x256xi1>
    %or3A_1310 = arith.ori %or3A_1302, %and3A_1309 : vector<16x256xi1>
    %slice3A_1311 = vector.extract_strided_slice %get3A_1 {offsets = [0, 160], sizes = [16, 1], strides = [1, 1]} : vector<16x256xi32> to vector<16x1xi32>
    %eq3A_1312 = vector.broadcast %slice3A_1311 : vector<16x1xi32> to vector<16x256xi32>
    %eq3A_1313 = arith.cmpi eq, %get3A_1, %eq3A_1312 : vector<16x256xi32>
    %gt3A_1314 = arith.constant 160 : i32
    %gt3A_1315 = vector.broadcast %gt3A_1314 : i32 to vector<16x256xi32>
    %gt3A_1316 = arith.cmpi sgt, %iota3A, %gt3A_1315 : vector<16x256xi32>
    %and3A_1317 = arith.andi %eq3A_1313, %gt3A_1316 : vector<16x256xi1>
    %or3A_1318 = arith.ori %or3A_1310, %and3A_1317 : vector<16x256xi1>
    %slice3A_1319 = vector.extract_strided_slice %get3A_1 {offsets = [0, 161], sizes = [16, 1], strides = [1, 1]} : vector<16x256xi32> to vector<16x1xi32>
    %eq3A_1320 = vector.broadcast %slice3A_1319 : vector<16x1xi32> to vector<16x256xi32>
    %eq3A_1321 = arith.cmpi eq, %get3A_1, %eq3A_1320 : vector<16x256xi32>
    %gt3A_1322 = arith.constant 161 : i32
    %gt3A_1323 = vector.broadcast %gt3A_1322 : i32 to vector<16x256xi32>
    %gt3A_1324 = arith.cmpi sgt, %iota3A, %gt3A_1323 : vector<16x256xi32>
    %and3A_1325 = arith.andi %eq3A_1321, %gt3A_1324 : vector<16x256xi1>
    %or3A_1326 = arith.ori %or3A_1318, %and3A_1325 : vector<16x256xi1>
    %slice3A_1327 = vector.extract_strided_slice %get3A_1 {offsets = [0, 162], sizes = [16, 1], strides = [1, 1]} : vector<16x256xi32> to vector<16x1xi32>
    %eq3A_1328 = vector.broadcast %slice3A_1327 : vector<16x1xi32> to vector<16x256xi32>
    %eq3A_1329 = arith.cmpi eq, %get3A_1, %eq3A_1328 : vector<16x256xi32>
    %gt3A_1330 = arith.constant 162 : i32
    %gt3A_1331 = vector.broadcast %gt3A_1330 : i32 to vector<16x256xi32>
    %gt3A_1332 = arith.cmpi sgt, %iota3A, %gt3A_1331 : vector<16x256xi32>
    %and3A_1333 = arith.andi %eq3A_1329, %gt3A_1332 : vector<16x256xi1>
    %or3A_1334 = arith.ori %or3A_1326, %and3A_1333 : vector<16x256xi1>
    %slice3A_1335 = vector.extract_strided_slice %get3A_1 {offsets = [0, 163], sizes = [16, 1], strides = [1, 1]} : vector<16x256xi32> to vector<16x1xi32>
    %eq3A_1336 = vector.broadcast %slice3A_1335 : vector<16x1xi32> to vector<16x256xi32>
    %eq3A_1337 = arith.cmpi eq, %get3A_1, %eq3A_1336 : vector<16x256xi32>
    %gt3A_1338 = arith.constant 163 : i32
    %gt3A_1339 = vector.broadcast %gt3A_1338 : i32 to vector<16x256xi32>
    %gt3A_1340 = arith.cmpi sgt, %iota3A, %gt3A_1339 : vector<16x256xi32>
    %and3A_1341 = arith.andi %eq3A_1337, %gt3A_1340 : vector<16x256xi1>
    %or3A_1342 = arith.ori %or3A_1334, %and3A_1341 : vector<16x256xi1>
    %slice3A_1343 = vector.extract_strided_slice %get3A_1 {offsets = [0, 164], sizes = [16, 1], strides = [1, 1]} : vector<16x256xi32> to vector<16x1xi32>
    %eq3A_1344 = vector.broadcast %slice3A_1343 : vector<16x1xi32> to vector<16x256xi32>
    %eq3A_1345 = arith.cmpi eq, %get3A_1, %eq3A_1344 : vector<16x256xi32>
    %gt3A_1346 = arith.constant 164 : i32
    %gt3A_1347 = vector.broadcast %gt3A_1346 : i32 to vector<16x256xi32>
    %gt3A_1348 = arith.cmpi sgt, %iota3A, %gt3A_1347 : vector<16x256xi32>
    %and3A_1349 = arith.andi %eq3A_1345, %gt3A_1348 : vector<16x256xi1>
    %or3A_1350 = arith.ori %or3A_1342, %and3A_1349 : vector<16x256xi1>
    %slice3A_1351 = vector.extract_strided_slice %get3A_1 {offsets = [0, 165], sizes = [16, 1], strides = [1, 1]} : vector<16x256xi32> to vector<16x1xi32>
    %eq3A_1352 = vector.broadcast %slice3A_1351 : vector<16x1xi32> to vector<16x256xi32>
    %eq3A_1353 = arith.cmpi eq, %get3A_1, %eq3A_1352 : vector<16x256xi32>
    %gt3A_1354 = arith.constant 165 : i32
    %gt3A_1355 = vector.broadcast %gt3A_1354 : i32 to vector<16x256xi32>
    %gt3A_1356 = arith.cmpi sgt, %iota3A, %gt3A_1355 : vector<16x256xi32>
    %and3A_1357 = arith.andi %eq3A_1353, %gt3A_1356 : vector<16x256xi1>
    %or3A_1358 = arith.ori %or3A_1350, %and3A_1357 : vector<16x256xi1>
    %slice3A_1359 = vector.extract_strided_slice %get3A_1 {offsets = [0, 166], sizes = [16, 1], strides = [1, 1]} : vector<16x256xi32> to vector<16x1xi32>
    %eq3A_1360 = vector.broadcast %slice3A_1359 : vector<16x1xi32> to vector<16x256xi32>
    %eq3A_1361 = arith.cmpi eq, %get3A_1, %eq3A_1360 : vector<16x256xi32>
    %gt3A_1362 = arith.constant 166 : i32
    %gt3A_1363 = vector.broadcast %gt3A_1362 : i32 to vector<16x256xi32>
    %gt3A_1364 = arith.cmpi sgt, %iota3A, %gt3A_1363 : vector<16x256xi32>
    %and3A_1365 = arith.andi %eq3A_1361, %gt3A_1364 : vector<16x256xi1>
    %or3A_1366 = arith.ori %or3A_1358, %and3A_1365 : vector<16x256xi1>
    %slice3A_1367 = vector.extract_strided_slice %get3A_1 {offsets = [0, 167], sizes = [16, 1], strides = [1, 1]} : vector<16x256xi32> to vector<16x1xi32>
    %eq3A_1368 = vector.broadcast %slice3A_1367 : vector<16x1xi32> to vector<16x256xi32>
    %eq3A_1369 = arith.cmpi eq, %get3A_1, %eq3A_1368 : vector<16x256xi32>
    %gt3A_1370 = arith.constant 167 : i32
    %gt3A_1371 = vector.broadcast %gt3A_1370 : i32 to vector<16x256xi32>
    %gt3A_1372 = arith.cmpi sgt, %iota3A, %gt3A_1371 : vector<16x256xi32>
    %and3A_1373 = arith.andi %eq3A_1369, %gt3A_1372 : vector<16x256xi1>
    %or3A_1374 = arith.ori %or3A_1366, %and3A_1373 : vector<16x256xi1>
    %slice3A_1375 = vector.extract_strided_slice %get3A_1 {offsets = [0, 168], sizes = [16, 1], strides = [1, 1]} : vector<16x256xi32> to vector<16x1xi32>
    %eq3A_1376 = vector.broadcast %slice3A_1375 : vector<16x1xi32> to vector<16x256xi32>
    %eq3A_1377 = arith.cmpi eq, %get3A_1, %eq3A_1376 : vector<16x256xi32>
    %gt3A_1378 = arith.constant 168 : i32
    %gt3A_1379 = vector.broadcast %gt3A_1378 : i32 to vector<16x256xi32>
    %gt3A_1380 = arith.cmpi sgt, %iota3A, %gt3A_1379 : vector<16x256xi32>
    %and3A_1381 = arith.andi %eq3A_1377, %gt3A_1380 : vector<16x256xi1>
    %or3A_1382 = arith.ori %or3A_1374, %and3A_1381 : vector<16x256xi1>
    %slice3A_1383 = vector.extract_strided_slice %get3A_1 {offsets = [0, 169], sizes = [16, 1], strides = [1, 1]} : vector<16x256xi32> to vector<16x1xi32>
    %eq3A_1384 = vector.broadcast %slice3A_1383 : vector<16x1xi32> to vector<16x256xi32>
    %eq3A_1385 = arith.cmpi eq, %get3A_1, %eq3A_1384 : vector<16x256xi32>
    %gt3A_1386 = arith.constant 169 : i32
    %gt3A_1387 = vector.broadcast %gt3A_1386 : i32 to vector<16x256xi32>
    %gt3A_1388 = arith.cmpi sgt, %iota3A, %gt3A_1387 : vector<16x256xi32>
    %and3A_1389 = arith.andi %eq3A_1385, %gt3A_1388 : vector<16x256xi1>
    %or3A_1390 = arith.ori %or3A_1382, %and3A_1389 : vector<16x256xi1>
    %slice3A_1391 = vector.extract_strided_slice %get3A_1 {offsets = [0, 170], sizes = [16, 1], strides = [1, 1]} : vector<16x256xi32> to vector<16x1xi32>
    %eq3A_1392 = vector.broadcast %slice3A_1391 : vector<16x1xi32> to vector<16x256xi32>
    %eq3A_1393 = arith.cmpi eq, %get3A_1, %eq3A_1392 : vector<16x256xi32>
    %gt3A_1394 = arith.constant 170 : i32
    %gt3A_1395 = vector.broadcast %gt3A_1394 : i32 to vector<16x256xi32>
    %gt3A_1396 = arith.cmpi sgt, %iota3A, %gt3A_1395 : vector<16x256xi32>
    %and3A_1397 = arith.andi %eq3A_1393, %gt3A_1396 : vector<16x256xi1>
    %or3A_1398 = arith.ori %or3A_1390, %and3A_1397 : vector<16x256xi1>
    %slice3A_1399 = vector.extract_strided_slice %get3A_1 {offsets = [0, 171], sizes = [16, 1], strides = [1, 1]} : vector<16x256xi32> to vector<16x1xi32>
    %eq3A_1400 = vector.broadcast %slice3A_1399 : vector<16x1xi32> to vector<16x256xi32>
    %eq3A_1401 = arith.cmpi eq, %get3A_1, %eq3A_1400 : vector<16x256xi32>
    %gt3A_1402 = arith.constant 171 : i32
    %gt3A_1403 = vector.broadcast %gt3A_1402 : i32 to vector<16x256xi32>
    %gt3A_1404 = arith.cmpi sgt, %iota3A, %gt3A_1403 : vector<16x256xi32>
    %and3A_1405 = arith.andi %eq3A_1401, %gt3A_1404 : vector<16x256xi1>
    %or3A_1406 = arith.ori %or3A_1398, %and3A_1405 : vector<16x256xi1>
    %slice3A_1407 = vector.extract_strided_slice %get3A_1 {offsets = [0, 172], sizes = [16, 1], strides = [1, 1]} : vector<16x256xi32> to vector<16x1xi32>
    %eq3A_1408 = vector.broadcast %slice3A_1407 : vector<16x1xi32> to vector<16x256xi32>
    %eq3A_1409 = arith.cmpi eq, %get3A_1, %eq3A_1408 : vector<16x256xi32>
    %gt3A_1410 = arith.constant 172 : i32
    %gt3A_1411 = vector.broadcast %gt3A_1410 : i32 to vector<16x256xi32>
    %gt3A_1412 = arith.cmpi sgt, %iota3A, %gt3A_1411 : vector<16x256xi32>
    %and3A_1413 = arith.andi %eq3A_1409, %gt3A_1412 : vector<16x256xi1>
    %or3A_1414 = arith.ori %or3A_1406, %and3A_1413 : vector<16x256xi1>
    %slice3A_1415 = vector.extract_strided_slice %get3A_1 {offsets = [0, 173], sizes = [16, 1], strides = [1, 1]} : vector<16x256xi32> to vector<16x1xi32>
    %eq3A_1416 = vector.broadcast %slice3A_1415 : vector<16x1xi32> to vector<16x256xi32>
    %eq3A_1417 = arith.cmpi eq, %get3A_1, %eq3A_1416 : vector<16x256xi32>
    %gt3A_1418 = arith.constant 173 : i32
    %gt3A_1419 = vector.broadcast %gt3A_1418 : i32 to vector<16x256xi32>
    %gt3A_1420 = arith.cmpi sgt, %iota3A, %gt3A_1419 : vector<16x256xi32>
    %and3A_1421 = arith.andi %eq3A_1417, %gt3A_1420 : vector<16x256xi1>
    %or3A_1422 = arith.ori %or3A_1414, %and3A_1421 : vector<16x256xi1>
    %slice3A_1423 = vector.extract_strided_slice %get3A_1 {offsets = [0, 174], sizes = [16, 1], strides = [1, 1]} : vector<16x256xi32> to vector<16x1xi32>
    %eq3A_1424 = vector.broadcast %slice3A_1423 : vector<16x1xi32> to vector<16x256xi32>
    %eq3A_1425 = arith.cmpi eq, %get3A_1, %eq3A_1424 : vector<16x256xi32>
    %gt3A_1426 = arith.constant 174 : i32
    %gt3A_1427 = vector.broadcast %gt3A_1426 : i32 to vector<16x256xi32>
    %gt3A_1428 = arith.cmpi sgt, %iota3A, %gt3A_1427 : vector<16x256xi32>
    %and3A_1429 = arith.andi %eq3A_1425, %gt3A_1428 : vector<16x256xi1>
    %or3A_1430 = arith.ori %or3A_1422, %and3A_1429 : vector<16x256xi1>
    %slice3A_1431 = vector.extract_strided_slice %get3A_1 {offsets = [0, 175], sizes = [16, 1], strides = [1, 1]} : vector<16x256xi32> to vector<16x1xi32>
    %eq3A_1432 = vector.broadcast %slice3A_1431 : vector<16x1xi32> to vector<16x256xi32>
    %eq3A_1433 = arith.cmpi eq, %get3A_1, %eq3A_1432 : vector<16x256xi32>
    %gt3A_1434 = arith.constant 175 : i32
    %gt3A_1435 = vector.broadcast %gt3A_1434 : i32 to vector<16x256xi32>
    %gt3A_1436 = arith.cmpi sgt, %iota3A, %gt3A_1435 : vector<16x256xi32>
    %and3A_1437 = arith.andi %eq3A_1433, %gt3A_1436 : vector<16x256xi1>
    %or3A_1438 = arith.ori %or3A_1430, %and3A_1437 : vector<16x256xi1>
    %slice3A_1439 = vector.extract_strided_slice %get3A_1 {offsets = [0, 176], sizes = [16, 1], strides = [1, 1]} : vector<16x256xi32> to vector<16x1xi32>
    %eq3A_1440 = vector.broadcast %slice3A_1439 : vector<16x1xi32> to vector<16x256xi32>
    %eq3A_1441 = arith.cmpi eq, %get3A_1, %eq3A_1440 : vector<16x256xi32>
    %gt3A_1442 = arith.constant 176 : i32
    %gt3A_1443 = vector.broadcast %gt3A_1442 : i32 to vector<16x256xi32>
    %gt3A_1444 = arith.cmpi sgt, %iota3A, %gt3A_1443 : vector<16x256xi32>
    %and3A_1445 = arith.andi %eq3A_1441, %gt3A_1444 : vector<16x256xi1>
    %or3A_1446 = arith.ori %or3A_1438, %and3A_1445 : vector<16x256xi1>
    %slice3A_1447 = vector.extract_strided_slice %get3A_1 {offsets = [0, 177], sizes = [16, 1], strides = [1, 1]} : vector<16x256xi32> to vector<16x1xi32>
    %eq3A_1448 = vector.broadcast %slice3A_1447 : vector<16x1xi32> to vector<16x256xi32>
    %eq3A_1449 = arith.cmpi eq, %get3A_1, %eq3A_1448 : vector<16x256xi32>
    %gt3A_1450 = arith.constant 177 : i32
    %gt3A_1451 = vector.broadcast %gt3A_1450 : i32 to vector<16x256xi32>
    %gt3A_1452 = arith.cmpi sgt, %iota3A, %gt3A_1451 : vector<16x256xi32>
    %and3A_1453 = arith.andi %eq3A_1449, %gt3A_1452 : vector<16x256xi1>
    %or3A_1454 = arith.ori %or3A_1446, %and3A_1453 : vector<16x256xi1>
    %slice3A_1455 = vector.extract_strided_slice %get3A_1 {offsets = [0, 178], sizes = [16, 1], strides = [1, 1]} : vector<16x256xi32> to vector<16x1xi32>
    %eq3A_1456 = vector.broadcast %slice3A_1455 : vector<16x1xi32> to vector<16x256xi32>
    %eq3A_1457 = arith.cmpi eq, %get3A_1, %eq3A_1456 : vector<16x256xi32>
    %gt3A_1458 = arith.constant 178 : i32
    %gt3A_1459 = vector.broadcast %gt3A_1458 : i32 to vector<16x256xi32>
    %gt3A_1460 = arith.cmpi sgt, %iota3A, %gt3A_1459 : vector<16x256xi32>
    %and3A_1461 = arith.andi %eq3A_1457, %gt3A_1460 : vector<16x256xi1>
    %or3A_1462 = arith.ori %or3A_1454, %and3A_1461 : vector<16x256xi1>
    %slice3A_1463 = vector.extract_strided_slice %get3A_1 {offsets = [0, 179], sizes = [16, 1], strides = [1, 1]} : vector<16x256xi32> to vector<16x1xi32>
    %eq3A_1464 = vector.broadcast %slice3A_1463 : vector<16x1xi32> to vector<16x256xi32>
    %eq3A_1465 = arith.cmpi eq, %get3A_1, %eq3A_1464 : vector<16x256xi32>
    %gt3A_1466 = arith.constant 179 : i32
    %gt3A_1467 = vector.broadcast %gt3A_1466 : i32 to vector<16x256xi32>
    %gt3A_1468 = arith.cmpi sgt, %iota3A, %gt3A_1467 : vector<16x256xi32>
    %and3A_1469 = arith.andi %eq3A_1465, %gt3A_1468 : vector<16x256xi1>
    %or3A_1470 = arith.ori %or3A_1462, %and3A_1469 : vector<16x256xi1>
    %slice3A_1471 = vector.extract_strided_slice %get3A_1 {offsets = [0, 180], sizes = [16, 1], strides = [1, 1]} : vector<16x256xi32> to vector<16x1xi32>
    %eq3A_1472 = vector.broadcast %slice3A_1471 : vector<16x1xi32> to vector<16x256xi32>
    %eq3A_1473 = arith.cmpi eq, %get3A_1, %eq3A_1472 : vector<16x256xi32>
    %gt3A_1474 = arith.constant 180 : i32
    %gt3A_1475 = vector.broadcast %gt3A_1474 : i32 to vector<16x256xi32>
    %gt3A_1476 = arith.cmpi sgt, %iota3A, %gt3A_1475 : vector<16x256xi32>
    %and3A_1477 = arith.andi %eq3A_1473, %gt3A_1476 : vector<16x256xi1>
    %or3A_1478 = arith.ori %or3A_1470, %and3A_1477 : vector<16x256xi1>
    %slice3A_1479 = vector.extract_strided_slice %get3A_1 {offsets = [0, 181], sizes = [16, 1], strides = [1, 1]} : vector<16x256xi32> to vector<16x1xi32>
    %eq3A_1480 = vector.broadcast %slice3A_1479 : vector<16x1xi32> to vector<16x256xi32>
    %eq3A_1481 = arith.cmpi eq, %get3A_1, %eq3A_1480 : vector<16x256xi32>
    %gt3A_1482 = arith.constant 181 : i32
    %gt3A_1483 = vector.broadcast %gt3A_1482 : i32 to vector<16x256xi32>
    %gt3A_1484 = arith.cmpi sgt, %iota3A, %gt3A_1483 : vector<16x256xi32>
    %and3A_1485 = arith.andi %eq3A_1481, %gt3A_1484 : vector<16x256xi1>
    %or3A_1486 = arith.ori %or3A_1478, %and3A_1485 : vector<16x256xi1>
    %slice3A_1487 = vector.extract_strided_slice %get3A_1 {offsets = [0, 182], sizes = [16, 1], strides = [1, 1]} : vector<16x256xi32> to vector<16x1xi32>
    %eq3A_1488 = vector.broadcast %slice3A_1487 : vector<16x1xi32> to vector<16x256xi32>
    %eq3A_1489 = arith.cmpi eq, %get3A_1, %eq3A_1488 : vector<16x256xi32>
    %gt3A_1490 = arith.constant 182 : i32
    %gt3A_1491 = vector.broadcast %gt3A_1490 : i32 to vector<16x256xi32>
    %gt3A_1492 = arith.cmpi sgt, %iota3A, %gt3A_1491 : vector<16x256xi32>
    %and3A_1493 = arith.andi %eq3A_1489, %gt3A_1492 : vector<16x256xi1>
    %or3A_1494 = arith.ori %or3A_1486, %and3A_1493 : vector<16x256xi1>
    %slice3A_1495 = vector.extract_strided_slice %get3A_1 {offsets = [0, 183], sizes = [16, 1], strides = [1, 1]} : vector<16x256xi32> to vector<16x1xi32>
    %eq3A_1496 = vector.broadcast %slice3A_1495 : vector<16x1xi32> to vector<16x256xi32>
    %eq3A_1497 = arith.cmpi eq, %get3A_1, %eq3A_1496 : vector<16x256xi32>
    %gt3A_1498 = arith.constant 183 : i32
    %gt3A_1499 = vector.broadcast %gt3A_1498 : i32 to vector<16x256xi32>
    %gt3A_1500 = arith.cmpi sgt, %iota3A, %gt3A_1499 : vector<16x256xi32>
    %and3A_1501 = arith.andi %eq3A_1497, %gt3A_1500 : vector<16x256xi1>
    %or3A_1502 = arith.ori %or3A_1494, %and3A_1501 : vector<16x256xi1>
    %slice3A_1503 = vector.extract_strided_slice %get3A_1 {offsets = [0, 184], sizes = [16, 1], strides = [1, 1]} : vector<16x256xi32> to vector<16x1xi32>
    %eq3A_1504 = vector.broadcast %slice3A_1503 : vector<16x1xi32> to vector<16x256xi32>
    %eq3A_1505 = arith.cmpi eq, %get3A_1, %eq3A_1504 : vector<16x256xi32>
    %gt3A_1506 = arith.constant 184 : i32
    %gt3A_1507 = vector.broadcast %gt3A_1506 : i32 to vector<16x256xi32>
    %gt3A_1508 = arith.cmpi sgt, %iota3A, %gt3A_1507 : vector<16x256xi32>
    %and3A_1509 = arith.andi %eq3A_1505, %gt3A_1508 : vector<16x256xi1>
    %or3A_1510 = arith.ori %or3A_1502, %and3A_1509 : vector<16x256xi1>
    %slice3A_1511 = vector.extract_strided_slice %get3A_1 {offsets = [0, 185], sizes = [16, 1], strides = [1, 1]} : vector<16x256xi32> to vector<16x1xi32>
    %eq3A_1512 = vector.broadcast %slice3A_1511 : vector<16x1xi32> to vector<16x256xi32>
    %eq3A_1513 = arith.cmpi eq, %get3A_1, %eq3A_1512 : vector<16x256xi32>
    %gt3A_1514 = arith.constant 185 : i32
    %gt3A_1515 = vector.broadcast %gt3A_1514 : i32 to vector<16x256xi32>
    %gt3A_1516 = arith.cmpi sgt, %iota3A, %gt3A_1515 : vector<16x256xi32>
    %and3A_1517 = arith.andi %eq3A_1513, %gt3A_1516 : vector<16x256xi1>
    %or3A_1518 = arith.ori %or3A_1510, %and3A_1517 : vector<16x256xi1>
    %slice3A_1519 = vector.extract_strided_slice %get3A_1 {offsets = [0, 186], sizes = [16, 1], strides = [1, 1]} : vector<16x256xi32> to vector<16x1xi32>
    %eq3A_1520 = vector.broadcast %slice3A_1519 : vector<16x1xi32> to vector<16x256xi32>
    %eq3A_1521 = arith.cmpi eq, %get3A_1, %eq3A_1520 : vector<16x256xi32>
    %gt3A_1522 = arith.constant 186 : i32
    %gt3A_1523 = vector.broadcast %gt3A_1522 : i32 to vector<16x256xi32>
    %gt3A_1524 = arith.cmpi sgt, %iota3A, %gt3A_1523 : vector<16x256xi32>
    %and3A_1525 = arith.andi %eq3A_1521, %gt3A_1524 : vector<16x256xi1>
    %or3A_1526 = arith.ori %or3A_1518, %and3A_1525 : vector<16x256xi1>
    %slice3A_1527 = vector.extract_strided_slice %get3A_1 {offsets = [0, 187], sizes = [16, 1], strides = [1, 1]} : vector<16x256xi32> to vector<16x1xi32>
    %eq3A_1528 = vector.broadcast %slice3A_1527 : vector<16x1xi32> to vector<16x256xi32>
    %eq3A_1529 = arith.cmpi eq, %get3A_1, %eq3A_1528 : vector<16x256xi32>
    %gt3A_1530 = arith.constant 187 : i32
    %gt3A_1531 = vector.broadcast %gt3A_1530 : i32 to vector<16x256xi32>
    %gt3A_1532 = arith.cmpi sgt, %iota3A, %gt3A_1531 : vector<16x256xi32>
    %and3A_1533 = arith.andi %eq3A_1529, %gt3A_1532 : vector<16x256xi1>
    %or3A_1534 = arith.ori %or3A_1526, %and3A_1533 : vector<16x256xi1>
    %slice3A_1535 = vector.extract_strided_slice %get3A_1 {offsets = [0, 188], sizes = [16, 1], strides = [1, 1]} : vector<16x256xi32> to vector<16x1xi32>
    %eq3A_1536 = vector.broadcast %slice3A_1535 : vector<16x1xi32> to vector<16x256xi32>
    %eq3A_1537 = arith.cmpi eq, %get3A_1, %eq3A_1536 : vector<16x256xi32>
    %gt3A_1538 = arith.constant 188 : i32
    %gt3A_1539 = vector.broadcast %gt3A_1538 : i32 to vector<16x256xi32>
    %gt3A_1540 = arith.cmpi sgt, %iota3A, %gt3A_1539 : vector<16x256xi32>
    %and3A_1541 = arith.andi %eq3A_1537, %gt3A_1540 : vector<16x256xi1>
    %or3A_1542 = arith.ori %or3A_1534, %and3A_1541 : vector<16x256xi1>
    %slice3A_1543 = vector.extract_strided_slice %get3A_1 {offsets = [0, 189], sizes = [16, 1], strides = [1, 1]} : vector<16x256xi32> to vector<16x1xi32>
    %eq3A_1544 = vector.broadcast %slice3A_1543 : vector<16x1xi32> to vector<16x256xi32>
    %eq3A_1545 = arith.cmpi eq, %get3A_1, %eq3A_1544 : vector<16x256xi32>
    %gt3A_1546 = arith.constant 189 : i32
    %gt3A_1547 = vector.broadcast %gt3A_1546 : i32 to vector<16x256xi32>
    %gt3A_1548 = arith.cmpi sgt, %iota3A, %gt3A_1547 : vector<16x256xi32>
    %and3A_1549 = arith.andi %eq3A_1545, %gt3A_1548 : vector<16x256xi1>
    %or3A_1550 = arith.ori %or3A_1542, %and3A_1549 : vector<16x256xi1>
    %slice3A_1551 = vector.extract_strided_slice %get3A_1 {offsets = [0, 190], sizes = [16, 1], strides = [1, 1]} : vector<16x256xi32> to vector<16x1xi32>
    %eq3A_1552 = vector.broadcast %slice3A_1551 : vector<16x1xi32> to vector<16x256xi32>
    %eq3A_1553 = arith.cmpi eq, %get3A_1, %eq3A_1552 : vector<16x256xi32>
    %gt3A_1554 = arith.constant 190 : i32
    %gt3A_1555 = vector.broadcast %gt3A_1554 : i32 to vector<16x256xi32>
    %gt3A_1556 = arith.cmpi sgt, %iota3A, %gt3A_1555 : vector<16x256xi32>
    %and3A_1557 = arith.andi %eq3A_1553, %gt3A_1556 : vector<16x256xi1>
    %or3A_1558 = arith.ori %or3A_1550, %and3A_1557 : vector<16x256xi1>
    %slice3A_1559 = vector.extract_strided_slice %get3A_1 {offsets = [0, 191], sizes = [16, 1], strides = [1, 1]} : vector<16x256xi32> to vector<16x1xi32>
    %eq3A_1560 = vector.broadcast %slice3A_1559 : vector<16x1xi32> to vector<16x256xi32>
    %eq3A_1561 = arith.cmpi eq, %get3A_1, %eq3A_1560 : vector<16x256xi32>
    %gt3A_1562 = arith.constant 191 : i32
    %gt3A_1563 = vector.broadcast %gt3A_1562 : i32 to vector<16x256xi32>
    %gt3A_1564 = arith.cmpi sgt, %iota3A, %gt3A_1563 : vector<16x256xi32>
    %and3A_1565 = arith.andi %eq3A_1561, %gt3A_1564 : vector<16x256xi1>
    %or3A_1566 = arith.ori %or3A_1558, %and3A_1565 : vector<16x256xi1>
    %slice3A_1567 = vector.extract_strided_slice %get3A_1 {offsets = [0, 192], sizes = [16, 1], strides = [1, 1]} : vector<16x256xi32> to vector<16x1xi32>
    %eq3A_1568 = vector.broadcast %slice3A_1567 : vector<16x1xi32> to vector<16x256xi32>
    %eq3A_1569 = arith.cmpi eq, %get3A_1, %eq3A_1568 : vector<16x256xi32>
    %gt3A_1570 = arith.constant 192 : i32
    %gt3A_1571 = vector.broadcast %gt3A_1570 : i32 to vector<16x256xi32>
    %gt3A_1572 = arith.cmpi sgt, %iota3A, %gt3A_1571 : vector<16x256xi32>
    %and3A_1573 = arith.andi %eq3A_1569, %gt3A_1572 : vector<16x256xi1>
    %or3A_1574 = arith.ori %or3A_1566, %and3A_1573 : vector<16x256xi1>
    %slice3A_1575 = vector.extract_strided_slice %get3A_1 {offsets = [0, 193], sizes = [16, 1], strides = [1, 1]} : vector<16x256xi32> to vector<16x1xi32>
    %eq3A_1576 = vector.broadcast %slice3A_1575 : vector<16x1xi32> to vector<16x256xi32>
    %eq3A_1577 = arith.cmpi eq, %get3A_1, %eq3A_1576 : vector<16x256xi32>
    %gt3A_1578 = arith.constant 193 : i32
    %gt3A_1579 = vector.broadcast %gt3A_1578 : i32 to vector<16x256xi32>
    %gt3A_1580 = arith.cmpi sgt, %iota3A, %gt3A_1579 : vector<16x256xi32>
    %and3A_1581 = arith.andi %eq3A_1577, %gt3A_1580 : vector<16x256xi1>
    %or3A_1582 = arith.ori %or3A_1574, %and3A_1581 : vector<16x256xi1>
    %slice3A_1583 = vector.extract_strided_slice %get3A_1 {offsets = [0, 194], sizes = [16, 1], strides = [1, 1]} : vector<16x256xi32> to vector<16x1xi32>
    %eq3A_1584 = vector.broadcast %slice3A_1583 : vector<16x1xi32> to vector<16x256xi32>
    %eq3A_1585 = arith.cmpi eq, %get3A_1, %eq3A_1584 : vector<16x256xi32>
    %gt3A_1586 = arith.constant 194 : i32
    %gt3A_1587 = vector.broadcast %gt3A_1586 : i32 to vector<16x256xi32>
    %gt3A_1588 = arith.cmpi sgt, %iota3A, %gt3A_1587 : vector<16x256xi32>
    %and3A_1589 = arith.andi %eq3A_1585, %gt3A_1588 : vector<16x256xi1>
    %or3A_1590 = arith.ori %or3A_1582, %and3A_1589 : vector<16x256xi1>
    %slice3A_1591 = vector.extract_strided_slice %get3A_1 {offsets = [0, 195], sizes = [16, 1], strides = [1, 1]} : vector<16x256xi32> to vector<16x1xi32>
    %eq3A_1592 = vector.broadcast %slice3A_1591 : vector<16x1xi32> to vector<16x256xi32>
    %eq3A_1593 = arith.cmpi eq, %get3A_1, %eq3A_1592 : vector<16x256xi32>
    %gt3A_1594 = arith.constant 195 : i32
    %gt3A_1595 = vector.broadcast %gt3A_1594 : i32 to vector<16x256xi32>
    %gt3A_1596 = arith.cmpi sgt, %iota3A, %gt3A_1595 : vector<16x256xi32>
    %and3A_1597 = arith.andi %eq3A_1593, %gt3A_1596 : vector<16x256xi1>
    %or3A_1598 = arith.ori %or3A_1590, %and3A_1597 : vector<16x256xi1>
    %slice3A_1599 = vector.extract_strided_slice %get3A_1 {offsets = [0, 196], sizes = [16, 1], strides = [1, 1]} : vector<16x256xi32> to vector<16x1xi32>
    %eq3A_1600 = vector.broadcast %slice3A_1599 : vector<16x1xi32> to vector<16x256xi32>
    %eq3A_1601 = arith.cmpi eq, %get3A_1, %eq3A_1600 : vector<16x256xi32>
    %gt3A_1602 = arith.constant 196 : i32
    %gt3A_1603 = vector.broadcast %gt3A_1602 : i32 to vector<16x256xi32>
    %gt3A_1604 = arith.cmpi sgt, %iota3A, %gt3A_1603 : vector<16x256xi32>
    %and3A_1605 = arith.andi %eq3A_1601, %gt3A_1604 : vector<16x256xi1>
    %or3A_1606 = arith.ori %or3A_1598, %and3A_1605 : vector<16x256xi1>
    %slice3A_1607 = vector.extract_strided_slice %get3A_1 {offsets = [0, 197], sizes = [16, 1], strides = [1, 1]} : vector<16x256xi32> to vector<16x1xi32>
    %eq3A_1608 = vector.broadcast %slice3A_1607 : vector<16x1xi32> to vector<16x256xi32>
    %eq3A_1609 = arith.cmpi eq, %get3A_1, %eq3A_1608 : vector<16x256xi32>
    %gt3A_1610 = arith.constant 197 : i32
    %gt3A_1611 = vector.broadcast %gt3A_1610 : i32 to vector<16x256xi32>
    %gt3A_1612 = arith.cmpi sgt, %iota3A, %gt3A_1611 : vector<16x256xi32>
    %and3A_1613 = arith.andi %eq3A_1609, %gt3A_1612 : vector<16x256xi1>
    %or3A_1614 = arith.ori %or3A_1606, %and3A_1613 : vector<16x256xi1>
    %slice3A_1615 = vector.extract_strided_slice %get3A_1 {offsets = [0, 198], sizes = [16, 1], strides = [1, 1]} : vector<16x256xi32> to vector<16x1xi32>
    %eq3A_1616 = vector.broadcast %slice3A_1615 : vector<16x1xi32> to vector<16x256xi32>
    %eq3A_1617 = arith.cmpi eq, %get3A_1, %eq3A_1616 : vector<16x256xi32>
    %gt3A_1618 = arith.constant 198 : i32
    %gt3A_1619 = vector.broadcast %gt3A_1618 : i32 to vector<16x256xi32>
    %gt3A_1620 = arith.cmpi sgt, %iota3A, %gt3A_1619 : vector<16x256xi32>
    %and3A_1621 = arith.andi %eq3A_1617, %gt3A_1620 : vector<16x256xi1>
    %or3A_1622 = arith.ori %or3A_1614, %and3A_1621 : vector<16x256xi1>
    %slice3A_1623 = vector.extract_strided_slice %get3A_1 {offsets = [0, 199], sizes = [16, 1], strides = [1, 1]} : vector<16x256xi32> to vector<16x1xi32>
    %eq3A_1624 = vector.broadcast %slice3A_1623 : vector<16x1xi32> to vector<16x256xi32>
    %eq3A_1625 = arith.cmpi eq, %get3A_1, %eq3A_1624 : vector<16x256xi32>
    %gt3A_1626 = arith.constant 199 : i32
    %gt3A_1627 = vector.broadcast %gt3A_1626 : i32 to vector<16x256xi32>
    %gt3A_1628 = arith.cmpi sgt, %iota3A, %gt3A_1627 : vector<16x256xi32>
    %and3A_1629 = arith.andi %eq3A_1625, %gt3A_1628 : vector<16x256xi1>
    %or3A_1630 = arith.ori %or3A_1622, %and3A_1629 : vector<16x256xi1>
    %jit3A = arith.constant -1.000000e+30 : f32
    %broadcast_in_dim3A = vector.broadcast %jit3A : f32 to vector<16x256xf32>
    %select_n3A_1631 = arith.select %or3A_1630, %broadcast_in_dim3A, %select_n3A_33 : vector<16x256xi1>, vector<16x256xf32>
    %add3A = arith.constant 102048 : i32
    %add3A_1632 = vector.broadcast %add3A : i32 to vector<16x256xi32>
    %add3A_1633 = arith.addi %add3A_1632, %iota3A : vector<16x256xi32>
    %select_n3A_1634 = arith.select %or3A_1630, %add3A_1633, %get3A_1 : vector<16x256xi1>, vector<16x256xi32>
    %get3A_1635 = arith.constant 0 : index
    %get3A_1636 = arith.constant 0 : index
    %get3A_1637 = vector.load %arg0[%get3A_1635, %get3A_1636] : memref<16x1024xf32, #tpu.memory_space<vmem>>, vector<16x1024xf32>
    %get3A_1638 = arith.constant 0 : index
    %get3A_1639 = arith.constant 0 : index
    %get3A_1640 = vector.load %arg2[%get3A_1638, %get3A_1639] : memref<16x1024xf32, #tpu.memory_space<vmem>>, vector<16x1024xf32>
    %concatenate3A = tpu.concatenate %get3A_1637, %get3A_1640 in 1 : vector<16x1024xf32>, vector<16x1024xf32> -> vector<16x2048xf32>
    %get3A_1641 = arith.constant 0 : index
    %get3A_1642 = arith.constant 0 : index
    %get3A_1643 = vector.load %arg1[%get3A_1641, %get3A_1642] : memref<16x1024xi32, #tpu.memory_space<vmem>>, vector<16x1024xi32>
    %get3A_1644 = arith.constant 0 : index
    %get3A_1645 = arith.constant 0 : index
    %get3A_1646 = vector.load %arg3[%get3A_1644, %get3A_1645] : memref<16x1024xi32, #tpu.memory_space<vmem>>, vector<16x1024xi32>
    %concatenate3A_1647 = tpu.concatenate %get3A_1643, %get3A_1646 in 1 : vector<16x1024xi32>, vector<16x1024xi32> -> vector<16x2048xi32>
    %broadcast_in_dim3A_1648 = arith.constant false
    %broadcast_in_dim3A_1649 = vector.broadcast %broadcast_in_dim3A_1648 : i1 to vector<16x2048xi1>
    %slice3A_1650 = vector.extract_strided_slice %get3A_1 {offsets = [0, 0], sizes = [16, 1], strides = [1, 1]} : vector<16x256xi32> to vector<16x1xi32>
    %eq3A_1651 = vector.broadcast %slice3A_1650 : vector<16x1xi32> to vector<16x2048xi32>
    %eq3A_1652 = arith.cmpi eq, %concatenate3A_1647, %eq3A_1651 : vector<16x2048xi32>
    %or3A_1653 = arith.ori %broadcast_in_dim3A_1649, %eq3A_1652 : vector<16x2048xi1>
    %slice3A_1654 = vector.extract_strided_slice %get3A_1 {offsets = [0, 1], sizes = [16, 1], strides = [1, 1]} : vector<16x256xi32> to vector<16x1xi32>
    %eq3A_1655 = vector.broadcast %slice3A_1654 : vector<16x1xi32> to vector<16x2048xi32>
    %eq3A_1656 = arith.cmpi eq, %concatenate3A_1647, %eq3A_1655 : vector<16x2048xi32>
    %or3A_1657 = arith.ori %or3A_1653, %eq3A_1656 : vector<16x2048xi1>
    %slice3A_1658 = vector.extract_strided_slice %get3A_1 {offsets = [0, 2], sizes = [16, 1], strides = [1, 1]} : vector<16x256xi32> to vector<16x1xi32>
    %eq3A_1659 = vector.broadcast %slice3A_1658 : vector<16x1xi32> to vector<16x2048xi32>
    %eq3A_1660 = arith.cmpi eq, %concatenate3A_1647, %eq3A_1659 : vector<16x2048xi32>
    %or3A_1661 = arith.ori %or3A_1657, %eq3A_1660 : vector<16x2048xi1>
    %slice3A_1662 = vector.extract_strided_slice %get3A_1 {offsets = [0, 3], sizes = [16, 1], strides = [1, 1]} : vector<16x256xi32> to vector<16x1xi32>
    %eq3A_1663 = vector.broadcast %slice3A_1662 : vector<16x1xi32> to vector<16x2048xi32>
    %eq3A_1664 = arith.cmpi eq, %concatenate3A_1647, %eq3A_1663 : vector<16x2048xi32>
    %or3A_1665 = arith.ori %or3A_1661, %eq3A_1664 : vector<16x2048xi1>
    %slice3A_1666 = vector.extract_strided_slice %get3A_1 {offsets = [0, 4], sizes = [16, 1], strides = [1, 1]} : vector<16x256xi32> to vector<16x1xi32>
    %eq3A_1667 = vector.broadcast %slice3A_1666 : vector<16x1xi32> to vector<16x2048xi32>
    %eq3A_1668 = arith.cmpi eq, %concatenate3A_1647, %eq3A_1667 : vector<16x2048xi32>
    %or3A_1669 = arith.ori %or3A_1665, %eq3A_1668 : vector<16x2048xi1>
    %slice3A_1670 = vector.extract_strided_slice %get3A_1 {offsets = [0, 5], sizes = [16, 1], strides = [1, 1]} : vector<16x256xi32> to vector<16x1xi32>
    %eq3A_1671 = vector.broadcast %slice3A_1670 : vector<16x1xi32> to vector<16x2048xi32>
    %eq3A_1672 = arith.cmpi eq, %concatenate3A_1647, %eq3A_1671 : vector<16x2048xi32>
    %or3A_1673 = arith.ori %or3A_1669, %eq3A_1672 : vector<16x2048xi1>
    %slice3A_1674 = vector.extract_strided_slice %get3A_1 {offsets = [0, 6], sizes = [16, 1], strides = [1, 1]} : vector<16x256xi32> to vector<16x1xi32>
    %eq3A_1675 = vector.broadcast %slice3A_1674 : vector<16x1xi32> to vector<16x2048xi32>
    %eq3A_1676 = arith.cmpi eq, %concatenate3A_1647, %eq3A_1675 : vector<16x2048xi32>
    %or3A_1677 = arith.ori %or3A_1673, %eq3A_1676 : vector<16x2048xi1>
    %slice3A_1678 = vector.extract_strided_slice %get3A_1 {offsets = [0, 7], sizes = [16, 1], strides = [1, 1]} : vector<16x256xi32> to vector<16x1xi32>
    %eq3A_1679 = vector.broadcast %slice3A_1678 : vector<16x1xi32> to vector<16x2048xi32>
    %eq3A_1680 = arith.cmpi eq, %concatenate3A_1647, %eq3A_1679 : vector<16x2048xi32>
    %or3A_1681 = arith.ori %or3A_1677, %eq3A_1680 : vector<16x2048xi1>
    %slice3A_1682 = vector.extract_strided_slice %get3A_1 {offsets = [0, 8], sizes = [16, 1], strides = [1, 1]} : vector<16x256xi32> to vector<16x1xi32>
    %eq3A_1683 = vector.broadcast %slice3A_1682 : vector<16x1xi32> to vector<16x2048xi32>
    %eq3A_1684 = arith.cmpi eq, %concatenate3A_1647, %eq3A_1683 : vector<16x2048xi32>
    %or3A_1685 = arith.ori %or3A_1681, %eq3A_1684 : vector<16x2048xi1>
    %slice3A_1686 = vector.extract_strided_slice %get3A_1 {offsets = [0, 9], sizes = [16, 1], strides = [1, 1]} : vector<16x256xi32> to vector<16x1xi32>
    %eq3A_1687 = vector.broadcast %slice3A_1686 : vector<16x1xi32> to vector<16x2048xi32>
    %eq3A_1688 = arith.cmpi eq, %concatenate3A_1647, %eq3A_1687 : vector<16x2048xi32>
    %or3A_1689 = arith.ori %or3A_1685, %eq3A_1688 : vector<16x2048xi1>
    %slice3A_1690 = vector.extract_strided_slice %get3A_1 {offsets = [0, 10], sizes = [16, 1], strides = [1, 1]} : vector<16x256xi32> to vector<16x1xi32>
    %eq3A_1691 = vector.broadcast %slice3A_1690 : vector<16x1xi32> to vector<16x2048xi32>
    %eq3A_1692 = arith.cmpi eq, %concatenate3A_1647, %eq3A_1691 : vector<16x2048xi32>
    %or3A_1693 = arith.ori %or3A_1689, %eq3A_1692 : vector<16x2048xi1>
    %slice3A_1694 = vector.extract_strided_slice %get3A_1 {offsets = [0, 11], sizes = [16, 1], strides = [1, 1]} : vector<16x256xi32> to vector<16x1xi32>
    %eq3A_1695 = vector.broadcast %slice3A_1694 : vector<16x1xi32> to vector<16x2048xi32>
    %eq3A_1696 = arith.cmpi eq, %concatenate3A_1647, %eq3A_1695 : vector<16x2048xi32>
    %or3A_1697 = arith.ori %or3A_1693, %eq3A_1696 : vector<16x2048xi1>
    %slice3A_1698 = vector.extract_strided_slice %get3A_1 {offsets = [0, 12], sizes = [16, 1], strides = [1, 1]} : vector<16x256xi32> to vector<16x1xi32>
    %eq3A_1699 = vector.broadcast %slice3A_1698 : vector<16x1xi32> to vector<16x2048xi32>
    %eq3A_1700 = arith.cmpi eq, %concatenate3A_1647, %eq3A_1699 : vector<16x2048xi32>
    %or3A_1701 = arith.ori %or3A_1697, %eq3A_1700 : vector<16x2048xi1>
    %slice3A_1702 = vector.extract_strided_slice %get3A_1 {offsets = [0, 13], sizes = [16, 1], strides = [1, 1]} : vector<16x256xi32> to vector<16x1xi32>
    %eq3A_1703 = vector.broadcast %slice3A_1702 : vector<16x1xi32> to vector<16x2048xi32>
    %eq3A_1704 = arith.cmpi eq, %concatenate3A_1647, %eq3A_1703 : vector<16x2048xi32>
    %or3A_1705 = arith.ori %or3A_1701, %eq3A_1704 : vector<16x2048xi1>
    %slice3A_1706 = vector.extract_strided_slice %get3A_1 {offsets = [0, 14], sizes = [16, 1], strides = [1, 1]} : vector<16x256xi32> to vector<16x1xi32>
    %eq3A_1707 = vector.broadcast %slice3A_1706 : vector<16x1xi32> to vector<16x2048xi32>
    %eq3A_1708 = arith.cmpi eq, %concatenate3A_1647, %eq3A_1707 : vector<16x2048xi32>
    %or3A_1709 = arith.ori %or3A_1705, %eq3A_1708 : vector<16x2048xi1>
    %slice3A_1710 = vector.extract_strided_slice %get3A_1 {offsets = [0, 15], sizes = [16, 1], strides = [1, 1]} : vector<16x256xi32> to vector<16x1xi32>
    %eq3A_1711 = vector.broadcast %slice3A_1710 : vector<16x1xi32> to vector<16x2048xi32>
    %eq3A_1712 = arith.cmpi eq, %concatenate3A_1647, %eq3A_1711 : vector<16x2048xi32>
    %or3A_1713 = arith.ori %or3A_1709, %eq3A_1712 : vector<16x2048xi1>
    %slice3A_1714 = vector.extract_strided_slice %get3A_1 {offsets = [0, 16], sizes = [16, 1], strides = [1, 1]} : vector<16x256xi32> to vector<16x1xi32>
    %eq3A_1715 = vector.broadcast %slice3A_1714 : vector<16x1xi32> to vector<16x2048xi32>
    %eq3A_1716 = arith.cmpi eq, %concatenate3A_1647, %eq3A_1715 : vector<16x2048xi32>
    %or3A_1717 = arith.ori %or3A_1713, %eq3A_1716 : vector<16x2048xi1>
    %slice3A_1718 = vector.extract_strided_slice %get3A_1 {offsets = [0, 17], sizes = [16, 1], strides = [1, 1]} : vector<16x256xi32> to vector<16x1xi32>
    %eq3A_1719 = vector.broadcast %slice3A_1718 : vector<16x1xi32> to vector<16x2048xi32>
    %eq3A_1720 = arith.cmpi eq, %concatenate3A_1647, %eq3A_1719 : vector<16x2048xi32>
    %or3A_1721 = arith.ori %or3A_1717, %eq3A_1720 : vector<16x2048xi1>
    %slice3A_1722 = vector.extract_strided_slice %get3A_1 {offsets = [0, 18], sizes = [16, 1], strides = [1, 1]} : vector<16x256xi32> to vector<16x1xi32>
    %eq3A_1723 = vector.broadcast %slice3A_1722 : vector<16x1xi32> to vector<16x2048xi32>
    %eq3A_1724 = arith.cmpi eq, %concatenate3A_1647, %eq3A_1723 : vector<16x2048xi32>
    %or3A_1725 = arith.ori %or3A_1721, %eq3A_1724 : vector<16x2048xi1>
    %slice3A_1726 = vector.extract_strided_slice %get3A_1 {offsets = [0, 19], sizes = [16, 1], strides = [1, 1]} : vector<16x256xi32> to vector<16x1xi32>
    %eq3A_1727 = vector.broadcast %slice3A_1726 : vector<16x1xi32> to vector<16x2048xi32>
    %eq3A_1728 = arith.cmpi eq, %concatenate3A_1647, %eq3A_1727 : vector<16x2048xi32>
    %or3A_1729 = arith.ori %or3A_1725, %eq3A_1728 : vector<16x2048xi1>
    %slice3A_1730 = vector.extract_strided_slice %get3A_1 {offsets = [0, 20], sizes = [16, 1], strides = [1, 1]} : vector<16x256xi32> to vector<16x1xi32>
    %eq3A_1731 = vector.broadcast %slice3A_1730 : vector<16x1xi32> to vector<16x2048xi32>
    %eq3A_1732 = arith.cmpi eq, %concatenate3A_1647, %eq3A_1731 : vector<16x2048xi32>
    %or3A_1733 = arith.ori %or3A_1729, %eq3A_1732 : vector<16x2048xi1>
    %slice3A_1734 = vector.extract_strided_slice %get3A_1 {offsets = [0, 21], sizes = [16, 1], strides = [1, 1]} : vector<16x256xi32> to vector<16x1xi32>
    %eq3A_1735 = vector.broadcast %slice3A_1734 : vector<16x1xi32> to vector<16x2048xi32>
    %eq3A_1736 = arith.cmpi eq, %concatenate3A_1647, %eq3A_1735 : vector<16x2048xi32>
    %or3A_1737 = arith.ori %or3A_1733, %eq3A_1736 : vector<16x2048xi1>
    %slice3A_1738 = vector.extract_strided_slice %get3A_1 {offsets = [0, 22], sizes = [16, 1], strides = [1, 1]} : vector<16x256xi32> to vector<16x1xi32>
    %eq3A_1739 = vector.broadcast %slice3A_1738 : vector<16x1xi32> to vector<16x2048xi32>
    %eq3A_1740 = arith.cmpi eq, %concatenate3A_1647, %eq3A_1739 : vector<16x2048xi32>
    %or3A_1741 = arith.ori %or3A_1737, %eq3A_1740 : vector<16x2048xi1>
    %slice3A_1742 = vector.extract_strided_slice %get3A_1 {offsets = [0, 23], sizes = [16, 1], strides = [1, 1]} : vector<16x256xi32> to vector<16x1xi32>
    %eq3A_1743 = vector.broadcast %slice3A_1742 : vector<16x1xi32> to vector<16x2048xi32>
    %eq3A_1744 = arith.cmpi eq, %concatenate3A_1647, %eq3A_1743 : vector<16x2048xi32>
    %or3A_1745 = arith.ori %or3A_1741, %eq3A_1744 : vector<16x2048xi1>
    %slice3A_1746 = vector.extract_strided_slice %get3A_1 {offsets = [0, 24], sizes = [16, 1], strides = [1, 1]} : vector<16x256xi32> to vector<16x1xi32>
    %eq3A_1747 = vector.broadcast %slice3A_1746 : vector<16x1xi32> to vector<16x2048xi32>
    %eq3A_1748 = arith.cmpi eq, %concatenate3A_1647, %eq3A_1747 : vector<16x2048xi32>
    %or3A_1749 = arith.ori %or3A_1745, %eq3A_1748 : vector<16x2048xi1>
    %slice3A_1750 = vector.extract_strided_slice %get3A_1 {offsets = [0, 25], sizes = [16, 1], strides = [1, 1]} : vector<16x256xi32> to vector<16x1xi32>
    %eq3A_1751 = vector.broadcast %slice3A_1750 : vector<16x1xi32> to vector<16x2048xi32>
    %eq3A_1752 = arith.cmpi eq, %concatenate3A_1647, %eq3A_1751 : vector<16x2048xi32>
    %or3A_1753 = arith.ori %or3A_1749, %eq3A_1752 : vector<16x2048xi1>
    %slice3A_1754 = vector.extract_strided_slice %get3A_1 {offsets = [0, 26], sizes = [16, 1], strides = [1, 1]} : vector<16x256xi32> to vector<16x1xi32>
    %eq3A_1755 = vector.broadcast %slice3A_1754 : vector<16x1xi32> to vector<16x2048xi32>
    %eq3A_1756 = arith.cmpi eq, %concatenate3A_1647, %eq3A_1755 : vector<16x2048xi32>
    %or3A_1757 = arith.ori %or3A_1753, %eq3A_1756 : vector<16x2048xi1>
    %slice3A_1758 = vector.extract_strided_slice %get3A_1 {offsets = [0, 27], sizes = [16, 1], strides = [1, 1]} : vector<16x256xi32> to vector<16x1xi32>
    %eq3A_1759 = vector.broadcast %slice3A_1758 : vector<16x1xi32> to vector<16x2048xi32>
    %eq3A_1760 = arith.cmpi eq, %concatenate3A_1647, %eq3A_1759 : vector<16x2048xi32>
    %or3A_1761 = arith.ori %or3A_1757, %eq3A_1760 : vector<16x2048xi1>
    %slice3A_1762 = vector.extract_strided_slice %get3A_1 {offsets = [0, 28], sizes = [16, 1], strides = [1, 1]} : vector<16x256xi32> to vector<16x1xi32>
    %eq3A_1763 = vector.broadcast %slice3A_1762 : vector<16x1xi32> to vector<16x2048xi32>
    %eq3A_1764 = arith.cmpi eq, %concatenate3A_1647, %eq3A_1763 : vector<16x2048xi32>
    %or3A_1765 = arith.ori %or3A_1761, %eq3A_1764 : vector<16x2048xi1>
    %slice3A_1766 = vector.extract_strided_slice %get3A_1 {offsets = [0, 29], sizes = [16, 1], strides = [1, 1]} : vector<16x256xi32> to vector<16x1xi32>
    %eq3A_1767 = vector.broadcast %slice3A_1766 : vector<16x1xi32> to vector<16x2048xi32>
    %eq3A_1768 = arith.cmpi eq, %concatenate3A_1647, %eq3A_1767 : vector<16x2048xi32>
    %or3A_1769 = arith.ori %or3A_1765, %eq3A_1768 : vector<16x2048xi1>
    %slice3A_1770 = vector.extract_strided_slice %get3A_1 {offsets = [0, 30], sizes = [16, 1], strides = [1, 1]} : vector<16x256xi32> to vector<16x1xi32>
    %eq3A_1771 = vector.broadcast %slice3A_1770 : vector<16x1xi32> to vector<16x2048xi32>
    %eq3A_1772 = arith.cmpi eq, %concatenate3A_1647, %eq3A_1771 : vector<16x2048xi32>
    %or3A_1773 = arith.ori %or3A_1769, %eq3A_1772 : vector<16x2048xi1>
    %slice3A_1774 = vector.extract_strided_slice %get3A_1 {offsets = [0, 31], sizes = [16, 1], strides = [1, 1]} : vector<16x256xi32> to vector<16x1xi32>
    %eq3A_1775 = vector.broadcast %slice3A_1774 : vector<16x1xi32> to vector<16x2048xi32>
    %eq3A_1776 = arith.cmpi eq, %concatenate3A_1647, %eq3A_1775 : vector<16x2048xi32>
    %or3A_1777 = arith.ori %or3A_1773, %eq3A_1776 : vector<16x2048xi1>
    %slice3A_1778 = vector.extract_strided_slice %get3A_1 {offsets = [0, 32], sizes = [16, 1], strides = [1, 1]} : vector<16x256xi32> to vector<16x1xi32>
    %eq3A_1779 = vector.broadcast %slice3A_1778 : vector<16x1xi32> to vector<16x2048xi32>
    %eq3A_1780 = arith.cmpi eq, %concatenate3A_1647, %eq3A_1779 : vector<16x2048xi32>
    %or3A_1781 = arith.ori %or3A_1777, %eq3A_1780 : vector<16x2048xi1>
    %slice3A_1782 = vector.extract_strided_slice %get3A_1 {offsets = [0, 33], sizes = [16, 1], strides = [1, 1]} : vector<16x256xi32> to vector<16x1xi32>
    %eq3A_1783 = vector.broadcast %slice3A_1782 : vector<16x1xi32> to vector<16x2048xi32>
    %eq3A_1784 = arith.cmpi eq, %concatenate3A_1647, %eq3A_1783 : vector<16x2048xi32>
    %or3A_1785 = arith.ori %or3A_1781, %eq3A_1784 : vector<16x2048xi1>
    %slice3A_1786 = vector.extract_strided_slice %get3A_1 {offsets = [0, 34], sizes = [16, 1], strides = [1, 1]} : vector<16x256xi32> to vector<16x1xi32>
    %eq3A_1787 = vector.broadcast %slice3A_1786 : vector<16x1xi32> to vector<16x2048xi32>
    %eq3A_1788 = arith.cmpi eq, %concatenate3A_1647, %eq3A_1787 : vector<16x2048xi32>
    %or3A_1789 = arith.ori %or3A_1785, %eq3A_1788 : vector<16x2048xi1>
    %slice3A_1790 = vector.extract_strided_slice %get3A_1 {offsets = [0, 35], sizes = [16, 1], strides = [1, 1]} : vector<16x256xi32> to vector<16x1xi32>
    %eq3A_1791 = vector.broadcast %slice3A_1790 : vector<16x1xi32> to vector<16x2048xi32>
    %eq3A_1792 = arith.cmpi eq, %concatenate3A_1647, %eq3A_1791 : vector<16x2048xi32>
    %or3A_1793 = arith.ori %or3A_1789, %eq3A_1792 : vector<16x2048xi1>
    %slice3A_1794 = vector.extract_strided_slice %get3A_1 {offsets = [0, 36], sizes = [16, 1], strides = [1, 1]} : vector<16x256xi32> to vector<16x1xi32>
    %eq3A_1795 = vector.broadcast %slice3A_1794 : vector<16x1xi32> to vector<16x2048xi32>
    %eq3A_1796 = arith.cmpi eq, %concatenate3A_1647, %eq3A_1795 : vector<16x2048xi32>
    %or3A_1797 = arith.ori %or3A_1793, %eq3A_1796 : vector<16x2048xi1>
    %slice3A_1798 = vector.extract_strided_slice %get3A_1 {offsets = [0, 37], sizes = [16, 1], strides = [1, 1]} : vector<16x256xi32> to vector<16x1xi32>
    %eq3A_1799 = vector.broadcast %slice3A_1798 : vector<16x1xi32> to vector<16x2048xi32>
    %eq3A_1800 = arith.cmpi eq, %concatenate3A_1647, %eq3A_1799 : vector<16x2048xi32>
    %or3A_1801 = arith.ori %or3A_1797, %eq3A_1800 : vector<16x2048xi1>
    %slice3A_1802 = vector.extract_strided_slice %get3A_1 {offsets = [0, 38], sizes = [16, 1], strides = [1, 1]} : vector<16x256xi32> to vector<16x1xi32>
    %eq3A_1803 = vector.broadcast %slice3A_1802 : vector<16x1xi32> to vector<16x2048xi32>
    %eq3A_1804 = arith.cmpi eq, %concatenate3A_1647, %eq3A_1803 : vector<16x2048xi32>
    %or3A_1805 = arith.ori %or3A_1801, %eq3A_1804 : vector<16x2048xi1>
    %slice3A_1806 = vector.extract_strided_slice %get3A_1 {offsets = [0, 39], sizes = [16, 1], strides = [1, 1]} : vector<16x256xi32> to vector<16x1xi32>
    %eq3A_1807 = vector.broadcast %slice3A_1806 : vector<16x1xi32> to vector<16x2048xi32>
    %eq3A_1808 = arith.cmpi eq, %concatenate3A_1647, %eq3A_1807 : vector<16x2048xi32>
    %or3A_1809 = arith.ori %or3A_1805, %eq3A_1808 : vector<16x2048xi1>
    %slice3A_1810 = vector.extract_strided_slice %get3A_1 {offsets = [0, 40], sizes = [16, 1], strides = [1, 1]} : vector<16x256xi32> to vector<16x1xi32>
    %eq3A_1811 = vector.broadcast %slice3A_1810 : vector<16x1xi32> to vector<16x2048xi32>
    %eq3A_1812 = arith.cmpi eq, %concatenate3A_1647, %eq3A_1811 : vector<16x2048xi32>
    %or3A_1813 = arith.ori %or3A_1809, %eq3A_1812 : vector<16x2048xi1>
    %slice3A_1814 = vector.extract_strided_slice %get3A_1 {offsets = [0, 41], sizes = [16, 1], strides = [1, 1]} : vector<16x256xi32> to vector<16x1xi32>
    %eq3A_1815 = vector.broadcast %slice3A_1814 : vector<16x1xi32> to vector<16x2048xi32>
    %eq3A_1816 = arith.cmpi eq, %concatenate3A_1647, %eq3A_1815 : vector<16x2048xi32>
    %or3A_1817 = arith.ori %or3A_1813, %eq3A_1816 : vector<16x2048xi1>
    %slice3A_1818 = vector.extract_strided_slice %get3A_1 {offsets = [0, 42], sizes = [16, 1], strides = [1, 1]} : vector<16x256xi32> to vector<16x1xi32>
    %eq3A_1819 = vector.broadcast %slice3A_1818 : vector<16x1xi32> to vector<16x2048xi32>
    %eq3A_1820 = arith.cmpi eq, %concatenate3A_1647, %eq3A_1819 : vector<16x2048xi32>
    %or3A_1821 = arith.ori %or3A_1817, %eq3A_1820 : vector<16x2048xi1>
    %slice3A_1822 = vector.extract_strided_slice %get3A_1 {offsets = [0, 43], sizes = [16, 1], strides = [1, 1]} : vector<16x256xi32> to vector<16x1xi32>
    %eq3A_1823 = vector.broadcast %slice3A_1822 : vector<16x1xi32> to vector<16x2048xi32>
    %eq3A_1824 = arith.cmpi eq, %concatenate3A_1647, %eq3A_1823 : vector<16x2048xi32>
    %or3A_1825 = arith.ori %or3A_1821, %eq3A_1824 : vector<16x2048xi1>
    %slice3A_1826 = vector.extract_strided_slice %get3A_1 {offsets = [0, 44], sizes = [16, 1], strides = [1, 1]} : vector<16x256xi32> to vector<16x1xi32>
    %eq3A_1827 = vector.broadcast %slice3A_1826 : vector<16x1xi32> to vector<16x2048xi32>
    %eq3A_1828 = arith.cmpi eq, %concatenate3A_1647, %eq3A_1827 : vector<16x2048xi32>
    %or3A_1829 = arith.ori %or3A_1825, %eq3A_1828 : vector<16x2048xi1>
    %slice3A_1830 = vector.extract_strided_slice %get3A_1 {offsets = [0, 45], sizes = [16, 1], strides = [1, 1]} : vector<16x256xi32> to vector<16x1xi32>
    %eq3A_1831 = vector.broadcast %slice3A_1830 : vector<16x1xi32> to vector<16x2048xi32>
    %eq3A_1832 = arith.cmpi eq, %concatenate3A_1647, %eq3A_1831 : vector<16x2048xi32>
    %or3A_1833 = arith.ori %or3A_1829, %eq3A_1832 : vector<16x2048xi1>
    %slice3A_1834 = vector.extract_strided_slice %get3A_1 {offsets = [0, 46], sizes = [16, 1], strides = [1, 1]} : vector<16x256xi32> to vector<16x1xi32>
    %eq3A_1835 = vector.broadcast %slice3A_1834 : vector<16x1xi32> to vector<16x2048xi32>
    %eq3A_1836 = arith.cmpi eq, %concatenate3A_1647, %eq3A_1835 : vector<16x2048xi32>
    %or3A_1837 = arith.ori %or3A_1833, %eq3A_1836 : vector<16x2048xi1>
    %slice3A_1838 = vector.extract_strided_slice %get3A_1 {offsets = [0, 47], sizes = [16, 1], strides = [1, 1]} : vector<16x256xi32> to vector<16x1xi32>
    %eq3A_1839 = vector.broadcast %slice3A_1838 : vector<16x1xi32> to vector<16x2048xi32>
    %eq3A_1840 = arith.cmpi eq, %concatenate3A_1647, %eq3A_1839 : vector<16x2048xi32>
    %or3A_1841 = arith.ori %or3A_1837, %eq3A_1840 : vector<16x2048xi1>
    %slice3A_1842 = vector.extract_strided_slice %get3A_1 {offsets = [0, 48], sizes = [16, 1], strides = [1, 1]} : vector<16x256xi32> to vector<16x1xi32>
    %eq3A_1843 = vector.broadcast %slice3A_1842 : vector<16x1xi32> to vector<16x2048xi32>
    %eq3A_1844 = arith.cmpi eq, %concatenate3A_1647, %eq3A_1843 : vector<16x2048xi32>
    %or3A_1845 = arith.ori %or3A_1841, %eq3A_1844 : vector<16x2048xi1>
    %slice3A_1846 = vector.extract_strided_slice %get3A_1 {offsets = [0, 49], sizes = [16, 1], strides = [1, 1]} : vector<16x256xi32> to vector<16x1xi32>
    %eq3A_1847 = vector.broadcast %slice3A_1846 : vector<16x1xi32> to vector<16x2048xi32>
    %eq3A_1848 = arith.cmpi eq, %concatenate3A_1647, %eq3A_1847 : vector<16x2048xi32>
    %or3A_1849 = arith.ori %or3A_1845, %eq3A_1848 : vector<16x2048xi1>
    %slice3A_1850 = vector.extract_strided_slice %get3A_1 {offsets = [0, 50], sizes = [16, 1], strides = [1, 1]} : vector<16x256xi32> to vector<16x1xi32>
    %eq3A_1851 = vector.broadcast %slice3A_1850 : vector<16x1xi32> to vector<16x2048xi32>
    %eq3A_1852 = arith.cmpi eq, %concatenate3A_1647, %eq3A_1851 : vector<16x2048xi32>
    %or3A_1853 = arith.ori %or3A_1849, %eq3A_1852 : vector<16x2048xi1>
    %slice3A_1854 = vector.extract_strided_slice %get3A_1 {offsets = [0, 51], sizes = [16, 1], strides = [1, 1]} : vector<16x256xi32> to vector<16x1xi32>
    %eq3A_1855 = vector.broadcast %slice3A_1854 : vector<16x1xi32> to vector<16x2048xi32>
    %eq3A_1856 = arith.cmpi eq, %concatenate3A_1647, %eq3A_1855 : vector<16x2048xi32>
    %or3A_1857 = arith.ori %or3A_1853, %eq3A_1856 : vector<16x2048xi1>
    %slice3A_1858 = vector.extract_strided_slice %get3A_1 {offsets = [0, 52], sizes = [16, 1], strides = [1, 1]} : vector<16x256xi32> to vector<16x1xi32>
    %eq3A_1859 = vector.broadcast %slice3A_1858 : vector<16x1xi32> to vector<16x2048xi32>
    %eq3A_1860 = arith.cmpi eq, %concatenate3A_1647, %eq3A_1859 : vector<16x2048xi32>
    %or3A_1861 = arith.ori %or3A_1857, %eq3A_1860 : vector<16x2048xi1>
    %slice3A_1862 = vector.extract_strided_slice %get3A_1 {offsets = [0, 53], sizes = [16, 1], strides = [1, 1]} : vector<16x256xi32> to vector<16x1xi32>
    %eq3A_1863 = vector.broadcast %slice3A_1862 : vector<16x1xi32> to vector<16x2048xi32>
    %eq3A_1864 = arith.cmpi eq, %concatenate3A_1647, %eq3A_1863 : vector<16x2048xi32>
    %or3A_1865 = arith.ori %or3A_1861, %eq3A_1864 : vector<16x2048xi1>
    %slice3A_1866 = vector.extract_strided_slice %get3A_1 {offsets = [0, 54], sizes = [16, 1], strides = [1, 1]} : vector<16x256xi32> to vector<16x1xi32>
    %eq3A_1867 = vector.broadcast %slice3A_1866 : vector<16x1xi32> to vector<16x2048xi32>
    %eq3A_1868 = arith.cmpi eq, %concatenate3A_1647, %eq3A_1867 : vector<16x2048xi32>
    %or3A_1869 = arith.ori %or3A_1865, %eq3A_1868 : vector<16x2048xi1>
    %slice3A_1870 = vector.extract_strided_slice %get3A_1 {offsets = [0, 55], sizes = [16, 1], strides = [1, 1]} : vector<16x256xi32> to vector<16x1xi32>
    %eq3A_1871 = vector.broadcast %slice3A_1870 : vector<16x1xi32> to vector<16x2048xi32>
    %eq3A_1872 = arith.cmpi eq, %concatenate3A_1647, %eq3A_1871 : vector<16x2048xi32>
    %or3A_1873 = arith.ori %or3A_1869, %eq3A_1872 : vector<16x2048xi1>
    %slice3A_1874 = vector.extract_strided_slice %get3A_1 {offsets = [0, 56], sizes = [16, 1], strides = [1, 1]} : vector<16x256xi32> to vector<16x1xi32>
    %eq3A_1875 = vector.broadcast %slice3A_1874 : vector<16x1xi32> to vector<16x2048xi32>
    %eq3A_1876 = arith.cmpi eq, %concatenate3A_1647, %eq3A_1875 : vector<16x2048xi32>
    %or3A_1877 = arith.ori %or3A_1873, %eq3A_1876 : vector<16x2048xi1>
    %slice3A_1878 = vector.extract_strided_slice %get3A_1 {offsets = [0, 57], sizes = [16, 1], strides = [1, 1]} : vector<16x256xi32> to vector<16x1xi32>
    %eq3A_1879 = vector.broadcast %slice3A_1878 : vector<16x1xi32> to vector<16x2048xi32>
    %eq3A_1880 = arith.cmpi eq, %concatenate3A_1647, %eq3A_1879 : vector<16x2048xi32>
    %or3A_1881 = arith.ori %or3A_1877, %eq3A_1880 : vector<16x2048xi1>
    %slice3A_1882 = vector.extract_strided_slice %get3A_1 {offsets = [0, 58], sizes = [16, 1], strides = [1, 1]} : vector<16x256xi32> to vector<16x1xi32>
    %eq3A_1883 = vector.broadcast %slice3A_1882 : vector<16x1xi32> to vector<16x2048xi32>
    %eq3A_1884 = arith.cmpi eq, %concatenate3A_1647, %eq3A_1883 : vector<16x2048xi32>
    %or3A_1885 = arith.ori %or3A_1881, %eq3A_1884 : vector<16x2048xi1>
    %slice3A_1886 = vector.extract_strided_slice %get3A_1 {offsets = [0, 59], sizes = [16, 1], strides = [1, 1]} : vector<16x256xi32> to vector<16x1xi32>
    %eq3A_1887 = vector.broadcast %slice3A_1886 : vector<16x1xi32> to vector<16x2048xi32>
    %eq3A_1888 = arith.cmpi eq, %concatenate3A_1647, %eq3A_1887 : vector<16x2048xi32>
    %or3A_1889 = arith.ori %or3A_1885, %eq3A_1888 : vector<16x2048xi1>
    %slice3A_1890 = vector.extract_strided_slice %get3A_1 {offsets = [0, 60], sizes = [16, 1], strides = [1, 1]} : vector<16x256xi32> to vector<16x1xi32>
    %eq3A_1891 = vector.broadcast %slice3A_1890 : vector<16x1xi32> to vector<16x2048xi32>
    %eq3A_1892 = arith.cmpi eq, %concatenate3A_1647, %eq3A_1891 : vector<16x2048xi32>
    %or3A_1893 = arith.ori %or3A_1889, %eq3A_1892 : vector<16x2048xi1>
    %slice3A_1894 = vector.extract_strided_slice %get3A_1 {offsets = [0, 61], sizes = [16, 1], strides = [1, 1]} : vector<16x256xi32> to vector<16x1xi32>
    %eq3A_1895 = vector.broadcast %slice3A_1894 : vector<16x1xi32> to vector<16x2048xi32>
    %eq3A_1896 = arith.cmpi eq, %concatenate3A_1647, %eq3A_1895 : vector<16x2048xi32>
    %or3A_1897 = arith.ori %or3A_1893, %eq3A_1896 : vector<16x2048xi1>
    %slice3A_1898 = vector.extract_strided_slice %get3A_1 {offsets = [0, 62], sizes = [16, 1], strides = [1, 1]} : vector<16x256xi32> to vector<16x1xi32>
    %eq3A_1899 = vector.broadcast %slice3A_1898 : vector<16x1xi32> to vector<16x2048xi32>
    %eq3A_1900 = arith.cmpi eq, %concatenate3A_1647, %eq3A_1899 : vector<16x2048xi32>
    %or3A_1901 = arith.ori %or3A_1897, %eq3A_1900 : vector<16x2048xi1>
    %slice3A_1902 = vector.extract_strided_slice %get3A_1 {offsets = [0, 63], sizes = [16, 1], strides = [1, 1]} : vector<16x256xi32> to vector<16x1xi32>
    %eq3A_1903 = vector.broadcast %slice3A_1902 : vector<16x1xi32> to vector<16x2048xi32>
    %eq3A_1904 = arith.cmpi eq, %concatenate3A_1647, %eq3A_1903 : vector<16x2048xi32>
    %or3A_1905 = arith.ori %or3A_1901, %eq3A_1904 : vector<16x2048xi1>
    %slice3A_1906 = vector.extract_strided_slice %get3A_1 {offsets = [0, 64], sizes = [16, 1], strides = [1, 1]} : vector<16x256xi32> to vector<16x1xi32>
    %eq3A_1907 = vector.broadcast %slice3A_1906 : vector<16x1xi32> to vector<16x2048xi32>
    %eq3A_1908 = arith.cmpi eq, %concatenate3A_1647, %eq3A_1907 : vector<16x2048xi32>
    %or3A_1909 = arith.ori %or3A_1905, %eq3A_1908 : vector<16x2048xi1>
    %slice3A_1910 = vector.extract_strided_slice %get3A_1 {offsets = [0, 65], sizes = [16, 1], strides = [1, 1]} : vector<16x256xi32> to vector<16x1xi32>
    %eq3A_1911 = vector.broadcast %slice3A_1910 : vector<16x1xi32> to vector<16x2048xi32>
    %eq3A_1912 = arith.cmpi eq, %concatenate3A_1647, %eq3A_1911 : vector<16x2048xi32>
    %or3A_1913 = arith.ori %or3A_1909, %eq3A_1912 : vector<16x2048xi1>
    %slice3A_1914 = vector.extract_strided_slice %get3A_1 {offsets = [0, 66], sizes = [16, 1], strides = [1, 1]} : vector<16x256xi32> to vector<16x1xi32>
    %eq3A_1915 = vector.broadcast %slice3A_1914 : vector<16x1xi32> to vector<16x2048xi32>
    %eq3A_1916 = arith.cmpi eq, %concatenate3A_1647, %eq3A_1915 : vector<16x2048xi32>
    %or3A_1917 = arith.ori %or3A_1913, %eq3A_1916 : vector<16x2048xi1>
    %slice3A_1918 = vector.extract_strided_slice %get3A_1 {offsets = [0, 67], sizes = [16, 1], strides = [1, 1]} : vector<16x256xi32> to vector<16x1xi32>
    %eq3A_1919 = vector.broadcast %slice3A_1918 : vector<16x1xi32> to vector<16x2048xi32>
    %eq3A_1920 = arith.cmpi eq, %concatenate3A_1647, %eq3A_1919 : vector<16x2048xi32>
    %or3A_1921 = arith.ori %or3A_1917, %eq3A_1920 : vector<16x2048xi1>
    %slice3A_1922 = vector.extract_strided_slice %get3A_1 {offsets = [0, 68], sizes = [16, 1], strides = [1, 1]} : vector<16x256xi32> to vector<16x1xi32>
    %eq3A_1923 = vector.broadcast %slice3A_1922 : vector<16x1xi32> to vector<16x2048xi32>
    %eq3A_1924 = arith.cmpi eq, %concatenate3A_1647, %eq3A_1923 : vector<16x2048xi32>
    %or3A_1925 = arith.ori %or3A_1921, %eq3A_1924 : vector<16x2048xi1>
    %slice3A_1926 = vector.extract_strided_slice %get3A_1 {offsets = [0, 69], sizes = [16, 1], strides = [1, 1]} : vector<16x256xi32> to vector<16x1xi32>
    %eq3A_1927 = vector.broadcast %slice3A_1926 : vector<16x1xi32> to vector<16x2048xi32>
    %eq3A_1928 = arith.cmpi eq, %concatenate3A_1647, %eq3A_1927 : vector<16x2048xi32>
    %or3A_1929 = arith.ori %or3A_1925, %eq3A_1928 : vector<16x2048xi1>
    %slice3A_1930 = vector.extract_strided_slice %get3A_1 {offsets = [0, 70], sizes = [16, 1], strides = [1, 1]} : vector<16x256xi32> to vector<16x1xi32>
    %eq3A_1931 = vector.broadcast %slice3A_1930 : vector<16x1xi32> to vector<16x2048xi32>
    %eq3A_1932 = arith.cmpi eq, %concatenate3A_1647, %eq3A_1931 : vector<16x2048xi32>
    %or3A_1933 = arith.ori %or3A_1929, %eq3A_1932 : vector<16x2048xi1>
    %slice3A_1934 = vector.extract_strided_slice %get3A_1 {offsets = [0, 71], sizes = [16, 1], strides = [1, 1]} : vector<16x256xi32> to vector<16x1xi32>
    %eq3A_1935 = vector.broadcast %slice3A_1934 : vector<16x1xi32> to vector<16x2048xi32>
    %eq3A_1936 = arith.cmpi eq, %concatenate3A_1647, %eq3A_1935 : vector<16x2048xi32>
    %or3A_1937 = arith.ori %or3A_1933, %eq3A_1936 : vector<16x2048xi1>
    %slice3A_1938 = vector.extract_strided_slice %get3A_1 {offsets = [0, 72], sizes = [16, 1], strides = [1, 1]} : vector<16x256xi32> to vector<16x1xi32>
    %eq3A_1939 = vector.broadcast %slice3A_1938 : vector<16x1xi32> to vector<16x2048xi32>
    %eq3A_1940 = arith.cmpi eq, %concatenate3A_1647, %eq3A_1939 : vector<16x2048xi32>
    %or3A_1941 = arith.ori %or3A_1937, %eq3A_1940 : vector<16x2048xi1>
    %slice3A_1942 = vector.extract_strided_slice %get3A_1 {offsets = [0, 73], sizes = [16, 1], strides = [1, 1]} : vector<16x256xi32> to vector<16x1xi32>
    %eq3A_1943 = vector.broadcast %slice3A_1942 : vector<16x1xi32> to vector<16x2048xi32>
    %eq3A_1944 = arith.cmpi eq, %concatenate3A_1647, %eq3A_1943 : vector<16x2048xi32>
    %or3A_1945 = arith.ori %or3A_1941, %eq3A_1944 : vector<16x2048xi1>
    %slice3A_1946 = vector.extract_strided_slice %get3A_1 {offsets = [0, 74], sizes = [16, 1], strides = [1, 1]} : vector<16x256xi32> to vector<16x1xi32>
    %eq3A_1947 = vector.broadcast %slice3A_1946 : vector<16x1xi32> to vector<16x2048xi32>
    %eq3A_1948 = arith.cmpi eq, %concatenate3A_1647, %eq3A_1947 : vector<16x2048xi32>
    %or3A_1949 = arith.ori %or3A_1945, %eq3A_1948 : vector<16x2048xi1>
    %slice3A_1950 = vector.extract_strided_slice %get3A_1 {offsets = [0, 75], sizes = [16, 1], strides = [1, 1]} : vector<16x256xi32> to vector<16x1xi32>
    %eq3A_1951 = vector.broadcast %slice3A_1950 : vector<16x1xi32> to vector<16x2048xi32>
    %eq3A_1952 = arith.cmpi eq, %concatenate3A_1647, %eq3A_1951 : vector<16x2048xi32>
    %or3A_1953 = arith.ori %or3A_1949, %eq3A_1952 : vector<16x2048xi1>
    %slice3A_1954 = vector.extract_strided_slice %get3A_1 {offsets = [0, 76], sizes = [16, 1], strides = [1, 1]} : vector<16x256xi32> to vector<16x1xi32>
    %eq3A_1955 = vector.broadcast %slice3A_1954 : vector<16x1xi32> to vector<16x2048xi32>
    %eq3A_1956 = arith.cmpi eq, %concatenate3A_1647, %eq3A_1955 : vector<16x2048xi32>
    %or3A_1957 = arith.ori %or3A_1953, %eq3A_1956 : vector<16x2048xi1>
    %slice3A_1958 = vector.extract_strided_slice %get3A_1 {offsets = [0, 77], sizes = [16, 1], strides = [1, 1]} : vector<16x256xi32> to vector<16x1xi32>
    %eq3A_1959 = vector.broadcast %slice3A_1958 : vector<16x1xi32> to vector<16x2048xi32>
    %eq3A_1960 = arith.cmpi eq, %concatenate3A_1647, %eq3A_1959 : vector<16x2048xi32>
    %or3A_1961 = arith.ori %or3A_1957, %eq3A_1960 : vector<16x2048xi1>
    %slice3A_1962 = vector.extract_strided_slice %get3A_1 {offsets = [0, 78], sizes = [16, 1], strides = [1, 1]} : vector<16x256xi32> to vector<16x1xi32>
    %eq3A_1963 = vector.broadcast %slice3A_1962 : vector<16x1xi32> to vector<16x2048xi32>
    %eq3A_1964 = arith.cmpi eq, %concatenate3A_1647, %eq3A_1963 : vector<16x2048xi32>
    %or3A_1965 = arith.ori %or3A_1961, %eq3A_1964 : vector<16x2048xi1>
    %slice3A_1966 = vector.extract_strided_slice %get3A_1 {offsets = [0, 79], sizes = [16, 1], strides = [1, 1]} : vector<16x256xi32> to vector<16x1xi32>
    %eq3A_1967 = vector.broadcast %slice3A_1966 : vector<16x1xi32> to vector<16x2048xi32>
    %eq3A_1968 = arith.cmpi eq, %concatenate3A_1647, %eq3A_1967 : vector<16x2048xi32>
    %or3A_1969 = arith.ori %or3A_1965, %eq3A_1968 : vector<16x2048xi1>
    %slice3A_1970 = vector.extract_strided_slice %get3A_1 {offsets = [0, 80], sizes = [16, 1], strides = [1, 1]} : vector<16x256xi32> to vector<16x1xi32>
    %eq3A_1971 = vector.broadcast %slice3A_1970 : vector<16x1xi32> to vector<16x2048xi32>
    %eq3A_1972 = arith.cmpi eq, %concatenate3A_1647, %eq3A_1971 : vector<16x2048xi32>
    %or3A_1973 = arith.ori %or3A_1969, %eq3A_1972 : vector<16x2048xi1>
    %slice3A_1974 = vector.extract_strided_slice %get3A_1 {offsets = [0, 81], sizes = [16, 1], strides = [1, 1]} : vector<16x256xi32> to vector<16x1xi32>
    %eq3A_1975 = vector.broadcast %slice3A_1974 : vector<16x1xi32> to vector<16x2048xi32>
    %eq3A_1976 = arith.cmpi eq, %concatenate3A_1647, %eq3A_1975 : vector<16x2048xi32>
    %or3A_1977 = arith.ori %or3A_1973, %eq3A_1976 : vector<16x2048xi1>
    %slice3A_1978 = vector.extract_strided_slice %get3A_1 {offsets = [0, 82], sizes = [16, 1], strides = [1, 1]} : vector<16x256xi32> to vector<16x1xi32>
    %eq3A_1979 = vector.broadcast %slice3A_1978 : vector<16x1xi32> to vector<16x2048xi32>
    %eq3A_1980 = arith.cmpi eq, %concatenate3A_1647, %eq3A_1979 : vector<16x2048xi32>
    %or3A_1981 = arith.ori %or3A_1977, %eq3A_1980 : vector<16x2048xi1>
    %slice3A_1982 = vector.extract_strided_slice %get3A_1 {offsets = [0, 83], sizes = [16, 1], strides = [1, 1]} : vector<16x256xi32> to vector<16x1xi32>
    %eq3A_1983 = vector.broadcast %slice3A_1982 : vector<16x1xi32> to vector<16x2048xi32>
    %eq3A_1984 = arith.cmpi eq, %concatenate3A_1647, %eq3A_1983 : vector<16x2048xi32>
    %or3A_1985 = arith.ori %or3A_1981, %eq3A_1984 : vector<16x2048xi1>
    %slice3A_1986 = vector.extract_strided_slice %get3A_1 {offsets = [0, 84], sizes = [16, 1], strides = [1, 1]} : vector<16x256xi32> to vector<16x1xi32>
    %eq3A_1987 = vector.broadcast %slice3A_1986 : vector<16x1xi32> to vector<16x2048xi32>
    %eq3A_1988 = arith.cmpi eq, %concatenate3A_1647, %eq3A_1987 : vector<16x2048xi32>
    %or3A_1989 = arith.ori %or3A_1985, %eq3A_1988 : vector<16x2048xi1>
    %slice3A_1990 = vector.extract_strided_slice %get3A_1 {offsets = [0, 85], sizes = [16, 1], strides = [1, 1]} : vector<16x256xi32> to vector<16x1xi32>
    %eq3A_1991 = vector.broadcast %slice3A_1990 : vector<16x1xi32> to vector<16x2048xi32>
    %eq3A_1992 = arith.cmpi eq, %concatenate3A_1647, %eq3A_1991 : vector<16x2048xi32>
    %or3A_1993 = arith.ori %or3A_1989, %eq3A_1992 : vector<16x2048xi1>
    %slice3A_1994 = vector.extract_strided_slice %get3A_1 {offsets = [0, 86], sizes = [16, 1], strides = [1, 1]} : vector<16x256xi32> to vector<16x1xi32>
    %eq3A_1995 = vector.broadcast %slice3A_1994 : vector<16x1xi32> to vector<16x2048xi32>
    %eq3A_1996 = arith.cmpi eq, %concatenate3A_1647, %eq3A_1995 : vector<16x2048xi32>
    %or3A_1997 = arith.ori %or3A_1993, %eq3A_1996 : vector<16x2048xi1>
    %slice3A_1998 = vector.extract_strided_slice %get3A_1 {offsets = [0, 87], sizes = [16, 1], strides = [1, 1]} : vector<16x256xi32> to vector<16x1xi32>
    %eq3A_1999 = vector.broadcast %slice3A_1998 : vector<16x1xi32> to vector<16x2048xi32>
    %eq3A_2000 = arith.cmpi eq, %concatenate3A_1647, %eq3A_1999 : vector<16x2048xi32>
    %or3A_2001 = arith.ori %or3A_1997, %eq3A_2000 : vector<16x2048xi1>
    %slice3A_2002 = vector.extract_strided_slice %get3A_1 {offsets = [0, 88], sizes = [16, 1], strides = [1, 1]} : vector<16x256xi32> to vector<16x1xi32>
    %eq3A_2003 = vector.broadcast %slice3A_2002 : vector<16x1xi32> to vector<16x2048xi32>
    %eq3A_2004 = arith.cmpi eq, %concatenate3A_1647, %eq3A_2003 : vector<16x2048xi32>
    %or3A_2005 = arith.ori %or3A_2001, %eq3A_2004 : vector<16x2048xi1>
    %slice3A_2006 = vector.extract_strided_slice %get3A_1 {offsets = [0, 89], sizes = [16, 1], strides = [1, 1]} : vector<16x256xi32> to vector<16x1xi32>
    %eq3A_2007 = vector.broadcast %slice3A_2006 : vector<16x1xi32> to vector<16x2048xi32>
    %eq3A_2008 = arith.cmpi eq, %concatenate3A_1647, %eq3A_2007 : vector<16x2048xi32>
    %or3A_2009 = arith.ori %or3A_2005, %eq3A_2008 : vector<16x2048xi1>
    %slice3A_2010 = vector.extract_strided_slice %get3A_1 {offsets = [0, 90], sizes = [16, 1], strides = [1, 1]} : vector<16x256xi32> to vector<16x1xi32>
    %eq3A_2011 = vector.broadcast %slice3A_2010 : vector<16x1xi32> to vector<16x2048xi32>
    %eq3A_2012 = arith.cmpi eq, %concatenate3A_1647, %eq3A_2011 : vector<16x2048xi32>
    %or3A_2013 = arith.ori %or3A_2009, %eq3A_2012 : vector<16x2048xi1>
    %slice3A_2014 = vector.extract_strided_slice %get3A_1 {offsets = [0, 91], sizes = [16, 1], strides = [1, 1]} : vector<16x256xi32> to vector<16x1xi32>
    %eq3A_2015 = vector.broadcast %slice3A_2014 : vector<16x1xi32> to vector<16x2048xi32>
    %eq3A_2016 = arith.cmpi eq, %concatenate3A_1647, %eq3A_2015 : vector<16x2048xi32>
    %or3A_2017 = arith.ori %or3A_2013, %eq3A_2016 : vector<16x2048xi1>
    %slice3A_2018 = vector.extract_strided_slice %get3A_1 {offsets = [0, 92], sizes = [16, 1], strides = [1, 1]} : vector<16x256xi32> to vector<16x1xi32>
    %eq3A_2019 = vector.broadcast %slice3A_2018 : vector<16x1xi32> to vector<16x2048xi32>
    %eq3A_2020 = arith.cmpi eq, %concatenate3A_1647, %eq3A_2019 : vector<16x2048xi32>
    %or3A_2021 = arith.ori %or3A_2017, %eq3A_2020 : vector<16x2048xi1>
    %slice3A_2022 = vector.extract_strided_slice %get3A_1 {offsets = [0, 93], sizes = [16, 1], strides = [1, 1]} : vector<16x256xi32> to vector<16x1xi32>
    %eq3A_2023 = vector.broadcast %slice3A_2022 : vector<16x1xi32> to vector<16x2048xi32>
    %eq3A_2024 = arith.cmpi eq, %concatenate3A_1647, %eq3A_2023 : vector<16x2048xi32>
    %or3A_2025 = arith.ori %or3A_2021, %eq3A_2024 : vector<16x2048xi1>
    %slice3A_2026 = vector.extract_strided_slice %get3A_1 {offsets = [0, 94], sizes = [16, 1], strides = [1, 1]} : vector<16x256xi32> to vector<16x1xi32>
    %eq3A_2027 = vector.broadcast %slice3A_2026 : vector<16x1xi32> to vector<16x2048xi32>
    %eq3A_2028 = arith.cmpi eq, %concatenate3A_1647, %eq3A_2027 : vector<16x2048xi32>
    %or3A_2029 = arith.ori %or3A_2025, %eq3A_2028 : vector<16x2048xi1>
    %slice3A_2030 = vector.extract_strided_slice %get3A_1 {offsets = [0, 95], sizes = [16, 1], strides = [1, 1]} : vector<16x256xi32> to vector<16x1xi32>
    %eq3A_2031 = vector.broadcast %slice3A_2030 : vector<16x1xi32> to vector<16x2048xi32>
    %eq3A_2032 = arith.cmpi eq, %concatenate3A_1647, %eq3A_2031 : vector<16x2048xi32>
    %or3A_2033 = arith.ori %or3A_2029, %eq3A_2032 : vector<16x2048xi1>
    %slice3A_2034 = vector.extract_strided_slice %get3A_1 {offsets = [0, 96], sizes = [16, 1], strides = [1, 1]} : vector<16x256xi32> to vector<16x1xi32>
    %eq3A_2035 = vector.broadcast %slice3A_2034 : vector<16x1xi32> to vector<16x2048xi32>
    %eq3A_2036 = arith.cmpi eq, %concatenate3A_1647, %eq3A_2035 : vector<16x2048xi32>
    %or3A_2037 = arith.ori %or3A_2033, %eq3A_2036 : vector<16x2048xi1>
    %slice3A_2038 = vector.extract_strided_slice %get3A_1 {offsets = [0, 97], sizes = [16, 1], strides = [1, 1]} : vector<16x256xi32> to vector<16x1xi32>
    %eq3A_2039 = vector.broadcast %slice3A_2038 : vector<16x1xi32> to vector<16x2048xi32>
    %eq3A_2040 = arith.cmpi eq, %concatenate3A_1647, %eq3A_2039 : vector<16x2048xi32>
    %or3A_2041 = arith.ori %or3A_2037, %eq3A_2040 : vector<16x2048xi1>
    %slice3A_2042 = vector.extract_strided_slice %get3A_1 {offsets = [0, 98], sizes = [16, 1], strides = [1, 1]} : vector<16x256xi32> to vector<16x1xi32>
    %eq3A_2043 = vector.broadcast %slice3A_2042 : vector<16x1xi32> to vector<16x2048xi32>
    %eq3A_2044 = arith.cmpi eq, %concatenate3A_1647, %eq3A_2043 : vector<16x2048xi32>
    %or3A_2045 = arith.ori %or3A_2041, %eq3A_2044 : vector<16x2048xi1>
    %slice3A_2046 = vector.extract_strided_slice %get3A_1 {offsets = [0, 99], sizes = [16, 1], strides = [1, 1]} : vector<16x256xi32> to vector<16x1xi32>
    %eq3A_2047 = vector.broadcast %slice3A_2046 : vector<16x1xi32> to vector<16x2048xi32>
    %eq3A_2048 = arith.cmpi eq, %concatenate3A_1647, %eq3A_2047 : vector<16x2048xi32>
    %or3A_2049 = arith.ori %or3A_2045, %eq3A_2048 : vector<16x2048xi1>
    %slice3A_2050 = vector.extract_strided_slice %get3A_1 {offsets = [0, 100], sizes = [16, 1], strides = [1, 1]} : vector<16x256xi32> to vector<16x1xi32>
    %eq3A_2051 = vector.broadcast %slice3A_2050 : vector<16x1xi32> to vector<16x2048xi32>
    %eq3A_2052 = arith.cmpi eq, %concatenate3A_1647, %eq3A_2051 : vector<16x2048xi32>
    %or3A_2053 = arith.ori %or3A_2049, %eq3A_2052 : vector<16x2048xi1>
    %slice3A_2054 = vector.extract_strided_slice %get3A_1 {offsets = [0, 101], sizes = [16, 1], strides = [1, 1]} : vector<16x256xi32> to vector<16x1xi32>
    %eq3A_2055 = vector.broadcast %slice3A_2054 : vector<16x1xi32> to vector<16x2048xi32>
    %eq3A_2056 = arith.cmpi eq, %concatenate3A_1647, %eq3A_2055 : vector<16x2048xi32>
    %or3A_2057 = arith.ori %or3A_2053, %eq3A_2056 : vector<16x2048xi1>
    %slice3A_2058 = vector.extract_strided_slice %get3A_1 {offsets = [0, 102], sizes = [16, 1], strides = [1, 1]} : vector<16x256xi32> to vector<16x1xi32>
    %eq3A_2059 = vector.broadcast %slice3A_2058 : vector<16x1xi32> to vector<16x2048xi32>
    %eq3A_2060 = arith.cmpi eq, %concatenate3A_1647, %eq3A_2059 : vector<16x2048xi32>
    %or3A_2061 = arith.ori %or3A_2057, %eq3A_2060 : vector<16x2048xi1>
    %slice3A_2062 = vector.extract_strided_slice %get3A_1 {offsets = [0, 103], sizes = [16, 1], strides = [1, 1]} : vector<16x256xi32> to vector<16x1xi32>
    %eq3A_2063 = vector.broadcast %slice3A_2062 : vector<16x1xi32> to vector<16x2048xi32>
    %eq3A_2064 = arith.cmpi eq, %concatenate3A_1647, %eq3A_2063 : vector<16x2048xi32>
    %or3A_2065 = arith.ori %or3A_2061, %eq3A_2064 : vector<16x2048xi1>
    %slice3A_2066 = vector.extract_strided_slice %get3A_1 {offsets = [0, 104], sizes = [16, 1], strides = [1, 1]} : vector<16x256xi32> to vector<16x1xi32>
    %eq3A_2067 = vector.broadcast %slice3A_2066 : vector<16x1xi32> to vector<16x2048xi32>
    %eq3A_2068 = arith.cmpi eq, %concatenate3A_1647, %eq3A_2067 : vector<16x2048xi32>
    %or3A_2069 = arith.ori %or3A_2065, %eq3A_2068 : vector<16x2048xi1>
    %slice3A_2070 = vector.extract_strided_slice %get3A_1 {offsets = [0, 105], sizes = [16, 1], strides = [1, 1]} : vector<16x256xi32> to vector<16x1xi32>
    %eq3A_2071 = vector.broadcast %slice3A_2070 : vector<16x1xi32> to vector<16x2048xi32>
    %eq3A_2072 = arith.cmpi eq, %concatenate3A_1647, %eq3A_2071 : vector<16x2048xi32>
    %or3A_2073 = arith.ori %or3A_2069, %eq3A_2072 : vector<16x2048xi1>
    %slice3A_2074 = vector.extract_strided_slice %get3A_1 {offsets = [0, 106], sizes = [16, 1], strides = [1, 1]} : vector<16x256xi32> to vector<16x1xi32>
    %eq3A_2075 = vector.broadcast %slice3A_2074 : vector<16x1xi32> to vector<16x2048xi32>
    %eq3A_2076 = arith.cmpi eq, %concatenate3A_1647, %eq3A_2075 : vector<16x2048xi32>
    %or3A_2077 = arith.ori %or3A_2073, %eq3A_2076 : vector<16x2048xi1>
    %slice3A_2078 = vector.extract_strided_slice %get3A_1 {offsets = [0, 107], sizes = [16, 1], strides = [1, 1]} : vector<16x256xi32> to vector<16x1xi32>
    %eq3A_2079 = vector.broadcast %slice3A_2078 : vector<16x1xi32> to vector<16x2048xi32>
    %eq3A_2080 = arith.cmpi eq, %concatenate3A_1647, %eq3A_2079 : vector<16x2048xi32>
    %or3A_2081 = arith.ori %or3A_2077, %eq3A_2080 : vector<16x2048xi1>
    %slice3A_2082 = vector.extract_strided_slice %get3A_1 {offsets = [0, 108], sizes = [16, 1], strides = [1, 1]} : vector<16x256xi32> to vector<16x1xi32>
    %eq3A_2083 = vector.broadcast %slice3A_2082 : vector<16x1xi32> to vector<16x2048xi32>
    %eq3A_2084 = arith.cmpi eq, %concatenate3A_1647, %eq3A_2083 : vector<16x2048xi32>
    %or3A_2085 = arith.ori %or3A_2081, %eq3A_2084 : vector<16x2048xi1>
    %slice3A_2086 = vector.extract_strided_slice %get3A_1 {offsets = [0, 109], sizes = [16, 1], strides = [1, 1]} : vector<16x256xi32> to vector<16x1xi32>
    %eq3A_2087 = vector.broadcast %slice3A_2086 : vector<16x1xi32> to vector<16x2048xi32>
    %eq3A_2088 = arith.cmpi eq, %concatenate3A_1647, %eq3A_2087 : vector<16x2048xi32>
    %or3A_2089 = arith.ori %or3A_2085, %eq3A_2088 : vector<16x2048xi1>
    %slice3A_2090 = vector.extract_strided_slice %get3A_1 {offsets = [0, 110], sizes = [16, 1], strides = [1, 1]} : vector<16x256xi32> to vector<16x1xi32>
    %eq3A_2091 = vector.broadcast %slice3A_2090 : vector<16x1xi32> to vector<16x2048xi32>
    %eq3A_2092 = arith.cmpi eq, %concatenate3A_1647, %eq3A_2091 : vector<16x2048xi32>
    %or3A_2093 = arith.ori %or3A_2089, %eq3A_2092 : vector<16x2048xi1>
    %slice3A_2094 = vector.extract_strided_slice %get3A_1 {offsets = [0, 111], sizes = [16, 1], strides = [1, 1]} : vector<16x256xi32> to vector<16x1xi32>
    %eq3A_2095 = vector.broadcast %slice3A_2094 : vector<16x1xi32> to vector<16x2048xi32>
    %eq3A_2096 = arith.cmpi eq, %concatenate3A_1647, %eq3A_2095 : vector<16x2048xi32>
    %or3A_2097 = arith.ori %or3A_2093, %eq3A_2096 : vector<16x2048xi1>
    %slice3A_2098 = vector.extract_strided_slice %get3A_1 {offsets = [0, 112], sizes = [16, 1], strides = [1, 1]} : vector<16x256xi32> to vector<16x1xi32>
    %eq3A_2099 = vector.broadcast %slice3A_2098 : vector<16x1xi32> to vector<16x2048xi32>
    %eq3A_2100 = arith.cmpi eq, %concatenate3A_1647, %eq3A_2099 : vector<16x2048xi32>
    %or3A_2101 = arith.ori %or3A_2097, %eq3A_2100 : vector<16x2048xi1>
    %slice3A_2102 = vector.extract_strided_slice %get3A_1 {offsets = [0, 113], sizes = [16, 1], strides = [1, 1]} : vector<16x256xi32> to vector<16x1xi32>
    %eq3A_2103 = vector.broadcast %slice3A_2102 : vector<16x1xi32> to vector<16x2048xi32>
    %eq3A_2104 = arith.cmpi eq, %concatenate3A_1647, %eq3A_2103 : vector<16x2048xi32>
    %or3A_2105 = arith.ori %or3A_2101, %eq3A_2104 : vector<16x2048xi1>
    %slice3A_2106 = vector.extract_strided_slice %get3A_1 {offsets = [0, 114], sizes = [16, 1], strides = [1, 1]} : vector<16x256xi32> to vector<16x1xi32>
    %eq3A_2107 = vector.broadcast %slice3A_2106 : vector<16x1xi32> to vector<16x2048xi32>
    %eq3A_2108 = arith.cmpi eq, %concatenate3A_1647, %eq3A_2107 : vector<16x2048xi32>
    %or3A_2109 = arith.ori %or3A_2105, %eq3A_2108 : vector<16x2048xi1>
    %slice3A_2110 = vector.extract_strided_slice %get3A_1 {offsets = [0, 115], sizes = [16, 1], strides = [1, 1]} : vector<16x256xi32> to vector<16x1xi32>
    %eq3A_2111 = vector.broadcast %slice3A_2110 : vector<16x1xi32> to vector<16x2048xi32>
    %eq3A_2112 = arith.cmpi eq, %concatenate3A_1647, %eq3A_2111 : vector<16x2048xi32>
    %or3A_2113 = arith.ori %or3A_2109, %eq3A_2112 : vector<16x2048xi1>
    %slice3A_2114 = vector.extract_strided_slice %get3A_1 {offsets = [0, 116], sizes = [16, 1], strides = [1, 1]} : vector<16x256xi32> to vector<16x1xi32>
    %eq3A_2115 = vector.broadcast %slice3A_2114 : vector<16x1xi32> to vector<16x2048xi32>
    %eq3A_2116 = arith.cmpi eq, %concatenate3A_1647, %eq3A_2115 : vector<16x2048xi32>
    %or3A_2117 = arith.ori %or3A_2113, %eq3A_2116 : vector<16x2048xi1>
    %slice3A_2118 = vector.extract_strided_slice %get3A_1 {offsets = [0, 117], sizes = [16, 1], strides = [1, 1]} : vector<16x256xi32> to vector<16x1xi32>
    %eq3A_2119 = vector.broadcast %slice3A_2118 : vector<16x1xi32> to vector<16x2048xi32>
    %eq3A_2120 = arith.cmpi eq, %concatenate3A_1647, %eq3A_2119 : vector<16x2048xi32>
    %or3A_2121 = arith.ori %or3A_2117, %eq3A_2120 : vector<16x2048xi1>
    %slice3A_2122 = vector.extract_strided_slice %get3A_1 {offsets = [0, 118], sizes = [16, 1], strides = [1, 1]} : vector<16x256xi32> to vector<16x1xi32>
    %eq3A_2123 = vector.broadcast %slice3A_2122 : vector<16x1xi32> to vector<16x2048xi32>
    %eq3A_2124 = arith.cmpi eq, %concatenate3A_1647, %eq3A_2123 : vector<16x2048xi32>
    %or3A_2125 = arith.ori %or3A_2121, %eq3A_2124 : vector<16x2048xi1>
    %slice3A_2126 = vector.extract_strided_slice %get3A_1 {offsets = [0, 119], sizes = [16, 1], strides = [1, 1]} : vector<16x256xi32> to vector<16x1xi32>
    %eq3A_2127 = vector.broadcast %slice3A_2126 : vector<16x1xi32> to vector<16x2048xi32>
    %eq3A_2128 = arith.cmpi eq, %concatenate3A_1647, %eq3A_2127 : vector<16x2048xi32>
    %or3A_2129 = arith.ori %or3A_2125, %eq3A_2128 : vector<16x2048xi1>
    %slice3A_2130 = vector.extract_strided_slice %get3A_1 {offsets = [0, 120], sizes = [16, 1], strides = [1, 1]} : vector<16x256xi32> to vector<16x1xi32>
    %eq3A_2131 = vector.broadcast %slice3A_2130 : vector<16x1xi32> to vector<16x2048xi32>
    %eq3A_2132 = arith.cmpi eq, %concatenate3A_1647, %eq3A_2131 : vector<16x2048xi32>
    %or3A_2133 = arith.ori %or3A_2129, %eq3A_2132 : vector<16x2048xi1>
    %slice3A_2134 = vector.extract_strided_slice %get3A_1 {offsets = [0, 121], sizes = [16, 1], strides = [1, 1]} : vector<16x256xi32> to vector<16x1xi32>
    %eq3A_2135 = vector.broadcast %slice3A_2134 : vector<16x1xi32> to vector<16x2048xi32>
    %eq3A_2136 = arith.cmpi eq, %concatenate3A_1647, %eq3A_2135 : vector<16x2048xi32>
    %or3A_2137 = arith.ori %or3A_2133, %eq3A_2136 : vector<16x2048xi1>
    %slice3A_2138 = vector.extract_strided_slice %get3A_1 {offsets = [0, 122], sizes = [16, 1], strides = [1, 1]} : vector<16x256xi32> to vector<16x1xi32>
    %eq3A_2139 = vector.broadcast %slice3A_2138 : vector<16x1xi32> to vector<16x2048xi32>
    %eq3A_2140 = arith.cmpi eq, %concatenate3A_1647, %eq3A_2139 : vector<16x2048xi32>
    %or3A_2141 = arith.ori %or3A_2137, %eq3A_2140 : vector<16x2048xi1>
    %slice3A_2142 = vector.extract_strided_slice %get3A_1 {offsets = [0, 123], sizes = [16, 1], strides = [1, 1]} : vector<16x256xi32> to vector<16x1xi32>
    %eq3A_2143 = vector.broadcast %slice3A_2142 : vector<16x1xi32> to vector<16x2048xi32>
    %eq3A_2144 = arith.cmpi eq, %concatenate3A_1647, %eq3A_2143 : vector<16x2048xi32>
    %or3A_2145 = arith.ori %or3A_2141, %eq3A_2144 : vector<16x2048xi1>
    %slice3A_2146 = vector.extract_strided_slice %get3A_1 {offsets = [0, 124], sizes = [16, 1], strides = [1, 1]} : vector<16x256xi32> to vector<16x1xi32>
    %eq3A_2147 = vector.broadcast %slice3A_2146 : vector<16x1xi32> to vector<16x2048xi32>
    %eq3A_2148 = arith.cmpi eq, %concatenate3A_1647, %eq3A_2147 : vector<16x2048xi32>
    %or3A_2149 = arith.ori %or3A_2145, %eq3A_2148 : vector<16x2048xi1>
    %slice3A_2150 = vector.extract_strided_slice %get3A_1 {offsets = [0, 125], sizes = [16, 1], strides = [1, 1]} : vector<16x256xi32> to vector<16x1xi32>
    %eq3A_2151 = vector.broadcast %slice3A_2150 : vector<16x1xi32> to vector<16x2048xi32>
    %eq3A_2152 = arith.cmpi eq, %concatenate3A_1647, %eq3A_2151 : vector<16x2048xi32>
    %or3A_2153 = arith.ori %or3A_2149, %eq3A_2152 : vector<16x2048xi1>
    %slice3A_2154 = vector.extract_strided_slice %get3A_1 {offsets = [0, 126], sizes = [16, 1], strides = [1, 1]} : vector<16x256xi32> to vector<16x1xi32>
    %eq3A_2155 = vector.broadcast %slice3A_2154 : vector<16x1xi32> to vector<16x2048xi32>
    %eq3A_2156 = arith.cmpi eq, %concatenate3A_1647, %eq3A_2155 : vector<16x2048xi32>
    %or3A_2157 = arith.ori %or3A_2153, %eq3A_2156 : vector<16x2048xi1>
    %slice3A_2158 = vector.extract_strided_slice %get3A_1 {offsets = [0, 127], sizes = [16, 1], strides = [1, 1]} : vector<16x256xi32> to vector<16x1xi32>
    %eq3A_2159 = vector.broadcast %slice3A_2158 : vector<16x1xi32> to vector<16x2048xi32>
    %eq3A_2160 = arith.cmpi eq, %concatenate3A_1647, %eq3A_2159 : vector<16x2048xi32>
    %or3A_2161 = arith.ori %or3A_2157, %eq3A_2160 : vector<16x2048xi1>
    %slice3A_2162 = vector.extract_strided_slice %get3A_1 {offsets = [0, 128], sizes = [16, 1], strides = [1, 1]} : vector<16x256xi32> to vector<16x1xi32>
    %eq3A_2163 = vector.broadcast %slice3A_2162 : vector<16x1xi32> to vector<16x2048xi32>
    %eq3A_2164 = arith.cmpi eq, %concatenate3A_1647, %eq3A_2163 : vector<16x2048xi32>
    %or3A_2165 = arith.ori %or3A_2161, %eq3A_2164 : vector<16x2048xi1>
    %slice3A_2166 = vector.extract_strided_slice %get3A_1 {offsets = [0, 129], sizes = [16, 1], strides = [1, 1]} : vector<16x256xi32> to vector<16x1xi32>
    %eq3A_2167 = vector.broadcast %slice3A_2166 : vector<16x1xi32> to vector<16x2048xi32>
    %eq3A_2168 = arith.cmpi eq, %concatenate3A_1647, %eq3A_2167 : vector<16x2048xi32>
    %or3A_2169 = arith.ori %or3A_2165, %eq3A_2168 : vector<16x2048xi1>
    %slice3A_2170 = vector.extract_strided_slice %get3A_1 {offsets = [0, 130], sizes = [16, 1], strides = [1, 1]} : vector<16x256xi32> to vector<16x1xi32>
    %eq3A_2171 = vector.broadcast %slice3A_2170 : vector<16x1xi32> to vector<16x2048xi32>
    %eq3A_2172 = arith.cmpi eq, %concatenate3A_1647, %eq3A_2171 : vector<16x2048xi32>
    %or3A_2173 = arith.ori %or3A_2169, %eq3A_2172 : vector<16x2048xi1>
    %slice3A_2174 = vector.extract_strided_slice %get3A_1 {offsets = [0, 131], sizes = [16, 1], strides = [1, 1]} : vector<16x256xi32> to vector<16x1xi32>
    %eq3A_2175 = vector.broadcast %slice3A_2174 : vector<16x1xi32> to vector<16x2048xi32>
    %eq3A_2176 = arith.cmpi eq, %concatenate3A_1647, %eq3A_2175 : vector<16x2048xi32>
    %or3A_2177 = arith.ori %or3A_2173, %eq3A_2176 : vector<16x2048xi1>
    %slice3A_2178 = vector.extract_strided_slice %get3A_1 {offsets = [0, 132], sizes = [16, 1], strides = [1, 1]} : vector<16x256xi32> to vector<16x1xi32>
    %eq3A_2179 = vector.broadcast %slice3A_2178 : vector<16x1xi32> to vector<16x2048xi32>
    %eq3A_2180 = arith.cmpi eq, %concatenate3A_1647, %eq3A_2179 : vector<16x2048xi32>
    %or3A_2181 = arith.ori %or3A_2177, %eq3A_2180 : vector<16x2048xi1>
    %slice3A_2182 = vector.extract_strided_slice %get3A_1 {offsets = [0, 133], sizes = [16, 1], strides = [1, 1]} : vector<16x256xi32> to vector<16x1xi32>
    %eq3A_2183 = vector.broadcast %slice3A_2182 : vector<16x1xi32> to vector<16x2048xi32>
    %eq3A_2184 = arith.cmpi eq, %concatenate3A_1647, %eq3A_2183 : vector<16x2048xi32>
    %or3A_2185 = arith.ori %or3A_2181, %eq3A_2184 : vector<16x2048xi1>
    %slice3A_2186 = vector.extract_strided_slice %get3A_1 {offsets = [0, 134], sizes = [16, 1], strides = [1, 1]} : vector<16x256xi32> to vector<16x1xi32>
    %eq3A_2187 = vector.broadcast %slice3A_2186 : vector<16x1xi32> to vector<16x2048xi32>
    %eq3A_2188 = arith.cmpi eq, %concatenate3A_1647, %eq3A_2187 : vector<16x2048xi32>
    %or3A_2189 = arith.ori %or3A_2185, %eq3A_2188 : vector<16x2048xi1>
    %slice3A_2190 = vector.extract_strided_slice %get3A_1 {offsets = [0, 135], sizes = [16, 1], strides = [1, 1]} : vector<16x256xi32> to vector<16x1xi32>
    %eq3A_2191 = vector.broadcast %slice3A_2190 : vector<16x1xi32> to vector<16x2048xi32>
    %eq3A_2192 = arith.cmpi eq, %concatenate3A_1647, %eq3A_2191 : vector<16x2048xi32>
    %or3A_2193 = arith.ori %or3A_2189, %eq3A_2192 : vector<16x2048xi1>
    %slice3A_2194 = vector.extract_strided_slice %get3A_1 {offsets = [0, 136], sizes = [16, 1], strides = [1, 1]} : vector<16x256xi32> to vector<16x1xi32>
    %eq3A_2195 = vector.broadcast %slice3A_2194 : vector<16x1xi32> to vector<16x2048xi32>
    %eq3A_2196 = arith.cmpi eq, %concatenate3A_1647, %eq3A_2195 : vector<16x2048xi32>
    %or3A_2197 = arith.ori %or3A_2193, %eq3A_2196 : vector<16x2048xi1>
    %slice3A_2198 = vector.extract_strided_slice %get3A_1 {offsets = [0, 137], sizes = [16, 1], strides = [1, 1]} : vector<16x256xi32> to vector<16x1xi32>
    %eq3A_2199 = vector.broadcast %slice3A_2198 : vector<16x1xi32> to vector<16x2048xi32>
    %eq3A_2200 = arith.cmpi eq, %concatenate3A_1647, %eq3A_2199 : vector<16x2048xi32>
    %or3A_2201 = arith.ori %or3A_2197, %eq3A_2200 : vector<16x2048xi1>
    %slice3A_2202 = vector.extract_strided_slice %get3A_1 {offsets = [0, 138], sizes = [16, 1], strides = [1, 1]} : vector<16x256xi32> to vector<16x1xi32>
    %eq3A_2203 = vector.broadcast %slice3A_2202 : vector<16x1xi32> to vector<16x2048xi32>
    %eq3A_2204 = arith.cmpi eq, %concatenate3A_1647, %eq3A_2203 : vector<16x2048xi32>
    %or3A_2205 = arith.ori %or3A_2201, %eq3A_2204 : vector<16x2048xi1>
    %slice3A_2206 = vector.extract_strided_slice %get3A_1 {offsets = [0, 139], sizes = [16, 1], strides = [1, 1]} : vector<16x256xi32> to vector<16x1xi32>
    %eq3A_2207 = vector.broadcast %slice3A_2206 : vector<16x1xi32> to vector<16x2048xi32>
    %eq3A_2208 = arith.cmpi eq, %concatenate3A_1647, %eq3A_2207 : vector<16x2048xi32>
    %or3A_2209 = arith.ori %or3A_2205, %eq3A_2208 : vector<16x2048xi1>
    %slice3A_2210 = vector.extract_strided_slice %get3A_1 {offsets = [0, 140], sizes = [16, 1], strides = [1, 1]} : vector<16x256xi32> to vector<16x1xi32>
    %eq3A_2211 = vector.broadcast %slice3A_2210 : vector<16x1xi32> to vector<16x2048xi32>
    %eq3A_2212 = arith.cmpi eq, %concatenate3A_1647, %eq3A_2211 : vector<16x2048xi32>
    %or3A_2213 = arith.ori %or3A_2209, %eq3A_2212 : vector<16x2048xi1>
    %slice3A_2214 = vector.extract_strided_slice %get3A_1 {offsets = [0, 141], sizes = [16, 1], strides = [1, 1]} : vector<16x256xi32> to vector<16x1xi32>
    %eq3A_2215 = vector.broadcast %slice3A_2214 : vector<16x1xi32> to vector<16x2048xi32>
    %eq3A_2216 = arith.cmpi eq, %concatenate3A_1647, %eq3A_2215 : vector<16x2048xi32>
    %or3A_2217 = arith.ori %or3A_2213, %eq3A_2216 : vector<16x2048xi1>
    %slice3A_2218 = vector.extract_strided_slice %get3A_1 {offsets = [0, 142], sizes = [16, 1], strides = [1, 1]} : vector<16x256xi32> to vector<16x1xi32>
    %eq3A_2219 = vector.broadcast %slice3A_2218 : vector<16x1xi32> to vector<16x2048xi32>
    %eq3A_2220 = arith.cmpi eq, %concatenate3A_1647, %eq3A_2219 : vector<16x2048xi32>
    %or3A_2221 = arith.ori %or3A_2217, %eq3A_2220 : vector<16x2048xi1>
    %slice3A_2222 = vector.extract_strided_slice %get3A_1 {offsets = [0, 143], sizes = [16, 1], strides = [1, 1]} : vector<16x256xi32> to vector<16x1xi32>
    %eq3A_2223 = vector.broadcast %slice3A_2222 : vector<16x1xi32> to vector<16x2048xi32>
    %eq3A_2224 = arith.cmpi eq, %concatenate3A_1647, %eq3A_2223 : vector<16x2048xi32>
    %or3A_2225 = arith.ori %or3A_2221, %eq3A_2224 : vector<16x2048xi1>
    %slice3A_2226 = vector.extract_strided_slice %get3A_1 {offsets = [0, 144], sizes = [16, 1], strides = [1, 1]} : vector<16x256xi32> to vector<16x1xi32>
    %eq3A_2227 = vector.broadcast %slice3A_2226 : vector<16x1xi32> to vector<16x2048xi32>
    %eq3A_2228 = arith.cmpi eq, %concatenate3A_1647, %eq3A_2227 : vector<16x2048xi32>
    %or3A_2229 = arith.ori %or3A_2225, %eq3A_2228 : vector<16x2048xi1>
    %slice3A_2230 = vector.extract_strided_slice %get3A_1 {offsets = [0, 145], sizes = [16, 1], strides = [1, 1]} : vector<16x256xi32> to vector<16x1xi32>
    %eq3A_2231 = vector.broadcast %slice3A_2230 : vector<16x1xi32> to vector<16x2048xi32>
    %eq3A_2232 = arith.cmpi eq, %concatenate3A_1647, %eq3A_2231 : vector<16x2048xi32>
    %or3A_2233 = arith.ori %or3A_2229, %eq3A_2232 : vector<16x2048xi1>
    %slice3A_2234 = vector.extract_strided_slice %get3A_1 {offsets = [0, 146], sizes = [16, 1], strides = [1, 1]} : vector<16x256xi32> to vector<16x1xi32>
    %eq3A_2235 = vector.broadcast %slice3A_2234 : vector<16x1xi32> to vector<16x2048xi32>
    %eq3A_2236 = arith.cmpi eq, %concatenate3A_1647, %eq3A_2235 : vector<16x2048xi32>
    %or3A_2237 = arith.ori %or3A_2233, %eq3A_2236 : vector<16x2048xi1>
    %slice3A_2238 = vector.extract_strided_slice %get3A_1 {offsets = [0, 147], sizes = [16, 1], strides = [1, 1]} : vector<16x256xi32> to vector<16x1xi32>
    %eq3A_2239 = vector.broadcast %slice3A_2238 : vector<16x1xi32> to vector<16x2048xi32>
    %eq3A_2240 = arith.cmpi eq, %concatenate3A_1647, %eq3A_2239 : vector<16x2048xi32>
    %or3A_2241 = arith.ori %or3A_2237, %eq3A_2240 : vector<16x2048xi1>
    %slice3A_2242 = vector.extract_strided_slice %get3A_1 {offsets = [0, 148], sizes = [16, 1], strides = [1, 1]} : vector<16x256xi32> to vector<16x1xi32>
    %eq3A_2243 = vector.broadcast %slice3A_2242 : vector<16x1xi32> to vector<16x2048xi32>
    %eq3A_2244 = arith.cmpi eq, %concatenate3A_1647, %eq3A_2243 : vector<16x2048xi32>
    %or3A_2245 = arith.ori %or3A_2241, %eq3A_2244 : vector<16x2048xi1>
    %slice3A_2246 = vector.extract_strided_slice %get3A_1 {offsets = [0, 149], sizes = [16, 1], strides = [1, 1]} : vector<16x256xi32> to vector<16x1xi32>
    %eq3A_2247 = vector.broadcast %slice3A_2246 : vector<16x1xi32> to vector<16x2048xi32>
    %eq3A_2248 = arith.cmpi eq, %concatenate3A_1647, %eq3A_2247 : vector<16x2048xi32>
    %or3A_2249 = arith.ori %or3A_2245, %eq3A_2248 : vector<16x2048xi1>
    %slice3A_2250 = vector.extract_strided_slice %get3A_1 {offsets = [0, 150], sizes = [16, 1], strides = [1, 1]} : vector<16x256xi32> to vector<16x1xi32>
    %eq3A_2251 = vector.broadcast %slice3A_2250 : vector<16x1xi32> to vector<16x2048xi32>
    %eq3A_2252 = arith.cmpi eq, %concatenate3A_1647, %eq3A_2251 : vector<16x2048xi32>
    %or3A_2253 = arith.ori %or3A_2249, %eq3A_2252 : vector<16x2048xi1>
    %slice3A_2254 = vector.extract_strided_slice %get3A_1 {offsets = [0, 151], sizes = [16, 1], strides = [1, 1]} : vector<16x256xi32> to vector<16x1xi32>
    %eq3A_2255 = vector.broadcast %slice3A_2254 : vector<16x1xi32> to vector<16x2048xi32>
    %eq3A_2256 = arith.cmpi eq, %concatenate3A_1647, %eq3A_2255 : vector<16x2048xi32>
    %or3A_2257 = arith.ori %or3A_2253, %eq3A_2256 : vector<16x2048xi1>
    %slice3A_2258 = vector.extract_strided_slice %get3A_1 {offsets = [0, 152], sizes = [16, 1], strides = [1, 1]} : vector<16x256xi32> to vector<16x1xi32>
    %eq3A_2259 = vector.broadcast %slice3A_2258 : vector<16x1xi32> to vector<16x2048xi32>
    %eq3A_2260 = arith.cmpi eq, %concatenate3A_1647, %eq3A_2259 : vector<16x2048xi32>
    %or3A_2261 = arith.ori %or3A_2257, %eq3A_2260 : vector<16x2048xi1>
    %slice3A_2262 = vector.extract_strided_slice %get3A_1 {offsets = [0, 153], sizes = [16, 1], strides = [1, 1]} : vector<16x256xi32> to vector<16x1xi32>
    %eq3A_2263 = vector.broadcast %slice3A_2262 : vector<16x1xi32> to vector<16x2048xi32>
    %eq3A_2264 = arith.cmpi eq, %concatenate3A_1647, %eq3A_2263 : vector<16x2048xi32>
    %or3A_2265 = arith.ori %or3A_2261, %eq3A_2264 : vector<16x2048xi1>
    %slice3A_2266 = vector.extract_strided_slice %get3A_1 {offsets = [0, 154], sizes = [16, 1], strides = [1, 1]} : vector<16x256xi32> to vector<16x1xi32>
    %eq3A_2267 = vector.broadcast %slice3A_2266 : vector<16x1xi32> to vector<16x2048xi32>
    %eq3A_2268 = arith.cmpi eq, %concatenate3A_1647, %eq3A_2267 : vector<16x2048xi32>
    %or3A_2269 = arith.ori %or3A_2265, %eq3A_2268 : vector<16x2048xi1>
    %slice3A_2270 = vector.extract_strided_slice %get3A_1 {offsets = [0, 155], sizes = [16, 1], strides = [1, 1]} : vector<16x256xi32> to vector<16x1xi32>
    %eq3A_2271 = vector.broadcast %slice3A_2270 : vector<16x1xi32> to vector<16x2048xi32>
    %eq3A_2272 = arith.cmpi eq, %concatenate3A_1647, %eq3A_2271 : vector<16x2048xi32>
    %or3A_2273 = arith.ori %or3A_2269, %eq3A_2272 : vector<16x2048xi1>
    %slice3A_2274 = vector.extract_strided_slice %get3A_1 {offsets = [0, 156], sizes = [16, 1], strides = [1, 1]} : vector<16x256xi32> to vector<16x1xi32>
    %eq3A_2275 = vector.broadcast %slice3A_2274 : vector<16x1xi32> to vector<16x2048xi32>
    %eq3A_2276 = arith.cmpi eq, %concatenate3A_1647, %eq3A_2275 : vector<16x2048xi32>
    %or3A_2277 = arith.ori %or3A_2273, %eq3A_2276 : vector<16x2048xi1>
    %slice3A_2278 = vector.extract_strided_slice %get3A_1 {offsets = [0, 157], sizes = [16, 1], strides = [1, 1]} : vector<16x256xi32> to vector<16x1xi32>
    %eq3A_2279 = vector.broadcast %slice3A_2278 : vector<16x1xi32> to vector<16x2048xi32>
    %eq3A_2280 = arith.cmpi eq, %concatenate3A_1647, %eq3A_2279 : vector<16x2048xi32>
    %or3A_2281 = arith.ori %or3A_2277, %eq3A_2280 : vector<16x2048xi1>
    %slice3A_2282 = vector.extract_strided_slice %get3A_1 {offsets = [0, 158], sizes = [16, 1], strides = [1, 1]} : vector<16x256xi32> to vector<16x1xi32>
    %eq3A_2283 = vector.broadcast %slice3A_2282 : vector<16x1xi32> to vector<16x2048xi32>
    %eq3A_2284 = arith.cmpi eq, %concatenate3A_1647, %eq3A_2283 : vector<16x2048xi32>
    %or3A_2285 = arith.ori %or3A_2281, %eq3A_2284 : vector<16x2048xi1>
    %slice3A_2286 = vector.extract_strided_slice %get3A_1 {offsets = [0, 159], sizes = [16, 1], strides = [1, 1]} : vector<16x256xi32> to vector<16x1xi32>
    %eq3A_2287 = vector.broadcast %slice3A_2286 : vector<16x1xi32> to vector<16x2048xi32>
    %eq3A_2288 = arith.cmpi eq, %concatenate3A_1647, %eq3A_2287 : vector<16x2048xi32>
    %or3A_2289 = arith.ori %or3A_2285, %eq3A_2288 : vector<16x2048xi1>
    %slice3A_2290 = vector.extract_strided_slice %get3A_1 {offsets = [0, 160], sizes = [16, 1], strides = [1, 1]} : vector<16x256xi32> to vector<16x1xi32>
    %eq3A_2291 = vector.broadcast %slice3A_2290 : vector<16x1xi32> to vector<16x2048xi32>
    %eq3A_2292 = arith.cmpi eq, %concatenate3A_1647, %eq3A_2291 : vector<16x2048xi32>
    %or3A_2293 = arith.ori %or3A_2289, %eq3A_2292 : vector<16x2048xi1>
    %slice3A_2294 = vector.extract_strided_slice %get3A_1 {offsets = [0, 161], sizes = [16, 1], strides = [1, 1]} : vector<16x256xi32> to vector<16x1xi32>
    %eq3A_2295 = vector.broadcast %slice3A_2294 : vector<16x1xi32> to vector<16x2048xi32>
    %eq3A_2296 = arith.cmpi eq, %concatenate3A_1647, %eq3A_2295 : vector<16x2048xi32>
    %or3A_2297 = arith.ori %or3A_2293, %eq3A_2296 : vector<16x2048xi1>
    %slice3A_2298 = vector.extract_strided_slice %get3A_1 {offsets = [0, 162], sizes = [16, 1], strides = [1, 1]} : vector<16x256xi32> to vector<16x1xi32>
    %eq3A_2299 = vector.broadcast %slice3A_2298 : vector<16x1xi32> to vector<16x2048xi32>
    %eq3A_2300 = arith.cmpi eq, %concatenate3A_1647, %eq3A_2299 : vector<16x2048xi32>
    %or3A_2301 = arith.ori %or3A_2297, %eq3A_2300 : vector<16x2048xi1>
    %slice3A_2302 = vector.extract_strided_slice %get3A_1 {offsets = [0, 163], sizes = [16, 1], strides = [1, 1]} : vector<16x256xi32> to vector<16x1xi32>
    %eq3A_2303 = vector.broadcast %slice3A_2302 : vector<16x1xi32> to vector<16x2048xi32>
    %eq3A_2304 = arith.cmpi eq, %concatenate3A_1647, %eq3A_2303 : vector<16x2048xi32>
    %or3A_2305 = arith.ori %or3A_2301, %eq3A_2304 : vector<16x2048xi1>
    %slice3A_2306 = vector.extract_strided_slice %get3A_1 {offsets = [0, 164], sizes = [16, 1], strides = [1, 1]} : vector<16x256xi32> to vector<16x1xi32>
    %eq3A_2307 = vector.broadcast %slice3A_2306 : vector<16x1xi32> to vector<16x2048xi32>
    %eq3A_2308 = arith.cmpi eq, %concatenate3A_1647, %eq3A_2307 : vector<16x2048xi32>
    %or3A_2309 = arith.ori %or3A_2305, %eq3A_2308 : vector<16x2048xi1>
    %slice3A_2310 = vector.extract_strided_slice %get3A_1 {offsets = [0, 165], sizes = [16, 1], strides = [1, 1]} : vector<16x256xi32> to vector<16x1xi32>
    %eq3A_2311 = vector.broadcast %slice3A_2310 : vector<16x1xi32> to vector<16x2048xi32>
    %eq3A_2312 = arith.cmpi eq, %concatenate3A_1647, %eq3A_2311 : vector<16x2048xi32>
    %or3A_2313 = arith.ori %or3A_2309, %eq3A_2312 : vector<16x2048xi1>
    %slice3A_2314 = vector.extract_strided_slice %get3A_1 {offsets = [0, 166], sizes = [16, 1], strides = [1, 1]} : vector<16x256xi32> to vector<16x1xi32>
    %eq3A_2315 = vector.broadcast %slice3A_2314 : vector<16x1xi32> to vector<16x2048xi32>
    %eq3A_2316 = arith.cmpi eq, %concatenate3A_1647, %eq3A_2315 : vector<16x2048xi32>
    %or3A_2317 = arith.ori %or3A_2313, %eq3A_2316 : vector<16x2048xi1>
    %slice3A_2318 = vector.extract_strided_slice %get3A_1 {offsets = [0, 167], sizes = [16, 1], strides = [1, 1]} : vector<16x256xi32> to vector<16x1xi32>
    %eq3A_2319 = vector.broadcast %slice3A_2318 : vector<16x1xi32> to vector<16x2048xi32>
    %eq3A_2320 = arith.cmpi eq, %concatenate3A_1647, %eq3A_2319 : vector<16x2048xi32>
    %or3A_2321 = arith.ori %or3A_2317, %eq3A_2320 : vector<16x2048xi1>
    %slice3A_2322 = vector.extract_strided_slice %get3A_1 {offsets = [0, 168], sizes = [16, 1], strides = [1, 1]} : vector<16x256xi32> to vector<16x1xi32>
    %eq3A_2323 = vector.broadcast %slice3A_2322 : vector<16x1xi32> to vector<16x2048xi32>
    %eq3A_2324 = arith.cmpi eq, %concatenate3A_1647, %eq3A_2323 : vector<16x2048xi32>
    %or3A_2325 = arith.ori %or3A_2321, %eq3A_2324 : vector<16x2048xi1>
    %slice3A_2326 = vector.extract_strided_slice %get3A_1 {offsets = [0, 169], sizes = [16, 1], strides = [1, 1]} : vector<16x256xi32> to vector<16x1xi32>
    %eq3A_2327 = vector.broadcast %slice3A_2326 : vector<16x1xi32> to vector<16x2048xi32>
    %eq3A_2328 = arith.cmpi eq, %concatenate3A_1647, %eq3A_2327 : vector<16x2048xi32>
    %or3A_2329 = arith.ori %or3A_2325, %eq3A_2328 : vector<16x2048xi1>
    %slice3A_2330 = vector.extract_strided_slice %get3A_1 {offsets = [0, 170], sizes = [16, 1], strides = [1, 1]} : vector<16x256xi32> to vector<16x1xi32>
    %eq3A_2331 = vector.broadcast %slice3A_2330 : vector<16x1xi32> to vector<16x2048xi32>
    %eq3A_2332 = arith.cmpi eq, %concatenate3A_1647, %eq3A_2331 : vector<16x2048xi32>
    %or3A_2333 = arith.ori %or3A_2329, %eq3A_2332 : vector<16x2048xi1>
    %slice3A_2334 = vector.extract_strided_slice %get3A_1 {offsets = [0, 171], sizes = [16, 1], strides = [1, 1]} : vector<16x256xi32> to vector<16x1xi32>
    %eq3A_2335 = vector.broadcast %slice3A_2334 : vector<16x1xi32> to vector<16x2048xi32>
    %eq3A_2336 = arith.cmpi eq, %concatenate3A_1647, %eq3A_2335 : vector<16x2048xi32>
    %or3A_2337 = arith.ori %or3A_2333, %eq3A_2336 : vector<16x2048xi1>
    %slice3A_2338 = vector.extract_strided_slice %get3A_1 {offsets = [0, 172], sizes = [16, 1], strides = [1, 1]} : vector<16x256xi32> to vector<16x1xi32>
    %eq3A_2339 = vector.broadcast %slice3A_2338 : vector<16x1xi32> to vector<16x2048xi32>
    %eq3A_2340 = arith.cmpi eq, %concatenate3A_1647, %eq3A_2339 : vector<16x2048xi32>
    %or3A_2341 = arith.ori %or3A_2337, %eq3A_2340 : vector<16x2048xi1>
    %slice3A_2342 = vector.extract_strided_slice %get3A_1 {offsets = [0, 173], sizes = [16, 1], strides = [1, 1]} : vector<16x256xi32> to vector<16x1xi32>
    %eq3A_2343 = vector.broadcast %slice3A_2342 : vector<16x1xi32> to vector<16x2048xi32>
    %eq3A_2344 = arith.cmpi eq, %concatenate3A_1647, %eq3A_2343 : vector<16x2048xi32>
    %or3A_2345 = arith.ori %or3A_2341, %eq3A_2344 : vector<16x2048xi1>
    %slice3A_2346 = vector.extract_strided_slice %get3A_1 {offsets = [0, 174], sizes = [16, 1], strides = [1, 1]} : vector<16x256xi32> to vector<16x1xi32>
    %eq3A_2347 = vector.broadcast %slice3A_2346 : vector<16x1xi32> to vector<16x2048xi32>
    %eq3A_2348 = arith.cmpi eq, %concatenate3A_1647, %eq3A_2347 : vector<16x2048xi32>
    %or3A_2349 = arith.ori %or3A_2345, %eq3A_2348 : vector<16x2048xi1>
    %slice3A_2350 = vector.extract_strided_slice %get3A_1 {offsets = [0, 175], sizes = [16, 1], strides = [1, 1]} : vector<16x256xi32> to vector<16x1xi32>
    %eq3A_2351 = vector.broadcast %slice3A_2350 : vector<16x1xi32> to vector<16x2048xi32>
    %eq3A_2352 = arith.cmpi eq, %concatenate3A_1647, %eq3A_2351 : vector<16x2048xi32>
    %or3A_2353 = arith.ori %or3A_2349, %eq3A_2352 : vector<16x2048xi1>
    %slice3A_2354 = vector.extract_strided_slice %get3A_1 {offsets = [0, 176], sizes = [16, 1], strides = [1, 1]} : vector<16x256xi32> to vector<16x1xi32>
    %eq3A_2355 = vector.broadcast %slice3A_2354 : vector<16x1xi32> to vector<16x2048xi32>
    %eq3A_2356 = arith.cmpi eq, %concatenate3A_1647, %eq3A_2355 : vector<16x2048xi32>
    %or3A_2357 = arith.ori %or3A_2353, %eq3A_2356 : vector<16x2048xi1>
    %slice3A_2358 = vector.extract_strided_slice %get3A_1 {offsets = [0, 177], sizes = [16, 1], strides = [1, 1]} : vector<16x256xi32> to vector<16x1xi32>
    %eq3A_2359 = vector.broadcast %slice3A_2358 : vector<16x1xi32> to vector<16x2048xi32>
    %eq3A_2360 = arith.cmpi eq, %concatenate3A_1647, %eq3A_2359 : vector<16x2048xi32>
    %or3A_2361 = arith.ori %or3A_2357, %eq3A_2360 : vector<16x2048xi1>
    %slice3A_2362 = vector.extract_strided_slice %get3A_1 {offsets = [0, 178], sizes = [16, 1], strides = [1, 1]} : vector<16x256xi32> to vector<16x1xi32>
    %eq3A_2363 = vector.broadcast %slice3A_2362 : vector<16x1xi32> to vector<16x2048xi32>
    %eq3A_2364 = arith.cmpi eq, %concatenate3A_1647, %eq3A_2363 : vector<16x2048xi32>
    %or3A_2365 = arith.ori %or3A_2361, %eq3A_2364 : vector<16x2048xi1>
    %slice3A_2366 = vector.extract_strided_slice %get3A_1 {offsets = [0, 179], sizes = [16, 1], strides = [1, 1]} : vector<16x256xi32> to vector<16x1xi32>
    %eq3A_2367 = vector.broadcast %slice3A_2366 : vector<16x1xi32> to vector<16x2048xi32>
    %eq3A_2368 = arith.cmpi eq, %concatenate3A_1647, %eq3A_2367 : vector<16x2048xi32>
    %or3A_2369 = arith.ori %or3A_2365, %eq3A_2368 : vector<16x2048xi1>
    %slice3A_2370 = vector.extract_strided_slice %get3A_1 {offsets = [0, 180], sizes = [16, 1], strides = [1, 1]} : vector<16x256xi32> to vector<16x1xi32>
    %eq3A_2371 = vector.broadcast %slice3A_2370 : vector<16x1xi32> to vector<16x2048xi32>
    %eq3A_2372 = arith.cmpi eq, %concatenate3A_1647, %eq3A_2371 : vector<16x2048xi32>
    %or3A_2373 = arith.ori %or3A_2369, %eq3A_2372 : vector<16x2048xi1>
    %slice3A_2374 = vector.extract_strided_slice %get3A_1 {offsets = [0, 181], sizes = [16, 1], strides = [1, 1]} : vector<16x256xi32> to vector<16x1xi32>
    %eq3A_2375 = vector.broadcast %slice3A_2374 : vector<16x1xi32> to vector<16x2048xi32>
    %eq3A_2376 = arith.cmpi eq, %concatenate3A_1647, %eq3A_2375 : vector<16x2048xi32>
    %or3A_2377 = arith.ori %or3A_2373, %eq3A_2376 : vector<16x2048xi1>
    %slice3A_2378 = vector.extract_strided_slice %get3A_1 {offsets = [0, 182], sizes = [16, 1], strides = [1, 1]} : vector<16x256xi32> to vector<16x1xi32>
    %eq3A_2379 = vector.broadcast %slice3A_2378 : vector<16x1xi32> to vector<16x2048xi32>
    %eq3A_2380 = arith.cmpi eq, %concatenate3A_1647, %eq3A_2379 : vector<16x2048xi32>
    %or3A_2381 = arith.ori %or3A_2377, %eq3A_2380 : vector<16x2048xi1>
    %slice3A_2382 = vector.extract_strided_slice %get3A_1 {offsets = [0, 183], sizes = [16, 1], strides = [1, 1]} : vector<16x256xi32> to vector<16x1xi32>
    %eq3A_2383 = vector.broadcast %slice3A_2382 : vector<16x1xi32> to vector<16x2048xi32>
    %eq3A_2384 = arith.cmpi eq, %concatenate3A_1647, %eq3A_2383 : vector<16x2048xi32>
    %or3A_2385 = arith.ori %or3A_2381, %eq3A_2384 : vector<16x2048xi1>
    %slice3A_2386 = vector.extract_strided_slice %get3A_1 {offsets = [0, 184], sizes = [16, 1], strides = [1, 1]} : vector<16x256xi32> to vector<16x1xi32>
    %eq3A_2387 = vector.broadcast %slice3A_2386 : vector<16x1xi32> to vector<16x2048xi32>
    %eq3A_2388 = arith.cmpi eq, %concatenate3A_1647, %eq3A_2387 : vector<16x2048xi32>
    %or3A_2389 = arith.ori %or3A_2385, %eq3A_2388 : vector<16x2048xi1>
    %slice3A_2390 = vector.extract_strided_slice %get3A_1 {offsets = [0, 185], sizes = [16, 1], strides = [1, 1]} : vector<16x256xi32> to vector<16x1xi32>
    %eq3A_2391 = vector.broadcast %slice3A_2390 : vector<16x1xi32> to vector<16x2048xi32>
    %eq3A_2392 = arith.cmpi eq, %concatenate3A_1647, %eq3A_2391 : vector<16x2048xi32>
    %or3A_2393 = arith.ori %or3A_2389, %eq3A_2392 : vector<16x2048xi1>
    %slice3A_2394 = vector.extract_strided_slice %get3A_1 {offsets = [0, 186], sizes = [16, 1], strides = [1, 1]} : vector<16x256xi32> to vector<16x1xi32>
    %eq3A_2395 = vector.broadcast %slice3A_2394 : vector<16x1xi32> to vector<16x2048xi32>
    %eq3A_2396 = arith.cmpi eq, %concatenate3A_1647, %eq3A_2395 : vector<16x2048xi32>
    %or3A_2397 = arith.ori %or3A_2393, %eq3A_2396 : vector<16x2048xi1>
    %slice3A_2398 = vector.extract_strided_slice %get3A_1 {offsets = [0, 187], sizes = [16, 1], strides = [1, 1]} : vector<16x256xi32> to vector<16x1xi32>
    %eq3A_2399 = vector.broadcast %slice3A_2398 : vector<16x1xi32> to vector<16x2048xi32>
    %eq3A_2400 = arith.cmpi eq, %concatenate3A_1647, %eq3A_2399 : vector<16x2048xi32>
    %or3A_2401 = arith.ori %or3A_2397, %eq3A_2400 : vector<16x2048xi1>
    %slice3A_2402 = vector.extract_strided_slice %get3A_1 {offsets = [0, 188], sizes = [16, 1], strides = [1, 1]} : vector<16x256xi32> to vector<16x1xi32>
    %eq3A_2403 = vector.broadcast %slice3A_2402 : vector<16x1xi32> to vector<16x2048xi32>
    %eq3A_2404 = arith.cmpi eq, %concatenate3A_1647, %eq3A_2403 : vector<16x2048xi32>
    %or3A_2405 = arith.ori %or3A_2401, %eq3A_2404 : vector<16x2048xi1>
    %slice3A_2406 = vector.extract_strided_slice %get3A_1 {offsets = [0, 189], sizes = [16, 1], strides = [1, 1]} : vector<16x256xi32> to vector<16x1xi32>
    %eq3A_2407 = vector.broadcast %slice3A_2406 : vector<16x1xi32> to vector<16x2048xi32>
    %eq3A_2408 = arith.cmpi eq, %concatenate3A_1647, %eq3A_2407 : vector<16x2048xi32>
    %or3A_2409 = arith.ori %or3A_2405, %eq3A_2408 : vector<16x2048xi1>
    %slice3A_2410 = vector.extract_strided_slice %get3A_1 {offsets = [0, 190], sizes = [16, 1], strides = [1, 1]} : vector<16x256xi32> to vector<16x1xi32>
    %eq3A_2411 = vector.broadcast %slice3A_2410 : vector<16x1xi32> to vector<16x2048xi32>
    %eq3A_2412 = arith.cmpi eq, %concatenate3A_1647, %eq3A_2411 : vector<16x2048xi32>
    %or3A_2413 = arith.ori %or3A_2409, %eq3A_2412 : vector<16x2048xi1>
    %slice3A_2414 = vector.extract_strided_slice %get3A_1 {offsets = [0, 191], sizes = [16, 1], strides = [1, 1]} : vector<16x256xi32> to vector<16x1xi32>
    %eq3A_2415 = vector.broadcast %slice3A_2414 : vector<16x1xi32> to vector<16x2048xi32>
    %eq3A_2416 = arith.cmpi eq, %concatenate3A_1647, %eq3A_2415 : vector<16x2048xi32>
    %or3A_2417 = arith.ori %or3A_2413, %eq3A_2416 : vector<16x2048xi1>
    %slice3A_2418 = vector.extract_strided_slice %get3A_1 {offsets = [0, 192], sizes = [16, 1], strides = [1, 1]} : vector<16x256xi32> to vector<16x1xi32>
    %eq3A_2419 = vector.broadcast %slice3A_2418 : vector<16x1xi32> to vector<16x2048xi32>
    %eq3A_2420 = arith.cmpi eq, %concatenate3A_1647, %eq3A_2419 : vector<16x2048xi32>
    %or3A_2421 = arith.ori %or3A_2417, %eq3A_2420 : vector<16x2048xi1>
    %slice3A_2422 = vector.extract_strided_slice %get3A_1 {offsets = [0, 193], sizes = [16, 1], strides = [1, 1]} : vector<16x256xi32> to vector<16x1xi32>
    %eq3A_2423 = vector.broadcast %slice3A_2422 : vector<16x1xi32> to vector<16x2048xi32>
    %eq3A_2424 = arith.cmpi eq, %concatenate3A_1647, %eq3A_2423 : vector<16x2048xi32>
    %or3A_2425 = arith.ori %or3A_2421, %eq3A_2424 : vector<16x2048xi1>
    %slice3A_2426 = vector.extract_strided_slice %get3A_1 {offsets = [0, 194], sizes = [16, 1], strides = [1, 1]} : vector<16x256xi32> to vector<16x1xi32>
    %eq3A_2427 = vector.broadcast %slice3A_2426 : vector<16x1xi32> to vector<16x2048xi32>
    %eq3A_2428 = arith.cmpi eq, %concatenate3A_1647, %eq3A_2427 : vector<16x2048xi32>
    %or3A_2429 = arith.ori %or3A_2425, %eq3A_2428 : vector<16x2048xi1>
    %slice3A_2430 = vector.extract_strided_slice %get3A_1 {offsets = [0, 195], sizes = [16, 1], strides = [1, 1]} : vector<16x256xi32> to vector<16x1xi32>
    %eq3A_2431 = vector.broadcast %slice3A_2430 : vector<16x1xi32> to vector<16x2048xi32>
    %eq3A_2432 = arith.cmpi eq, %concatenate3A_1647, %eq3A_2431 : vector<16x2048xi32>
    %or3A_2433 = arith.ori %or3A_2429, %eq3A_2432 : vector<16x2048xi1>
    %slice3A_2434 = vector.extract_strided_slice %get3A_1 {offsets = [0, 196], sizes = [16, 1], strides = [1, 1]} : vector<16x256xi32> to vector<16x1xi32>
    %eq3A_2435 = vector.broadcast %slice3A_2434 : vector<16x1xi32> to vector<16x2048xi32>
    %eq3A_2436 = arith.cmpi eq, %concatenate3A_1647, %eq3A_2435 : vector<16x2048xi32>
    %or3A_2437 = arith.ori %or3A_2433, %eq3A_2436 : vector<16x2048xi1>
    %slice3A_2438 = vector.extract_strided_slice %get3A_1 {offsets = [0, 197], sizes = [16, 1], strides = [1, 1]} : vector<16x256xi32> to vector<16x1xi32>
    %eq3A_2439 = vector.broadcast %slice3A_2438 : vector<16x1xi32> to vector<16x2048xi32>
    %eq3A_2440 = arith.cmpi eq, %concatenate3A_1647, %eq3A_2439 : vector<16x2048xi32>
    %or3A_2441 = arith.ori %or3A_2437, %eq3A_2440 : vector<16x2048xi1>
    %slice3A_2442 = vector.extract_strided_slice %get3A_1 {offsets = [0, 198], sizes = [16, 1], strides = [1, 1]} : vector<16x256xi32> to vector<16x1xi32>
    %eq3A_2443 = vector.broadcast %slice3A_2442 : vector<16x1xi32> to vector<16x2048xi32>
    %eq3A_2444 = arith.cmpi eq, %concatenate3A_1647, %eq3A_2443 : vector<16x2048xi32>
    %or3A_2445 = arith.ori %or3A_2441, %eq3A_2444 : vector<16x2048xi1>
    %slice3A_2446 = vector.extract_strided_slice %get3A_1 {offsets = [0, 199], sizes = [16, 1], strides = [1, 1]} : vector<16x256xi32> to vector<16x1xi32>
    %eq3A_2447 = vector.broadcast %slice3A_2446 : vector<16x1xi32> to vector<16x2048xi32>
    %eq3A_2448 = arith.cmpi eq, %concatenate3A_1647, %eq3A_2447 : vector<16x2048xi32>
    %or3A_2449 = arith.ori %or3A_2445, %eq3A_2448 : vector<16x2048xi1>
    %jit3A_2450 = arith.constant -1.000000e+30 : f32
    %broadcast_in_dim3A_2451 = vector.broadcast %jit3A_2450 : f32 to vector<16x2048xf32>
    %select_n3A_2452 = arith.select %or3A_2449, %broadcast_in_dim3A_2451, %concatenate3A : vector<16x2048xi1>, vector<16x2048xf32>
    %concatenate3A_2453 = tpu.concatenate %select_n3A_2452, %select_n3A_1631 in 1 : vector<16x2048xf32>, vector<16x256xf32> -> vector<16x2304xf32>
    %concatenate3A_2454 = tpu.concatenate %concatenate3A_1647, %select_n3A_1634 in 1 : vector<16x2048xi32>, vector<16x256xi32> -> vector<16x2304xi32>
    %iota3A_2455 = tpu.iota {dimensions = array<i32: 1>} : vector<16x64xi32>
    %broadcast_in_dim3A_2456 = arith.constant -1.000000e+30 : f32
    %broadcast_in_dim3A_2457 = vector.broadcast %broadcast_in_dim3A_2456 : f32 to vector<16x64xf32>
    %broadcast_in_dim3A_2458 = arith.constant 0 : i32
    %broadcast_in_dim3A_2459 = vector.broadcast %broadcast_in_dim3A_2458 : i32 to vector<16x64xi32>
    %scan3A = arith.constant 0 : i32
    %scan3A_2460 = arith.constant 50 : i32
    %scan3A_2461 = arith.addi %scan3A, %scan3A_2460 : i32
    %scan3A_2462 = arith.constant 1 : i32
    %scan3A_2463:3 = scf.for %scan3A_2528 = %scan3A to %scan3A_2461 step %scan3A_2462 iter_args(%scan3A_2529 = %broadcast_in_dim3A_2457, %scan3A_2530 = %broadcast_in_dim3A_2459, %scan3A_2531 = %concatenate3A_2453) -> (vector<16x64xf32>, vector<16x64xi32>, vector<16x2304xf32>)  : i32 {
      %reduce_max3A_2532 = arith.constant dense<0xFF800000> : vector<16xf32>
      %reduce_max3A_2533 = vector.multi_reduction <maximumf>, %scan3A_2531, %reduce_max3A_2532 [1] : vector<16x2304xf32> to vector<16xf32>
      %broadcast_in_dim3A_2534 = vector.shape_cast %reduce_max3A_2533 : vector<16xf32> to vector<16x1xf32>
      %eq3A_2535 = vector.broadcast %broadcast_in_dim3A_2534 : vector<16x1xf32> to vector<16x2304xf32>
      %eq3A_2536 = arith.cmpf oeq, %scan3A_2531, %eq3A_2535 : vector<16x2304xf32>
      %jit3A_2537 = arith.constant 2147483647 : i32
      %broadcast_in_dim3A_2538 = vector.broadcast %jit3A_2537 : i32 to vector<16x2304xi32>
      %select_n3A_2539 = arith.select %eq3A_2536, %concatenate3A_2454, %broadcast_in_dim3A_2538 : vector<16x2304xi1>, vector<16x2304xi32>
      %reduce_min3A = arith.constant dense<2147483647> : vector<16xi32>
      %reduce_min3A_2540 = vector.multi_reduction <minsi>, %select_n3A_2539, %reduce_min3A [1] : vector<16x2304xi32> to vector<16xi32>
      %broadcast_in_dim3A_2541 = vector.shape_cast %reduce_min3A_2540 : vector<16xi32> to vector<16x1xi32>
      %eq3A_2542 = vector.broadcast %broadcast_in_dim3A_2541 : vector<16x1xi32> to vector<16x2304xi32>
      %eq3A_2543 = arith.cmpi eq, %concatenate3A_2454, %eq3A_2542 : vector<16x2304xi32>
      %and3A_2544 = arith.andi %eq3A_2536, %eq3A_2543 : vector<16x2304xi1>
      %jit3A_2545 = arith.constant -3.000000e+30 : f32
      %broadcast_in_dim3A_2546 = vector.broadcast %jit3A_2545 : f32 to vector<16x2304xf32>
      %select_n3A_2547 = arith.select %and3A_2544, %broadcast_in_dim3A_2546, %scan3A_2531 : vector<16x2304xi1>, vector<16x2304xf32>
      %eq3A_2548 = vector.broadcast %scan3A_2528 : i32 to vector<16x64xi32>
      %eq3A_2549 = arith.cmpi eq, %iota3A_2455, %eq3A_2548 : vector<16x64xi32>
      %broadcast_in_dim3A_2550 = vector.shape_cast %broadcast_in_dim3A_2534 : vector<16x1xf32> to vector<16x1xf32>
      %broadcast_in_dim3A_2551 = vector.broadcast %broadcast_in_dim3A_2550 : vector<16x1xf32> to vector<16x64xf32>
      %select_n3A_2552 = arith.select %eq3A_2549, %broadcast_in_dim3A_2551, %scan3A_2529 : vector<16x64xi1>, vector<16x64xf32>
      %eq3A_2553 = vector.broadcast %scan3A_2528 : i32 to vector<16x64xi32>
      %eq3A_2554 = arith.cmpi eq, %iota3A_2455, %eq3A_2553 : vector<16x64xi32>
      %broadcast_in_dim3A_2555 = vector.shape_cast %broadcast_in_dim3A_2541 : vector<16x1xi32> to vector<16x1xi32>
      %broadcast_in_dim3A_2556 = vector.broadcast %broadcast_in_dim3A_2555 : vector<16x1xi32> to vector<16x64xi32>
      %select_n3A_2557 = arith.select %eq3A_2554, %broadcast_in_dim3A_2556, %scan3A_2530 : vector<16x64xi1>, vector<16x64xi32>
      scf.yield %select_n3A_2552, %select_n3A_2557, %select_n3A_2547 : vector<16x64xf32>, vector<16x64xi32>, vector<16x2304xf32>
    }
    %scan3A_2464 = arith.constant 50 : i32
    %lt3A_2465 = arith.constant 50 : i32
    %lt3A_2466 = vector.broadcast %lt3A_2465 : i32 to vector<16x64xi32>
    %lt3A_2467 = arith.cmpi slt, %iota3A_2455, %lt3A_2466 : vector<16x64xi32>
    %get3A_2468 = arith.constant 0 : index
    %get3A_2469 = arith.constant 0 : index
    %get3A_2470 = vector.load %arg8[%get3A_2468, %get3A_2469] : memref<1x1xf32, #tpu.memory_space<vmem>>, vector<1x1xf32>
    %get3A_2471 = vector.extract %get3A_2470[0, 0] : f32 from vector<1x1xf32>
    %div3A_2472 = vector.broadcast %get3A_2471 : f32 to vector<16x64xf32>
    %div3A_2473 = arith.divf %scan3A_2463#0, %div3A_2472 : vector<16x64xf32>
    %jit3A_2474 = arith.constant -1.000000e+30 : f32
    %broadcast_in_dim3A_2475 = vector.broadcast %jit3A_2474 : f32 to vector<16x64xf32>
    %select_n3A_2476 = arith.select %lt3A_2467, %div3A_2473, %broadcast_in_dim3A_2475 : vector<16x64xi1>, vector<16x64xf32>
    %reduce_max3A = arith.constant dense<0xFF800000> : vector<16xf32>
    %reduce_max3A_2477 = vector.multi_reduction <maximumf>, %select_n3A_2476, %reduce_max3A [1] : vector<16x64xf32> to vector<16xf32>
    %broadcast_in_dim3A_2478 = vector.shape_cast %reduce_max3A_2477 : vector<16xf32> to vector<16x1xf32>
    %sub3A = vector.broadcast %broadcast_in_dim3A_2478 : vector<16x1xf32> to vector<16x64xf32>
    %sub3A_2479 = arith.subf %div3A_2473, %sub3A : vector<16x64xf32>
    %exp3A = math.exp %sub3A_2479 : vector<16x64xf32>
    %jit3A_2480 = arith.constant 0.000000e+00 : f32
    %broadcast_in_dim3A_2481 = vector.broadcast %jit3A_2480 : f32 to vector<16x64xf32>
    %select_n3A_2482 = arith.select %lt3A_2467, %exp3A, %broadcast_in_dim3A_2481 : vector<16x64xi1>, vector<16x64xf32>
    %reduce_sum3A = arith.constant dense<0.000000e+00> : vector<16xf32>
    %reduce_sum3A_2483 = vector.multi_reduction <add>, %select_n3A_2482, %reduce_sum3A [1] : vector<16x64xf32> to vector<16xf32>
    %broadcast_in_dim3A_2484 = vector.shape_cast %reduce_sum3A_2483 : vector<16xf32> to vector<16x1xf32>
    %div3A_2485 = vector.broadcast %broadcast_in_dim3A_2484 : vector<16x1xf32> to vector<16x64xf32>
    %div3A_2486 = arith.divf %select_n3A_2482, %div3A_2485 : vector<16x64xf32>
    %iota3A_2487 = tpu.iota {dimensions = array<i32: 0>} : vector<64x64xi32>
    %iota3A_2488 = tpu.iota {dimensions = array<i32: 1>} : vector<64x64xi32>
    %le3A = arith.cmpi sle, %iota3A_2487, %iota3A_2488 : vector<64x64xi32>
    %convert_element_type3A = arith.extui %le3A : vector<64x64xi1> to vector<64x64xi32>
    %convert_element_type3A_2489 = arith.sitofp %convert_element_type3A : vector<64x64xi32> to vector<64x64xf32>
    %dot_general3A = arith.constant dense<0.000000e+00> : vector<16x64xf32>
    %dot_general3A_2490 = tpu.matmul %div3A_2486, %convert_element_type3A_2489, %dot_general3A {dimension_numbers = #tpu.dot_dimension_numbers<[1], [0], [0], [1], [0, 0, 1, 1], [], []>, precision = #tpu.contract_precision<fp32>, transpose_lhs_hint = false} : vector<16x64xf32>, vector<64x64xf32>, vector<16x64xf32> -> vector<16x64xf32>
    %get3A_2491 = arith.constant 0 : index
    %get3A_2492 = arith.constant 0 : index
    %get3A_2493 = vector.load %arg7[%get3A_2491, %get3A_2492] : memref<1x1xf32, #tpu.memory_space<vmem>>, vector<1x1xf32>
    %get3A_2494 = vector.extract %get3A_2493[0, 0] : f32 from vector<1x1xf32>
    %lt3A_2495 = vector.broadcast %get3A_2494 : f32 to vector<16x64xf32>
    %lt3A_2496 = arith.cmpf olt, %dot_general3A_2490, %lt3A_2495 : vector<16x64xf32>
    %lt3A_2497 = arith.constant 5 : i32
    %lt3A_2498 = vector.broadcast %lt3A_2497 : i32 to vector<16x64xi32>
    %lt3A_2499 = arith.cmpi slt, %iota3A_2455, %lt3A_2498 : vector<16x64xi32>
    %or3A_2500 = arith.ori %lt3A_2496, %lt3A_2499 : vector<16x64xi1>
    %jit3A_2501 = arith.constant -1.000000e+03 : f32
    %broadcast_in_dim3A_2502 = vector.broadcast %jit3A_2501 : f32 to vector<16x64xf32>
    %select_n3A_2503 = arith.select %or3A_2500, %div3A_2473, %broadcast_in_dim3A_2502 : vector<16x64xi1>, vector<16x64xf32>
    %jit3A_2504 = arith.constant -1.000000e+30 : f32
    %broadcast_in_dim3A_2505 = vector.broadcast %jit3A_2504 : f32 to vector<16x64xf32>
    %select_n3A_2506 = arith.select %lt3A_2467, %select_n3A_2503, %broadcast_in_dim3A_2505 : vector<16x64xi1>, vector<16x64xf32>
    %reduce_max3A_2507 = arith.constant dense<0xFF800000> : vector<16xf32>
    %reduce_max3A_2508 = vector.multi_reduction <maximumf>, %select_n3A_2506, %reduce_max3A_2507 [1] : vector<16x64xf32> to vector<16xf32>
    %broadcast_in_dim3A_2509 = vector.shape_cast %reduce_max3A_2508 : vector<16xf32> to vector<16x1xf32>
    %sub3A_2510 = vector.broadcast %broadcast_in_dim3A_2509 : vector<16x1xf32> to vector<16x64xf32>
    %sub3A_2511 = arith.subf %select_n3A_2503, %sub3A_2510 : vector<16x64xf32>
    %exp3A_2512 = math.exp %sub3A_2511 : vector<16x64xf32>
    %jit3A_2513 = arith.constant 0.000000e+00 : f32
    %broadcast_in_dim3A_2514 = vector.broadcast %jit3A_2513 : f32 to vector<16x64xf32>
    %select_n3A_2515 = arith.select %lt3A_2467, %exp3A_2512, %broadcast_in_dim3A_2514 : vector<16x64xi1>, vector<16x64xf32>
    %reduce_sum3A_2516 = arith.constant dense<0.000000e+00> : vector<16xf32>
    %reduce_sum3A_2517 = vector.multi_reduction <add>, %select_n3A_2515, %reduce_sum3A_2516 [1] : vector<16x64xf32> to vector<16xf32>
    %broadcast_in_dim3A_2518 = vector.shape_cast %reduce_sum3A_2517 : vector<16xf32> to vector<16x1xf32>
    %div3A_2519 = vector.broadcast %broadcast_in_dim3A_2518 : vector<16x1xf32> to vector<16x64xf32>
    %div3A_2520 = arith.divf %select_n3A_2515, %div3A_2519 : vector<16x64xf32>
    %slice3A_2521 = vector.extract_strided_slice %div3A_2520 {offsets = [0, 0], sizes = [16, 50], strides = [1, 1]} : vector<16x64xf32> to vector<16x50xf32>
    %swap3A = arith.constant 0 : index
    %swap3A_2522 = arith.constant 0 : index
    %swap3A_2523 = vector.load %arg10[%swap3A, %swap3A_2522] : memref<16x50xf32, #tpu.memory_space<vmem>>, vector<16x50xf32>
    tpu.vector_store %arg10[%swap3A, %swap3A_2522], %slice3A_2521 {strides = array<i32>} : memref<16x50xf32, #tpu.memory_space<vmem>>, vector<16x50xf32>,
    %slice3A_2524 = vector.extract_strided_slice %scan3A_2463#1 {offsets = [0, 0], sizes = [16, 50], strides = [1, 1]} : vector<16x64xi32> to vector<16x50xi32>
    %swap3A_2525 = arith.constant 0 : index
    %swap3A_2526 = arith.constant 0 : index
    %swap3A_2527 = vector.load %arg11[%swap3A_2525, %swap3A_2526] : memref<16x50xi32, #tpu.memory_space<vmem>>, vector<16x50xi32>
    tpu.vector_store %arg11[%swap3A_2525, %swap3A_2526], %slice3A_2524 {strides = array<i32>} : memref<16x50xi32, #tpu.memory_space<vmem>>, vector<16x50xi32>,
    return
  }
}

</mosaic_0001>

<sc_bundles>
// kernel: kernel.10.cloned.1.call-start
scs
__scs_entry_jumppad:
0x0: {  	(pc) =	sbr.rel $0x88, $3  }
0x1: {  	(tag) =	ssettag $0x0;
	lr =	simm.s32 $0x1  }
0x2: {  	[smem:$0x3F99] =	sst lr;
	_ =	strace $0xD0000000  }
0x3: {  	_ = 	snop  }
0x4: {  	_ = 	snop  }
0x5: {  	_ = 	snop  }
0x6: {  	_ = 	snop  }
0x7: {  	_ = 	snop  }
__scs_overlays_trampoline_lowered:
0x8: {  	[smem:$0x3FA8] =	sst s0  }
0x9: {  	[smem:$0x3FA9] =	sst s1  }
0xa: {  	[smem:$0x3FAA] =	sst s2  }
0xb: {  	[smem:$0x3FAB] =	sst s3  }
0xc: {  	[smem:$0x3FAC] =	sst s4  }
0xd: {  	[smem:$0x3FAD] =	sst s5  }
0xe: {  	[smem:$0x3FAE] =	sst s6  }
0xf: {  	[smem:$0x3FAF] =	sst s7  }
0x10: {  	[smem:$0x3FB0] =	sst s8  }
0x11: {  	[smem:$0x3FB1] =	sst s9;
	s0 =	simm.s32 @!p0 $0x0  }
0x12: {  	s1 =	sld [smem:$0x3F97];
	s0 =	simm.s32 @p0 $0x1  }
0x13: {  	[smem:$0x3FB2] =	sst s0;
	s0 =	simm.s32 @!p1 $0x0  }
0x14: {  	s2 =	sld [smem:$0x3F96];
	s0 =	simm.s32 @p1 $0x1  }
0x15: {  	[smem:$0x3FB3] =	sst s0;
	s0 =	simm.s32 @!p2 $0x0  }
0x16: {  	s3 =	sld [smem:$0x3FDB];
	s0 =	simm.s32 @p2 $0x1  }
0x17: {  	s4 =	simm.s32 $0x1BF5;
	[smem:$0x3FB5] =	sst s0  }
0x18: {  	s0 =	sld [smem:$0x3F98];
	_ =	swait.ge [sflag:s4], $0x0  }
0x19: {  	s7 =	sld [smem:$0x3F99]  }
0x1a: {  	s8 =	sadd.s32 $0xFFFFE003, lr  }
0x1b: {  	s9 =	sadd.s32 $0xFFFFFEF7, lr;
	s5 =	simm.s32 $0xFFFFFFFF;
	p2 =	slt.u32 s8, $0xFFFFF086  }
0x1c: {  	p1 =	slt.u32 s9, $0xF7A;
	s5 =	simm.s32 @!p2 $0x0  }
0x1d: {  	s5 =	simm.s32 @p1 $0x1;
	p0 =	seq.s32 s7, s2  }
0x1e: {  	s7 =	smul.u32 @!p0 $0xF7A, s2;
	p2 =	seq.s32 @!p0 s5, $0x0  }
0x1f: {  	s9 =	smul.u32 $0xF7A, s1;
	s8 =	simm.s32 @!p0 $0x1BF5;
	p2 =	por !p2, p0  }
0x20: {  	[sflag:s8] =	ssyncset.s32 @!p0 $0xFFFFF086;
	s6 =	sadd.s32 @!p0 s3, s7;
	s7 =	simm.s32 @!p0 $0x108  }
0x21: {  	s3 =	sadd.s32 s3, s9;
	s6 =	sadd.s32 @!p0 $0x88, s6;
	s7 =	simm.s32 @p2 $0x1082  }
0x22: {  	[simem:s7], [sflag:s8] =	dma.local @!p0 [hbm:s6], $0xF7A  }
0x23: {  	s9 =	sor.u32 $0xD0000000, s2;
	s6 =	simm.s32 $0x108;
	_ =	swait.ge @!p0 [sflag:s8], $0x0  }
0x24: {  	s3 =	sadd.s32 $0x88, s3;
	s6 =	simm.s32 @!p1 $0x1082;
	[sflag:s4] =	ssyncset.s32 $0xFFFFF086  }
0x25: {  	[simem:s6], [sflag:s4] =	dma.local [hbm:s3], $0xF7A  }
0x26: {  	[smem:$0x3F99] =	sst s1;
	(tag) =	ssettag s2;
	_ =	strace s9  }
0x27: {  	s1 =	sld [smem:$0x3FA9]  }
0x28: {  	s2 =	sld [smem:$0x3FAA]  }
0x29: {  	s4 =	sld [smem:$0x3FAC]  }
0x2a: {  	p0 =	seq.s32 s5, $0x0;
	s5 =	sld [smem:$0x3FAD]  }
0x2b: {  	s6 =	sld [smem:$0x3FAE]  }
0x2c: {  	s7 =	sld [smem:$0x3FAF]  }
0x2d: {  	s3 =	simm.s32 $0x108;
	s8 =	sld [smem:$0x3FB0]  }
0x2e: {  	s3 =	simm.s32 @!p0 $0x1082;
	s9 =	sld [smem:$0x3FB1]  }
0x2f: {  	lr =	sadd.s32 s0, s3;
	s0 =	sld [smem:$0x3FA8]  }
0x30: {  	s3 =	sld [smem:$0x3FAB]  }
0x31: {  	[smem:$0x3FB4] =	sst s10  }
0x32: {  	s10 =	sld [smem:$0x3FB2];
	_ =	sdelay $0x3  }
0x33: {  	p0 =	seq.s32 s10, $0x1;
	s10 =	sld [smem:$0x3FB4];
	_ =	sdelay $0x3  }
0x34: {  	[smem:$0x3FB4] =	sst s10  }
0x35: {  	s10 =	sld [smem:$0x3FB3];
	_ =	sdelay $0x3  }
0x36: {  	p1 =	seq.s32 s10, $0x1;
	s10 =	sld [smem:$0x3FB4];
	_ =	sdelay $0x3  }
0x37: {  	[smem:$0x3FB4] =	sst s10  }
0x38: {  	s10 =	sld [smem:$0x3FB5]  }
0x39: {  	_ = 	snop;
	(pc) =	sbr.ind lr, $3  }
0x3a: {  	_ = 	snop  }
0x3b: {  	_ = 	snop  }
0x3c: {  	p2 =	seq.s32 s10, $0x1;
	s10 =	sld [smem:$0x3FB4]  }
0x3d: {  	_ =	shalt  }
0x3e: {  	_ =	shalt  }
0x3f: {  	_ =	shalt  }
0x40: {  	_ =	shalt  }
0x41: {  	_ =	shalt  }
0x42: {  	_ =	shalt  }
0x43: {  	_ =	shalt  }
0x44: {  	_ =	shalt  }
0x45: {  	_ =	shalt  }
0x46: {  	_ =	shalt  }
0x47: {  	_ =	shalt  }
0x48: {  	_ =	shalt  }
0x49: {  	_ =	shalt  }
0x4a: {  	_ =	shalt  }
0x4b: {  	_ =	shalt  }
0x4c: {  	_ =	shalt  }
0x4d: {  	_ =	shalt  }
0x4e: {  	_ =	shalt  }
0x4f: {  	_ =	shalt  }
0x50: {  	_ =	shalt  }
0x51: {  	_ =	shalt  }
0x52: {  	_ =	shalt  }
0x53: {  	_ =	shalt  }
0x54: {  	_ =	shalt  }
0x55: {  	_ =	shalt  }
0x56: {  	_ =	shalt  }
0x57: {  	_ =	shalt  }
0x58: {  	_ =	shalt  }
0x59: {  	_ =	shalt  }
0x5a: {  	_ =	shalt  }
0x5b: {  	_ =	shalt  }
0x5c: {  	_ =	shalt  }
0x5d: {  	_ =	shalt  }
0x5e: {  	_ =	shalt  }
0x5f: {  	_ =	shalt  }
0x60: {  	_ =	shalt  }
0x61: {  	_ =	shalt  }
0x62: {  	_ =	shalt  }
0x63: {  	_ =	shalt  }
0x64: {  	_ =	shalt  }
0x65: {  	_ =	shalt  }
0x66: {  	_ =	shalt  }
0x67: {  	_ =	shalt  }
0x68: {  	_ =	shalt  }
0x69: {  	_ =	shalt  }
0x6a: {  	_ =	shalt  }
0x6b: {  	_ =	shalt  }
0x6c: {  	_ =	shalt  }
0x6d: {  	_ =	shalt  }
0x6e: {  	_ =	shalt  }
0x6f: {  	_ =	shalt  }
0x70: {  	_ =	shalt  }
0x71: {  	_ =	shalt  }
0x72: {  	_ =	shalt  }
0x73: {  	_ =	shalt  }
0x74: {  	_ =	shalt  }
0x75: {  	_ =	shalt  }
0x76: {  	_ =	shalt  }
0x77: {  	_ =	shalt  }
0x78: {  	_ =	shalt  }
0x79: {  	_ =	shalt  }
0x7a: {  	_ =	shalt  }
0x7b: {  	_ =	shalt  }
0x7c: {  	_ =	shalt  }
0x7d: {  	_ =	shalt  }
0x7e: {  	_ =	shalt  }
0x7f: {  	_ =	shalt  }
0x80: {  	_ =	shalt  }
0x81: {  	_ =	shalt  }
0x82: {  	_ =	shalt  }
0x83: {  	_ =	shalt  }
0x84: {  	_ =	shalt  }
0x85: {  	_ =	shalt  }
0x86: {  	_ =	shalt  }
0x87: {  	_ =	shalt  }
.Lfunc_end0:
.L_simem_size_0:
called_computation.1_lowered:
.L_overlay_start_0:
0x88: {  	s2 =	sld [smem:$0x3FD9]  }
0x89: {  	s3 =	sld [smem:$0x3FFE];
	_ =	sdelay $0x1  }
0x8a: {  	s1 =	srdreg.scid  }
0x8b: {  	s0 =	sand.u32 $0x1, s1  }
0x8c: {  	s17 =	sshll.u32 s0, $0xA;
	s2 =	sadd.s32 s3, s2  }
0x8d: {  	s2 =	sadd.s32 s2, s17  }
0x8e: {  	[smem:$0x3FC0] =	sst s2  }
0x8f: {  	_ = 	snop  }
0x90: {  	(tm) =	ssettm $0x1  }
0x91: {  	s18 =	sld [smem:$0x3FFB];
	_ =	sdelay $0x3  }
0x92: {  	_ =	strace s18  }
0x93: {  	s2 =	sld [smem:$0x3FFC];
	_ =	sdelay $0x3  }
0x94: {  	_ =	strace s2  }
0x95: {  	s2 =	sld [smem:$0x3FFD];
	_ =	sdelay $0x3  }
0x96: {  	_ =	strace s2  }
0x97: {  	_ =	strace $0x8FFFFFFF  }
0x98: {  	s19 =	sld [smem:$0x3FDB];
	_ =	sdelay $0x1  }
0x99: {  	s20 =	simm.s32 $_scs_section_size  }
0x9a: {  	s4 =	simm.s32 $_size__tile_overlayer_lowered;
	s5 =	simm.s32 $_tile_overlayer_lowered  }
0x9b: {  	s6 =	simm.s32 $0x1BFF;
	s21 =	sshll.u32 s5, $0x1;
	s3 =	sadd.s32 s20, s19  }
0x9c: {  	s22 =	simm.s32 $0x0;
	s4 =	sshll.u32 s4, $0x1;
	s5 =	sadd.s32 s21, s3  }
0x9d: {  	[timem:s22], [sflag:s6] =	dma.local [hbm:s5], s4  }
0x9e: {  	_ =	swait.ge [sflag:s6], s4  }
0x9f: {  	s4 =	ssub.s32 $0x0, s4;
	[sflag:s6] =	ssyncset.done $0x0  }
0xa0: {  	[sflag:s6] =	ssyncadd.s32 s4;
	_ =	sdelay $0x1  }
0xa1: {  	s23 =	simm.s32 $0x1B8B  }
0xa2: {  	_ =	swait.ge [sflag:s23], $0x1  }
0xa3: {  	[sflag:s23] =	ssyncset.done $0x0  }
0xa4: {  	[sflag:s23] =	ssyncadd.s32 $0xFFFFFFFF  }
0xa5: {  	s4 =	sld [smem:$0x0]  }
0xa6: {  	s5 =	sand.u32 $0xFFFFFFFE, s1  }
0xa7: {  	p0 =	sne.s32 s1, s5  }
0xa8: {  	s5 =	sshll.u32 @p0 s5, $0xE  }
0xa9: {  	s5 =	sadd.s32 @p0 $0x11B8D, s5;
	s6 =	sshll.u32 @p0 s4, $0x11  }
0xaa: {  	s5 =	sor.u32 @p0 s6, s5  }
0xab: {  	[sflag:s5] =	ssyncadd.remote.s32 @p0 $0x1;
	_ =	sdelay $0x1  }
0xac: {  	s5 =	simm.s32 @p0 $0x1B8D  }
0xad: {  	_ =	swait.eq @p0 [sflag:s5], $0x1  }
0xae: {  	[sflag:s5] =	ssyncadd.s32 @p0 $0xFFFFFFFF  }
0xaf: {  	s6 =	sshll.u32 @!p0 s1, $0xE  }
0xb0: {  	s6 =	sor.u32 @!p0 $0x4000, s6;
	s5 =	simm.s32 @!p0 $0x1B8D  }
0xb1: {  	s4 =	sshll.u32 @!p0 s4, $0x11;
	s6 =	sadd.s32 @!p0 $0x11B8D, s6;
	_ =	swait.eq @!p0 [sflag:s5], $0x1  }
0xb2: {  	s4 =	sor.u32 @!p0 s4, s6;
	[sflag:s5] =	ssyncadd.s32 @!p0 $0xFFFFFFFF  }
0xb3: {  	s25 =	simm.s32 $0x1B8E;
	s24 =	sld [smem:$0x3FFE];
	[sflag:s4] =	ssyncadd.remote.s32 @!p0 $0x1  }
0xb4: {  	s26 =	simm.s32 $execute0_lowered;
	[smem:$0x3FD2] =	sst s25  }
0xb5: {  	s5 =	sshll.u32 s26, $0x1;
	_ =	strace $0x80000049;
	[dreg:$0x1] =	wrdreg $0xFFFFFFFF  }
0xb6: {  	s28 =	simm.s32 $_size_execute0_lowered;
	s3 =	sadd.s32 s3, s5;
	[dreg:$0x0] =	wrdreg $0x0  }
0xb7: {  	s5 =	sshll.u32 s28, $0x1;
	[dreg:$0x2] =	wrdreg s3  }
0xb8: {  	[dreg:$0x3] =	wrdreg s5  }
0xb9: {  	[dreg:$0x4] =	wrdreg $0xC0  }
0xba: {  	_ =	task [dreg:s22], $0x5FFFF  }
0xbb: {  	[dreg:$0x1] =	wrdreg $0xFFFFFFFF  }
0xbc: {  	[dreg:$0x0] =	wrdreg $0x60  }
0xbd: {  	[dreg:$0x2] =	wrdreg s24  }
0xbe: {  	[dreg:$0x3] =	wrdreg $0xA  }
0xbf: {  	_ =	task.clear_ibuf [dreg:s22], $0x4FFFF;
	_ =	strace $0x90000049  }
0xc0: {  	s29 =	simm.s32 $0xA;
	_ =	strace $0x8000004B  }
0xc1: {  	_ =	swait.ge [sflag:s29], $0x1  }
0xc2: {  	[sflag:s29] =	ssyncadd.s32 $0xFFFFFFFF  }
0xc3: {  	_ =	strace $0x9000004B  }
0xc4: {  	_ =	sfence  }
0xc5: {  	s30 =	sld [smem:$0x0];
	_ =	sdelay $0x2  }
0xc6: {  	s31 =	sshll.u32 s1, $0xD;
	s1 =	sshrl.u32 s1, $0x2  }
0xc7: {  	s4 =	sand.u32 $0x4000, s31;
	s1 =	sadd.s32 s1, s30  }
0xc8: {  	s0 =	sor.u32 s4, s0;
	s1 =	sshll.u32 s1, $0x11  }
0xc9: {  	s0 =	sor.u32 s1, s0  }
0xca: {  	s0 =	sadd.s32 $0x8F2B, s0  }
0xcb: {  	[sflag:s0] =	ssyncadd.remote.s32 $0x1  }
0xcc: {  	_ =	sfence.sel $0xFFFF  }
0xcd: {  	[dreg:$0x0] =	wrdreg $0xFFFFFFFF;
	(pc) =	sbr.abs _section_cstart, $3  }
0xce: {  	[dreg:$0x1] =	wrdreg $0xFFFFFFFF  }
0xcf: {  	_ =	task.clear_ibuf [dreg:s22], $0x2FFFF;
	_ =	strace $0x9FFFFFFF  }
0xd0: {  	(tm) =	ssettm $0x7FFFFFFF  }
0xd1: {  	_ =	shalt  }
tec
execute0_lowered:
.L_overlay_start_1:
0x0: {  	(tag) =	ssettag $0x1  }
0x1: {  	s3 =	rddreg [dreg:$0x0]  }
0x2: {  	s0 =	srdreg.scid;
	s1 =	rddreg [dreg:$0x1];
	s2 =	simm.s32 $0x0  }
0x3: {  	s14 =	simm.s32 $0x6960;
	s6 =	sand.u32 $0x1, s0;
	s0 =	stileid.u32  }
0x4: {  	s15 =	simm.s32 $0x0;
	[smem:$0x7FF] =	sst s2;
	s7 =	smul.u32 $0x6150, s6  }
0x5: {  	s4 =	smul.u32 $0xC2A0, s0;
	_ =	strace $0x8000004A;
	s5 =	sshll.u32 s0, $0x1  }
0x6: {  	s8 =	sshll.u32 s0, $0x5;
	s10 =	ssub.s32 $0x2, s6;
	s30 =	sshll.u32 s6, $0x9  }
0x7: {  	s5 =	sor.u32 s6, s5;
	s8 =	sadd.s32 s8, s3;
	s11 =	sshrl.u32 s10, $0x1  }
0x8: {  	s13 =	sadd.s32 $0x18AA0, s30;
	s4 =	sadd.s32 s7, s4;
	s9 =	sshll.u32 s5, $0x6  }
0x9: {  	s5 =	sshll.u32 s5, $0x5;
	s10 =	ssub.s32 s10, s11;
	s31 =	sadd.s32 $0x12540, s7  }
0xa: {  	s11 =	simm.s32 $0x7980;
	v3 =	vmov s13;
	s13 =	simm.s32 $0x6150;
	s4 =	sshrl.u32 s4, $0x3  }
0xb: {  	s9 =	sadd.s32 s9, s3;
	s12 =	sadd.s32 s5, s3;
	s5 =	sadd.s32 $0x1C00, s8  }
0xc: {  	s4 =	sadd.s32 s4, s3;
	s3 =	sadd.s32 $0xC400, s7;
	s6 =	sadd.s32 $0x35000, s12  }
0xd: {  	v0 =	vlaneseq.u32;
	v4 =	vimm.s32 $0x0;
	s7 =	sadd.s32 $0x34000, s9;
	s8 =	sadd.s32 $0x34800, s9;
	s9 =	smax.u32 s10, $0x1  }
0xe: {  	v5 =	vimm.f32 $0.0e+00;
	v2 =	vor.u32 s31, v0;
	s10 =	simm.s32 $0x1;
	s12 =	simm.s32 $0x7A80;
	s4 =	sadd.s32 $0x1BA00, s4;
	v1 =	vmov s3  }
.LBB2_1:
0xf: {  	[tilespmem:s2], [sflag:$0x1] =	stream.linear.gather [hbm4b:s4+s2], $0x6150, $0x38;
	[tilespmem:$0x7B80] =	vst v63  }
0x10: {  	_ =	swait.ge [sflag:s10], $0x6150  }
0x11: {  	[sflag:s10] =	ssyncset.done $0x0  }
0x12: {  	[sflag:s10] =	ssyncadd.s32 $0xFFFF9EB0  }
0x13: {  	[tilespmem:s11], [sflag:$0x1] =	stream.linear.gather [hbm4b:s5+s2], $0x100, $0x38;
	[tilespmem:$0x7B80] =	vst v63  }
0x14: {  	_ =	swait.ge [sflag:s10], $0x100  }
0x15: {  	[sflag:s10] =	ssyncset.done $0x0  }
0x16: {  	[sflag:s10] =	ssyncadd.s32 $0xFFFFFF00  }
0x17: {  	v6 =	vld [tilespmem:$0x7980];
	_ =	sdelay $0x4  }
0x18: {  	v6 =	vsub.s32 v6, v1  }
0x19: {  	v7 =	vld [tilespmem:$0x7990];
	vm0 =	vgt.s32 v6, $0x0  }
0x1a: {  	v6 =	vnsel vm0, $0x0, v6  }
0x1b: {  	v6 =	vmin.u32 v6, $0x614F;
	_ =	sdelay $0x2  }
0x1c: {  	v7 =	vsub.s32 v7, v1  }
0x1d: {  	v8 =	vld [tilespmem:$0x79A0];
	vm13 =	vgt.s32 v7, $0x0  }
0x1e: {  	v7 =	vnsel vm13, $0x0, v7;
	v6 =	vld.idx.msk [tilespmem:v6+s2+$0x0], $0xffff  }
0x1f: {  	v7 =	vmin.u32 v7, $0x614F;
	_ =	sdelay $0x2  }
0x20: {  	v8 =	vsub.s32 v8, v1  }
0x21: {  	vm14 =	vgt.s32 v8, $0x0;
	[tilespmem:$0x7A80] =	vst v6;
	v6 =	vld [tilespmem:$0x79B0]  }
0x22: {  	v8 =	vnsel vm14, $0x0, v8;
	v7 =	vld.idx.msk [tilespmem:v7+s2+$0x0], $0xffff  }
0x23: {  	v8 =	vmin.u32 v8, $0x614F;
	_ =	sdelay $0x2  }
0x24: {  	v6 =	vsub.s32 v6, v1  }
0x25: {  	[tilespmem:$0x7A90] =	vst v7;
	vm15 =	vgt.s32 v6, $0x0;
	v7 =	vld [tilespmem:$0x79C0]  }
0x26: {  	v8 =	vld.idx.msk [tilespmem:v8+s2+$0x0], $0xffff;
	v6 =	vnsel vm15, $0x0, v6  }
0x27: {  	v6 =	vmin.u32 v6, $0x614F;
	_ =	sdelay $0x2  }
0x28: {  	v7 =	vsub.s32 v7, v1  }
0x29: {  	[tilespmem:$0x7AA0] =	vst v8;
	vm4 =	vgt.s32 v7, $0x0;
	v8 =	vld [tilespmem:$0x79D0]  }
0x2a: {  	v6 =	vld.idx.msk [tilespmem:v6+s2+$0x0], $0xffff;
	v7 =	vnsel vm4, $0x0, v7  }
0x2b: {  	v7 =	vmin.u32 v7, $0x614F;
	_ =	sdelay $0x2  }
0x2c: {  	v8 =	vsub.s32 v8, v1  }
0x2d: {  	[tilespmem:$0x7AB0] =	vst v6;
	vm5 =	vgt.s32 v8, $0x0;
	v6 =	vld [tilespmem:$0x79E0]  }
0x2e: {  	v7 =	vld.idx.msk [tilespmem:v7+s2+$0x0], $0xffff;
	v8 =	vnsel vm5, $0x0, v8  }
0x2f: {  	v8 =	vmin.u32 v8, $0x614F;
	_ =	sdelay $0x2  }
0x30: {  	v6 =	vsub.s32 v6, v1  }
0x31: {  	[tilespmem:$0x7AC0] =	vst v7;
	vm6 =	vgt.s32 v6, $0x0;
	v7 =	vld [tilespmem:$0x79F0]  }
0x32: {  	v8 =	vld.idx.msk [tilespmem:v8+s2+$0x0], $0xffff;
	v6 =	vnsel vm6, $0x0, v6  }
0x33: {  	v6 =	vmin.u32 v6, $0x614F;
	_ =	sdelay $0x2  }
0x34: {  	v7 =	vsub.s32 v7, v1  }
0x35: {  	[tilespmem:$0x7AD0] =	vst v8;
	vm7 =	vgt.s32 v7, $0x0;
	v8 =	vld [tilespmem:$0x7A00]  }
0x36: {  	v6 =	vld.idx.msk [tilespmem:v6+s2+$0x0], $0xffff;
	v7 =	vnsel vm7, $0x0, v7  }
0x37: {  	v7 =	vmin.u32 v7, $0x614F;
	_ =	sdelay $0x2  }
0x38: {  	v8 =	vsub.s32 v8, v1  }
0x39: {  	[tilespmem:$0x7AE0] =	vst v6;
	vm8 =	vgt.s32 v8, $0x0;
	v6 =	vld [tilespmem:$0x7A10]  }
0x3a: {  	v7 =	vld.idx.msk [tilespmem:v7+s2+$0x0], $0xffff;
	v8 =	vnsel vm8, $0x0, v8  }
0x3b: {  	v8 =	vmin.u32 v8, $0x614F;
	_ =	sdelay $0x2  }
0x3c: {  	v6 =	vsub.s32 v6, v1  }
0x3d: {  	[tilespmem:$0x7AF0] =	vst v7;
	vm9 =	vgt.s32 v6, $0x0;
	v7 =	vld [tilespmem:$0x7A20]  }
0x3e: {  	v8 =	vld.idx.msk [tilespmem:v8+s2+$0x0], $0xffff;
	v6 =	vnsel vm9, $0x0, v6  }
0x3f: {  	v6 =	vmin.u32 v6, $0x614F;
	_ =	sdelay $0x2  }
0x40: {  	v7 =	vsub.s32 v7, v1  }
0x41: {  	[tilespmem:$0x7B00] =	vst v8;
	vm10 =	vgt.s32 v7, $0x0;
	v8 =	vld [tilespmem:$0x7A30]  }
0x42: {  	v6 =	vld.idx.msk [tilespmem:v6+s2+$0x0], $0xffff;
	v7 =	vnsel vm10, $0x0, v7  }
0x43: {  	v7 =	vmin.u32 v7, $0x614F;
	_ =	sdelay $0x2  }
0x44: {  	v8 =	vsub.s32 v8, v1  }
0x45: {  	[tilespmem:$0x7B10] =	vst v6;
	vm11 =	vgt.s32 v8, $0x0;
	v6 =	vld [tilespmem:$0x7A40]  }
0x46: {  	v7 =	vld.idx.msk [tilespmem:v7+s2+$0x0], $0xffff;
	v8 =	vnsel vm11, $0x0, v8  }
0x47: {  	v8 =	vmin.u32 v8, $0x614F;
	_ =	sdelay $0x2  }
0x48: {  	v6 =	vsub.s32 v6, v1  }
0x49: {  	[tilespmem:$0x7B20] =	vst v7;
	vm12 =	vgt.s32 v6, $0x0;
	v7 =	vld [tilespmem:$0x7A50]  }
0x4a: {  	v8 =	vld.idx.msk [tilespmem:v8+s2+$0x0], $0xffff;
	v6 =	vnsel vm12, $0x0, v6  }
0x4b: {  	v6 =	vmin.u32 v6, $0x614F;
	_ =	sdelay $0x2  }
0x4c: {  	v7 =	vsub.s32 v7, v1  }
0x4d: {  	[tilespmem:$0x7B30] =	vst v8;
	vm13 =	vgt.s32 v7, $0x0;
	v8 =	vld [tilespmem:$0x7A60]  }
0x4e: {  	v6 =	vld.idx.msk [tilespmem:v6+s2+$0x0], $0xffff;
	v7 =	vnsel vm13, $0x0, v7  }
0x4f: {  	v7 =	vmin.u32 v7, $0x614F;
	_ =	sdelay $0x2  }
0x50: {  	v8 =	vsub.s32 v8, v1  }
0x51: {  	[tilespmem:$0x7B40] =	vst v6;
	vm14 =	vgt.s32 v8, $0x0;
	v6 =	vld [tilespmem:$0x7A70]  }
0x52: {  	v8 =	vnsel vm14, $0x0, v8;
	v7 =	vld.idx.msk [tilespmem:v7+s2+$0x0], $0xffff  }
0x53: {  	v8 =	vmin.u32 v8, $0x614F;
	_ =	sdelay $0x2  }
0x54: {  	v6 =	vsub.s32 v6, v1  }
0x55: {  	[tilespmem:$0x7B50] =	vst v7;
	vm15 =	vgt.s32 v6, $0x0  }
0x56: {  	v6 =	vnsel vm15, $0x0, v6;
	v7 =	vld.idx.msk [tilespmem:v8+s2+$0x0], $0xffff  }
0x57: {  	v6 =	vmin.u32 v6, $0x614F;
	_ =	sdelay $0x3  }
0x58: {  	[tilespmem:$0x7B60] =	vst v7  }
0x59: {  	v6 =	vld.idx.msk [tilespmem:v6+s2+$0x0], $0xffff;
	_ =	sdelay $0x4  }
0x5a: {  	[tilespmem:$0x7B70] =	vst v6  }
0x5b: {  	[hbm4b:s6+s2] =	stream.linear.scatter [tilespmem:s12], [sflag:$0x1], $0x100, $0x38;
	[tilespmem:$0x7B80] =	vst v63  }
0x5c: {  	_ =	swait.ge [sflag:s10], $0x100  }
0x5d: {  	[sflag:s10] =	ssyncset.done $0x0  }
0x5e: {  	s16 =	simm.s32 $0x0;
	[sflag:s10] =	ssyncadd.s32 $0xFFFFFF00  }
0x5f: {  	v6 =	vld [tilespmem:s16+$0x0];
	_ =	sdelay $0x2  }
0x60: {  	v7 =	vor.u32 s3, v0  }
0x61: {  	s17 =	simm.s32 $0x40;
	s18 =	sadd.s32 $0x10, s3;
	[tilespmem:s16+$0x6960] =	vst v7  }
.LBB2_2:
0x62: {  	v7 =	vor.u32 s18, v0;
	p0 =	sne.s32 s17, $0x1FC0;
	[tilespmem:s16+$0x6150] =	vst v6;
	s16 =	sshra.s32 s17, $0x2;
	s17 =	sadd.s32 $0x40, s17  }
.Ltmp0:
0x63: {  	v6 =	vld [tilespmem:s16+$0x0];
	[tilespmem:s16+$0x6960] =	vst v7;
	(pc) =	sbr.rel @p0 .LBB2_2-.Ltmp0, $2  }
0x64: {  	_ =	sdelay $0x2  }
0x65: {  	s18 =	sadd.s32 $0x10, s18  }
0x66: {  	p1 =	por $0x0, $0x0  }
.Ltmp1:
0x67: {  	_ = 	snop;
	(pc) =	sbr.rel @p1 .LBB2_4-.Ltmp1, $3  }
0x68: {  	_ =	sdelay $0x1  }
0x69: {  	[tilespmem:s16+$0x6150] =	vst v6;
	s16 =	simm.s32 $0x0;
	s18 =	simm.s32 $0x6150  }
0x6a: {  	s17 =	simm.s32 $0x7170;
	p0 =	por $0x0, $0x0;
	v6 =	vld [tilespmem:s18+$0x0];
	s18 =	simm.s32 $0x10  }
0x6b: {  	_ =	sdelay $0x3  }
0x6c: {  	p1 =	por $0x0, $0x0;
	v7 =	vshra.s32 v6, $0x1F  }
.Ltmp2:
0x6d: {  	v7 =	vand.u32 $0x7FFFFFFF, v7;
	(pc) =	sbr.rel @p1 .LBB2_6-.Ltmp2, $4  }
0x6e: {  	p0 =	por $0x1, $0x1;
	v6 =	vxor.u32 v6, v7  }
0x6f: {  	v6 =	vpsel !p0, $0x80000000, v6  }
0x70: {  	s20 =	simm.s32 $0x6160;
	[tilespmem:s17+$0x0] =	vst v6  }
0x71: {  	s21 =	simm.s32 $0x20;
	s19 =	simm.s32 $0x7170;
	p0 =	por $0x1, $0x1;
	v6 =	vld [tilespmem:s20+$0x0]  }
.LBB2_7:
0x72: {  	p1 =	seq.s32 s21, $0x800;
	_ =	sdelay $0x3  }
0x73: {  	v7 =	vshra.s32 v6, $0x1F  }
.Ltmp3:
0x74: {  	v7 =	vand.u32 $0x7FFFFFFF, v7;
	(pc) =	sbr.rel @!p1 .LBB2_7-.Ltmp3, $4  }
0x75: {  	p2 =	slt.u32 s18, $0x800;
	s18 =	smov.u32 s21;
	v6 =	vxor.u32 v6, v7  }
0x76: {  	s19 =	sadd.s32 $0x10, s19;
	v6 =	vpsel !p2, $0x80000000, v6  }
0x77: {  	s20 =	sadd.s32 $0x10, s20;
	[tilespmem:s19+$0x0] =	vst v6  }
0x78: {  	s21 =	sadd.s32 $0x10, s21;
	v6 =	vld [tilespmem:s20+$0x0]  }
.LBB2_8:
0x79: {  	_ =	sdelay $0x3  }
0x7a: {  	v7 =	vshra.s32 v6, $0x1F  }
0x7b: {  	v7 =	vand.u32 $0x7FFFFFFF, v7  }
0x7c: {  	p1 =	slt.u32 s18, $0x800;
	s18 =	sadd.s32 @p0 $0x10, s19;
	v6 =	vxor.u32 v6, v7  }
0x7d: {  	s17 =	smov.u32 @p0 s18;
	v6 =	vpsel !p1, $0x80000000, v6  }
0x7e: {  	s18 =	simm.s32 $0x7F800000;
	[tilespmem:s17+$0x0] =	vst v6;
	s17 =	simm.s32 $0x807FFFFF  }
.LBB2_9:
0x7f: {  	s19 =	ssub.s32 s18, s17  }
0x80: {  	s21 =	simm.s32 $0x0;
	s19 =	sshrl.u32 s19, $0x1  }
0x81: {  	v8 =	vld [tilespmem:s21+$0x7170];
	s19 =	sadd.s32 s17, s19  }
0x82: {  	v6 =	vimm.s32 $0x0;
	s20 =	simm.s32 $0x40;
	v7 =	vmov s19  }
.LBB2_10:
0x83: {  	p0 =	sne.s32 s20, $0x2000  }
.Ltmp4:
0x84: {  	_ = 	snop;
	(pc) =	sbr.rel @p0 .LBB2_10-.Ltmp4, $4  }
0x85: {  	_ = 	snop  }
0x86: {  	s21 =	sshra.s32 s20, $0x2;
	s20 =	sadd.s32 $0x40, s20;
	vm0 =	vgt.s32 v8, v7  }
0x87: {  	v8 =	vld [tilespmem:s21+$0x7170];
	v9 =	vsel vm0, $0x1, v4  }
0x88: {  	v6 =	vadd.s32 v9, v6  }
0x89: {  	_ =	sdelay $0x2  }
0x8a: {  	vm0 =	vgt.s32 v8, v7  }
0x8b: {  	v7 =	vsel vm0, $0x1, v4  }
0x8c: {  	v6 =	vadd.s32 v7, v6  }
0x8d: {  	(xrf0) =	vadd.scan.msk.s32 $0xffff, v6;
	_ =	sdelay $0x5  }
0x8e: {  	v6, _, _ =	vpop (xrf0)  }
0x8f: {  	(v2sf) =	vpush v6, $0xF;
	_ =	sdelay $0xe  }
0x90: {  	s20 =	spop (v2sf)  }
0x91: {  	s16 =	sadd.s32 $0x1, s16;
	p0 =	sgt.s32 s20, $0xFF  }
0x92: {  	s17 =	smov.u32 @p0 s19;
	s19 =	smov.u32 @p0 s18;
	p0 =	seq.s32 s16, $0x14  }
.Ltmp5:
0x93: {  	_ = 	snop;
	(pc) =	sbr.rel @!p0 .LBB2_9-.Ltmp5, $2  }
0x94: {  	_ =	sdelay $0x2  }
0x95: {  	s18 =	smov.u32 s19  }
0x96: {  	s31 =	simm.s32 $0x0  }
0x97: {  	v7 =	vld [tilespmem:s31+$0x7170];
	_ =	sdelay $0x3  }
0x98: {  	v6 =	vmov s17  }
0x99: {  	vm0 =	vgt.s32 v7, v6  }
0x9a: {  	v7 =	vmpcnt.ones.xlane vm0;
	_ =	sdelay $0x1  }
0x9b: {  	v7 =	vxor.u32 $0x80000000, v7  }
0x9c: {  	(xrf0) =	vmax.scan.msk.u32 $0xffff, v7;
	_ =	sdelay $0x1  }
0x9d: {  	v7 =	vld [tilespmem:s31+$0x6150]  }
0x9e: {  	v8 =	vld [tilespmem:s31+$0x6960];
	_ =	sdelay $0x2  }
0x9f: {  	s16 =	simm.s32 $0x0;
	v9, _, _ =	vpop (xrf0)  }
0xa0: {  	[tilespmem:s16+$0x6150] =	vst.msk vm0, v7;
	(v2sf) =	vpush v9, $0xF  }
0xa1: {  	s18 =	simm.s32 $0x10;
	s17 =	simm.s32 $0x80;
	[tilespmem:s16+$0x6960] =	vst.msk vm0, v8  }
.LBB2_13:
0xa2: {  	p0 =	sne.s32 s17, $0x2000;
	v7 =	vld [tilespmem:s18+$0x7170];
	_ =	sdelay $0x4  }
0xa3: {  	vm0 =	vgt.s32 v7, v6  }
0xa4: {  	v7 =	vmpcnt.ones.xlane vm0;
	_ =	sdelay $0x1  }
0xa5: {  	v7 =	vxor.u32 $0x80000000, v7  }
0xa6: {  	(xrf0) =	vmax.scan.msk.u32 $0xffff, v7;
	_ =	sdelay $0x1  }
0xa7: {  	v7 =	vld [tilespmem:s18+$0x6150]  }
0xa8: {  	v8 =	vld [tilespmem:s18+$0x6960]  }
.Ltmp6:
0xa9: {  	s18 =	spop (v2sf);
	(pc) =	sbr.rel @p0 .LBB2_13-.Ltmp6, $4  }
0xaa: {  	s16 =	sadd.s32 s18, s16  }
0xab: {  	v9, _, _ =	vpop (xrf0);
	s16 =	sadd.s32 $0x80000000, s16  }
0xac: {  	[tilespmem:s16+$0x6150] =	vst.msk vm0, v7;
	(v2sf) =	vpush v9, $0xF  }
0xad: {  	s18 =	sshra.s32 s17, $0x2;
	s17 =	sadd.s32 $0x40, s17;
	[tilespmem:s16+$0x6960] =	vst.msk vm0, v8  }
0xae: {  	v7 =	vld [tilespmem:s18+$0x7170];
	_ =	sdelay $0x4  }
0xaf: {  	vm0 =	vgt.s32 v7, v6  }
0xb0: {  	v7 =	vmpcnt.ones.xlane vm0;
	_ =	sdelay $0x1  }
0xb1: {  	v7 =	vxor.u32 $0x80000000, v7  }
0xb2: {  	(xrf0) =	vmax.scan.msk.u32 $0xffff, v7;
	_ =	sdelay $0x5  }
0xb3: {  	v7, _, _ =	vpop (xrf0)  }
0xb4: {  	(v2sf) =	vpush v7, $0xF;
	_ =	sdelay $0xa  }
0xb5: {  	v7 =	vld [tilespmem:s18+$0x6150]  }
0xb6: {  	v8 =	vld [tilespmem:s18+$0x6960]  }
.Ltmp7:
0xb7: {  	s17 =	spop (v2sf);
	(pc) =	sbr.rel .LBB2_15-.Ltmp7, $4  }
0xb8: {  	s16 =	sadd.s32 s17, s16  }
0xb9: {  	v9 =	vshra.s32 v6, $0x1F;
	s16 =	sadd.s32 $0x80000000, s16;
	s31 =	spop (v2sf)  }
0xba: {  	[tilespmem:s16+$0x6150] =	vst.msk vm0, v7;
	v7 =	vand.u32 $0x7FFFFFFF, v9;
	s17 =	sadd.s32 s31, s16  }
0xbb: {  	[tilespmem:s16+$0x6960] =	vst.msk vm0, v8;
	v6 =	vxor.u32 v6, v7;
	s16 =	simm.s32 $0x0;
	s17 =	sadd.s32 $0x80000000, s17  }
.LBB2_28:
0xbc: {  	s16 =	sadd.s32 $0x1, s16  }
0xbd: {  	p0 =	sne.s32 s16, $0x165  }
.Ltmp8:
0xbe: {  	_ = 	snop;
	(pc) =	sbr.rel @!p0 .LBB2_29-.Ltmp8, $1  }
0xbf: {  	_ =	sdelay $0x3  }
.LBB2_15:
0xc0: {  	s18 =	sshll.u32 s16, $0x6  }
0xc1: {  	v7 =	vld [tilespmem:s18+$0x800]  }
0xc2: {  	v8 =	vld [tilespmem:s18+$0x810]  }
0xc3: {  	v9 =	vld [tilespmem:s18+$0x820]  }
0xc4: {  	v10 =	vld [tilespmem:s18+$0x830];
	_ =	sdelay $0x2  }
0xc5: {  	vm0 =	vgt.f32 v7, v6;
	vm1 =	vgt.f32 v8, v6  }
0xc6: {  	vm14 =	vgt.f32 v9, v6;
	vm0 =	vmor vm0, vm1  }
0xc7: {  	vm15 =	vgt.f32 v10, v6;
	vm0 =	vmor vm0, vm14  }
0xc8: {  	vm0 =	vmor vm0, vm15  }
0xc9: {  	v11 =	vsel vm0, $0x3F800000, v5  }
0xca: {  	(xrf0) =	vmax.scan.msk.f32 $0xffff, v11;
	_ =	sdelay $0x5  }
0xcb: {  	v11, _, _ =	vpop (xrf0)  }
0xcc: {  	(v2sf) =	vpush v11, $0xF;
	_ =	sdelay $0xe  }
0xcd: {  	s19 =	spop (v2sf)  }
0xce: {  	p0 =	sgt.f32 s19, $0.0e+00;
	_ =	sdelay $0x1  }
0xcf: {  	vm3 =	vgt.f32 @p0 v7, v6  }
0xd0: {  	vm2 =	vgt.f32 @p0 v8, v6;
	v11 =	vmpcnt.ones.xlane @p0 vm3  }
0xd1: {  	v12 =	vmpcnt.ones.xlane @p0 vm2  }
0xd2: {  	vm1 =	vgt.f32 @p0 v9, v6;
	v11 =	vxor.u32 @p0 $0x80000000, v11  }
0xd3: {  	(xrf0) =	vmax.scan.msk.u32 @p0 $0xffff, v11;
	v11 =	vxor.u32 @p0 $0x80000000, v12;
	v12 =	vmpcnt.ones.xlane @p0 vm1  }
0xd4: {  	vm0 =	vgt.f32 @p0 v10, v6  }
0xd5: {  	(xrf0) =	vmax.scan.msk.u32 @p0 $0xffff, v11;
	v11 =	vxor.u32 @p0 $0x80000000, v12;
	v12 =	vmpcnt.ones.xlane @p0 vm0;
	_ =	sdelay $0x1  }
0xd6: {  	(xrf0) =	vmax.scan.msk.u32 @p0 $0xffff, v11  }
0xd7: {  	v11 =	vxor.u32 @p0 $0x80000000, v12  }
0xd8: {  	v12, _, _ =	vpop @p0 (xrf0);
	(xrf0) =	vmax.scan.msk.u32 @p0 $0xffff, v11  }
0xd9: {  	(v2sf) =	vpush @p0 v12, $0xF  }
0xda: {  	v11, _, _ =	vpop @p0 (xrf0)  }
0xdb: {  	(v2sf) =	vpush @p0 v11, $0xF  }
0xdc: {  	v11, _, _ =	vpop @p0 (xrf0)  }
0xdd: {  	(v2sf) =	vpush @p0 v11, $0xF  }
0xde: {  	v11, _, _ =	vpop @p0 (xrf0)  }
0xdf: {  	(v2sf) =	vpush @p0 v11, $0xF;
	_ =	sdelay $0x8  }
0xe0: {  	s19 =	spop @p0 (v2sf)  }
0xe1: {  	s19 =	sadd.s32 @p0 s19, s17  }
0xe2: {  	s21 =	sadd.s32 $0x800, s18;
	s20 =	spop @p0 (v2sf);
	s19 =	sadd.s32 @p0 $0x80000000, s19  }
0xe3: {  	s21 =	sadd.s32 @p0 s3, s21;
	v11 =	vlaneseq.u32 @p0;
	s20 =	sadd.s32 @p0 s20, s19  }
0xe4: {  	s23 =	sadd.s32 $0x810, s18;
	[tilespmem:s17+$0x6150] =	vst.msk @p0 vm3, v7;
	v7 =	vor.u32 @p0 s21, v11;
	s22 =	spop @p0 (v2sf);
	s20 =	sadd.s32 @p0 $0x80000000, s20  }
0xe5: {  	s21 =	sadd.s32 @p0 s3, s23;
	[tilespmem:s17+$0x6960] =	vst.msk @p0 vm3, v7;
	s22 =	sadd.s32 @p0 s22, s20  }
0xe6: {  	s23 =	sadd.s32 $0x820, s18;
	v7 =	vor.u32 @p0 s21, v11;
	[tilespmem:s19+$0x6150] =	vst.msk @p0 vm2, v8;
	s21 =	sadd.s32 @p0 $0x80000000, s22;
	s22 =	spop @p0 (v2sf)  }
0xe7: {  	[tilespmem:s19+$0x6960] =	vst.msk @p0 vm2, v7;
	s19 =	sadd.s32 @p0 s3, s23;
	s22 =	sadd.s32 @p0 s22, s21  }
0xe8: {  	v7 =	vor.u32 @p0 s19, v11;
	s19 =	sadd.s32 @p0 $0x80000000, s22  }
0xe9: {  	s17 =	smov.u32 @p0 s19  }
0xea: {  	p1 =	slt.s32 s17, $0x7C0  }
.Ltmp9:
0xeb: {  	_ = 	snop;
	(pc) =	sbr.rel @p1 .LBB2_28-.Ltmp9, $4  }
0xec: {  	s18 =	sadd.s32 $0x830, s18;
	[tilespmem:s20+$0x6150] =	vst.msk @p0 vm1, v9  }
0xed: {  	s18 =	sadd.s32 @p0 s3, s18;
	[tilespmem:s20+$0x6960] =	vst.msk @p0 vm1, v7  }
0xee: {  	v7 =	vor.u32 @p0 s18, v11;
	[tilespmem:s21+$0x6150] =	vst.msk @p0 vm0, v10  }
0xef: {  	[tilespmem:s21+$0x6960] =	vst.msk @p0 vm0, v7  }
0xf0: {  	p1 =	por $0x0, $0x0  }
.Ltmp10:
0xf1: {  	_ = 	snop;
	(pc) =	sbr.rel @p1 .LBB2_17-.Ltmp10, $3  }
0xf2: {  	_ =	sdelay $0x1  }
0xf3: {  	s18 =	simm.s32 $0x0;
	s19 =	simm.s32 $0x6150  }
0xf4: {  	v6 =	vmov s17;
	s17 =	simm.s32 $0x7170;
	p0 =	por $0x0, $0x0;
	v7 =	vld [tilespmem:s19+$0x0];
	s19 =	simm.s32 $0x10  }
0xf5: {  	_ =	sdelay $0x3  }
0xf6: {  	p1 =	por $0x0, $0x0;
	v8 =	vshra.s32 v7, $0x1F  }
.Ltmp11:
0xf7: {  	v9 =	vor.u32 s18, v0;
	v8 =	vand.u32 $0x7FFFFFFF, v8;
	(pc) =	sbr.rel @p1 .LBB2_19-.Ltmp11, $4  }
0xf8: {  	vm0 =	vlt.s32 v9, v6;
	v7 =	vxor.u32 v7, v8  }
0xf9: {  	v7 =	vnsel vm0, $0x80000000, v7  }
0xfa: {  	s21 =	simm.s32 $0x6160;
	[tilespmem:s17+$0x0] =	vst v7  }
0xfb: {  	s22 =	simm.s32 $0x20;
	p0 =	por $0x1, $0x1;
	s20 =	simm.s32 $0x7170;
	v7 =	vld [tilespmem:s21+$0x0]  }
.LBB2_20:
0xfc: {  	p1 =	seq.s32 s22, $0x800;
	_ =	sdelay $0x3  }
0xfd: {  	v8 =	vshra.s32 v7, $0x1F  }
.Ltmp12:
0xfe: {  	v9 =	vor.u32 s19, v0;
	s19 =	smov.u32 s22;
	v8 =	vand.u32 $0x7FFFFFFF, v8;
	(pc) =	sbr.rel @!p1 .LBB2_20-.Ltmp12, $4  }
0xff: {  	vm0 =	vlt.s32 v9, v6;
	v7 =	vxor.u32 v7, v8  }
0x100: {  	s20 =	sadd.s32 $0x10, s20;
	v7 =	vnsel vm0, $0x80000000, v7  }
0x101: {  	s21 =	sadd.s32 $0x10, s21;
	[tilespmem:s20+$0x0] =	vst v7  }
0x102: {  	s22 =	sadd.s32 $0x10, s22;
	v7 =	vld [tilespmem:s21+$0x0]  }
.LBB2_21:
0x103: {  	_ =	sdelay $0x3  }
0x104: {  	v8 =	vshra.s32 v7, $0x1F  }
0x105: {  	v9 =	vor.u32 s19, v0;
	v8 =	vand.u32 $0x7FFFFFFF, v8  }
0x106: {  	s19 =	sadd.s32 @p0 $0x10, s20;
	vm0 =	vlt.s32 v9, v6;
	v7 =	vxor.u32 v7, v8  }
0x107: {  	s17 =	smov.u32 @p0 s19;
	v6 =	vnsel vm0, $0x80000000, v7  }
0x108: {  	s19 =	simm.s32 $0x7F800000;
	[tilespmem:s17+$0x0] =	vst v6;
	s17 =	simm.s32 $0x807FFFFF  }
.LBB2_22:
0x109: {  	s20 =	ssub.s32 s19, s17  }
0x10a: {  	s22 =	simm.s32 $0x0;
	s20 =	sshrl.u32 s20, $0x1  }
0x10b: {  	v8 =	vld [tilespmem:s22+$0x7170];
	s20 =	sadd.s32 s17, s20  }
0x10c: {  	v6 =	vimm.s32 $0x0;
	s21 =	simm.s32 $0x40;
	v7 =	vmov s20  }
.LBB2_23:
0x10d: {  	p0 =	sne.s32 s21, $0x2000  }
.Ltmp13:
0x10e: {  	_ = 	snop;
	(pc) =	sbr.rel @p0 .LBB2_23-.Ltmp13, $4  }
0x10f: {  	_ = 	snop  }
0x110: {  	s22 =	sshra.s32 s21, $0x2;
	s21 =	sadd.s32 $0x40, s21;
	vm0 =	vgt.s32 v8, v7  }
0x111: {  	v8 =	vld [tilespmem:s22+$0x7170];
	v9 =	vsel vm0, $0x1, v4  }
0x112: {  	v6 =	vadd.s32 v9, v6  }
0x113: {  	_ =	sdelay $0x2  }
0x114: {  	vm0 =	vgt.s32 v8, v7  }
0x115: {  	v7 =	vsel vm0, $0x1, v4  }
0x116: {  	v6 =	vadd.s32 v7, v6  }
0x117: {  	(xrf0) =	vadd.scan.msk.s32 $0xffff, v6;
	_ =	sdelay $0x5  }
0x118: {  	v6, _, _ =	vpop (xrf0)  }
0x119: {  	(v2sf) =	vpush v6, $0xF;
	_ =	sdelay $0xe  }
0x11a: {  	s21 =	spop (v2sf)  }
0x11b: {  	s18 =	sadd.s32 $0x1, s18;
	p0 =	sgt.s32 s21, $0xFF  }
0x11c: {  	s17 =	smov.u32 @p0 s20;
	s20 =	smov.u32 @p0 s19;
	p0 =	seq.s32 s18, $0x14  }
.Ltmp14:
0x11d: {  	_ = 	snop;
	(pc) =	sbr.rel @!p0 .LBB2_22-.Ltmp14, $2  }
0x11e: {  	_ =	sdelay $0x2  }
0x11f: {  	s19 =	smov.u32 s20  }
0x120: {  	s18 =	simm.s32 $0x0  }
0x121: {  	v7 =	vld [tilespmem:s18+$0x7170];
	_ =	sdelay $0x3  }
0x122: {  	v6 =	vmov s17  }
0x123: {  	vm0 =	vgt.s32 v7, v6  }
0x124: {  	v7 =	vmpcnt.ones.xlane vm0;
	_ =	sdelay $0x1  }
0x125: {  	v7 =	vxor.u32 $0x80000000, v7  }
0x126: {  	(xrf0) =	vmax.scan.msk.u32 $0xffff, v7;
	_ =	sdelay $0x1  }
0x127: {  	v7 =	vld [tilespmem:s18+$0x6150]  }
0x128: {  	v8 =	vld [tilespmem:s18+$0x6960];
	_ =	sdelay $0x2  }
0x129: {  	s17 =	simm.s32 $0x0;
	v9, _, _ =	vpop (xrf0)  }
0x12a: {  	[tilespmem:s17+$0x6150] =	vst.msk vm0, v7;
	(v2sf) =	vpush v9, $0xF  }
0x12b: {  	s19 =	simm.s32 $0x10;
	s18 =	simm.s32 $0x80;
	[tilespmem:s17+$0x6960] =	vst.msk vm0, v8  }
.LBB2_26:
0x12c: {  	p0 =	sne.s32 s18, $0x2000;
	v7 =	vld [tilespmem:s19+$0x7170];
	_ =	sdelay $0x4  }
0x12d: {  	vm0 =	vgt.s32 v7, v6  }
0x12e: {  	v7 =	vmpcnt.ones.xlane vm0;
	_ =	sdelay $0x1  }
0x12f: {  	v7 =	vxor.u32 $0x80000000, v7  }
0x130: {  	(xrf0) =	vmax.scan.msk.u32 $0xffff, v7;
	_ =	sdelay $0x1  }
0x131: {  	v7 =	vld [tilespmem:s19+$0x6150]  }
0x132: {  	v8 =	vld [tilespmem:s19+$0x6960]  }
.Ltmp15:
0x133: {  	s19 =	spop (v2sf);
	(pc) =	sbr.rel @p0 .LBB2_26-.Ltmp15, $4  }
0x134: {  	s17 =	sadd.s32 s19, s17  }
0x135: {  	v9, _, _ =	vpop (xrf0);
	s17 =	sadd.s32 $0x80000000, s17  }
0x136: {  	[tilespmem:s17+$0x6150] =	vst.msk vm0, v7;
	(v2sf) =	vpush v9, $0xF  }
0x137: {  	s19 =	sshra.s32 s18, $0x2;
	s18 =	sadd.s32 $0x40, s18;
	[tilespmem:s17+$0x6960] =	vst.msk vm0, v8  }
0x138: {  	v7 =	vld [tilespmem:s19+$0x7170];
	_ =	sdelay $0x4  }
0x139: {  	vm0 =	vgt.s32 v7, v6  }
0x13a: {  	v7 =	vmpcnt.ones.xlane vm0;
	_ =	sdelay $0x1  }
0x13b: {  	v7 =	vxor.u32 $0x80000000, v7  }
0x13c: {  	(xrf0) =	vmax.scan.msk.u32 $0xffff, v7;
	_ =	sdelay $0x5  }
0x13d: {  	v7, _, _ =	vpop (xrf0)  }
0x13e: {  	(v2sf) =	vpush v7, $0xF;
	_ =	sdelay $0xa  }
0x13f: {  	v7 =	vld [tilespmem:s19+$0x6150]  }
0x140: {  	v8 =	vld [tilespmem:s19+$0x6960]  }
.Ltmp16:
0x141: {  	s18 =	spop (v2sf);
	(pc) =	sbr.rel .LBB2_28-.Ltmp16, $4  }
0x142: {  	s17 =	sadd.s32 s18, s17  }
0x143: {  	v9 =	vshra.s32 v6, $0x1F;
	s17 =	sadd.s32 $0x80000000, s17;
	s31 =	spop (v2sf)  }
0x144: {  	[tilespmem:s17+$0x6150] =	vst.msk vm0, v7;
	v7 =	vand.u32 $0x7FFFFFFF, v9;
	s18 =	sadd.s32 s31, s17  }
0x145: {  	[tilespmem:s17+$0x6960] =	vst.msk vm0, v8;
	v6 =	vxor.u32 v6, v7;
	s17 =	sadd.s32 $0x80000000, s18  }
.LBB2_17:
.Ltmp17:
0x146: {  	(pc) =	sbr.rel .LBB2_21-.Ltmp17, $2  }
0x147: {  	_ =	sdelay $0x2  }
0x148: {  	s19 =	simm.s32 $0x0;
	s20 =	simm.s32 $0x7170  }
.LBB2_19:
.Ltmp18:
0x149: {  	(pc) =	sbr.rel .LBB2_21-.Ltmp18, $2  }
0x14a: {  	_ =	sdelay $0x2  }
0x14b: {  	s20 =	simm.s32 $0x7170  }
.LBB2_29:
0x14c: {  	v7 =	vld [tilespmem:$0x6140];
	_ =	sdelay $0x4  }
0x14d: {  	vm0 =	vgt.f32 v7, v6  }
0x14e: {  	v6 =	vmpcnt.ones.xlane vm0;
	_ =	sdelay $0x1  }
0x14f: {  	v6 =	vxor.u32 $0x80000000, v6  }
0x150: {  	(xrf0) =	vmax.scan.msk.u32 $0xffff, v6;
	_ =	sdelay $0x5  }
0x151: {  	v6, _, _ =	vpop (xrf0)  }
0x152: {  	(v2sf) =	vpush v6, $0xF;
	_ =	sdelay $0xe  }
0x153: {  	s16 =	spop (v2sf)  }
0x154: {  	s16 =	sadd.s32 s16, s17  }
0x155: {  	s18 =	sadd.s32 $0x80000000, s16  }
0x156: {  	p0 =	slt.s32 s18, $0x201  }
.Ltmp19:
0x157: {  	_ = 	snop;
	(pc) =	sbr.rel @p0 .LBB2_42-.Ltmp19, $3  }
0x158: {  	_ =	sdelay $0x1  }
0x159: {  	[tilespmem:s17+$0x6150] =	vst.msk vm0, v7  }
0x15a: {  	[tilespmem:s17+$0x6960] =	vst.msk vm0, v2  }
0x15b: {  	p1 =	por $0x0, $0x0  }
.Ltmp20:
0x15c: {  	_ = 	snop;
	(pc) =	sbr.rel @p1 .LBB2_31-.Ltmp20, $3  }
0x15d: {  	_ =	sdelay $0x1  }
0x15e: {  	s16 =	simm.s32 $0x0;
	s19 =	simm.s32 $0x6150  }
0x15f: {  	v6 =	vmov s18;
	s17 =	simm.s32 $0x7170;
	s18 =	simm.s32 $0x10;
	p0 =	por $0x0, $0x0;
	v7 =	vld [tilespmem:s19+$0x0]  }
0x160: {  	_ =	sdelay $0x3  }
0x161: {  	p1 =	por $0x0, $0x0;
	v8 =	vshra.s32 v7, $0x1F  }
.Ltmp21:
0x162: {  	v9 =	vor.u32 s16, v0;
	v8 =	vand.u32 $0x7FFFFFFF, v8;
	(pc) =	sbr.rel @p1 .LBB2_33-.Ltmp21, $4  }
0x163: {  	vm0 =	vlt.s32 v9, v6;
	v7 =	vxor.u32 v7, v8  }
0x164: {  	v7 =	vnsel vm0, $0x80000000, v7  }
0x165: {  	s20 =	simm.s32 $0x6160;
	[tilespmem:s17+$0x0] =	vst v7  }
0x166: {  	s21 =	simm.s32 $0x20;
	p0 =	por $0x1, $0x1;
	s19 =	simm.s32 $0x7170;
	v7 =	vld [tilespmem:s20+$0x0]  }
.LBB2_34:
0x167: {  	p1 =	seq.s32 s21, $0x800;
	_ =	sdelay $0x3  }
0x168: {  	v8 =	vshra.s32 v7, $0x1F  }
.Ltmp22:
0x169: {  	v9 =	vor.u32 s18, v0;
	s18 =	smov.u32 s21;
	v8 =	vand.u32 $0x7FFFFFFF, v8;
	(pc) =	sbr.rel @!p1 .LBB2_34-.Ltmp22, $4  }
0x16a: {  	vm0 =	vlt.s32 v9, v6;
	v7 =	vxor.u32 v7, v8  }
0x16b: {  	s19 =	sadd.s32 $0x10, s19;
	v7 =	vnsel vm0, $0x80000000, v7  }
0x16c: {  	s20 =	sadd.s32 $0x10, s20;
	[tilespmem:s19+$0x0] =	vst v7  }
0x16d: {  	s21 =	sadd.s32 $0x10, s21;
	v7 =	vld [tilespmem:s20+$0x0]  }
.LBB2_35:
0x16e: {  	_ =	sdelay $0x3  }
0x16f: {  	v8 =	vshra.s32 v7, $0x1F  }
0x170: {  	v9 =	vor.u32 s18, v0;
	v8 =	vand.u32 $0x7FFFFFFF, v8  }
0x171: {  	s18 =	sadd.s32 @p0 $0x10, s19;
	vm0 =	vlt.s32 v9, v6;
	v7 =	vxor.u32 v7, v8  }
0x172: {  	s17 =	smov.u32 @p0 s18;
	v6 =	vnsel vm0, $0x80000000, v7  }
0x173: {  	s18 =	simm.s32 $0x7F800000;
	[tilespmem:s17+$0x0] =	vst v6;
	s17 =	simm.s32 $0x807FFFFF  }
.LBB2_36:
0x174: {  	s19 =	ssub.s32 s18, s17  }
0x175: {  	s21 =	simm.s32 $0x0;
	s19 =	sshrl.u32 s19, $0x1  }
0x176: {  	v8 =	vld [tilespmem:s21+$0x7170];
	s19 =	sadd.s32 s17, s19  }
0x177: {  	v6 =	vimm.s32 $0x0;
	s20 =	simm.s32 $0x40;
	v7 =	vmov s19  }
.LBB2_37:
0x178: {  	p0 =	sne.s32 s20, $0x2000  }
.Ltmp23:
0x179: {  	_ = 	snop;
	(pc) =	sbr.rel @p0 .LBB2_37-.Ltmp23, $4  }
0x17a: {  	_ = 	snop  }
0x17b: {  	s21 =	sshra.s32 s20, $0x2;
	s20 =	sadd.s32 $0x40, s20;
	vm0 =	vgt.s32 v8, v7  }
0x17c: {  	v8 =	vld [tilespmem:s21+$0x7170];
	v9 =	vsel vm0, $0x1, v4  }
0x17d: {  	v6 =	vadd.s32 v9, v6  }
0x17e: {  	_ =	sdelay $0x2  }
0x17f: {  	vm0 =	vgt.s32 v8, v7  }
0x180: {  	v7 =	vsel vm0, $0x1, v4  }
0x181: {  	v6 =	vadd.s32 v7, v6  }
0x182: {  	(xrf0) =	vadd.scan.msk.s32 $0xffff, v6;
	_ =	sdelay $0x5  }
0x183: {  	v6, _, _ =	vpop (xrf0)  }
0x184: {  	(v2sf) =	vpush v6, $0xF;
	_ =	sdelay $0xe  }
0x185: {  	s20 =	spop (v2sf)  }
0x186: {  	s16 =	sadd.s32 $0x1, s16;
	p0 =	sgt.s32 s20, $0xFF  }
0x187: {  	s17 =	smov.u32 @p0 s19;
	s19 =	smov.u32 @p0 s18;
	p0 =	seq.s32 s16, $0x14  }
.Ltmp24:
0x188: {  	_ = 	snop;
	(pc) =	sbr.rel @!p0 .LBB2_36-.Ltmp24, $2  }
0x189: {  	_ =	sdelay $0x2  }
0x18a: {  	s18 =	smov.u32 s19  }
0x18b: {  	s31 =	simm.s32 $0x0  }
0x18c: {  	v7 =	vld [tilespmem:s31+$0x7170];
	_ =	sdelay $0x3  }
0x18d: {  	v6 =	vmov s17  }
0x18e: {  	vm0 =	vgt.s32 v7, v6  }
0x18f: {  	v7 =	vmpcnt.ones.xlane vm0;
	_ =	sdelay $0x1  }
0x190: {  	v7 =	vxor.u32 $0x80000000, v7  }
0x191: {  	(xrf0) =	vmax.scan.msk.u32 $0xffff, v7;
	_ =	sdelay $0x1  }
0x192: {  	v7 =	vld [tilespmem:s31+$0x6150]  }
0x193: {  	v8 =	vld [tilespmem:s31+$0x6960];
	_ =	sdelay $0x2  }
0x194: {  	s16 =	simm.s32 $0x0;
	v9, _, _ =	vpop (xrf0)  }
0x195: {  	[tilespmem:s16+$0x6150] =	vst.msk vm0, v7;
	(v2sf) =	vpush v9, $0xF  }
0x196: {  	s18 =	simm.s32 $0x10;
	s17 =	simm.s32 $0x80;
	[tilespmem:s16+$0x6960] =	vst.msk vm0, v8  }
.LBB2_40:
0x197: {  	p0 =	sne.s32 s17, $0x2000;
	v7 =	vld [tilespmem:s18+$0x7170];
	_ =	sdelay $0x4  }
0x198: {  	vm0 =	vgt.s32 v7, v6  }
0x199: {  	v7 =	vmpcnt.ones.xlane vm0;
	_ =	sdelay $0x1  }
0x19a: {  	v7 =	vxor.u32 $0x80000000, v7  }
0x19b: {  	(xrf0) =	vmax.scan.msk.u32 $0xffff, v7;
	_ =	sdelay $0x1  }
0x19c: {  	v7 =	vld [tilespmem:s18+$0x6150]  }
0x19d: {  	v8 =	vld [tilespmem:s18+$0x6960]  }
.Ltmp25:
0x19e: {  	s18 =	spop (v2sf);
	(pc) =	sbr.rel @p0 .LBB2_40-.Ltmp25, $4  }
0x19f: {  	s16 =	sadd.s32 s18, s16  }
0x1a0: {  	v9, _, _ =	vpop (xrf0);
	s16 =	sadd.s32 $0x80000000, s16  }
0x1a1: {  	[tilespmem:s16+$0x6150] =	vst.msk vm0, v7;
	(v2sf) =	vpush v9, $0xF  }
0x1a2: {  	s18 =	sshra.s32 s17, $0x2;
	s17 =	sadd.s32 $0x40, s17;
	[tilespmem:s16+$0x6960] =	vst.msk vm0, v8  }
0x1a3: {  	v7 =	vld [tilespmem:s18+$0x7170];
	_ =	sdelay $0x4  }
0x1a4: {  	vm0 =	vgt.s32 v7, v6  }
0x1a5: {  	v6 =	vmpcnt.ones.xlane vm0;
	_ =	sdelay $0x1  }
0x1a6: {  	v6 =	vxor.u32 $0x80000000, v6  }
0x1a7: {  	(xrf0) =	vmax.scan.msk.u32 $0xffff, v6;
	_ =	sdelay $0x5  }
0x1a8: {  	v6, _, _ =	vpop (xrf0)  }
0x1a9: {  	(v2sf) =	vpush v6, $0xF;
	_ =	sdelay $0xa  }
0x1aa: {  	v6 =	vld [tilespmem:s18+$0x6150]  }
0x1ab: {  	v7 =	vld [tilespmem:s18+$0x6960]  }
0x1ac: {  	s17 =	spop (v2sf)  }
0x1ad: {  	s16 =	sadd.s32 s17, s16  }
0x1ae: {  	s16 =	sadd.s32 $0x80000000, s16;
	s31 =	spop (v2sf)  }
0x1af: {  	[tilespmem:s16+$0x6150] =	vst.msk vm0, v6;
	s17 =	sadd.s32 s31, s16  }
0x1b0: {  	[tilespmem:s16+$0x6960] =	vst.msk vm0, v7;
	s18 =	sadd.s32 $0x80000000, s17  }
.LBB2_42:
0x1b1: {  	s17 =	simm.s32 $0x6150  }
0x1b2: {  	s16 =	simm.s32 $0x6960;
	v8 =	vld [tilespmem:s17+$0x0]  }
0x1b3: {  	v6 =	vmov s18;
	s18 =	simm.s32 $0x0;
	s19 =	simm.s32 $0x10;
	v7 =	vld [tilespmem:s16+$0x0]  }
.LBB2_43:
0x1b4: {  	p0 =	sne.s32 s19, $0x1F0  }
0x1b5: {  	v9 =	vor.u32 s18, v0;
	s18 =	smov.u32 s19  }
0x1b6: {  	vm0 =	vlt.s32 v9, v6  }
.Ltmp26:
0x1b7: {  	v9 =	vadd.s32 v3, v9;
	v8 =	vnsel vm0, $0xF149F2CA, v8;
	(pc) =	sbr.rel @p0 .LBB2_43-.Ltmp26, $4  }
0x1b8: {  	[tilespmem:s17+$0x0] =	vst v8;
	v7 =	vsel vm0, v7, v9  }
0x1b9: {  	s17 =	sadd.s32 $0x10, s17;
	[tilespmem:s16+$0x0] =	vst v7  }
0x1ba: {  	s16 =	sadd.s32 $0x10, s16;
	v8 =	vld [tilespmem:s17+$0x0]  }
0x1bb: {  	s19 =	sadd.s32 $0x10, s19;
	v7 =	vld [tilespmem:s16+$0x0]  }
0x1bc: {  	_ = 	snop  }
0x1bd: {  	v9 =	vor.u32 s18, v0  }
0x1be: {  	vm0 =	vlt.s32 v9, v6  }
0x1bf: {  	v63 =	vadd.s32 v3, v9;
	v6 =	vnsel vm0, $0xF149F2CA, v8  }
0x1c0: {  	[tilespmem:s17+$0x0] =	vst v6;
	v6 =	vsel vm0, v7, v63  }
0x1c1: {  	[tilespmem:s16+$0x0] =	vst v6  }
0x1c2: {  	[hbm4b:s7+s2] =	stream.linear.scatter [tilespmem:s13], [sflag:$0x1], $0x200, $0x38;
	[tilespmem:$0x7B80] =	vst v63  }
0x1c3: {  	_ =	swait.ge [sflag:s10], $0x200  }
0x1c4: {  	s15 =	sadd.s32 $0x1, s15;
	[sflag:s10] =	ssyncset.done $0x0  }
0x1c5: {  	p0 =	sne.s32 s15, s9;
	[sflag:s10] =	ssyncadd.s32 $0xFFFFFE00  }
0x1c6: {  	[hbm4b:s8+s2] =	stream.linear.scatter [tilespmem:s14], [sflag:$0x1], $0x200, $0x38;
	[tilespmem:$0x7B80] =	vst v63  }
.Ltmp27:
0x1c7: {  	_ = 	snop;
	(pc) =	sbr.rel @p0 .LBB2_1-.Ltmp27, $4  }
.Ltmp28:
0x1c8: {  	_ = 	snop;
	(pc) =	sbr.rel @!p0 .LBB2_45-.Ltmp28, $4  }
0x1c9: {  	_ =	swait.ge [sflag:s10], $0x200  }
0x1ca: {  	[sflag:s10] =	ssyncset.done $0x0  }
0x1cb: {  	[sflag:s10] =	ssyncadd.s32 $0xFFFFFE00  }
0x1cc: {  	_ = 	snop  }
.LBB2_4:
.Ltmp29:
0x1cd: {  	(pc) =	sbr.rel .LBB2_8-.Ltmp29, $2  }
0x1ce: {  	_ =	sdelay $0x2  }
0x1cf: {  	s18 =	simm.s32 $0x0;
	s19 =	simm.s32 $0x7170  }
.LBB2_6:
.Ltmp30:
0x1d0: {  	(pc) =	sbr.rel .LBB2_8-.Ltmp30, $2  }
0x1d1: {  	_ =	sdelay $0x2  }
0x1d2: {  	s19 =	simm.s32 $0x7170  }
.LBB2_31:
.Ltmp31:
0x1d3: {  	(pc) =	sbr.rel .LBB2_35-.Ltmp31, $2  }
0x1d4: {  	_ =	sdelay $0x2  }
0x1d5: {  	s18 =	simm.s32 $0x0;
	s19 =	simm.s32 $0x7170  }
.LBB2_33:
.Ltmp32:
0x1d6: {  	(pc) =	sbr.rel .LBB2_35-.Ltmp32, $2  }
0x1d7: {  	_ =	sdelay $0x2  }
0x1d8: {  	s19 =	simm.s32 $0x7170  }
.LBB2_45:
0x1d9: {  	_ =	sfence.sel $0x180000  }
0x1da: {  	[bflag:$0x0] =	sbarrier.arrive $0xFFFF  }
0x1db: {  	p0 =	sne.s32 s0, $0x0;
	_ =	strace $0x9000004A  }
0x1dc: {  	s0 =	sadd.s32 @!p0 $0x100000, s1;
	[bflag:$0x2] =	sbarrier.arrive $0xFFFF  }
0x1dd: {  	[sflag:s0] =	ssyncadd.tile.s32 @!p0 $0x1;
	_ =	shalt  }
.Lfunc_end2:
_tile_overlayer_lowered:
.L_overlay_start_2:
0x1de: {  	(tag) =	ssettag $0x2  }
0x1df: {  	s0 =	rddreg [dreg:$0x0];
	s2 =	stileid.u32  }
0x1e0: {  	s1 =	rddreg [dreg:$0x1];
	p0 =	sne.s32 s2, $0x0  }
0x1e1: {  	s3 =	rddreg [dreg:$0x2];
	[bflag:$0x3] =	sbarrier.arrive $0xFFFF;
	s2 =	simm.s32 @!p0 $0x1C01  }
0x1e2: {  	[timem:s3], [sflag:s2] =	dma.local @!p0 [hbm:s0], s1  }
0x1e3: {  	s0 =	simm.s32 @!p0 $0x1  }
0x1e4: {  	_ =	swait.ge @!p0 [sflag:s0], s1  }
0x1e5: {  	s1 =	ssub.s32 @!p0 $0x0, s1;
	[sflag:s0] =	ssyncset.done @!p0 $0x0  }
0x1e6: {  	[sflag:s0] =	ssyncadd.s32 @!p0 s1  }
0x1e7: {  	[bflag:$0x3] =	sbarrier.arrive $0xFFFF  }
0x1e8: {  	_ =	shalt  }

// kernel: kernel.7.cloned.1.call-start
scs
__scs_entry_jumppad:
0x0: {  	(pc) =	sbr.rel $0x88, $3  }
0x1: {  	(tag) =	ssettag $0x0;
	lr =	simm.s32 $0x1  }
0x2: {  	[smem:$0x3F99] =	sst lr;
	_ =	strace $0xD0000000  }
0x3: {  	_ = 	snop  }
0x4: {  	_ = 	snop  }
0x5: {  	_ = 	snop  }
0x6: {  	_ = 	snop  }
0x7: {  	_ = 	snop  }
__scs_overlays_trampoline_lowered:
0x8: {  	[smem:$0x3FA8] =	sst s0  }
0x9: {  	[smem:$0x3FA9] =	sst s1  }
0xa: {  	[smem:$0x3FAA] =	sst s2  }
0xb: {  	[smem:$0x3FAB] =	sst s3  }
0xc: {  	[smem:$0x3FAC] =	sst s4  }
0xd: {  	[smem:$0x3FAD] =	sst s5  }
0xe: {  	[smem:$0x3FAE] =	sst s6  }
0xf: {  	[smem:$0x3FAF] =	sst s7  }
0x10: {  	[smem:$0x3FB0] =	sst s8  }
0x11: {  	[smem:$0x3FB1] =	sst s9;
	s0 =	simm.s32 @!p0 $0x0  }
0x12: {  	s1 =	sld [smem:$0x3F97];
	s0 =	simm.s32 @p0 $0x1  }
0x13: {  	[smem:$0x3FB2] =	sst s0;
	s0 =	simm.s32 @!p1 $0x0  }
0x14: {  	s2 =	sld [smem:$0x3F96];
	s0 =	simm.s32 @p1 $0x1  }
0x15: {  	[smem:$0x3FB3] =	sst s0;
	s0 =	simm.s32 @!p2 $0x0  }
0x16: {  	s3 =	sld [smem:$0x3FDB];
	s0 =	simm.s32 @p2 $0x1  }
0x17: {  	s4 =	simm.s32 $0x1BF5;
	[smem:$0x3FB5] =	sst s0  }
0x18: {  	s0 =	sld [smem:$0x3F98];
	_ =	swait.ge [sflag:s4], $0x0  }
0x19: {  	s7 =	sld [smem:$0x3F99]  }
0x1a: {  	s8 =	sadd.s32 $0xFFFFE003, lr  }
0x1b: {  	s9 =	sadd.s32 $0xFFFFFEF7, lr;
	s5 =	simm.s32 $0xFFFFFFFF;
	p2 =	slt.u32 s8, $0xFFFFF086  }
0x1c: {  	p1 =	slt.u32 s9, $0xF7A;
	s5 =	simm.s32 @!p2 $0x0  }
0x1d: {  	s5 =	simm.s32 @p1 $0x1;
	p0 =	seq.s32 s7, s2  }
0x1e: {  	s7 =	smul.u32 @!p0 $0xF7A, s2;
	p2 =	seq.s32 @!p0 s5, $0x0  }
0x1f: {  	s9 =	smul.u32 $0xF7A, s1;
	s8 =	simm.s32 @!p0 $0x1BF5;
	p2 =	por !p2, p0  }
0x20: {  	[sflag:s8] =	ssyncset.s32 @!p0 $0xFFFFF086;
	s6 =	sadd.s32 @!p0 s3, s7;
	s7 =	simm.s32 @!p0 $0x108  }
0x21: {  	s3 =	sadd.s32 s3, s9;
	s6 =	sadd.s32 @!p0 $0x88, s6;
	s7 =	simm.s32 @p2 $0x1082  }
0x22: {  	[simem:s7], [sflag:s8] =	dma.local @!p0 [hbm:s6], $0xF7A  }
0x23: {  	s9 =	sor.u32 $0xD0000000, s2;
	s6 =	simm.s32 $0x108;
	_ =	swait.ge @!p0 [sflag:s8], $0x0  }
0x24: {  	s3 =	sadd.s32 $0x88, s3;
	s6 =	simm.s32 @!p1 $0x1082;
	[sflag:s4] =	ssyncset.s32 $0xFFFFF086  }
0x25: {  	[simem:s6], [sflag:s4] =	dma.local [hbm:s3], $0xF7A  }
0x26: {  	[smem:$0x3F99] =	sst s1;
	(tag) =	ssettag s2;
	_ =	strace s9  }
0x27: {  	s1 =	sld [smem:$0x3FA9]  }
0x28: {  	s2 =	sld [smem:$0x3FAA]  }
0x29: {  	s4 =	sld [smem:$0x3FAC]  }
0x2a: {  	p0 =	seq.s32 s5, $0x0;
	s5 =	sld [smem:$0x3FAD]  }
0x2b: {  	s6 =	sld [smem:$0x3FAE]  }
0x2c: {  	s7 =	sld [smem:$0x3FAF]  }
0x2d: {  	s3 =	simm.s32 $0x108;
	s8 =	sld [smem:$0x3FB0]  }
0x2e: {  	s3 =	simm.s32 @!p0 $0x1082;
	s9 =	sld [smem:$0x3FB1]  }
0x2f: {  	lr =	sadd.s32 s0, s3;
	s0 =	sld [smem:$0x3FA8]  }
0x30: {  	s3 =	sld [smem:$0x3FAB]  }
0x31: {  	[smem:$0x3FB4] =	sst s10  }
0x32: {  	s10 =	sld [smem:$0x3FB2];
	_ =	sdelay $0x3  }
0x33: {  	p0 =	seq.s32 s10, $0x1;
	s10 =	sld [smem:$0x3FB4];
	_ =	sdelay $0x3  }
0x34: {  	[smem:$0x3FB4] =	sst s10  }
0x35: {  	s10 =	sld [smem:$0x3FB3];
	_ =	sdelay $0x3  }
0x36: {  	p1 =	seq.s32 s10, $0x1;
	s10 =	sld [smem:$0x3FB4];
	_ =	sdelay $0x3  }
0x37: {  	[smem:$0x3FB4] =	sst s10  }
0x38: {  	s10 =	sld [smem:$0x3FB5]  }
0x39: {  	_ = 	snop;
	(pc) =	sbr.ind lr, $3  }
0x3a: {  	_ = 	snop  }
0x3b: {  	_ = 	snop  }
0x3c: {  	p2 =	seq.s32 s10, $0x1;
	s10 =	sld [smem:$0x3FB4]  }
0x3d: {  	_ =	shalt  }
0x3e: {  	_ =	shalt  }
0x3f: {  	_ =	shalt  }
0x40: {  	_ =	shalt  }
0x41: {  	_ =	shalt  }
0x42: {  	_ =	shalt  }
0x43: {  	_ =	shalt  }
0x44: {  	_ =	shalt  }
0x45: {  	_ =	shalt  }
0x46: {  	_ =	shalt  }
0x47: {  	_ =	shalt  }
0x48: {  	_ =	shalt  }
0x49: {  	_ =	shalt  }
0x4a: {  	_ =	shalt  }
0x4b: {  	_ =	shalt  }
0x4c: {  	_ =	shalt  }
0x4d: {  	_ =	shalt  }
0x4e: {  	_ =	shalt  }
0x4f: {  	_ =	shalt  }
0x50: {  	_ =	shalt  }
0x51: {  	_ =	shalt  }
0x52: {  	_ =	shalt  }
0x53: {  	_ =	shalt  }
0x54: {  	_ =	shalt  }
0x55: {  	_ =	shalt  }
0x56: {  	_ =	shalt  }
0x57: {  	_ =	shalt  }
0x58: {  	_ =	shalt  }
0x59: {  	_ =	shalt  }
0x5a: {  	_ =	shalt  }
0x5b: {  	_ =	shalt  }
0x5c: {  	_ =	shalt  }
0x5d: {  	_ =	shalt  }
0x5e: {  	_ =	shalt  }
0x5f: {  	_ =	shalt  }
0x60: {  	_ =	shalt  }
0x61: {  	_ =	shalt  }
0x62: {  	_ =	shalt  }
0x63: {  	_ =	shalt  }
0x64: {  	_ =	shalt  }
0x65: {  	_ =	shalt  }
0x66: {  	_ =	shalt  }
0x67: {  	_ =	shalt  }
0x68: {  	_ =	shalt  }
0x69: {  	_ =	shalt  }
0x6a: {  	_ =	shalt  }
0x6b: {  	_ =	shalt  }
0x6c: {  	_ =	shalt  }
0x6d: {  	_ =	shalt  }
0x6e: {  	_ =	shalt  }
0x6f: {  	_ =	shalt  }
0x70: {  	_ =	shalt  }
0x71: {  	_ =	shalt  }
0x72: {  	_ =	shalt  }
0x73: {  	_ =	shalt  }
0x74: {  	_ =	shalt  }
0x75: {  	_ =	shalt  }
0x76: {  	_ =	shalt  }
0x77: {  	_ =	shalt  }
0x78: {  	_ =	shalt  }
0x79: {  	_ =	shalt  }
0x7a: {  	_ =	shalt  }
0x7b: {  	_ =	shalt  }
0x7c: {  	_ =	shalt  }
0x7d: {  	_ =	shalt  }
0x7e: {  	_ =	shalt  }
0x7f: {  	_ =	shalt  }
0x80: {  	_ =	shalt  }
0x81: {  	_ =	shalt  }
0x82: {  	_ =	shalt  }
0x83: {  	_ =	shalt  }
0x84: {  	_ =	shalt  }
0x85: {  	_ =	shalt  }
0x86: {  	_ =	shalt  }
0x87: {  	_ =	shalt  }
.Lfunc_end0:
.L_simem_size_0:
called_computation_lowered:
.L_overlay_start_0:
0x88: {  	s2 =	sld [smem:$0x3FD9]  }
0x89: {  	s3 =	sld [smem:$0x3FFE];
	_ =	sdelay $0x1  }
0x8a: {  	s1 =	srdreg.scid  }
0x8b: {  	s0 =	sand.u32 $0x1, s1  }
0x8c: {  	s16 =	sshll.u32 s0, $0xA;
	s2 =	sadd.s32 s3, s2  }
0x8d: {  	s2 =	sadd.s32 s2, s16  }
0x8e: {  	[smem:$0x3FC0] =	sst s2  }
0x8f: {  	_ = 	snop  }
0x90: {  	(tm) =	ssettm $0x1  }
0x91: {  	s17 =	sld [smem:$0x3FFB];
	_ =	sdelay $0x3  }
0x92: {  	_ =	strace s17  }
0x93: {  	s2 =	sld [smem:$0x3FFC];
	_ =	sdelay $0x3  }
0x94: {  	_ =	strace s2  }
0x95: {  	s2 =	sld [smem:$0x3FFD];
	_ =	sdelay $0x3  }
0x96: {  	_ =	strace s2  }
0x97: {  	_ =	strace $0x8FFFFFFF  }
0x98: {  	s18 =	sld [smem:$0x3FDB];
	_ =	sdelay $0x1  }
0x99: {  	s19 =	simm.s32 $_scs_section_size  }
0x9a: {  	s4 =	simm.s32 $_size__tile_overlayer_lowered;
	s5 =	simm.s32 $_tile_overlayer_lowered  }
0x9b: {  	s22 =	simm.s32 $0x1BFF;
	s21 =	sshll.u32 s5, $0x1;
	s2 =	sadd.s32 s19, s18  }
0x9c: {  	s6 =	simm.s32 $0x0;
	s20 =	sshll.u32 s4, $0x1;
	s4 =	sadd.s32 s21, s2  }
0x9d: {  	[timem:s6], [sflag:s22] =	dma.local [hbm:s4], s20  }
0x9e: {  	_ =	swait.ge [sflag:s22], s20  }
0x9f: {  	s3 =	ssub.s32 $0x0, s20;
	[sflag:s22] =	ssyncset.done $0x0  }
0xa0: {  	[sflag:s22] =	ssyncadd.s32 s3;
	_ =	sdelay $0x1  }
0xa1: {  	s23 =	simm.s32 $0x1B8B  }
0xa2: {  	_ =	swait.ge [sflag:s23], $0x1  }
0xa3: {  	[sflag:s23] =	ssyncset.done $0x0  }
0xa4: {  	s25 =	simm.s32 $0x1B8E;
	s24 =	sld [smem:$0x3FFE];
	[sflag:s23] =	ssyncadd.s32 $0xFFFFFFFF  }
0xa5: {  	s26 =	simm.s32 $execute0_lowered;
	[smem:$0x3FD2] =	sst s25  }
0xa6: {  	s4 =	sshll.u32 s26, $0x1;
	_ =	strace $0x80000046;
	[dreg:$0x1] =	wrdreg $0xFFFFFFFF  }
0xa7: {  	s28 =	simm.s32 $_size_execute0_lowered;
	s2 =	sadd.s32 s2, s4;
	[dreg:$0x0] =	wrdreg $0x0  }
0xa8: {  	s4 =	sshll.u32 s28, $0x1;
	[dreg:$0x2] =	wrdreg s2  }
0xa9: {  	[dreg:$0x3] =	wrdreg s4  }
0xaa: {  	[dreg:$0x4] =	wrdreg $0xC0  }
0xab: {  	_ =	task [dreg:s6], $0x5FFFF  }
0xac: {  	[dreg:$0x1] =	wrdreg $0xFFFFFFFF  }
0xad: {  	[dreg:$0x0] =	wrdreg $0x60  }
0xae: {  	[dreg:$0x2] =	wrdreg s24  }
0xaf: {  	[dreg:$0x3] =	wrdreg $0x9  }
0xb0: {  	_ =	task.clear_ibuf [dreg:s6], $0x4FFFF;
	_ =	strace $0x90000046  }
0xb1: {  	s29 =	simm.s32 $0x9;
	_ =	strace $0x80000048  }
0xb2: {  	_ =	swait.ge [sflag:s29], $0x1  }
0xb3: {  	[sflag:s29] =	ssyncadd.s32 $0xFFFFFFFF  }
0xb4: {  	_ =	strace $0x90000048  }
0xb5: {  	_ =	sfence  }
0xb6: {  	s30 =	sld [smem:$0x0];
	_ =	sdelay $0x2  }
0xb7: {  	s31 =	sshll.u32 s1, $0xD;
	s1 =	sshrl.u32 s1, $0x2  }
0xb8: {  	s3 =	sand.u32 $0x4000, s31;
	s1 =	sadd.s32 s1, s30  }
0xb9: {  	s0 =	sor.u32 s3, s0;
	s1 =	sshll.u32 s1, $0x11  }
0xba: {  	s0 =	sor.u32 s1, s0  }
0xbb: {  	s0 =	sadd.s32 $0x8F2B, s0  }
0xbc: {  	[sflag:s0] =	ssyncadd.remote.s32 $0x1  }
0xbd: {  	_ =	sfence.sel $0xFFFF  }
0xbe: {  	[dreg:$0x0] =	wrdreg $0xFFFFFFFF;
	(pc) =	sbr.abs _section_cstart, $3  }
0xbf: {  	[dreg:$0x1] =	wrdreg $0xFFFFFFFF  }
0xc0: {  	_ =	task.clear_ibuf [dreg:s6], $0x2FFFF;
	_ =	strace $0x9FFFFFFF  }
0xc1: {  	(tm) =	ssettm $0x7FFFFFFF  }
tec
execute0_lowered:
.L_overlay_start_1:
0x0: {  	(tag) =	ssettag $0x1  }
0x1: {  	s0 =	srdreg.scid;
	s4 =	rddreg [dreg:$0x0]  }
0x2: {  	s1 =	stileid.u32;
	s3 =	simm.s32 $0x0;
	s12 =	simm.s32 $0x7B30  }
0x3: {  	s13 =	simm.s32 $0x6200;
	s14 =	simm.s32 $0x6A10;
	s15 =	simm.s32 $0x0  }
0x4: {  	s5 =	sand.u32 $0x1, s0;
	s0 =	rddreg [dreg:$0x1];
	s6 =	smul.u32 $0xC400, s1  }
0x5: {  	[smem:$0x7FF] =	sst s3;
	s7 =	sshll.u32 s1, $0x5;
	s8 =	sshll.u32 s1, $0x1  }
0x6: {  	s2 =	smul.u32 $0x6200, s5;
	_ =	strace $0x80000047;
	s7 =	sadd.s32 s7, s4  }
0x7: {  	s8 =	sor.u32 s5, s8;
	s10 =	ssub.s32 $0x2, s5;
	s11 =	sshll.u32 s5, $0x9  }
0x8: {  	s9 =	sshll.u32 s8, $0x6;
	s8 =	sshll.u32 s8, $0x5;
	s31 =	sshrl.u32 s10, $0x1  }
0x9: {  	s5 =	sadd.s32 $0x1C00, s7;
	s11 =	sadd.s32 $0x186A0, s11;
	s6 =	sadd.s32 s2, s6  }
0xa: {  	s9 =	sadd.s32 s9, s4;
	s8 =	sadd.s32 s8, s4;
	s6 =	sshrl.u32 s6, $0x3  }
0xb: {  	s10 =	ssub.s32 s10, s31;
	v1 =	vmov s11;
	s11 =	simm.s32 $0x7A30;
	s6 =	sadd.s32 s6, s4  }
0xc: {  	v2 =	vlaneseq.u32;
	s7 =	sadd.s32 $0x1A600, s9;
	s4 =	sadd.s32 $0x1E00, s6;
	s6 =	sadd.s32 $0x1B600, s8  }
0xd: {  	v3 =	vimm.s32 $0x0;
	v4 =	vimm.f32 $0.0e+00;
	v0 =	vmov s2;
	s8 =	sadd.s32 $0x1AE00, s9;
	s9 =	smax.u32 s10, $0x1;
	s10 =	simm.s32 $0x1  }
.LBB2_1:
0xe: {  	[tilespmem:s3], [sflag:$0x1] =	stream.linear.gather [hbm4b:s4+s3], $0x6200, $0x38;
	[tilespmem:$0x7C30] =	vst v63  }
0xf: {  	_ =	swait.ge [sflag:s10], $0x6200  }
0x10: {  	[sflag:s10] =	ssyncset.done $0x0  }
0x11: {  	[sflag:s10] =	ssyncadd.s32 $0xFFFF9E00  }
0x12: {  	[tilespmem:s11], [sflag:$0x1] =	stream.linear.gather [hbm4b:s5+s3], $0x100, $0x38;
	[tilespmem:$0x7C30] =	vst v63  }
0x13: {  	_ =	swait.ge [sflag:s10], $0x100  }
0x14: {  	[sflag:s10] =	ssyncset.done $0x0  }
0x15: {  	[sflag:s10] =	ssyncadd.s32 $0xFFFFFF00  }
0x16: {  	v5 =	vld [tilespmem:$0x7A30];
	_ =	sdelay $0x4  }
0x17: {  	v5 =	vsub.s32 v5, v0  }
0x18: {  	v6 =	vld [tilespmem:$0x7A40];
	vm0 =	vgt.s32 v5, $0x0  }
0x19: {  	v5 =	vnsel vm0, $0x0, v5  }
0x1a: {  	v5 =	vmin.u32 v5, $0x61FF;
	_ =	sdelay $0x2  }
0x1b: {  	v6 =	vsub.s32 v6, v0  }
0x1c: {  	v7 =	vld [tilespmem:$0x7A50];
	vm13 =	vgt.s32 v6, $0x0  }
0x1d: {  	v6 =	vnsel vm13, $0x0, v6;
	v5 =	vld.idx.msk [tilespmem:v5+s3+$0x0], $0xffff  }
0x1e: {  	v6 =	vmin.u32 v6, $0x61FF;
	_ =	sdelay $0x2  }
0x1f: {  	v7 =	vsub.s32 v7, v0  }
0x20: {  	vm14 =	vgt.s32 v7, $0x0;
	[tilespmem:$0x7B30] =	vst v5;
	v5 =	vld [tilespmem:$0x7A60]  }
0x21: {  	v7 =	vnsel vm14, $0x0, v7;
	v6 =	vld.idx.msk [tilespmem:v6+s3+$0x0], $0xffff  }
0x22: {  	v7 =	vmin.u32 v7, $0x61FF;
	_ =	sdelay $0x2  }
0x23: {  	v5 =	vsub.s32 v5, v0  }
0x24: {  	[tilespmem:$0x7B40] =	vst v6;
	vm15 =	vgt.s32 v5, $0x0;
	v6 =	vld [tilespmem:$0x7A70]  }
0x25: {  	v7 =	vld.idx.msk [tilespmem:v7+s3+$0x0], $0xffff;
	v5 =	vnsel vm15, $0x0, v5  }
0x26: {  	v5 =	vmin.u32 v5, $0x61FF;
	_ =	sdelay $0x2  }
0x27: {  	v6 =	vsub.s32 v6, v0  }
0x28: {  	[tilespmem:$0x7B50] =	vst v7;
	vm4 =	vgt.s32 v6, $0x0;
	v7 =	vld [tilespmem:$0x7A80]  }
0x29: {  	v5 =	vld.idx.msk [tilespmem:v5+s3+$0x0], $0xffff;
	v6 =	vnsel vm4, $0x0, v6  }
0x2a: {  	v6 =	vmin.u32 v6, $0x61FF;
	_ =	sdelay $0x2  }
0x2b: {  	v7 =	vsub.s32 v7, v0  }
0x2c: {  	[tilespmem:$0x7B60] =	vst v5;
	vm5 =	vgt.s32 v7, $0x0;
	v5 =	vld [tilespmem:$0x7A90]  }
0x2d: {  	v6 =	vld.idx.msk [tilespmem:v6+s3+$0x0], $0xffff;
	v7 =	vnsel vm5, $0x0, v7  }
0x2e: {  	v7 =	vmin.u32 v7, $0x61FF;
	_ =	sdelay $0x2  }
0x2f: {  	v5 =	vsub.s32 v5, v0  }
0x30: {  	[tilespmem:$0x7B70] =	vst v6;
	vm6 =	vgt.s32 v5, $0x0;
	v6 =	vld [tilespmem:$0x7AA0]  }
0x31: {  	v7 =	vld.idx.msk [tilespmem:v7+s3+$0x0], $0xffff;
	v5 =	vnsel vm6, $0x0, v5  }
0x32: {  	v5 =	vmin.u32 v5, $0x61FF;
	_ =	sdelay $0x2  }
0x33: {  	v6 =	vsub.s32 v6, v0  }
0x34: {  	[tilespmem:$0x7B80] =	vst v7;
	vm7 =	vgt.s32 v6, $0x0;
	v7 =	vld [tilespmem:$0x7AB0]  }
0x35: {  	v5 =	vld.idx.msk [tilespmem:v5+s3+$0x0], $0xffff;
	v6 =	vnsel vm7, $0x0, v6  }
0x36: {  	v6 =	vmin.u32 v6, $0x61FF;
	_ =	sdelay $0x2  }
0x37: {  	v7 =	vsub.s32 v7, v0  }
0x38: {  	[tilespmem:$0x7B90] =	vst v5;
	vm8 =	vgt.s32 v7, $0x0;
	v5 =	vld [tilespmem:$0x7AC0]  }
0x39: {  	v6 =	vld.idx.msk [tilespmem:v6+s3+$0x0], $0xffff;
	v7 =	vnsel vm8, $0x0, v7  }
0x3a: {  	v7 =	vmin.u32 v7, $0x61FF;
	_ =	sdelay $0x2  }
0x3b: {  	v5 =	vsub.s32 v5, v0  }
0x3c: {  	[tilespmem:$0x7BA0] =	vst v6;
	vm9 =	vgt.s32 v5, $0x0;
	v6 =	vld [tilespmem:$0x7AD0]  }
0x3d: {  	v7 =	vld.idx.msk [tilespmem:v7+s3+$0x0], $0xffff;
	v5 =	vnsel vm9, $0x0, v5  }
0x3e: {  	v5 =	vmin.u32 v5, $0x61FF;
	_ =	sdelay $0x2  }
0x3f: {  	v6 =	vsub.s32 v6, v0  }
0x40: {  	[tilespmem:$0x7BB0] =	vst v7;
	vm10 =	vgt.s32 v6, $0x0;
	v7 =	vld [tilespmem:$0x7AE0]  }
0x41: {  	v5 =	vld.idx.msk [tilespmem:v5+s3+$0x0], $0xffff;
	v6 =	vnsel vm10, $0x0, v6  }
0x42: {  	v6 =	vmin.u32 v6, $0x61FF;
	_ =	sdelay $0x2  }
0x43: {  	v7 =	vsub.s32 v7, v0  }
0x44: {  	[tilespmem:$0x7BC0] =	vst v5;
	vm11 =	vgt.s32 v7, $0x0;
	v5 =	vld [tilespmem:$0x7AF0]  }
0x45: {  	v6 =	vld.idx.msk [tilespmem:v6+s3+$0x0], $0xffff;
	v7 =	vnsel vm11, $0x0, v7  }
0x46: {  	v7 =	vmin.u32 v7, $0x61FF;
	_ =	sdelay $0x2  }
0x47: {  	v5 =	vsub.s32 v5, v0  }
0x48: {  	[tilespmem:$0x7BD0] =	vst v6;
	vm12 =	vgt.s32 v5, $0x0;
	v6 =	vld [tilespmem:$0x7B00]  }
0x49: {  	v7 =	vld.idx.msk [tilespmem:v7+s3+$0x0], $0xffff;
	v5 =	vnsel vm12, $0x0, v5  }
0x4a: {  	v5 =	vmin.u32 v5, $0x61FF;
	_ =	sdelay $0x2  }
0x4b: {  	v6 =	vsub.s32 v6, v0  }
0x4c: {  	[tilespmem:$0x7BE0] =	vst v7;
	vm13 =	vgt.s32 v6, $0x0;
	v7 =	vld [tilespmem:$0x7B10]  }
0x4d: {  	v5 =	vld.idx.msk [tilespmem:v5+s3+$0x0], $0xffff;
	v6 =	vnsel vm13, $0x0, v6  }
0x4e: {  	v6 =	vmin.u32 v6, $0x61FF;
	_ =	sdelay $0x2  }
0x4f: {  	v7 =	vsub.s32 v7, v0  }
0x50: {  	[tilespmem:$0x7BF0] =	vst v5;
	vm14 =	vgt.s32 v7, $0x0;
	v5 =	vld [tilespmem:$0x7B20]  }
0x51: {  	v7 =	vnsel vm14, $0x0, v7;
	v6 =	vld.idx.msk [tilespmem:v6+s3+$0x0], $0xffff  }
0x52: {  	v7 =	vmin.u32 v7, $0x61FF;
	_ =	sdelay $0x2  }
0x53: {  	v5 =	vsub.s32 v5, v0  }
0x54: {  	[tilespmem:$0x7C00] =	vst v6;
	vm15 =	vgt.s32 v5, $0x0  }
0x55: {  	v5 =	vnsel vm15, $0x0, v5;
	v6 =	vld.idx.msk [tilespmem:v7+s3+$0x0], $0xffff  }
0x56: {  	v5 =	vmin.u32 v5, $0x61FF;
	_ =	sdelay $0x3  }
0x57: {  	[tilespmem:$0x7C10] =	vst v6  }
0x58: {  	v5 =	vld.idx.msk [tilespmem:v5+s3+$0x0], $0xffff;
	_ =	sdelay $0x4  }
0x59: {  	[tilespmem:$0x7C20] =	vst v5  }
0x5a: {  	[hbm4b:s6+s3] =	stream.linear.scatter [tilespmem:s12], [sflag:$0x1], $0x100, $0x38;
	[tilespmem:$0x7C30] =	vst v63  }
0x5b: {  	_ =	swait.ge [sflag:s10], $0x100  }
0x5c: {  	[sflag:s10] =	ssyncset.done $0x0  }
0x5d: {  	s16 =	simm.s32 $0x0;
	[sflag:s10] =	ssyncadd.s32 $0xFFFFFF00  }
0x5e: {  	v5 =	vld [tilespmem:s16+$0x0];
	_ =	sdelay $0x2  }
0x5f: {  	v6 =	vor.u32 s2, v2  }
0x60: {  	s17 =	simm.s32 $0x40;
	s18 =	sadd.s32 $0x10, s2;
	[tilespmem:s16+$0x6A10] =	vst v6  }
.LBB2_2:
0x61: {  	v6 =	vor.u32 s18, v2;
	p0 =	sne.s32 s17, $0x1FC0;
	[tilespmem:s16+$0x6200] =	vst v5;
	s16 =	sshra.s32 s17, $0x2;
	s17 =	sadd.s32 $0x40, s17  }
.Ltmp0:
0x62: {  	v5 =	vld [tilespmem:s16+$0x0];
	[tilespmem:s16+$0x6A10] =	vst v6;
	(pc) =	sbr.rel @p0 .LBB2_2-.Ltmp0, $2  }
0x63: {  	_ =	sdelay $0x2  }
0x64: {  	s18 =	sadd.s32 $0x10, s18  }
0x65: {  	p1 =	por $0x0, $0x0  }
.Ltmp1:
0x66: {  	_ = 	snop;
	(pc) =	sbr.rel @p1 .LBB2_4-.Ltmp1, $3  }
0x67: {  	_ =	sdelay $0x1  }
0x68: {  	[tilespmem:s16+$0x6200] =	vst v5;
	s16 =	simm.s32 $0x0;
	s18 =	simm.s32 $0x6200  }
0x69: {  	s17 =	simm.s32 $0x7220;
	p0 =	por $0x0, $0x0;
	v5 =	vld [tilespmem:s18+$0x0];
	s18 =	simm.s32 $0x10  }
0x6a: {  	_ =	sdelay $0x3  }
0x6b: {  	p1 =	por $0x0, $0x0;
	v6 =	vshra.s32 v5, $0x1F  }
.Ltmp2:
0x6c: {  	v6 =	vand.u32 $0x7FFFFFFF, v6;
	(pc) =	sbr.rel @p1 .LBB2_6-.Ltmp2, $4  }
0x6d: {  	p0 =	por $0x1, $0x1;
	v5 =	vxor.u32 v5, v6  }
0x6e: {  	v5 =	vpsel !p0, $0x80000000, v5  }
0x6f: {  	s20 =	simm.s32 $0x6210;
	[tilespmem:s17+$0x0] =	vst v5  }
0x70: {  	s21 =	simm.s32 $0x20;
	s19 =	simm.s32 $0x7220;
	p0 =	por $0x1, $0x1;
	v5 =	vld [tilespmem:s20+$0x0]  }
.LBB2_7:
0x71: {  	p1 =	seq.s32 s21, $0x800;
	_ =	sdelay $0x3  }
0x72: {  	v6 =	vshra.s32 v5, $0x1F  }
.Ltmp3:
0x73: {  	v6 =	vand.u32 $0x7FFFFFFF, v6;
	(pc) =	sbr.rel @!p1 .LBB2_7-.Ltmp3, $4  }
0x74: {  	p2 =	slt.u32 s18, $0x800;
	s18 =	smov.u32 s21;
	v5 =	vxor.u32 v5, v6  }
0x75: {  	s19 =	sadd.s32 $0x10, s19;
	v5 =	vpsel !p2, $0x80000000, v5  }
0x76: {  	s20 =	sadd.s32 $0x10, s20;
	[tilespmem:s19+$0x0] =	vst v5  }
0x77: {  	s21 =	sadd.s32 $0x10, s21;
	v5 =	vld [tilespmem:s20+$0x0]  }
.LBB2_8:
0x78: {  	_ =	sdelay $0x3  }
0x79: {  	v6 =	vshra.s32 v5, $0x1F  }
0x7a: {  	v6 =	vand.u32 $0x7FFFFFFF, v6  }
0x7b: {  	p1 =	slt.u32 s18, $0x800;
	s18 =	sadd.s32 @p0 $0x10, s19;
	v5 =	vxor.u32 v5, v6  }
0x7c: {  	s17 =	smov.u32 @p0 s18;
	v5 =	vpsel !p1, $0x80000000, v5  }
0x7d: {  	s18 =	simm.s32 $0x7F800000;
	[tilespmem:s17+$0x0] =	vst v5;
	s17 =	simm.s32 $0x807FFFFF  }
.LBB2_9:
0x7e: {  	s19 =	ssub.s32 s18, s17  }
0x7f: {  	s21 =	simm.s32 $0x0;
	s19 =	sshrl.u32 s19, $0x1  }
0x80: {  	v7 =	vld [tilespmem:s21+$0x7220];
	s19 =	sadd.s32 s17, s19  }
0x81: {  	v5 =	vimm.s32 $0x0;
	s20 =	simm.s32 $0x40;
	v6 =	vmov s19  }
.LBB2_10:
0x82: {  	p0 =	sne.s32 s20, $0x2000  }
.Ltmp4:
0x83: {  	_ = 	snop;
	(pc) =	sbr.rel @p0 .LBB2_10-.Ltmp4, $4  }
0x84: {  	_ = 	snop  }
0x85: {  	s21 =	sshra.s32 s20, $0x2;
	s20 =	sadd.s32 $0x40, s20;
	vm0 =	vgt.s32 v7, v6  }
0x86: {  	v7 =	vld [tilespmem:s21+$0x7220];
	v8 =	vsel vm0, $0x1, v3  }
0x87: {  	v5 =	vadd.s32 v8, v5  }
0x88: {  	_ =	sdelay $0x2  }
0x89: {  	vm0 =	vgt.s32 v7, v6  }
0x8a: {  	v6 =	vsel vm0, $0x1, v3  }
0x8b: {  	v5 =	vadd.s32 v6, v5  }
0x8c: {  	(xrf0) =	vadd.scan.msk.s32 $0xffff, v5;
	_ =	sdelay $0x5  }
0x8d: {  	v5, _, _ =	vpop (xrf0)  }
0x8e: {  	(v2sf) =	vpush v5, $0xF;
	_ =	sdelay $0xe  }
0x8f: {  	s20 =	spop (v2sf)  }
0x90: {  	s16 =	sadd.s32 $0x1, s16;
	p0 =	sgt.s32 s20, $0xFF  }
0x91: {  	s17 =	smov.u32 @p0 s19;
	s19 =	smov.u32 @p0 s18;
	p0 =	seq.s32 s16, $0x14  }
.Ltmp5:
0x92: {  	_ = 	snop;
	(pc) =	sbr.rel @!p0 .LBB2_9-.Ltmp5, $2  }
0x93: {  	_ =	sdelay $0x2  }
0x94: {  	s18 =	smov.u32 s19  }
0x95: {  	s31 =	simm.s32 $0x0  }
0x96: {  	v6 =	vld [tilespmem:s31+$0x7220];
	_ =	sdelay $0x3  }
0x97: {  	v5 =	vmov s17  }
0x98: {  	vm0 =	vgt.s32 v6, v5  }
0x99: {  	v6 =	vmpcnt.ones.xlane vm0;
	_ =	sdelay $0x1  }
0x9a: {  	v6 =	vxor.u32 $0x80000000, v6  }
0x9b: {  	(xrf0) =	vmax.scan.msk.u32 $0xffff, v6;
	_ =	sdelay $0x1  }
0x9c: {  	v6 =	vld [tilespmem:s31+$0x6200]  }
0x9d: {  	v7 =	vld [tilespmem:s31+$0x6A10];
	_ =	sdelay $0x2  }
0x9e: {  	s16 =	simm.s32 $0x0;
	v8, _, _ =	vpop (xrf0)  }
0x9f: {  	[tilespmem:s16+$0x6200] =	vst.msk vm0, v6;
	(v2sf) =	vpush v8, $0xF  }
0xa0: {  	s18 =	simm.s32 $0x10;
	s17 =	simm.s32 $0x80;
	[tilespmem:s16+$0x6A10] =	vst.msk vm0, v7  }
.LBB2_13:
0xa1: {  	p0 =	sne.s32 s17, $0x2000;
	v6 =	vld [tilespmem:s18+$0x7220];
	_ =	sdelay $0x4  }
0xa2: {  	vm0 =	vgt.s32 v6, v5  }
0xa3: {  	v6 =	vmpcnt.ones.xlane vm0;
	_ =	sdelay $0x1  }
0xa4: {  	v6 =	vxor.u32 $0x80000000, v6  }
0xa5: {  	(xrf0) =	vmax.scan.msk.u32 $0xffff, v6;
	_ =	sdelay $0x1  }
0xa6: {  	v6 =	vld [tilespmem:s18+$0x6200]  }
0xa7: {  	v7 =	vld [tilespmem:s18+$0x6A10]  }
.Ltmp6:
0xa8: {  	s18 =	spop (v2sf);
	(pc) =	sbr.rel @p0 .LBB2_13-.Ltmp6, $4  }
0xa9: {  	s16 =	sadd.s32 s18, s16  }
0xaa: {  	v8, _, _ =	vpop (xrf0);
	s16 =	sadd.s32 $0x80000000, s16  }
0xab: {  	[tilespmem:s16+$0x6200] =	vst.msk vm0, v6;
	(v2sf) =	vpush v8, $0xF  }
0xac: {  	s18 =	sshra.s32 s17, $0x2;
	s17 =	sadd.s32 $0x40, s17;
	[tilespmem:s16+$0x6A10] =	vst.msk vm0, v7  }
0xad: {  	v6 =	vld [tilespmem:s18+$0x7220];
	_ =	sdelay $0x4  }
0xae: {  	vm0 =	vgt.s32 v6, v5  }
0xaf: {  	v6 =	vmpcnt.ones.xlane vm0;
	_ =	sdelay $0x1  }
0xb0: {  	v6 =	vxor.u32 $0x80000000, v6  }
0xb1: {  	(xrf0) =	vmax.scan.msk.u32 $0xffff, v6;
	_ =	sdelay $0x5  }
0xb2: {  	v6, _, _ =	vpop (xrf0)  }
0xb3: {  	(v2sf) =	vpush v6, $0xF;
	_ =	sdelay $0xa  }
0xb4: {  	v6 =	vld [tilespmem:s18+$0x6200]  }
0xb5: {  	v7 =	vld [tilespmem:s18+$0x6A10]  }
.Ltmp7:
0xb6: {  	s17 =	spop (v2sf);
	(pc) =	sbr.rel .LBB2_15-.Ltmp7, $4  }
0xb7: {  	s16 =	sadd.s32 s17, s16  }
0xb8: {  	v8 =	vshra.s32 v5, $0x1F;
	s16 =	sadd.s32 $0x80000000, s16;
	s31 =	spop (v2sf)  }
0xb9: {  	[tilespmem:s16+$0x6200] =	vst.msk vm0, v6;
	v6 =	vand.u32 $0x7FFFFFFF, v8;
	s17 =	sadd.s32 s31, s16  }
0xba: {  	[tilespmem:s16+$0x6A10] =	vst.msk vm0, v7;
	v5 =	vxor.u32 v5, v6;
	s16 =	simm.s32 $0x0;
	s17 =	sadd.s32 $0x80000000, s17  }
.LBB2_28:
0xbb: {  	s16 =	sadd.s32 $0x1, s16  }
0xbc: {  	p0 =	sne.s32 s16, $0x168  }
.Ltmp8:
0xbd: {  	_ = 	snop;
	(pc) =	sbr.rel @!p0 .LBB2_29-.Ltmp8, $1  }
0xbe: {  	_ =	sdelay $0x3  }
.LBB2_15:
0xbf: {  	s18 =	sshll.u32 s16, $0x6  }
0xc0: {  	v6 =	vld [tilespmem:s18+$0x800]  }
0xc1: {  	v7 =	vld [tilespmem:s18+$0x810]  }
0xc2: {  	v8 =	vld [tilespmem:s18+$0x820]  }
0xc3: {  	v9 =	vld [tilespmem:s18+$0x830];
	_ =	sdelay $0x2  }
0xc4: {  	vm0 =	vgt.f32 v6, v5;
	vm1 =	vgt.f32 v7, v5  }
0xc5: {  	vm14 =	vgt.f32 v8, v5;
	vm0 =	vmor vm0, vm1  }
0xc6: {  	vm15 =	vgt.f32 v9, v5;
	vm0 =	vmor vm0, vm14  }
0xc7: {  	vm0 =	vmor vm0, vm15  }
0xc8: {  	v10 =	vsel vm0, $0x3F800000, v4  }
0xc9: {  	(xrf0) =	vmax.scan.msk.f32 $0xffff, v10;
	_ =	sdelay $0x5  }
0xca: {  	v10, _, _ =	vpop (xrf0)  }
0xcb: {  	(v2sf) =	vpush v10, $0xF;
	_ =	sdelay $0xe  }
0xcc: {  	s19 =	spop (v2sf)  }
0xcd: {  	p0 =	sgt.f32 s19, $0.0e+00;
	_ =	sdelay $0x1  }
0xce: {  	vm3 =	vgt.f32 @p0 v6, v5  }
0xcf: {  	vm2 =	vgt.f32 @p0 v7, v5;
	v10 =	vmpcnt.ones.xlane @p0 vm3  }
0xd0: {  	v11 =	vmpcnt.ones.xlane @p0 vm2  }
0xd1: {  	vm1 =	vgt.f32 @p0 v8, v5;
	v10 =	vxor.u32 @p0 $0x80000000, v10  }
0xd2: {  	(xrf0) =	vmax.scan.msk.u32 @p0 $0xffff, v10;
	v10 =	vxor.u32 @p0 $0x80000000, v11;
	v11 =	vmpcnt.ones.xlane @p0 vm1  }
0xd3: {  	vm0 =	vgt.f32 @p0 v9, v5  }
0xd4: {  	(xrf0) =	vmax.scan.msk.u32 @p0 $0xffff, v10;
	v10 =	vxor.u32 @p0 $0x80000000, v11;
	v11 =	vmpcnt.ones.xlane @p0 vm0;
	_ =	sdelay $0x1  }
0xd5: {  	(xrf0) =	vmax.scan.msk.u32 @p0 $0xffff, v10  }
0xd6: {  	v10 =	vxor.u32 @p0 $0x80000000, v11  }
0xd7: {  	v11, _, _ =	vpop @p0 (xrf0);
	(xrf0) =	vmax.scan.msk.u32 @p0 $0xffff, v10  }
0xd8: {  	(v2sf) =	vpush @p0 v11, $0xF  }
0xd9: {  	v10, _, _ =	vpop @p0 (xrf0)  }
0xda: {  	(v2sf) =	vpush @p0 v10, $0xF  }
0xdb: {  	v10, _, _ =	vpop @p0 (xrf0)  }
0xdc: {  	(v2sf) =	vpush @p0 v10, $0xF  }
0xdd: {  	v10, _, _ =	vpop @p0 (xrf0)  }
0xde: {  	(v2sf) =	vpush @p0 v10, $0xF;
	_ =	sdelay $0x8  }
0xdf: {  	s19 =	spop @p0 (v2sf)  }
0xe0: {  	s19 =	sadd.s32 @p0 s19, s17  }
0xe1: {  	s21 =	sadd.s32 $0x800, s18;
	s20 =	spop @p0 (v2sf);
	s19 =	sadd.s32 @p0 $0x80000000, s19  }
0xe2: {  	s21 =	sadd.s32 @p0 s2, s21;
	v10 =	vlaneseq.u32 @p0;
	s20 =	sadd.s32 @p0 s20, s19  }
0xe3: {  	s23 =	sadd.s32 $0x810, s18;
	[tilespmem:s17+$0x6200] =	vst.msk @p0 vm3, v6;
	v6 =	vor.u32 @p0 s21, v10;
	s22 =	spop @p0 (v2sf);
	s20 =	sadd.s32 @p0 $0x80000000, s20  }
0xe4: {  	s21 =	sadd.s32 @p0 s2, s23;
	[tilespmem:s17+$0x6A10] =	vst.msk @p0 vm3, v6;
	s22 =	sadd.s32 @p0 s22, s20  }
0xe5: {  	s23 =	sadd.s32 $0x820, s18;
	v6 =	vor.u32 @p0 s21, v10;
	[tilespmem:s19+$0x6200] =	vst.msk @p0 vm2, v7;
	s21 =	sadd.s32 @p0 $0x80000000, s22;
	s22 =	spop @p0 (v2sf)  }
0xe6: {  	[tilespmem:s19+$0x6A10] =	vst.msk @p0 vm2, v6;
	s19 =	sadd.s32 @p0 s2, s23;
	s22 =	sadd.s32 @p0 s22, s21  }
0xe7: {  	v6 =	vor.u32 @p0 s19, v10;
	s19 =	sadd.s32 @p0 $0x80000000, s22  }
0xe8: {  	s17 =	smov.u32 @p0 s19  }
0xe9: {  	p1 =	slt.s32 s17, $0x7C0  }
.Ltmp9:
0xea: {  	_ = 	snop;
	(pc) =	sbr.rel @p1 .LBB2_28-.Ltmp9, $4  }
0xeb: {  	s18 =	sadd.s32 $0x830, s18;
	[tilespmem:s20+$0x6200] =	vst.msk @p0 vm1, v8  }
0xec: {  	s18 =	sadd.s32 @p0 s2, s18;
	[tilespmem:s20+$0x6A10] =	vst.msk @p0 vm1, v6  }
0xed: {  	v6 =	vor.u32 @p0 s18, v10;
	[tilespmem:s21+$0x6200] =	vst.msk @p0 vm0, v9  }
0xee: {  	[tilespmem:s21+$0x6A10] =	vst.msk @p0 vm0, v6  }
0xef: {  	p1 =	por $0x0, $0x0  }
.Ltmp10:
0xf0: {  	_ = 	snop;
	(pc) =	sbr.rel @p1 .LBB2_17-.Ltmp10, $3  }
0xf1: {  	_ =	sdelay $0x1  }
0xf2: {  	s18 =	simm.s32 $0x0;
	s19 =	simm.s32 $0x6200  }
0xf3: {  	v5 =	vmov s17;
	s17 =	simm.s32 $0x7220;
	p0 =	por $0x0, $0x0;
	v6 =	vld [tilespmem:s19+$0x0];
	s19 =	simm.s32 $0x10  }
0xf4: {  	_ =	sdelay $0x3  }
0xf5: {  	p1 =	por $0x0, $0x0;
	v7 =	vshra.s32 v6, $0x1F  }
.Ltmp11:
0xf6: {  	v8 =	vor.u32 s18, v2;
	v7 =	vand.u32 $0x7FFFFFFF, v7;
	(pc) =	sbr.rel @p1 .LBB2_19-.Ltmp11, $4  }
0xf7: {  	vm0 =	vlt.s32 v8, v5;
	v6 =	vxor.u32 v6, v7  }
0xf8: {  	v6 =	vnsel vm0, $0x80000000, v6  }
0xf9: {  	s21 =	simm.s32 $0x6210;
	[tilespmem:s17+$0x0] =	vst v6  }
0xfa: {  	s22 =	simm.s32 $0x20;
	p0 =	por $0x1, $0x1;
	s20 =	simm.s32 $0x7220;
	v6 =	vld [tilespmem:s21+$0x0]  }
.LBB2_20:
0xfb: {  	p1 =	seq.s32 s22, $0x800;
	_ =	sdelay $0x3  }
0xfc: {  	v7 =	vshra.s32 v6, $0x1F  }
.Ltmp12:
0xfd: {  	v8 =	vor.u32 s19, v2;
	s19 =	smov.u32 s22;
	v7 =	vand.u32 $0x7FFFFFFF, v7;
	(pc) =	sbr.rel @!p1 .LBB2_20-.Ltmp12, $4  }
0xfe: {  	vm0 =	vlt.s32 v8, v5;
	v6 =	vxor.u32 v6, v7  }
0xff: {  	s20 =	sadd.s32 $0x10, s20;
	v6 =	vnsel vm0, $0x80000000, v6  }
0x100: {  	s21 =	sadd.s32 $0x10, s21;
	[tilespmem:s20+$0x0] =	vst v6  }
0x101: {  	s22 =	sadd.s32 $0x10, s22;
	v6 =	vld [tilespmem:s21+$0x0]  }
.LBB2_21:
0x102: {  	_ =	sdelay $0x3  }
0x103: {  	v7 =	vshra.s32 v6, $0x1F  }
0x104: {  	v8 =	vor.u32 s19, v2;
	v7 =	vand.u32 $0x7FFFFFFF, v7  }
0x105: {  	s19 =	sadd.s32 @p0 $0x10, s20;
	vm0 =	vlt.s32 v8, v5;
	v6 =	vxor.u32 v6, v7  }
0x106: {  	s17 =	smov.u32 @p0 s19;
	v5 =	vnsel vm0, $0x80000000, v6  }
0x107: {  	s19 =	simm.s32 $0x7F800000;
	[tilespmem:s17+$0x0] =	vst v5;
	s17 =	simm.s32 $0x807FFFFF  }
.LBB2_22:
0x108: {  	s20 =	ssub.s32 s19, s17  }
0x109: {  	s22 =	simm.s32 $0x0;
	s20 =	sshrl.u32 s20, $0x1  }
0x10a: {  	v7 =	vld [tilespmem:s22+$0x7220];
	s20 =	sadd.s32 s17, s20  }
0x10b: {  	v5 =	vimm.s32 $0x0;
	s21 =	simm.s32 $0x40;
	v6 =	vmov s20  }
.LBB2_23:
0x10c: {  	p0 =	sne.s32 s21, $0x2000  }
.Ltmp13:
0x10d: {  	_ = 	snop;
	(pc) =	sbr.rel @p0 .LBB2_23-.Ltmp13, $4  }
0x10e: {  	_ = 	snop  }
0x10f: {  	s22 =	sshra.s32 s21, $0x2;
	s21 =	sadd.s32 $0x40, s21;
	vm0 =	vgt.s32 v7, v6  }
0x110: {  	v7 =	vld [tilespmem:s22+$0x7220];
	v8 =	vsel vm0, $0x1, v3  }
0x111: {  	v5 =	vadd.s32 v8, v5  }
0x112: {  	_ =	sdelay $0x2  }
0x113: {  	vm0 =	vgt.s32 v7, v6  }
0x114: {  	v6 =	vsel vm0, $0x1, v3  }
0x115: {  	v5 =	vadd.s32 v6, v5  }
0x116: {  	(xrf0) =	vadd.scan.msk.s32 $0xffff, v5;
	_ =	sdelay $0x5  }
0x117: {  	v5, _, _ =	vpop (xrf0)  }
0x118: {  	(v2sf) =	vpush v5, $0xF;
	_ =	sdelay $0xe  }
0x119: {  	s21 =	spop (v2sf)  }
0x11a: {  	s18 =	sadd.s32 $0x1, s18;
	p0 =	sgt.s32 s21, $0xFF  }
0x11b: {  	s17 =	smov.u32 @p0 s20;
	s20 =	smov.u32 @p0 s19;
	p0 =	seq.s32 s18, $0x14  }
.Ltmp14:
0x11c: {  	_ = 	snop;
	(pc) =	sbr.rel @!p0 .LBB2_22-.Ltmp14, $2  }
0x11d: {  	_ =	sdelay $0x2  }
0x11e: {  	s19 =	smov.u32 s20  }
0x11f: {  	s18 =	simm.s32 $0x0  }
0x120: {  	v6 =	vld [tilespmem:s18+$0x7220];
	_ =	sdelay $0x3  }
0x121: {  	v5 =	vmov s17  }
0x122: {  	vm0 =	vgt.s32 v6, v5  }
0x123: {  	v6 =	vmpcnt.ones.xlane vm0;
	_ =	sdelay $0x1  }
0x124: {  	v6 =	vxor.u32 $0x80000000, v6  }
0x125: {  	(xrf0) =	vmax.scan.msk.u32 $0xffff, v6;
	_ =	sdelay $0x1  }
0x126: {  	v6 =	vld [tilespmem:s18+$0x6200]  }
0x127: {  	v7 =	vld [tilespmem:s18+$0x6A10];
	_ =	sdelay $0x2  }
0x128: {  	s17 =	simm.s32 $0x0;
	v8, _, _ =	vpop (xrf0)  }
0x129: {  	[tilespmem:s17+$0x6200] =	vst.msk vm0, v6;
	(v2sf) =	vpush v8, $0xF  }
0x12a: {  	s19 =	simm.s32 $0x10;
	s18 =	simm.s32 $0x80;
	[tilespmem:s17+$0x6A10] =	vst.msk vm0, v7  }
.LBB2_26:
0x12b: {  	p0 =	sne.s32 s18, $0x2000;
	v6 =	vld [tilespmem:s19+$0x7220];
	_ =	sdelay $0x4  }
0x12c: {  	vm0 =	vgt.s32 v6, v5  }
0x12d: {  	v6 =	vmpcnt.ones.xlane vm0;
	_ =	sdelay $0x1  }
0x12e: {  	v6 =	vxor.u32 $0x80000000, v6  }
0x12f: {  	(xrf0) =	vmax.scan.msk.u32 $0xffff, v6;
	_ =	sdelay $0x1  }
0x130: {  	v6 =	vld [tilespmem:s19+$0x6200]  }
0x131: {  	v7 =	vld [tilespmem:s19+$0x6A10]  }
.Ltmp15:
0x132: {  	s19 =	spop (v2sf);
	(pc) =	sbr.rel @p0 .LBB2_26-.Ltmp15, $4  }
0x133: {  	s17 =	sadd.s32 s19, s17  }
0x134: {  	v8, _, _ =	vpop (xrf0);
	s17 =	sadd.s32 $0x80000000, s17  }
0x135: {  	[tilespmem:s17+$0x6200] =	vst.msk vm0, v6;
	(v2sf) =	vpush v8, $0xF  }
0x136: {  	s19 =	sshra.s32 s18, $0x2;
	s18 =	sadd.s32 $0x40, s18;
	[tilespmem:s17+$0x6A10] =	vst.msk vm0, v7  }
0x137: {  	v6 =	vld [tilespmem:s19+$0x7220];
	_ =	sdelay $0x4  }
0x138: {  	vm0 =	vgt.s32 v6, v5  }
0x139: {  	v6 =	vmpcnt.ones.xlane vm0;
	_ =	sdelay $0x1  }
0x13a: {  	v6 =	vxor.u32 $0x80000000, v6  }
0x13b: {  	(xrf0) =	vmax.scan.msk.u32 $0xffff, v6;
	_ =	sdelay $0x5  }
0x13c: {  	v6, _, _ =	vpop (xrf0)  }
0x13d: {  	(v2sf) =	vpush v6, $0xF;
	_ =	sdelay $0xa  }
0x13e: {  	v6 =	vld [tilespmem:s19+$0x6200]  }
0x13f: {  	v7 =	vld [tilespmem:s19+$0x6A10]  }
.Ltmp16:
0x140: {  	s18 =	spop (v2sf);
	(pc) =	sbr.rel .LBB2_28-.Ltmp16, $4  }
0x141: {  	s17 =	sadd.s32 s18, s17  }
0x142: {  	v8 =	vshra.s32 v5, $0x1F;
	s17 =	sadd.s32 $0x80000000, s17;
	s31 =	spop (v2sf)  }
0x143: {  	[tilespmem:s17+$0x6200] =	vst.msk vm0, v6;
	v6 =	vand.u32 $0x7FFFFFFF, v8;
	s18 =	sadd.s32 s31, s17  }
0x144: {  	[tilespmem:s17+$0x6A10] =	vst.msk vm0, v7;
	v5 =	vxor.u32 v5, v6;
	s17 =	sadd.s32 $0x80000000, s18  }
.LBB2_17:
.Ltmp17:
0x145: {  	(pc) =	sbr.rel .LBB2_21-.Ltmp17, $2  }
0x146: {  	_ =	sdelay $0x2  }
0x147: {  	s19 =	simm.s32 $0x0;
	s20 =	simm.s32 $0x7220  }
.LBB2_19:
.Ltmp18:
0x148: {  	(pc) =	sbr.rel .LBB2_21-.Ltmp18, $2  }
0x149: {  	_ =	sdelay $0x2  }
0x14a: {  	s20 =	simm.s32 $0x7220  }
.LBB2_29:
0x14b: {  	p0 =	slt.s32 s17, $0x201  }
.Ltmp19:
0x14c: {  	_ = 	snop;
	(pc) =	sbr.rel @p0 .LBB2_42-.Ltmp19, $1  }
0x14d: {  	_ =	sdelay $0x3  }
0x14e: {  	p1 =	por $0x0, $0x0  }
.Ltmp20:
0x14f: {  	_ = 	snop;
	(pc) =	sbr.rel @p1 .LBB2_31-.Ltmp20, $3  }
0x150: {  	_ =	sdelay $0x1  }
0x151: {  	s16 =	simm.s32 $0x0;
	s18 =	simm.s32 $0x6200  }
0x152: {  	v5 =	vmov s17;
	s17 =	simm.s32 $0x7220;
	p0 =	por $0x0, $0x0;
	v6 =	vld [tilespmem:s18+$0x0];
	s18 =	simm.s32 $0x10  }
0x153: {  	_ =	sdelay $0x3  }
0x154: {  	p1 =	por $0x0, $0x0;
	v7 =	vshra.s32 v6, $0x1F  }
.Ltmp21:
0x155: {  	v8 =	vor.u32 s16, v2;
	v7 =	vand.u32 $0x7FFFFFFF, v7;
	(pc) =	sbr.rel @p1 .LBB2_33-.Ltmp21, $4  }
0x156: {  	vm0 =	vlt.s32 v8, v5;
	v6 =	vxor.u32 v6, v7  }
0x157: {  	v6 =	vnsel vm0, $0x80000000, v6  }
0x158: {  	s20 =	simm.s32 $0x6210;
	[tilespmem:s17+$0x0] =	vst v6  }
0x159: {  	s21 =	simm.s32 $0x20;
	p0 =	por $0x1, $0x1;
	s19 =	simm.s32 $0x7220;
	v6 =	vld [tilespmem:s20+$0x0]  }
.LBB2_34:
0x15a: {  	p1 =	seq.s32 s21, $0x800;
	_ =	sdelay $0x3  }
0x15b: {  	v7 =	vshra.s32 v6, $0x1F  }
.Ltmp22:
0x15c: {  	v8 =	vor.u32 s18, v2;
	s18 =	smov.u32 s21;
	v7 =	vand.u32 $0x7FFFFFFF, v7;
	(pc) =	sbr.rel @!p1 .LBB2_34-.Ltmp22, $4  }
0x15d: {  	vm0 =	vlt.s32 v8, v5;
	v6 =	vxor.u32 v6, v7  }
0x15e: {  	s19 =	sadd.s32 $0x10, s19;
	v6 =	vnsel vm0, $0x80000000, v6  }
0x15f: {  	s20 =	sadd.s32 $0x10, s20;
	[tilespmem:s19+$0x0] =	vst v6  }
0x160: {  	s21 =	sadd.s32 $0x10, s21;
	v6 =	vld [tilespmem:s20+$0x0]  }
.LBB2_35:
0x161: {  	_ =	sdelay $0x3  }
0x162: {  	v7 =	vshra.s32 v6, $0x1F  }
0x163: {  	v8 =	vor.u32 s18, v2;
	v7 =	vand.u32 $0x7FFFFFFF, v7  }
0x164: {  	s18 =	sadd.s32 @p0 $0x10, s19;
	vm0 =	vlt.s32 v8, v5;
	v6 =	vxor.u32 v6, v7  }
0x165: {  	s17 =	smov.u32 @p0 s18;
	v5 =	vnsel vm0, $0x80000000, v6  }
0x166: {  	s18 =	simm.s32 $0x7F800000;
	[tilespmem:s17+$0x0] =	vst v5;
	s17 =	simm.s32 $0x807FFFFF  }
.LBB2_36:
0x167: {  	s19 =	ssub.s32 s18, s17  }
0x168: {  	s21 =	simm.s32 $0x0;
	s19 =	sshrl.u32 s19, $0x1  }
0x169: {  	v7 =	vld [tilespmem:s21+$0x7220];
	s19 =	sadd.s32 s17, s19  }
0x16a: {  	v5 =	vimm.s32 $0x0;
	s20 =	simm.s32 $0x40;
	v6 =	vmov s19  }
.LBB2_37:
0x16b: {  	p0 =	sne.s32 s20, $0x2000  }
.Ltmp23:
0x16c: {  	_ = 	snop;
	(pc) =	sbr.rel @p0 .LBB2_37-.Ltmp23, $4  }
0x16d: {  	_ = 	snop  }
0x16e: {  	s21 =	sshra.s32 s20, $0x2;
	s20 =	sadd.s32 $0x40, s20;
	vm0 =	vgt.s32 v7, v6  }
0x16f: {  	v7 =	vld [tilespmem:s21+$0x7220];
	v8 =	vsel vm0, $0x1, v3  }
0x170: {  	v5 =	vadd.s32 v8, v5  }
0x171: {  	_ =	sdelay $0x2  }
0x172: {  	vm0 =	vgt.s32 v7, v6  }
0x173: {  	v6 =	vsel vm0, $0x1, v3  }
0x174: {  	v5 =	vadd.s32 v6, v5  }
0x175: {  	(xrf0) =	vadd.scan.msk.s32 $0xffff, v5;
	_ =	sdelay $0x5  }
0x176: {  	v5, _, _ =	vpop (xrf0)  }
0x177: {  	(v2sf) =	vpush v5, $0xF;
	_ =	sdelay $0xe  }
0x178: {  	s20 =	spop (v2sf)  }
0x179: {  	s16 =	sadd.s32 $0x1, s16;
	p0 =	sgt.s32 s20, $0xFF  }
0x17a: {  	s17 =	smov.u32 @p0 s19;
	s19 =	smov.u32 @p0 s18;
	p0 =	seq.s32 s16, $0x14  }
.Ltmp24:
0x17b: {  	_ = 	snop;
	(pc) =	sbr.rel @!p0 .LBB2_36-.Ltmp24, $2  }
0x17c: {  	_ =	sdelay $0x2  }
0x17d: {  	s18 =	smov.u32 s19  }
0x17e: {  	s31 =	simm.s32 $0x0  }
0x17f: {  	v6 =	vld [tilespmem:s31+$0x7220];
	_ =	sdelay $0x3  }
0x180: {  	v5 =	vmov s17  }
0x181: {  	vm0 =	vgt.s32 v6, v5  }
0x182: {  	v6 =	vmpcnt.ones.xlane vm0;
	_ =	sdelay $0x1  }
0x183: {  	v6 =	vxor.u32 $0x80000000, v6  }
0x184: {  	(xrf0) =	vmax.scan.msk.u32 $0xffff, v6;
	_ =	sdelay $0x1  }
0x185: {  	v6 =	vld [tilespmem:s31+$0x6200]  }
0x186: {  	v7 =	vld [tilespmem:s31+$0x6A10];
	_ =	sdelay $0x2  }
0x187: {  	s16 =	simm.s32 $0x0;
	v8, _, _ =	vpop (xrf0)  }
0x188: {  	[tilespmem:s16+$0x6200] =	vst.msk vm0, v6;
	(v2sf) =	vpush v8, $0xF  }
0x189: {  	s18 =	simm.s32 $0x10;
	s17 =	simm.s32 $0x80;
	[tilespmem:s16+$0x6A10] =	vst.msk vm0, v7  }
.LBB2_40:
0x18a: {  	p0 =	sne.s32 s17, $0x2000;
	v6 =	vld [tilespmem:s18+$0x7220];
	_ =	sdelay $0x4  }
0x18b: {  	vm0 =	vgt.s32 v6, v5  }
0x18c: {  	v6 =	vmpcnt.ones.xlane vm0;
	_ =	sdelay $0x1  }
0x18d: {  	v6 =	vxor.u32 $0x80000000, v6  }
0x18e: {  	(xrf0) =	vmax.scan.msk.u32 $0xffff, v6;
	_ =	sdelay $0x1  }
0x18f: {  	v6 =	vld [tilespmem:s18+$0x6200]  }
0x190: {  	v7 =	vld [tilespmem:s18+$0x6A10]  }
.Ltmp25:
0x191: {  	s18 =	spop (v2sf);
	(pc) =	sbr.rel @p0 .LBB2_40-.Ltmp25, $4  }
0x192: {  	s16 =	sadd.s32 s18, s16  }
0x193: {  	v8, _, _ =	vpop (xrf0);
	s16 =	sadd.s32 $0x80000000, s16  }
0x194: {  	[tilespmem:s16+$0x6200] =	vst.msk vm0, v6;
	(v2sf) =	vpush v8, $0xF  }
0x195: {  	s18 =	sshra.s32 s17, $0x2;
	s17 =	sadd.s32 $0x40, s17;
	[tilespmem:s16+$0x6A10] =	vst.msk vm0, v7  }
0x196: {  	v6 =	vld [tilespmem:s18+$0x7220];
	_ =	sdelay $0x4  }
0x197: {  	vm0 =	vgt.s32 v6, v5  }
0x198: {  	v5 =	vmpcnt.ones.xlane vm0;
	_ =	sdelay $0x1  }
0x199: {  	v5 =	vxor.u32 $0x80000000, v5  }
0x19a: {  	(xrf0) =	vmax.scan.msk.u32 $0xffff, v5;
	_ =	sdelay $0x5  }
0x19b: {  	v5, _, _ =	vpop (xrf0)  }
0x19c: {  	(v2sf) =	vpush v5, $0xF;
	_ =	sdelay $0xa  }
0x19d: {  	v5 =	vld [tilespmem:s18+$0x6200]  }
0x19e: {  	v6 =	vld [tilespmem:s18+$0x6A10]  }
0x19f: {  	s17 =	spop (v2sf)  }
0x1a0: {  	s16 =	sadd.s32 s17, s16  }
0x1a1: {  	s16 =	sadd.s32 $0x80000000, s16;
	s31 =	spop (v2sf)  }
0x1a2: {  	[tilespmem:s16+$0x6200] =	vst.msk vm0, v5;
	s17 =	sadd.s32 s31, s16  }
0x1a3: {  	[tilespmem:s16+$0x6A10] =	vst.msk vm0, v6;
	s17 =	sadd.s32 $0x80000000, s17  }
.LBB2_42:
0x1a4: {  	s18 =	simm.s32 $0x6200  }
0x1a5: {  	s16 =	simm.s32 $0x6A10;
	v7 =	vld [tilespmem:s18+$0x0]  }
0x1a6: {  	v5 =	vmov s17;
	s17 =	simm.s32 $0x0;
	s19 =	simm.s32 $0x10;
	v6 =	vld [tilespmem:s16+$0x0]  }
.LBB2_43:
0x1a7: {  	p0 =	sne.s32 s19, $0x1F0  }
0x1a8: {  	v8 =	vor.u32 s17, v2;
	s17 =	smov.u32 s19  }
0x1a9: {  	vm0 =	vlt.s32 v8, v5  }
.Ltmp26:
0x1aa: {  	v8 =	vadd.s32 v1, v8;
	v7 =	vnsel vm0, $0xF149F2CA, v7;
	(pc) =	sbr.rel @p0 .LBB2_43-.Ltmp26, $4  }
0x1ab: {  	[tilespmem:s18+$0x0] =	vst v7;
	v6 =	vsel vm0, v6, v8  }
0x1ac: {  	s18 =	sadd.s32 $0x10, s18;
	[tilespmem:s16+$0x0] =	vst v6  }
0x1ad: {  	s16 =	sadd.s32 $0x10, s16;
	v7 =	vld [tilespmem:s18+$0x0]  }
0x1ae: {  	s19 =	sadd.s32 $0x10, s19;
	v6 =	vld [tilespmem:s16+$0x0]  }
0x1af: {  	_ = 	snop  }
0x1b0: {  	v8 =	vor.u32 s17, v2  }
0x1b1: {  	vm0 =	vlt.s32 v8, v5  }
0x1b2: {  	v5 =	vnsel vm0, $0xF149F2CA, v7;
	v7 =	vadd.s32 v1, v8  }
0x1b3: {  	[tilespmem:s18+$0x0] =	vst v5;
	v5 =	vsel vm0, v6, v7  }
0x1b4: {  	[tilespmem:s16+$0x0] =	vst v5  }
0x1b5: {  	[hbm4b:s7+s3] =	stream.linear.scatter [tilespmem:s13], [sflag:$0x1], $0x200, $0x38;
	[tilespmem:$0x7C30] =	vst v63  }
0x1b6: {  	_ =	swait.ge [sflag:s10], $0x200  }
0x1b7: {  	s15 =	sadd.s32 $0x1, s15;
	[sflag:s10] =	ssyncset.done $0x0  }
0x1b8: {  	p0 =	sne.s32 s15, s9;
	[sflag:s10] =	ssyncadd.s32 $0xFFFFFE00  }
0x1b9: {  	[hbm4b:s8+s3] =	stream.linear.scatter [tilespmem:s14], [sflag:$0x1], $0x200, $0x38;
	[tilespmem:$0x7C30] =	vst v63  }
.Ltmp27:
0x1ba: {  	_ = 	snop;
	(pc) =	sbr.rel @p0 .LBB2_1-.Ltmp27, $4  }
.Ltmp28:
0x1bb: {  	_ = 	snop;
	(pc) =	sbr.rel @!p0 .LBB2_45-.Ltmp28, $4  }
0x1bc: {  	_ =	swait.ge [sflag:s10], $0x200  }
0x1bd: {  	[sflag:s10] =	ssyncset.done $0x0  }
0x1be: {  	[sflag:s10] =	ssyncadd.s32 $0xFFFFFE00  }
0x1bf: {  	_ = 	snop  }
.LBB2_4:
.Ltmp29:
0x1c0: {  	(pc) =	sbr.rel .LBB2_8-.Ltmp29, $2  }
0x1c1: {  	_ =	sdelay $0x2  }
0x1c2: {  	s18 =	simm.s32 $0x0;
	s19 =	simm.s32 $0x7220  }
.LBB2_6:
.Ltmp30:
0x1c3: {  	(pc) =	sbr.rel .LBB2_8-.Ltmp30, $2  }
0x1c4: {  	_ =	sdelay $0x2  }
0x1c5: {  	s19 =	simm.s32 $0x7220  }
.LBB2_31:
.Ltmp31:
0x1c6: {  	(pc) =	sbr.rel .LBB2_35-.Ltmp31, $2  }
0x1c7: {  	_ =	sdelay $0x2  }
0x1c8: {  	s18 =	simm.s32 $0x0;
	s19 =	simm.s32 $0x7220  }
.LBB2_33:
.Ltmp32:
0x1c9: {  	(pc) =	sbr.rel .LBB2_35-.Ltmp32, $2  }
0x1ca: {  	_ =	sdelay $0x2  }
0x1cb: {  	s19 =	simm.s32 $0x7220  }
.LBB2_45:
0x1cc: {  	_ =	sfence.sel $0x180000  }
0x1cd: {  	[bflag:$0x0] =	sbarrier.arrive $0xFFFF  }
0x1ce: {  	p0 =	sne.s32 s1, $0x0;
	_ =	strace $0x90000047  }
0x1cf: {  	s0 =	sadd.s32 @!p0 $0x100000, s0;
	[bflag:$0x2] =	sbarrier.arrive $0xFFFF  }
0x1d0: {  	[sflag:s0] =	ssyncadd.tile.s32 @!p0 $0x1;
	_ =	shalt  }
.Lfunc_end2:
_tile_overlayer_lowered:
.L_overlay_start_2:
0x1d1: {  	(tag) =	ssettag $0x2  }
0x1d2: {  	s0 =	rddreg [dreg:$0x0];
	s2 =	stileid.u32  }
0x1d3: {  	s1 =	rddreg [dreg:$0x1];
	p0 =	sne.s32 s2, $0x0  }
0x1d4: {  	s3 =	rddreg [dreg:$0x2];
	[bflag:$0x3] =	sbarrier.arrive $0xFFFF;
	s2 =	simm.s32 @!p0 $0x1C01  }
0x1d5: {  	[timem:s3], [sflag:s2] =	dma.local @!p0 [hbm:s0], s1  }
0x1d6: {  	s0 =	simm.s32 @!p0 $0x1  }
0x1d7: {  	_ =	swait.ge @!p0 [sflag:s0], s1  }
0x1d8: {  	s1 =	ssub.s32 @!p0 $0x0, s1;
	[sflag:s0] =	ssyncset.done @!p0 $0x0  }
0x1d9: {  	[sflag:s0] =	ssyncadd.s32 @!p0 s1  }
0x1da: {  	[bflag:$0x3] =	sbarrier.arrive $0xFFFF  }
0x1db: {  	_ =	shalt  }

</sc_bundles>
